<compile_context>
chip_gen: v7x
topology: tpu7x:2x2x1
jax: 0.10.2.dev20260603
libtpu: 0.0.44.dev20260713+nightly
codegen_flags: <defaults>
</compile_context>

<pallas_src>
import functools

import jax
import jax.numpy as jnp
import numpy as np
from jax import lax
from jax.experimental import pallas as pl
from jax.experimental.pallas import tpu as pltpu
from jax.experimental.pallas import tpu_sc as plsc

EMBED = 768
DPE = EMBED // 4
MAX_SEQ = 24
BASE_GSD = 10.0

L = 16
NC = 2
NS = 16
NW = NC * NS

B_, H_, W_, T_, C_ = 4, 16, 16, 12, 3
ROWS = B_ * H_ * W_ * T_ * C_
RPC = C_ * W_
SLABS_PER_W = 2
CHUNKS = SLABS_PER_W * T_
SEG = DPE // L


def _sincos_1d(pos, dim):
    omega = jnp.arange(dim // 2, dtype=jnp.float32) / (dim / 2.0)
    omega = 1.0 / (10000.0 ** omega)
    out = pos.astype(jnp.float32)[:, None] * omega[None, :]
    return jnp.concatenate([jnp.sin(out), jnp.cos(out)], axis=-1)


def _month_table(dim):
    angles = jnp.arange(12, dtype=jnp.float32) * (2.0 * np.pi / 12.0)
    sin_t = jnp.repeat(jnp.sin(angles)[:, None], dim // 2, axis=1)
    cos_t = jnp.repeat(jnp.cos(angles)[:, None], dim // 2, axis=1)
    return jnp.concatenate([sin_t, cos_t], axis=-1)


def _sincos_2d_res(grid_size, res, dim):
    g = jnp.arange(grid_size, dtype=jnp.float32)
    gw, gh = jnp.meshgrid(g, g, indexing="xy")
    grid = jnp.stack([gw, gh], axis=0)[None] * res[:, None, None, None]

    def emb(p):
        p = p.reshape(p.shape[0], -1)
        omega = jnp.arange(dim // 4, dtype=jnp.float32) / (dim / 4.0)
        omega = 1.0 / (10000.0 ** omega)
        out = p[..., None] * omega
        return jnp.concatenate([jnp.sin(out), jnp.cos(out)], axis=-1)

    return jnp.concatenate([emb(grid[:, 1]), emb(grid[:, 0])], axis=-1)


def _sc_body(tok_hbm, ch_hbm, pos_hbm, mt_hbm, mon_hbm, sp_hbm, out_hbm,
             ch_v, pos_v, memb_v, sp_v, midx_v, buf0, buf1, buf2,
             isem0, isem1, isem2, osem0, osem1, osem2, gsem):
    bufs = (buf0, buf1, buf2)
    isems = (isem0, isem1, isem2)
    osems = (osem0, osem1, osem2)
    cid = lax.axis_index("c")
    sid = lax.axis_index("s")
    wid = sid * NC + cid
    b = wid // (NW // B_)
    base_row = wid * (SLABS_PER_W * T_ * RPC)

    def tok_slice(q):
        return tok_hbm.at[pl.ds(base_row + q * RPC, RPC)]

    def out_slice(q):
        return out_hbm.at[pl.ds(base_row + q * RPC, RPC)]

    pltpu.async_copy(tok_slice(0), bufs[0], isems[0])

    pltpu.sync_copy(ch_hbm, ch_v)
    pltpu.sync_copy(pos_hbm, pos_v)
    pltpu.sync_copy(sp_hbm.at[pl.ds(wid * (SLABS_PER_W * W_), SLABS_PER_W * W_)], sp_v)
    pltpu.sync_copy(mon_hbm.at[pl.ds(b * 16, 16)], midx_v)
    pltpu.async_copy(mt_hbm.at[midx_v], memb_v, gsem).wait()

    def compute_dyn(q, bi_buf):
        sl = (q >= T_).astype(jnp.int32)
        t = q - sl * T_
        pv = [pos_v[t, pl.ds(k * L, L)] for k in range(SEG)]
        mv = [memb_v[t, pl.ds(k * L, L)] for k in range(SEG)]
        w_base = sl * W_

        @plsc.parallel_loop(0, RPC)
        def row_body(r):
            c = r >> 4
            w = r & 15
            sprow = w_base + w
            for k in range(SEG):
                sl_ = pl.ds(k * L, L)
                bi_buf[r, sl_] = bi_buf[r, sl_] + ch_v[c, sl_]
            for k in range(SEG):
                sl_ = pl.ds(k * L, L)
                bi_buf[r, pl.ds(DPE + k * L, L)] = (
                    bi_buf[r, pl.ds(DPE + k * L, L)] + pv[k])
            for k in range(SEG):
                bi_buf[r, pl.ds(2 * DPE + k * L, L)] = (
                    bi_buf[r, pl.ds(2 * DPE + k * L, L)] + mv[k])
            for k in range(SEG):
                sl_ = pl.ds(k * L, L)
                bi_buf[r, pl.ds(3 * DPE + k * L, L)] = (
                    bi_buf[r, pl.ds(3 * DPE + k * L, L)] + sp_v[sprow, sl_])

    def group(g, _):
        for s in range(3):
            q = g * 3 + s
            nb = (s + 1) % 3

            @pl.when(q + 1 < CHUNKS)
            def _():
                @pl.when(q - 2 >= 0)
                def _():
                    pltpu.make_async_copy(bufs[nb], out_slice(q - 2),
                                          osems[nb]).wait()
                pltpu.async_copy(tok_slice(q + 1), bufs[nb], isems[nb])

            pltpu.make_async_copy(tok_slice(q), bufs[s], isems[s]).wait()
            compute_dyn(q, bufs[s])
            pltpu.async_copy(bufs[s], out_slice(q), osems[s])
        return 0

    lax.fori_loop(0, CHUNKS // 3, group, 0)
    pltpu.make_async_copy(bufs[0], out_slice(CHUNKS - 3), osems[0]).wait()
    pltpu.make_async_copy(bufs[1], out_slice(CHUNKS - 2), osems[1]).wait()
    pltpu.make_async_copy(bufs[2], out_slice(CHUNKS - 1), osems[2]).wait()


@functools.partial(jax.jit)
def _sc_call(tok2, ch, pos, mt, months_p, sp_flat):
    mesh = plsc.VectorSubcoreMesh(core_axis_name="c", subcore_axis_name="s")
    return pl.kernel(
        _sc_body,
        out_type=jax.ShapeDtypeStruct((ROWS, EMBED), jnp.float32),
        mesh=mesh,
        scratch_types=[
            pltpu.VMEM((C_, DPE), jnp.float32),
            pltpu.VMEM((T_, DPE), jnp.float32),
            pltpu.VMEM((16, 256), jnp.float32),
            pltpu.VMEM((SLABS_PER_W * W_, DPE), jnp.float32),
            pltpu.VMEM((16,), jnp.int32),
            pltpu.VMEM((RPC, EMBED), jnp.float32),
            pltpu.VMEM((RPC, EMBED), jnp.float32),
            pltpu.VMEM((RPC, EMBED), jnp.float32),
            pltpu.SemaphoreType.DMA,
            pltpu.SemaphoreType.DMA,
            pltpu.SemaphoreType.DMA,
            pltpu.SemaphoreType.DMA,
            pltpu.SemaphoreType.DMA,
            pltpu.SemaphoreType.DMA,
            pltpu.SemaphoreType.DMA,
        ],
    )(tok2, ch, pos, mt, months_p, sp_flat)


def kernel(per_modality_input_tokens, timestamps, channel_emb, patch_size, input_res):
    tokens = per_modality_input_tokens
    b, h, w, t, c, d = tokens.shape
    dpe = d // 4
    pos = _sincos_1d(jnp.arange(MAX_SEQ), dpe)[:t]
    mt = _month_table(dpe)
    mt = jnp.pad(mt, ((0, 0), (0, 256 - dpe)))
    months = timestamps[:, :, 1].astype(jnp.int32)
    months_p = jnp.pad(months, ((0, 0), (0, 16 - t))).reshape(-1)
    gsd_ratio = input_res * patch_size / BASE_GSD
    res = jnp.ones((b,), dtype=jnp.float32) * gsd_ratio
    sp = _sincos_2d_res(h, res, dpe)
    sp_flat = sp.reshape(b * h * w, dpe).astype(jnp.float32)
    tok2 = tokens.transpose(0, 1, 3, 4, 2, 5).reshape(ROWS, d)
    out = _sc_call(tok2, channel_emb.astype(jnp.float32), pos, mt, months_p, sp_flat)
    out = out.reshape(b, h, t, c, w, d).transpose(0, 1, 4, 2, 3, 5)
    return out

# --- scband reference (transcript-rebuilt; emitter-appended) ---
"""Pipeline reference for scband-flexi-helios-composite-encodings-77799037600407 (READ-ONLY COPY).

The authoritative reference and input builder live on the scoring server;
editing this copy changes nothing except your own understanding.
"""

import jax, jax.numpy as jnp
import numpy as np

EMBED = 768
DPE = EMBED // 4
MAX_SEQ = 24
BASE_GSD = 10.0


def sincos_1d(pos, dim):
    omega = jnp.arange(dim // 2, dtype=jnp.float32) / (dim / 2.0)
    omega = 1.0 / (10000.0 ** omega)
    out = pos.astype(jnp.float32)[:, None] * omega[None, :]
    return jnp.concatenate([jnp.sin(out), jnp.cos(out)], axis=-1)


def month_table(dim):
    angles = jnp.arange(12, dtype=jnp.float32) * (2.0 * np.pi / 12.0)
    sin_t = jnp.repeat(jnp.sin(angles)[:, None], dim // 2, axis=1)
    cos_t = jnp.repeat(jnp.cos(angles)[:, None], dim // 2, axis=1)
    return jnp.concatenate([sin_t, cos_t], axis=-1)


def sincos_2d_res(grid_size, res, dim):
    g = jnp.arange(grid_size, dtype=jnp.float32)
    gw, gh = jnp.meshgrid(g, g, indexing="xy")
    grid = jnp.stack([gw, gh], axis=0)[None] * res[:, None, None, None]

    def emb(p):
        p = p.reshape(p.shape[0], -1)
        omega = jnp.arange(dim // 4, dtype=jnp.float32) / (dim / 4.0)
        omega = 1.0 / (10000.0 ** omega)
        out = p[..., None] * omega
        return jnp.concatenate([jnp.sin(out), jnp.cos(out)], axis=-1)

    return jnp.concatenate([emb(grid[:, 1]), emb(grid[:, 0])], axis=-1)


def setup_inputs(seed: int = 0) -> dict:
    key = jax.random.key(seed)
    k1, k2, k3 = jax.random.split(key, 3)
    tokens = jax.random.normal(k1, (4, 16, 16, 12, 3, EMBED), dtype=jnp.float32)
    timestamps = jax.random.randint(k2, (4, 12, 3), 0, 12)
    channel_emb = jax.random.normal(k3, (3, DPE), dtype=jnp.float32) * 0.02
    return {
        "per_modality_input_tokens": tokens,
        "timestamps": timestamps,
        "channel_emb": channel_emb,
        "patch_size": 8,
        "input_res": 10,
    }


def reference(per_modality_input_tokens, timestamps, channel_emb, patch_size, input_res):
    tokens = per_modality_input_tokens
    b, h, w, t, b_s, d = tokens.shape
    dpe = d // 4
    shape = (b, h, w, t, b_s, dpe)
    # learnable channel embedding, repeated over b,h,w,t
    ch = jnp.broadcast_to(channel_emb[None, None, None, None], shape)
    # frozen 1d sincos temporal position embedding, sliced to t
    pos = sincos_1d(jnp.arange(MAX_SEQ), dpe)[:t]
    pos = jnp.broadcast_to(pos[None, None, None, :, None, :], shape)
    # month embedding lookup (frozen table)
    months = timestamps[:, :, 1]
    memb = jnp.take(month_table(dpe), months, axis=0)
    memb = jnp.broadcast_to(memb[:, None, None, :, None, :], shape)
    # gsd-scaled 2d sincos spatial embedding
    gsd_ratio = input_res * patch_size / BASE_GSD
    sp = sincos_2d_res(h, jnp.ones((b,), dtype=jnp.float32) * gsd_ratio, dpe)
    sp = sp.reshape(b, h, w, dpe)
    sp = jnp.broadcast_to(sp[:, :, :, None, None, :], shape)
    emb = jnp.concatenate([ch, pos, memb, sp], axis=-1)
    return tokens + emb

if __name__ == "__main__":
    import jax
    _d = setup_inputs()
    print(jax.jit(kernel)(*tuple(_d.values())))

</pallas_src>

<mosaic_0001>
#map = affine_map<(d0, d1) -> (0, 0)>
#map1 = affine_map<(d0, d1) -> (0)>
module attributes {stable_mosaic.version = 14 : i64} {
  func.func @_sc_body(%arg0: i32, %arg1: i32, %arg2: memref<36864x768xf32, #tpu.memory_space<hbm>>, %arg3: memref<3x192xf32, #tpu.memory_space<hbm>>, %arg4: memref<12x192xf32, #tpu.memory_space<hbm>>, %arg5: memref<12x256xf32, #tpu.memory_space<hbm>>, %arg6: memref<64xi32, #tpu.memory_space<hbm>>, %arg7: memref<1024x192xf32, #tpu.memory_space<hbm>>, %arg8: memref<36864x768xf32, #tpu.memory_space<hbm>>, %arg9: memref<3x192xf32, #tpu.memory_space<vmem>>, %arg10: memref<12x192xf32, #tpu.memory_space<vmem>>, %arg11: memref<16x256xf32, #tpu.memory_space<vmem>>, %arg12: memref<32x192xf32, #tpu.memory_space<vmem>>, %arg13: memref<16xi32, #tpu.memory_space<vmem>>, %arg14: memref<48x768xf32, #tpu.memory_space<vmem>>, %arg15: memref<48x768xf32, #tpu.memory_space<vmem>>, %arg16: memref<48x768xf32, #tpu.memory_space<vmem>>, %arg17: memref<!tpu.dma_semaphore, #tpu.memory_space<semaphore_mem>>, %arg18: memref<!tpu.dma_semaphore, #tpu.memory_space<semaphore_mem>>, %arg19: memref<!tpu.dma_semaphore, #tpu.memory_space<semaphore_mem>>, %arg20: memref<!tpu.dma_semaphore, #tpu.memory_space<semaphore_mem>>, %arg21: memref<!tpu.dma_semaphore, #tpu.memory_space<semaphore_mem>>, %arg22: memref<!tpu.dma_semaphore, #tpu.memory_space<semaphore_mem>>, %arg23: memref<!tpu.dma_semaphore, #tpu.memory_space<semaphore_mem>>) attributes {dimension_semantics = [#tpu.dimension_semantics<core_parallel>, #tpu.dimension_semantics<subcore_parallel>], iteration_bounds = array<i64: 2, 16>, scalar_prefetch = 0 : i64, scratch_operands = 15 : i64, tpu.core_type = #tpu.core_type<sc_vector_subcore>, window_params = [{transform_indices = #map}, {transform_indices = #map}, {transform_indices = #map}, {transform_indices = #map}, {transform_indices = #map1}, {transform_indices = #map}, {transform_indices = #map}]} {
    %mul3A = arith.constant 2 : i32
    %mul3A_0 = arith.muli %arg1, %mul3A : i32
    %add3A = arith.addi %mul3A_0, %arg0 : i32
    %jit3A = arith.constant 8 : i32
    %div3A = arith.divsi %add3A, %jit3A : i32
    %sign3A = arith.constant 0 : i32
    %sign3A_1 = arith.cmpi sgt, %add3A, %sign3A : i32
    %sign3A_2 = arith.extui %sign3A_1 : i1 to i32
    %sign3A_3 = arith.constant 0 : i32
    %sign3A_4 = arith.cmpi slt, %add3A, %sign3A_3 : i32
    %sign3A_5 = arith.extui %sign3A_4 : i1 to i32
    %sign3A_6 = arith.subi %sign3A_2, %sign3A_5 : i32
    %sign3A_7 = arith.constant 0 : i32
    %sign3A_8 = arith.cmpi sgt, %jit3A, %sign3A_7 : i32
    %sign3A_9 = arith.extui %sign3A_8 : i1 to i32
    %sign3A_10 = arith.constant 0 : i32
    %sign3A_11 = arith.cmpi slt, %jit3A, %sign3A_10 : i32
    %sign3A_12 = arith.extui %sign3A_11 : i1 to i32
    %sign3A_13 = arith.subi %sign3A_9, %sign3A_12 : i32
    %ne3A = arith.cmpi ne, %sign3A_6, %sign3A_13 : i32
    %rem3A = arith.remsi %add3A, %jit3A : i32
    %ne3A_14 = arith.constant 0 : i32
    %ne3A_15 = arith.cmpi ne, %rem3A, %ne3A_14 : i32
    %and3A = arith.andi %ne3A, %ne3A_15 : i1
    %sub3A = arith.constant 1 : i32
    %sub3A_16 = arith.subi %div3A, %sub3A : i32
    %select_n3A = arith.select %and3A, %sub3A_16, %div3A : i32
    %mul3A_17 = arith.constant 1152 : i32
    %mul3A_18 = arith.muli %add3A, %mul3A_17 : i32
    %add3A_19 = arith.constant 0 : i32
    %add3A_20 = arith.addi %mul3A_18, %add3A_19 : i32
    %dma_start3A = arith.constant 0 : i32
    %dma_start3A_21 = tpu.memref_slice %arg2[%add3A_20, %dma_start3A] : memref<36864x768xf32, #tpu.memory_space<hbm>> -> memref<48x768xf32, #tpu.memory_space<hbm>>
    %dma_start3A_22 = arith.constant 0 : i32
    %dma_start3A_23 = tpu.memref_slice %arg2[%add3A_20, %dma_start3A_22] : memref<36864x768xf32, #tpu.memory_space<hbm>> -> memref<48x768xf32, #tpu.memory_space<hbm>>
    tpu.enqueue_dma source(%dma_start3A_23 : memref<48x768xf32, #tpu.memory_space<hbm>>) target(%arg14 : memref<48x768xf32, #tpu.memory_space<vmem>>) target_semaphore(%arg17 : memref<!tpu.dma_semaphore, #tpu.memory_space<semaphore_mem>>)
    "tpu.region"() ({
      %run_scoped3A = tpu.sem_alloc : memref<!tpu.dma_semaphore, #tpu.memory_space<semaphore_mem>>
      tpu.enqueue_dma source(%arg3 : memref<3x192xf32, #tpu.memory_space<hbm>>) target(%arg9 : memref<3x192xf32, #tpu.memory_space<vmem>>) target_semaphore(%run_scoped3A : memref<!tpu.dma_semaphore, #tpu.memory_space<semaphore_mem>>)
      tpu.wait_dma2 semaphore(%run_scoped3A : memref<!tpu.dma_semaphore, #tpu.memory_space<semaphore_mem>>) src(%arg3 : memref<3x192xf32, #tpu.memory_space<hbm>>) dst(%arg9 : memref<3x192xf32, #tpu.memory_space<vmem>>)
      tpu.yield
    }) : () -> ()
    "tpu.region"() ({
      %run_scoped3A = tpu.sem_alloc : memref<!tpu.dma_semaphore, #tpu.memory_space<semaphore_mem>>
      tpu.enqueue_dma source(%arg4 : memref<12x192xf32, #tpu.memory_space<hbm>>) target(%arg10 : memref<12x192xf32, #tpu.memory_space<vmem>>) target_semaphore(%run_scoped3A : memref<!tpu.dma_semaphore, #tpu.memory_space<semaphore_mem>>)
      tpu.wait_dma2 semaphore(%run_scoped3A : memref<!tpu.dma_semaphore, #tpu.memory_space<semaphore_mem>>) src(%arg4 : memref<12x192xf32, #tpu.memory_space<hbm>>) dst(%arg10 : memref<12x192xf32, #tpu.memory_space<vmem>>)
      tpu.yield
    }) : () -> ()
    %mul3A_24 = arith.constant 32 : i32
    %mul3A_25 = arith.muli %add3A, %mul3A_24 : i32
    "tpu.region"() ({
      %run_scoped3A = tpu.sem_alloc : memref<!tpu.dma_semaphore, #tpu.memory_space<semaphore_mem>>
      %dma_start3A_57 = arith.constant 0 : i32
      %dma_start3A_58 = tpu.memref_slice %arg7[%mul3A_25, %dma_start3A_57] : memref<1024x192xf32, #tpu.memory_space<hbm>> -> memref<32x192xf32, #tpu.memory_space<hbm>>
      %dma_start3A_59 = arith.constant 0 : i32
      %dma_start3A_60 = tpu.memref_slice %arg7[%mul3A_25, %dma_start3A_59] : memref<1024x192xf32, #tpu.memory_space<hbm>> -> memref<32x192xf32, #tpu.memory_space<hbm>>
      tpu.enqueue_dma source(%dma_start3A_60 : memref<32x192xf32, #tpu.memory_space<hbm>>) target(%arg12 : memref<32x192xf32, #tpu.memory_space<vmem>>) target_semaphore(%run_scoped3A : memref<!tpu.dma_semaphore, #tpu.memory_space<semaphore_mem>>)
      %dma_wait3A_61 = arith.constant 0 : i32
      %dma_wait3A_62 = tpu.memref_slice %arg7[%mul3A_25, %dma_wait3A_61] : memref<1024x192xf32, #tpu.memory_space<hbm>> -> memref<32x192xf32, #tpu.memory_space<hbm>>
      %dma_wait3A_63 = arith.constant 0 : i32
      %dma_wait3A_64 = tpu.memref_slice %arg7[%mul3A_25, %dma_wait3A_63] : memref<1024x192xf32, #tpu.memory_space<hbm>> -> memref<32x192xf32, #tpu.memory_space<hbm>>
      tpu.wait_dma2 semaphore(%run_scoped3A : memref<!tpu.dma_semaphore, #tpu.memory_space<semaphore_mem>>) src(%dma_wait3A_64 : memref<32x192xf32, #tpu.memory_space<hbm>>) dst(%arg12 : memref<32x192xf32, #tpu.memory_space<vmem>>)
      tpu.yield
    }) : () -> ()
    %mul3A_26 = arith.constant 16 : i32
    %mul3A_27 = arith.muli %select_n3A, %mul3A_26 : i32
    "tpu.region"() ({
      %run_scoped3A = tpu.sem_alloc : memref<!tpu.dma_semaphore, #tpu.memory_space<semaphore_mem>>
      %dma_start3A_57 = tpu.memref_slice %arg6[%mul3A_27] : memref<64xi32, #tpu.memory_space<hbm>> -> memref<16xi32, #tpu.memory_space<hbm>>
      %dma_start3A_58 = tpu.memref_slice %arg6[%mul3A_27] : memref<64xi32, #tpu.memory_space<hbm>> -> memref<16xi32, #tpu.memory_space<hbm>>
      tpu.enqueue_dma source(%dma_start3A_58 : memref<16xi32, #tpu.memory_space<hbm>>) target(%arg13 : memref<16xi32, #tpu.memory_space<vmem>>) target_semaphore(%run_scoped3A : memref<!tpu.dma_semaphore, #tpu.memory_space<semaphore_mem>>)
      %dma_wait3A_59 = tpu.memref_slice %arg6[%mul3A_27] : memref<64xi32, #tpu.memory_space<hbm>> -> memref<16xi32, #tpu.memory_space<hbm>>
      %dma_wait3A_60 = tpu.memref_slice %arg6[%mul3A_27] : memref<64xi32, #tpu.memory_space<hbm>> -> memref<16xi32, #tpu.memory_space<hbm>>
      tpu.wait_dma2 semaphore(%run_scoped3A : memref<!tpu.dma_semaphore, #tpu.memory_space<semaphore_mem>>) src(%dma_wait3A_60 : memref<16xi32, #tpu.memory_space<hbm>>) dst(%arg13 : memref<16xi32, #tpu.memory_space<vmem>>)
      tpu.yield
    }) : () -> ()
    %dma_start3A_28 = arith.constant 0 : i32
    %dma_start3A_29 = arith.constant 0 : i32
    %dma_start3A_30 = tpu.memref_slice %arg5[%dma_start3A_28, %dma_start3A_29] : memref<12x256xf32, #tpu.memory_space<hbm>> -> memref<12x256xf32, #tpu.memory_space<hbm>>
    tpu.enqueue_indirect_dma source(%dma_start3A_30 : memref<12x256xf32, #tpu.memory_space<hbm>>) target(%arg11 : memref<16x256xf32, #tpu.memory_space<vmem>>) offsets(%arg13 : memref<16xi32, #tpu.memory_space<vmem>>) semaphore(%arg23 : memref<!tpu.dma_semaphore, #tpu.memory_space<semaphore_mem>>)
    %dma_wait3A = arith.constant 0 : i32
    %dma_wait3A_31 = arith.constant 0 : i32
    %dma_wait3A_32 = tpu.memref_slice %arg5[%dma_wait3A, %dma_wait3A_31] : memref<12x256xf32, #tpu.memory_space<hbm>> -> memref<12x256xf32, #tpu.memory_space<hbm>>
    tpu.wait_indirect_dma semaphore(%arg23 : memref<!tpu.dma_semaphore, #tpu.memory_space<semaphore_mem>>) src(%dma_wait3A_32 : memref<12x256xf32, #tpu.memory_space<hbm>>) dst(%arg11 : memref<16x256xf32, #tpu.memory_space<vmem>>)
    %scan3A = arith.constant 0 : i32
    %scan3A_33 = arith.constant 0 : i32
    %scan3A_34 = arith.constant 8 : i32
    %scan3A_35 = arith.addi %scan3A_33, %scan3A_34 : i32
    %scan3A_36 = arith.constant 1 : i32
    %scan3A_37 = scf.for %scan3A_57 = %scan3A_33 to %scan3A_35 step %scan3A_36 iter_args(%scan3A_58 = %scan3A) -> (i32)  : i32 {
      %mul3A_59 = arith.constant 3 : i32
      %mul3A_60 = arith.muli %scan3A_57, %mul3A_59 : i32
      %add3A_61 = arith.constant 0 : i32
      %add3A_62 = arith.addi %mul3A_60, %add3A_61 : i32
      %add3A_63 = arith.constant 1 : i32
      %add3A_64 = arith.addi %add3A_62, %add3A_63 : i32
      %lt3A = arith.constant 24 : i32
      %lt3A_65 = arith.cmpi slt, %add3A_64, %lt3A : i32
      %convert_element_type3A = arith.extui %lt3A_65 : i1 to i32
      %cond3A = arith.constant 0 : i32
      %cond3A_66 = arith.cmpi ne, %convert_element_type3A, %cond3A : i32
      scf.if %cond3A_66 {
        %sub3A_450 = arith.constant 2 : i32
        %sub3A_451 = arith.subi %add3A_62, %sub3A_450 : i32
        %ge3A_452 = arith.constant 0 : i32
        %ge3A_453 = arith.cmpi sge, %sub3A_451, %ge3A_452 : i32
        %convert_element_type3A_454 = arith.extui %ge3A_453 : i1 to i32
        %cond3A_455 = arith.constant 0 : i32
        %cond3A_456 = arith.cmpi ne, %convert_element_type3A_454, %cond3A_455 : i32
        scf.if %cond3A_456 {
          %sub3A_466 = arith.constant 2 : i32
          %sub3A_467 = arith.subi %add3A_62, %sub3A_466 : i32
          %mul3A_468 = arith.constant 48 : i32
          %mul3A_469 = arith.muli %sub3A_467, %mul3A_468 : i32
          %add3A_470 = arith.addi %mul3A_18, %mul3A_469 : i32
          %dma_wait3A_471 = arith.constant 0 : i32
          %dma_wait3A_472 = tpu.memref_slice %arg8[%add3A_470, %dma_wait3A_471] : memref<36864x768xf32, #tpu.memory_space<hbm>> -> memref<48x768xf32, #tpu.memory_space<hbm>>
          %dma_wait3A_473 = arith.constant 0 : i32
          %dma_wait3A_474 = tpu.memref_slice %arg8[%add3A_470, %dma_wait3A_473] : memref<36864x768xf32, #tpu.memory_space<hbm>> -> memref<48x768xf32, #tpu.memory_space<hbm>>
          tpu.wait_dma2 semaphore(%arg21 : memref<!tpu.dma_semaphore, #tpu.memory_space<semaphore_mem>>) src(%arg15 : memref<48x768xf32, #tpu.memory_space<vmem>>) dst(%dma_wait3A_474 : memref<48x768xf32, #tpu.memory_space<hbm>>)
        } else {
        }
        %add3A_457 = arith.constant 1 : i32
        %add3A_458 = arith.addi %add3A_62, %add3A_457 : i32
        %mul3A_459 = arith.constant 48 : i32
        %mul3A_460 = arith.muli %add3A_458, %mul3A_459 : i32
        %add3A_461 = arith.addi %mul3A_18, %mul3A_460 : i32
        %dma_start3A_462 = arith.constant 0 : i32
        %dma_start3A_463 = tpu.memref_slice %arg2[%add3A_461, %dma_start3A_462] : memref<36864x768xf32, #tpu.memory_space<hbm>> -> memref<48x768xf32, #tpu.memory_space<hbm>>
        %dma_start3A_464 = arith.constant 0 : i32
        %dma_start3A_465 = tpu.memref_slice %arg2[%add3A_461, %dma_start3A_464] : memref<36864x768xf32, #tpu.memory_space<hbm>> -> memref<48x768xf32, #tpu.memory_space<hbm>>
        tpu.enqueue_dma source(%dma_start3A_465 : memref<48x768xf32, #tpu.memory_space<hbm>>) target(%arg15 : memref<48x768xf32, #tpu.memory_space<vmem>>) target_semaphore(%arg18 : memref<!tpu.dma_semaphore, #tpu.memory_space<semaphore_mem>>)
      } else {
      }
      %mul3A_67 = arith.constant 48 : i32
      %mul3A_68 = arith.muli %add3A_62, %mul3A_67 : i32
      %add3A_69 = arith.addi %mul3A_18, %mul3A_68 : i32
      %dma_wait3A_70 = arith.constant 0 : i32
      %dma_wait3A_71 = tpu.memref_slice %arg2[%add3A_69, %dma_wait3A_70] : memref<36864x768xf32, #tpu.memory_space<hbm>> -> memref<48x768xf32, #tpu.memory_space<hbm>>
      %dma_wait3A_72 = arith.constant 0 : i32
      %dma_wait3A_73 = tpu.memref_slice %arg2[%add3A_69, %dma_wait3A_72] : memref<36864x768xf32, #tpu.memory_space<hbm>> -> memref<48x768xf32, #tpu.memory_space<hbm>>
      tpu.wait_dma2 semaphore(%arg17 : memref<!tpu.dma_semaphore, #tpu.memory_space<semaphore_mem>>) src(%dma_wait3A_73 : memref<48x768xf32, #tpu.memory_space<hbm>>) dst(%arg14 : memref<48x768xf32, #tpu.memory_space<vmem>>)
      %ge3A = arith.constant 12 : i32
      %ge3A_74 = arith.cmpi sge, %add3A_62, %ge3A : i32
      %convert_element_type3A_75 = arith.extui %ge3A_74 : i1 to i32
      %mul3A_76 = arith.constant 12 : i32
      %mul3A_77 = arith.muli %convert_element_type3A_75, %mul3A_76 : i32
      %sub3A_78 = arith.subi %add3A_62, %mul3A_77 : i32
      %get3A = arith.index_cast %sub3A_78 : i32 to index
      %get3A_79 = arith.constant 0 : index
      %get3A_80 = tpu.vector_load %arg10[%get3A, %get3A_79] {strides = array<i32>} : memref<12x192xf32, #tpu.memory_space<vmem>>, vector<1x16xf32>,
      %get3A_81 = vector.shape_cast %get3A_80 : vector<1x16xf32> to vector<16xf32>
      %get3A_82 = arith.index_cast %sub3A_78 : i32 to index
      %get3A_83 = arith.constant 16 : index
      %get3A_84 = tpu.vector_load %arg10[%get3A_82, %get3A_83] {strides = array<i32>} : memref<12x192xf32, #tpu.memory_space<vmem>>, vector<1x16xf32>,
      %get3A_85 = vector.shape_cast %get3A_84 : vector<1x16xf32> to vector<16xf32>
      %get3A_86 = arith.index_cast %sub3A_78 : i32 to index
      %get3A_87 = arith.constant 32 : index
      %get3A_88 = tpu.vector_load %arg10[%get3A_86, %get3A_87] {strides = array<i32>} : memref<12x192xf32, #tpu.memory_space<vmem>>, vector<1x16xf32>,
      %get3A_89 = vector.shape_cast %get3A_88 : vector<1x16xf32> to vector<16xf32>
      %get3A_90 = arith.index_cast %sub3A_78 : i32 to index
      %get3A_91 = arith.constant 48 : index
      %get3A_92 = tpu.vector_load %arg10[%get3A_90, %get3A_91] {strides = array<i32>} : memref<12x192xf32, #tpu.memory_space<vmem>>, vector<1x16xf32>,
      %get3A_93 = vector.shape_cast %get3A_92 : vector<1x16xf32> to vector<16xf32>
      %get3A_94 = arith.index_cast %sub3A_78 : i32 to index
      %get3A_95 = arith.constant 64 : index
      %get3A_96 = tpu.vector_load %arg10[%get3A_94, %get3A_95] {strides = array<i32>} : memref<12x192xf32, #tpu.memory_space<vmem>>, vector<1x16xf32>,
      %get3A_97 = vector.shape_cast %get3A_96 : vector<1x16xf32> to vector<16xf32>
      %get3A_98 = arith.index_cast %sub3A_78 : i32 to index
      %get3A_99 = arith.constant 80 : index
      %get3A_100 = tpu.vector_load %arg10[%get3A_98, %get3A_99] {strides = array<i32>} : memref<12x192xf32, #tpu.memory_space<vmem>>, vector<1x16xf32>,
      %get3A_101 = vector.shape_cast %get3A_100 : vector<1x16xf32> to vector<16xf32>
      %get3A_102 = arith.index_cast %sub3A_78 : i32 to index
      %get3A_103 = arith.constant 96 : index
      %get3A_104 = tpu.vector_load %arg10[%get3A_102, %get3A_103] {strides = array<i32>} : memref<12x192xf32, #tpu.memory_space<vmem>>, vector<1x16xf32>,
      %get3A_105 = vector.shape_cast %get3A_104 : vector<1x16xf32> to vector<16xf32>
      %get3A_106 = arith.index_cast %sub3A_78 : i32 to index
      %get3A_107 = arith.constant 112 : index
      %get3A_108 = tpu.vector_load %arg10[%get3A_106, %get3A_107] {strides = array<i32>} : memref<12x192xf32, #tpu.memory_space<vmem>>, vector<1x16xf32>,
      %get3A_109 = vector.shape_cast %get3A_108 : vector<1x16xf32> to vector<16xf32>
      %get3A_110 = arith.index_cast %sub3A_78 : i32 to index
      %get3A_111 = arith.constant 128 : index
      %get3A_112 = tpu.vector_load %arg10[%get3A_110, %get3A_111] {strides = array<i32>} : memref<12x192xf32, #tpu.memory_space<vmem>>, vector<1x16xf32>,
      %get3A_113 = vector.shape_cast %get3A_112 : vector<1x16xf32> to vector<16xf32>
      %get3A_114 = arith.index_cast %sub3A_78 : i32 to index
      %get3A_115 = arith.constant 144 : index
      %get3A_116 = tpu.vector_load %arg10[%get3A_114, %get3A_115] {strides = array<i32>} : memref<12x192xf32, #tpu.memory_space<vmem>>, vector<1x16xf32>,
      %get3A_117 = vector.shape_cast %get3A_116 : vector<1x16xf32> to vector<16xf32>
      %get3A_118 = arith.index_cast %sub3A_78 : i32 to index
      %get3A_119 = arith.constant 160 : index
      %get3A_120 = tpu.vector_load %arg10[%get3A_118, %get3A_119] {strides = array<i32>} : memref<12x192xf32, #tpu.memory_space<vmem>>, vector<1x16xf32>,
      %get3A_121 = vector.shape_cast %get3A_120 : vector<1x16xf32> to vector<16xf32>
      %get3A_122 = arith.index_cast %sub3A_78 : i32 to index
      %get3A_123 = arith.constant 176 : index
      %get3A_124 = tpu.vector_load %arg10[%get3A_122, %get3A_123] {strides = array<i32>} : memref<12x192xf32, #tpu.memory_space<vmem>>, vector<1x16xf32>,
      %get3A_125 = vector.shape_cast %get3A_124 : vector<1x16xf32> to vector<16xf32>
      %get3A_126 = arith.index_cast %sub3A_78 : i32 to index
      %get3A_127 = arith.constant 0 : index
      %get3A_128 = tpu.vector_load %arg11[%get3A_126, %get3A_127] {strides = array<i32>} : memref<16x256xf32, #tpu.memory_space<vmem>>, vector<1x16xf32>,
      %get3A_129 = vector.shape_cast %get3A_128 : vector<1x16xf32> to vector<16xf32>
      %get3A_130 = arith.index_cast %sub3A_78 : i32 to index
      %get3A_131 = arith.constant 16 : index
      %get3A_132 = tpu.vector_load %arg11[%get3A_130, %get3A_131] {strides = array<i32>} : memref<16x256xf32, #tpu.memory_space<vmem>>, vector<1x16xf32>,
      %get3A_133 = vector.shape_cast %get3A_132 : vector<1x16xf32> to vector<16xf32>
      %get3A_134 = arith.index_cast %sub3A_78 : i32 to index
      %get3A_135 = arith.constant 32 : index
      %get3A_136 = tpu.vector_load %arg11[%get3A_134, %get3A_135] {strides = array<i32>} : memref<16x256xf32, #tpu.memory_space<vmem>>, vector<1x16xf32>,
      %get3A_137 = vector.shape_cast %get3A_136 : vector<1x16xf32> to vector<16xf32>
      %get3A_138 = arith.index_cast %sub3A_78 : i32 to index
      %get3A_139 = arith.constant 48 : index
      %get3A_140 = tpu.vector_load %arg11[%get3A_138, %get3A_139] {strides = array<i32>} : memref<16x256xf32, #tpu.memory_space<vmem>>, vector<1x16xf32>,
      %get3A_141 = vector.shape_cast %get3A_140 : vector<1x16xf32> to vector<16xf32>
      %get3A_142 = arith.index_cast %sub3A_78 : i32 to index
      %get3A_143 = arith.constant 64 : index
      %get3A_144 = tpu.vector_load %arg11[%get3A_142, %get3A_143] {strides = array<i32>} : memref<16x256xf32, #tpu.memory_space<vmem>>, vector<1x16xf32>,
      %get3A_145 = vector.shape_cast %get3A_144 : vector<1x16xf32> to vector<16xf32>
      %get3A_146 = arith.index_cast %sub3A_78 : i32 to index
      %get3A_147 = arith.constant 80 : index
      %get3A_148 = tpu.vector_load %arg11[%get3A_146, %get3A_147] {strides = array<i32>} : memref<16x256xf32, #tpu.memory_space<vmem>>, vector<1x16xf32>,
      %get3A_149 = vector.shape_cast %get3A_148 : vector<1x16xf32> to vector<16xf32>
      %get3A_150 = arith.index_cast %sub3A_78 : i32 to index
      %get3A_151 = arith.constant 96 : index
      %get3A_152 = tpu.vector_load %arg11[%get3A_150, %get3A_151] {strides = array<i32>} : memref<16x256xf32, #tpu.memory_space<vmem>>, vector<1x16xf32>,
      %get3A_153 = vector.shape_cast %get3A_152 : vector<1x16xf32> to vector<16xf32>
      %get3A_154 = arith.index_cast %sub3A_78 : i32 to index
      %get3A_155 = arith.constant 112 : index
      %get3A_156 = tpu.vector_load %arg11[%get3A_154, %get3A_155] {strides = array<i32>} : memref<16x256xf32, #tpu.memory_space<vmem>>, vector<1x16xf32>,
      %get3A_157 = vector.shape_cast %get3A_156 : vector<1x16xf32> to vector<16xf32>
      %get3A_158 = arith.index_cast %sub3A_78 : i32 to index
      %get3A_159 = arith.constant 128 : index
      %get3A_160 = tpu.vector_load %arg11[%get3A_158, %get3A_159] {strides = array<i32>} : memref<16x256xf32, #tpu.memory_space<vmem>>, vector<1x16xf32>,
      %get3A_161 = vector.shape_cast %get3A_160 : vector<1x16xf32> to vector<16xf32>
      %get3A_162 = arith.index_cast %sub3A_78 : i32 to index
      %get3A_163 = arith.constant 144 : index
      %get3A_164 = tpu.vector_load %arg11[%get3A_162, %get3A_163] {strides = array<i32>} : memref<16x256xf32, #tpu.memory_space<vmem>>, vector<1x16xf32>,
      %get3A_165 = vector.shape_cast %get3A_164 : vector<1x16xf32> to vector<16xf32>
      %get3A_166 = arith.index_cast %sub3A_78 : i32 to index
      %get3A_167 = arith.constant 160 : index
      %get3A_168 = tpu.vector_load %arg11[%get3A_166, %get3A_167] {strides = array<i32>} : memref<16x256xf32, #tpu.memory_space<vmem>>, vector<1x16xf32>,
      %get3A_169 = vector.shape_cast %get3A_168 : vector<1x16xf32> to vector<16xf32>
      %get3A_170 = arith.index_cast %sub3A_78 : i32 to index
      %get3A_171 = arith.constant 176 : index
      %get3A_172 = tpu.vector_load %arg11[%get3A_170, %get3A_171] {strides = array<i32>} : memref<16x256xf32, #tpu.memory_space<vmem>>, vector<1x16xf32>,
      %get3A_173 = vector.shape_cast %get3A_172 : vector<1x16xf32> to vector<16xf32>
      %mul3A_174 = arith.constant 16 : i32
      %mul3A_175 = arith.muli %convert_element_type3A_75, %mul3A_174 : i32
      %parallel_loop3A = arith.constant 0 : i32
      %parallel_loop3A_176 = arith.constant 48 : i32
      %parallel_loop3A_177 = arith.constant 1 : i32
      scf.for %parallel_loop3A_450 = %parallel_loop3A to %parallel_loop3A_176 step %parallel_loop3A_177  : i32 {
        %parallel_loop3A_451 = arith.constant 4 : i32
        %parallel_loop3A_452 = arith.shrsi %parallel_loop3A_450, %parallel_loop3A_451 : i32
        %parallel_loop3A_453 = arith.constant 15 : i32
        %parallel_loop3A_454 = arith.andi %parallel_loop3A_450, %parallel_loop3A_453 : i32
        %parallel_loop3A_455 = arith.addi %mul3A_175, %parallel_loop3A_454 : i32
        %parallel_loop3A_456 = arith.index_cast %parallel_loop3A_450 : i32 to index
        %parallel_loop3A_457 = arith.constant 0 : index
        %parallel_loop3A_458 = tpu.vector_load %arg14[%parallel_loop3A_456, %parallel_loop3A_457] {strides = array<i32>} : memref<48x768xf32, #tpu.memory_space<vmem>>, vector<1x16xf32>,
        %parallel_loop3A_459 = vector.shape_cast %parallel_loop3A_458 : vector<1x16xf32> to vector<16xf32>
        %parallel_loop3A_460 = arith.index_cast %parallel_loop3A_452 : i32 to index
        %parallel_loop3A_461 = arith.constant 0 : index
        %parallel_loop3A_462 = tpu.vector_load %arg9[%parallel_loop3A_460, %parallel_loop3A_461] {strides = array<i32>} : memref<3x192xf32, #tpu.memory_space<vmem>>, vector<1x16xf32>,
        %parallel_loop3A_463 = vector.shape_cast %parallel_loop3A_462 : vector<1x16xf32> to vector<16xf32>
        %parallel_loop3A_464 = arith.addf %parallel_loop3A_459, %parallel_loop3A_463 : vector<16xf32>
        %parallel_loop3A_465 = arith.index_cast %parallel_loop3A_450 : i32 to index
        %parallel_loop3A_466 = arith.constant 0 : index
        %parallel_loop3A_467 = tpu.vector_load %arg14[%parallel_loop3A_465, %parallel_loop3A_466] {strides = array<i32>} : memref<48x768xf32, #tpu.memory_space<vmem>>, vector<1x16xf32>,
        %parallel_loop3A_468 = vector.shape_cast %parallel_loop3A_467 : vector<1x16xf32> to vector<16xf32>
        %parallel_loop3A_469 = vector.shape_cast %parallel_loop3A_464 : vector<16xf32> to vector<1x16xf32>
        tpu.vector_store %arg14[%parallel_loop3A_465, %parallel_loop3A_466], %parallel_loop3A_469 {strides = array<i32>} : memref<48x768xf32, #tpu.memory_space<vmem>>, vector<1x16xf32>,
        %parallel_loop3A_470 = arith.index_cast %parallel_loop3A_450 : i32 to index
        %parallel_loop3A_471 = arith.constant 16 : index
        %parallel_loop3A_472 = tpu.vector_load %arg14[%parallel_loop3A_470, %parallel_loop3A_471] {strides = array<i32>} : memref<48x768xf32, #tpu.memory_space<vmem>>, vector<1x16xf32>,
        %parallel_loop3A_473 = vector.shape_cast %parallel_loop3A_472 : vector<1x16xf32> to vector<16xf32>
        %parallel_loop3A_474 = arith.index_cast %parallel_loop3A_452 : i32 to index
        %parallel_loop3A_475 = arith.constant 16 : index
        %parallel_loop3A_476 = tpu.vector_load %arg9[%parallel_loop3A_474, %parallel_loop3A_475] {strides = array<i32>} : memref<3x192xf32, #tpu.memory_space<vmem>>, vector<1x16xf32>,
        %parallel_loop3A_477 = vector.shape_cast %parallel_loop3A_476 : vector<1x16xf32> to vector<16xf32>
        %parallel_loop3A_478 = arith.addf %parallel_loop3A_473, %parallel_loop3A_477 : vector<16xf32>
        %parallel_loop3A_479 = arith.index_cast %parallel_loop3A_450 : i32 to index
        %parallel_loop3A_480 = arith.constant 16 : index
        %parallel_loop3A_481 = tpu.vector_load %arg14[%parallel_loop3A_479, %parallel_loop3A_480] {strides = array<i32>} : memref<48x768xf32, #tpu.memory_space<vmem>>, vector<1x16xf32>,
        %parallel_loop3A_482 = vector.shape_cast %parallel_loop3A_481 : vector<1x16xf32> to vector<16xf32>
        %parallel_loop3A_483 = vector.shape_cast %parallel_loop3A_478 : vector<16xf32> to vector<1x16xf32>
        tpu.vector_store %arg14[%parallel_loop3A_479, %parallel_loop3A_480], %parallel_loop3A_483 {strides = array<i32>} : memref<48x768xf32, #tpu.memory_space<vmem>>, vector<1x16xf32>,
        %parallel_loop3A_484 = arith.index_cast %parallel_loop3A_450 : i32 to index
        %parallel_loop3A_485 = arith.constant 32 : index
        %parallel_loop3A_486 = tpu.vector_load %arg14[%parallel_loop3A_484, %parallel_loop3A_485] {strides = array<i32>} : memref<48x768xf32, #tpu.memory_space<vmem>>, vector<1x16xf32>,
        %parallel_loop3A_487 = vector.shape_cast %parallel_loop3A_486 : vector<1x16xf32> to vector<16xf32>
        %parallel_loop3A_488 = arith.index_cast %parallel_loop3A_452 : i32 to index
        %parallel_loop3A_489 = arith.constant 32 : index
        %parallel_loop3A_490 = tpu.vector_load %arg9[%parallel_loop3A_488, %parallel_loop3A_489] {strides = array<i32>} : memref<3x192xf32, #tpu.memory_space<vmem>>, vector<1x16xf32>,
        %parallel_loop3A_491 = vector.shape_cast %parallel_loop3A_490 : vector<1x16xf32> to vector<16xf32>
        %parallel_loop3A_492 = arith.addf %parallel_loop3A_487, %parallel_loop3A_491 : vector<16xf32>
        %parallel_loop3A_493 = arith.index_cast %parallel_loop3A_450 : i32 to index
        %parallel_loop3A_494 = arith.constant 32 : index
        %parallel_loop3A_495 = tpu.vector_load %arg14[%parallel_loop3A_493, %parallel_loop3A_494] {strides = array<i32>} : memref<48x768xf32, #tpu.memory_space<vmem>>, vector<1x16xf32>,
        %parallel_loop3A_496 = vector.shape_cast %parallel_loop3A_495 : vector<1x16xf32> to vector<16xf32>
        %parallel_loop3A_497 = vector.shape_cast %parallel_loop3A_492 : vector<16xf32> to vector<1x16xf32>
        tpu.vector_store %arg14[%parallel_loop3A_493, %parallel_loop3A_494], %parallel_loop3A_497 {strides = array<i32>} : memref<48x768xf32, #tpu.memory_space<vmem>>, vector<1x16xf32>,
        %parallel_loop3A_498 = arith.index_cast %parallel_loop3A_450 : i32 to index
        %parallel_loop3A_499 = arith.constant 48 : index
        %parallel_loop3A_500 = tpu.vector_load %arg14[%parallel_loop3A_498, %parallel_loop3A_499] {strides = array<i32>} : memref<48x768xf32, #tpu.memory_space<vmem>>, vector<1x16xf32>,
        %parallel_loop3A_501 = vector.shape_cast %parallel_loop3A_500 : vector<1x16xf32> to vector<16xf32>
        %parallel_loop3A_502 = arith.index_cast %parallel_loop3A_452 : i32 to index
        %parallel_loop3A_503 = arith.constant 48 : index
        %parallel_loop3A_504 = tpu.vector_load %arg9[%parallel_loop3A_502, %parallel_loop3A_503] {strides = array<i32>} : memref<3x192xf32, #tpu.memory_space<vmem>>, vector<1x16xf32>,
        %parallel_loop3A_505 = vector.shape_cast %parallel_loop3A_504 : vector<1x16xf32> to vector<16xf32>
        %parallel_loop3A_506 = arith.addf %parallel_loop3A_501, %parallel_loop3A_505 : vector<16xf32>
        %parallel_loop3A_507 = arith.index_cast %parallel_loop3A_450 : i32 to index
        %parallel_loop3A_508 = arith.constant 48 : index
        %parallel_loop3A_509 = tpu.vector_load %arg14[%parallel_loop3A_507, %parallel_loop3A_508] {strides = array<i32>} : memref<48x768xf32, #tpu.memory_space<vmem>>, vector<1x16xf32>,
        %parallel_loop3A_510 = vector.shape_cast %parallel_loop3A_509 : vector<1x16xf32> to vector<16xf32>
        %parallel_loop3A_511 = vector.shape_cast %parallel_loop3A_506 : vector<16xf32> to vector<1x16xf32>
        tpu.vector_store %arg14[%parallel_loop3A_507, %parallel_loop3A_508], %parallel_loop3A_511 {strides = array<i32>} : memref<48x768xf32, #tpu.memory_space<vmem>>, vector<1x16xf32>,
        %parallel_loop3A_512 = arith.index_cast %parallel_loop3A_450 : i32 to index
        %parallel_loop3A_513 = arith.constant 64 : index
        %parallel_loop3A_514 = tpu.vector_load %arg14[%parallel_loop3A_512, %parallel_loop3A_513] {strides = array<i32>} : memref<48x768xf32, #tpu.memory_space<vmem>>, vector<1x16xf32>,
        %parallel_loop3A_515 = vector.shape_cast %parallel_loop3A_514 : vector<1x16xf32> to vector<16xf32>
        %parallel_loop3A_516 = arith.index_cast %parallel_loop3A_452 : i32 to index
        %parallel_loop3A_517 = arith.constant 64 : index
        %parallel_loop3A_518 = tpu.vector_load %arg9[%parallel_loop3A_516, %parallel_loop3A_517] {strides = array<i32>} : memref<3x192xf32, #tpu.memory_space<vmem>>, vector<1x16xf32>,
        %parallel_loop3A_519 = vector.shape_cast %parallel_loop3A_518 : vector<1x16xf32> to vector<16xf32>
        %parallel_loop3A_520 = arith.addf %parallel_loop3A_515, %parallel_loop3A_519 : vector<16xf32>
        %parallel_loop3A_521 = arith.index_cast %parallel_loop3A_450 : i32 to index
        %parallel_loop3A_522 = arith.constant 64 : index
        %parallel_loop3A_523 = tpu.vector_load %arg14[%parallel_loop3A_521, %parallel_loop3A_522] {strides = array<i32>} : memref<48x768xf32, #tpu.memory_space<vmem>>, vector<1x16xf32>,
        %parallel_loop3A_524 = vector.shape_cast %parallel_loop3A_523 : vector<1x16xf32> to vector<16xf32>
        %parallel_loop3A_525 = vector.shape_cast %parallel_loop3A_520 : vector<16xf32> to vector<1x16xf32>
        tpu.vector_store %arg14[%parallel_loop3A_521, %parallel_loop3A_522], %parallel_loop3A_525 {strides = array<i32>} : memref<48x768xf32, #tpu.memory_space<vmem>>, vector<1x16xf32>,
        %parallel_loop3A_526 = arith.index_cast %parallel_loop3A_450 : i32 to index
        %parallel_loop3A_527 = arith.constant 80 : index
        %parallel_loop3A_528 = tpu.vector_load %arg14[%parallel_loop3A_526, %parallel_loop3A_527] {strides = array<i32>} : memref<48x768xf32, #tpu.memory_space<vmem>>, vector<1x16xf32>,
        %parallel_loop3A_529 = vector.shape_cast %parallel_loop3A_528 : vector<1x16xf32> to vector<16xf32>
        %parallel_loop3A_530 = arith.index_cast %parallel_loop3A_452 : i32 to index
        %parallel_loop3A_531 = arith.constant 80 : index
        %parallel_loop3A_532 = tpu.vector_load %arg9[%parallel_loop3A_530, %parallel_loop3A_531] {strides = array<i32>} : memref<3x192xf32, #tpu.memory_space<vmem>>, vector<1x16xf32>,
        %parallel_loop3A_533 = vector.shape_cast %parallel_loop3A_532 : vector<1x16xf32> to vector<16xf32>
        %parallel_loop3A_534 = arith.addf %parallel_loop3A_529, %parallel_loop3A_533 : vector<16xf32>
        %parallel_loop3A_535 = arith.index_cast %parallel_loop3A_450 : i32 to index
        %parallel_loop3A_536 = arith.constant 80 : index
        %parallel_loop3A_537 = tpu.vector_load %arg14[%parallel_loop3A_535, %parallel_loop3A_536] {strides = array<i32>} : memref<48x768xf32, #tpu.memory_space<vmem>>, vector<1x16xf32>,
        %parallel_loop3A_538 = vector.shape_cast %parallel_loop3A_537 : vector<1x16xf32> to vector<16xf32>
        %parallel_loop3A_539 = vector.shape_cast %parallel_loop3A_534 : vector<16xf32> to vector<1x16xf32>
        tpu.vector_store %arg14[%parallel_loop3A_535, %parallel_loop3A_536], %parallel_loop3A_539 {strides = array<i32>} : memref<48x768xf32, #tpu.memory_space<vmem>>, vector<1x16xf32>,
        %parallel_loop3A_540 = arith.index_cast %parallel_loop3A_450 : i32 to index
        %parallel_loop3A_541 = arith.constant 96 : index
        %parallel_loop3A_542 = tpu.vector_load %arg14[%parallel_loop3A_540, %parallel_loop3A_541] {strides = array<i32>} : memref<48x768xf32, #tpu.memory_space<vmem>>, vector<1x16xf32>,
        %parallel_loop3A_543 = vector.shape_cast %parallel_loop3A_542 : vector<1x16xf32> to vector<16xf32>
        %parallel_loop3A_544 = arith.index_cast %parallel_loop3A_452 : i32 to index
        %parallel_loop3A_545 = arith.constant 96 : index
        %parallel_loop3A_546 = tpu.vector_load %arg9[%parallel_loop3A_544, %parallel_loop3A_545] {strides = array<i32>} : memref<3x192xf32, #tpu.memory_space<vmem>>, vector<1x16xf32>,
        %parallel_loop3A_547 = vector.shape_cast %parallel_loop3A_546 : vector<1x16xf32> to vector<16xf32>
        %parallel_loop3A_548 = arith.addf %parallel_loop3A_543, %parallel_loop3A_547 : vector<16xf32>
        %parallel_loop3A_549 = arith.index_cast %parallel_loop3A_450 : i32 to index
        %parallel_loop3A_550 = arith.constant 96 : index
        %parallel_loop3A_551 = tpu.vector_load %arg14[%parallel_loop3A_549, %parallel_loop3A_550] {strides = array<i32>} : memref<48x768xf32, #tpu.memory_space<vmem>>, vector<1x16xf32>,
        %parallel_loop3A_552 = vector.shape_cast %parallel_loop3A_551 : vector<1x16xf32> to vector<16xf32>
        %parallel_loop3A_553 = vector.shape_cast %parallel_loop3A_548 : vector<16xf32> to vector<1x16xf32>
        tpu.vector_store %arg14[%parallel_loop3A_549, %parallel_loop3A_550], %parallel_loop3A_553 {strides = array<i32>} : memref<48x768xf32, #tpu.memory_space<vmem>>, vector<1x16xf32>,
        %parallel_loop3A_554 = arith.index_cast %parallel_loop3A_450 : i32 to index
        %parallel_loop3A_555 = arith.constant 112 : index
        %parallel_loop3A_556 = tpu.vector_load %arg14[%parallel_loop3A_554, %parallel_loop3A_555] {strides = array<i32>} : memref<48x768xf32, #tpu.memory_space<vmem>>, vector<1x16xf32>,
        %parallel_loop3A_557 = vector.shape_cast %parallel_loop3A_556 : vector<1x16xf32> to vector<16xf32>
        %parallel_loop3A_558 = arith.index_cast %parallel_loop3A_452 : i32 to index
        %parallel_loop3A_559 = arith.constant 112 : index
        %parallel_loop3A_560 = tpu.vector_load %arg9[%parallel_loop3A_558, %parallel_loop3A_559] {strides = array<i32>} : memref<3x192xf32, #tpu.memory_space<vmem>>, vector<1x16xf32>,
        %parallel_loop3A_561 = vector.shape_cast %parallel_loop3A_560 : vector<1x16xf32> to vector<16xf32>
        %parallel_loop3A_562 = arith.addf %parallel_loop3A_557, %parallel_loop3A_561 : vector<16xf32>
        %parallel_loop3A_563 = arith.index_cast %parallel_loop3A_450 : i32 to index
        %parallel_loop3A_564 = arith.constant 112 : index
        %parallel_loop3A_565 = tpu.vector_load %arg14[%parallel_loop3A_563, %parallel_loop3A_564] {strides = array<i32>} : memref<48x768xf32, #tpu.memory_space<vmem>>, vector<1x16xf32>,
        %parallel_loop3A_566 = vector.shape_cast %parallel_loop3A_565 : vector<1x16xf32> to vector<16xf32>
        %parallel_loop3A_567 = vector.shape_cast %parallel_loop3A_562 : vector<16xf32> to vector<1x16xf32>
        tpu.vector_store %arg14[%parallel_loop3A_563, %parallel_loop3A_564], %parallel_loop3A_567 {strides = array<i32>} : memref<48x768xf32, #tpu.memory_space<vmem>>, vector<1x16xf32>,
        %parallel_loop3A_568 = arith.index_cast %parallel_loop3A_450 : i32 to index
        %parallel_loop3A_569 = arith.constant 128 : index
        %parallel_loop3A_570 = tpu.vector_load %arg14[%parallel_loop3A_568, %parallel_loop3A_569] {strides = array<i32>} : memref<48x768xf32, #tpu.memory_space<vmem>>, vector<1x16xf32>,
        %parallel_loop3A_571 = vector.shape_cast %parallel_loop3A_570 : vector<1x16xf32> to vector<16xf32>
        %parallel_loop3A_572 = arith.index_cast %parallel_loop3A_452 : i32 to index
        %parallel_loop3A_573 = arith.constant 128 : index
        %parallel_loop3A_574 = tpu.vector_load %arg9[%parallel_loop3A_572, %parallel_loop3A_573] {strides = array<i32>} : memref<3x192xf32, #tpu.memory_space<vmem>>, vector<1x16xf32>,
        %parallel_loop3A_575 = vector.shape_cast %parallel_loop3A_574 : vector<1x16xf32> to vector<16xf32>
        %parallel_loop3A_576 = arith.addf %parallel_loop3A_571, %parallel_loop3A_575 : vector<16xf32>
        %parallel_loop3A_577 = arith.index_cast %parallel_loop3A_450 : i32 to index
        %parallel_loop3A_578 = arith.constant 128 : index
        %parallel_loop3A_579 = tpu.vector_load %arg14[%parallel_loop3A_577, %parallel_loop3A_578] {strides = array<i32>} : memref<48x768xf32, #tpu.memory_space<vmem>>, vector<1x16xf32>,
        %parallel_loop3A_580 = vector.shape_cast %parallel_loop3A_579 : vector<1x16xf32> to vector<16xf32>
        %parallel_loop3A_581 = vector.shape_cast %parallel_loop3A_576 : vector<16xf32> to vector<1x16xf32>
        tpu.vector_store %arg14[%parallel_loop3A_577, %parallel_loop3A_578], %parallel_loop3A_581 {strides = array<i32>} : memref<48x768xf32, #tpu.memory_space<vmem>>, vector<1x16xf32>,
        %parallel_loop3A_582 = arith.index_cast %parallel_loop3A_450 : i32 to index
        %parallel_loop3A_583 = arith.constant 144 : index
        %parallel_loop3A_584 = tpu.vector_load %arg14[%parallel_loop3A_582, %parallel_loop3A_583] {strides = array<i32>} : memref<48x768xf32, #tpu.memory_space<vmem>>, vector<1x16xf32>,
        %parallel_loop3A_585 = vector.shape_cast %parallel_loop3A_584 : vector<1x16xf32> to vector<16xf32>
        %parallel_loop3A_586 = arith.index_cast %parallel_loop3A_452 : i32 to index
        %parallel_loop3A_587 = arith.constant 144 : index
        %parallel_loop3A_588 = tpu.vector_load %arg9[%parallel_loop3A_586, %parallel_loop3A_587] {strides = array<i32>} : memref<3x192xf32, #tpu.memory_space<vmem>>, vector<1x16xf32>,
        %parallel_loop3A_589 = vector.shape_cast %parallel_loop3A_588 : vector<1x16xf32> to vector<16xf32>
        %parallel_loop3A_590 = arith.addf %parallel_loop3A_585, %parallel_loop3A_589 : vector<16xf32>
        %parallel_loop3A_591 = arith.index_cast %parallel_loop3A_450 : i32 to index
        %parallel_loop3A_592 = arith.constant 144 : index
        %parallel_loop3A_593 = tpu.vector_load %arg14[%parallel_loop3A_591, %parallel_loop3A_592] {strides = array<i32>} : memref<48x768xf32, #tpu.memory_space<vmem>>, vector<1x16xf32>,
        %parallel_loop3A_594 = vector.shape_cast %parallel_loop3A_593 : vector<1x16xf32> to vector<16xf32>
        %parallel_loop3A_595 = vector.shape_cast %parallel_loop3A_590 : vector<16xf32> to vector<1x16xf32>
        tpu.vector_store %arg14[%parallel_loop3A_591, %parallel_loop3A_592], %parallel_loop3A_595 {strides = array<i32>} : memref<48x768xf32, #tpu.memory_space<vmem>>, vector<1x16xf32>,
        %parallel_loop3A_596 = arith.index_cast %parallel_loop3A_450 : i32 to index
        %parallel_loop3A_597 = arith.constant 160 : index
        %parallel_loop3A_598 = tpu.vector_load %arg14[%parallel_loop3A_596, %parallel_loop3A_597] {strides = array<i32>} : memref<48x768xf32, #tpu.memory_space<vmem>>, vector<1x16xf32>,
        %parallel_loop3A_599 = vector.shape_cast %parallel_loop3A_598 : vector<1x16xf32> to vector<16xf32>
        %parallel_loop3A_600 = arith.index_cast %parallel_loop3A_452 : i32 to index
        %parallel_loop3A_601 = arith.constant 160 : index
        %parallel_loop3A_602 = tpu.vector_load %arg9[%parallel_loop3A_600, %parallel_loop3A_601] {strides = array<i32>} : memref<3x192xf32, #tpu.memory_space<vmem>>, vector<1x16xf32>,
        %parallel_loop3A_603 = vector.shape_cast %parallel_loop3A_602 : vector<1x16xf32> to vector<16xf32>
        %parallel_loop3A_604 = arith.addf %parallel_loop3A_599, %parallel_loop3A_603 : vector<16xf32>
        %parallel_loop3A_605 = arith.index_cast %parallel_loop3A_450 : i32 to index
        %parallel_loop3A_606 = arith.constant 160 : index
        %parallel_loop3A_607 = tpu.vector_load %arg14[%parallel_loop3A_605, %parallel_loop3A_606] {strides = array<i32>} : memref<48x768xf32, #tpu.memory_space<vmem>>, vector<1x16xf32>,
        %parallel_loop3A_608 = vector.shape_cast %parallel_loop3A_607 : vector<1x16xf32> to vector<16xf32>
        %parallel_loop3A_609 = vector.shape_cast %parallel_loop3A_604 : vector<16xf32> to vector<1x16xf32>
        tpu.vector_store %arg14[%parallel_loop3A_605, %parallel_loop3A_606], %parallel_loop3A_609 {strides = array<i32>} : memref<48x768xf32, #tpu.memory_space<vmem>>, vector<1x16xf32>,
        %parallel_loop3A_610 = arith.index_cast %parallel_loop3A_450 : i32 to index
        %parallel_loop3A_611 = arith.constant 176 : index
        %parallel_loop3A_612 = tpu.vector_load %arg14[%parallel_loop3A_610, %parallel_loop3A_611] {strides = array<i32>} : memref<48x768xf32, #tpu.memory_space<vmem>>, vector<1x16xf32>,
        %parallel_loop3A_613 = vector.shape_cast %parallel_loop3A_612 : vector<1x16xf32> to vector<16xf32>
        %parallel_loop3A_614 = arith.index_cast %parallel_loop3A_452 : i32 to index
        %parallel_loop3A_615 = arith.constant 176 : index
        %parallel_loop3A_616 = tpu.vector_load %arg9[%parallel_loop3A_614, %parallel_loop3A_615] {strides = array<i32>} : memref<3x192xf32, #tpu.memory_space<vmem>>, vector<1x16xf32>,
        %parallel_loop3A_617 = vector.shape_cast %parallel_loop3A_616 : vector<1x16xf32> to vector<16xf32>
        %parallel_loop3A_618 = arith.addf %parallel_loop3A_613, %parallel_loop3A_617 : vector<16xf32>
        %parallel_loop3A_619 = arith.index_cast %parallel_loop3A_450 : i32 to index
        %parallel_loop3A_620 = arith.constant 176 : index
        %parallel_loop3A_621 = tpu.vector_load %arg14[%parallel_loop3A_619, %parallel_loop3A_620] {strides = array<i32>} : memref<48x768xf32, #tpu.memory_space<vmem>>, vector<1x16xf32>,
        %parallel_loop3A_622 = vector.shape_cast %parallel_loop3A_621 : vector<1x16xf32> to vector<16xf32>
        %parallel_loop3A_623 = vector.shape_cast %parallel_loop3A_618 : vector<16xf32> to vector<1x16xf32>
        tpu.vector_store %arg14[%parallel_loop3A_619, %parallel_loop3A_620], %parallel_loop3A_623 {strides = array<i32>} : memref<48x768xf32, #tpu.memory_space<vmem>>, vector<1x16xf32>,
        %parallel_loop3A_624 = arith.index_cast %parallel_loop3A_450 : i32 to index
        %parallel_loop3A_625 = arith.constant 192 : index
        %parallel_loop3A_626 = tpu.vector_load %arg14[%parallel_loop3A_624, %parallel_loop3A_625] {strides = array<i32>} : memref<48x768xf32, #tpu.memory_space<vmem>>, vector<1x16xf32>,
        %parallel_loop3A_627 = vector.shape_cast %parallel_loop3A_626 : vector<1x16xf32> to vector<16xf32>
        %parallel_loop3A_628 = arith.addf %parallel_loop3A_627, %get3A_81 : vector<16xf32>
        %parallel_loop3A_629 = arith.index_cast %parallel_loop3A_450 : i32 to index
        %parallel_loop3A_630 = arith.constant 192 : index
        %parallel_loop3A_631 = tpu.vector_load %arg14[%parallel_loop3A_629, %parallel_loop3A_630] {strides = array<i32>} : memref<48x768xf32, #tpu.memory_space<vmem>>, vector<1x16xf32>,
        %parallel_loop3A_632 = vector.shape_cast %parallel_loop3A_631 : vector<1x16xf32> to vector<16xf32>
        %parallel_loop3A_633 = vector.shape_cast %parallel_loop3A_628 : vector<16xf32> to vector<1x16xf32>
        tpu.vector_store %arg14[%parallel_loop3A_629, %parallel_loop3A_630], %parallel_loop3A_633 {strides = array<i32>} : memref<48x768xf32, #tpu.memory_space<vmem>>, vector<1x16xf32>,
        %parallel_loop3A_634 = arith.index_cast %parallel_loop3A_450 : i32 to index
        %parallel_loop3A_635 = arith.constant 208 : index
        %parallel_loop3A_636 = tpu.vector_load %arg14[%parallel_loop3A_634, %parallel_loop3A_635] {strides = array<i32>} : memref<48x768xf32, #tpu.memory_space<vmem>>, vector<1x16xf32>,
        %parallel_loop3A_637 = vector.shape_cast %parallel_loop3A_636 : vector<1x16xf32> to vector<16xf32>
        %parallel_loop3A_638 = arith.addf %parallel_loop3A_637, %get3A_85 : vector<16xf32>
        %parallel_loop3A_639 = arith.index_cast %parallel_loop3A_450 : i32 to index
        %parallel_loop3A_640 = arith.constant 208 : index
        %parallel_loop3A_641 = tpu.vector_load %arg14[%parallel_loop3A_639, %parallel_loop3A_640] {strides = array<i32>} : memref<48x768xf32, #tpu.memory_space<vmem>>, vector<1x16xf32>,
        %parallel_loop3A_642 = vector.shape_cast %parallel_loop3A_641 : vector<1x16xf32> to vector<16xf32>
        %parallel_loop3A_643 = vector.shape_cast %parallel_loop3A_638 : vector<16xf32> to vector<1x16xf32>
        tpu.vector_store %arg14[%parallel_loop3A_639, %parallel_loop3A_640], %parallel_loop3A_643 {strides = array<i32>} : memref<48x768xf32, #tpu.memory_space<vmem>>, vector<1x16xf32>,
        %parallel_loop3A_644 = arith.index_cast %parallel_loop3A_450 : i32 to index
        %parallel_loop3A_645 = arith.constant 224 : index
        %parallel_loop3A_646 = tpu.vector_load %arg14[%parallel_loop3A_644, %parallel_loop3A_645] {strides = array<i32>} : memref<48x768xf32, #tpu.memory_space<vmem>>, vector<1x16xf32>,
        %parallel_loop3A_647 = vector.shape_cast %parallel_loop3A_646 : vector<1x16xf32> to vector<16xf32>
        %parallel_loop3A_648 = arith.addf %parallel_loop3A_647, %get3A_89 : vector<16xf32>
        %parallel_loop3A_649 = arith.index_cast %parallel_loop3A_450 : i32 to index
        %parallel_loop3A_650 = arith.constant 224 : index
        %parallel_loop3A_651 = tpu.vector_load %arg14[%parallel_loop3A_649, %parallel_loop3A_650] {strides = array<i32>} : memref<48x768xf32, #tpu.memory_space<vmem>>, vector<1x16xf32>,
        %parallel_loop3A_652 = vector.shape_cast %parallel_loop3A_651 : vector<1x16xf32> to vector<16xf32>
        %parallel_loop3A_653 = vector.shape_cast %parallel_loop3A_648 : vector<16xf32> to vector<1x16xf32>
        tpu.vector_store %arg14[%parallel_loop3A_649, %parallel_loop3A_650], %parallel_loop3A_653 {strides = array<i32>} : memref<48x768xf32, #tpu.memory_space<vmem>>, vector<1x16xf32>,
        %parallel_loop3A_654 = arith.index_cast %parallel_loop3A_450 : i32 to index
        %parallel_loop3A_655 = arith.constant 240 : index
        %parallel_loop3A_656 = tpu.vector_load %arg14[%parallel_loop3A_654, %parallel_loop3A_655] {strides = array<i32>} : memref<48x768xf32, #tpu.memory_space<vmem>>, vector<1x16xf32>,
        %parallel_loop3A_657 = vector.shape_cast %parallel_loop3A_656 : vector<1x16xf32> to vector<16xf32>
        %parallel_loop3A_658 = arith.addf %parallel_loop3A_657, %get3A_93 : vector<16xf32>
        %parallel_loop3A_659 = arith.index_cast %parallel_loop3A_450 : i32 to index
        %parallel_loop3A_660 = arith.constant 240 : index
        %parallel_loop3A_661 = tpu.vector_load %arg14[%parallel_loop3A_659, %parallel_loop3A_660] {strides = array<i32>} : memref<48x768xf32, #tpu.memory_space<vmem>>, vector<1x16xf32>,
        %parallel_loop3A_662 = vector.shape_cast %parallel_loop3A_661 : vector<1x16xf32> to vector<16xf32>
        %parallel_loop3A_663 = vector.shape_cast %parallel_loop3A_658 : vector<16xf32> to vector<1x16xf32>
        tpu.vector_store %arg14[%parallel_loop3A_659, %parallel_loop3A_660], %parallel_loop3A_663 {strides = array<i32>} : memref<48x768xf32, #tpu.memory_space<vmem>>, vector<1x16xf32>,
        %parallel_loop3A_664 = arith.index_cast %parallel_loop3A_450 : i32 to index
        %parallel_loop3A_665 = arith.constant 256 : index
        %parallel_loop3A_666 = tpu.vector_load %arg14[%parallel_loop3A_664, %parallel_loop3A_665] {strides = array<i32>} : memref<48x768xf32, #tpu.memory_space<vmem>>, vector<1x16xf32>,
        %parallel_loop3A_667 = vector.shape_cast %parallel_loop3A_666 : vector<1x16xf32> to vector<16xf32>
        %parallel_loop3A_668 = arith.addf %parallel_loop3A_667, %get3A_97 : vector<16xf32>
        %parallel_loop3A_669 = arith.index_cast %parallel_loop3A_450 : i32 to index
        %parallel_loop3A_670 = arith.constant 256 : index
        %parallel_loop3A_671 = tpu.vector_load %arg14[%parallel_loop3A_669, %parallel_loop3A_670] {strides = array<i32>} : memref<48x768xf32, #tpu.memory_space<vmem>>, vector<1x16xf32>,
        %parallel_loop3A_672 = vector.shape_cast %parallel_loop3A_671 : vector<1x16xf32> to vector<16xf32>
        %parallel_loop3A_673 = vector.shape_cast %parallel_loop3A_668 : vector<16xf32> to vector<1x16xf32>
        tpu.vector_store %arg14[%parallel_loop3A_669, %parallel_loop3A_670], %parallel_loop3A_673 {strides = array<i32>} : memref<48x768xf32, #tpu.memory_space<vmem>>, vector<1x16xf32>,
        %parallel_loop3A_674 = arith.index_cast %parallel_loop3A_450 : i32 to index
        %parallel_loop3A_675 = arith.constant 272 : index
        %parallel_loop3A_676 = tpu.vector_load %arg14[%parallel_loop3A_674, %parallel_loop3A_675] {strides = array<i32>} : memref<48x768xf32, #tpu.memory_space<vmem>>, vector<1x16xf32>,
        %parallel_loop3A_677 = vector.shape_cast %parallel_loop3A_676 : vector<1x16xf32> to vector<16xf32>
        %parallel_loop3A_678 = arith.addf %parallel_loop3A_677, %get3A_101 : vector<16xf32>
        %parallel_loop3A_679 = arith.index_cast %parallel_loop3A_450 : i32 to index
        %parallel_loop3A_680 = arith.constant 272 : index
        %parallel_loop3A_681 = tpu.vector_load %arg14[%parallel_loop3A_679, %parallel_loop3A_680] {strides = array<i32>} : memref<48x768xf32, #tpu.memory_space<vmem>>, vector<1x16xf32>,
        %parallel_loop3A_682 = vector.shape_cast %parallel_loop3A_681 : vector<1x16xf32> to vector<16xf32>
        %parallel_loop3A_683 = vector.shape_cast %parallel_loop3A_678 : vector<16xf32> to vector<1x16xf32>
        tpu.vector_store %arg14[%parallel_loop3A_679, %parallel_loop3A_680], %parallel_loop3A_683 {strides = array<i32>} : memref<48x768xf32, #tpu.memory_space<vmem>>, vector<1x16xf32>,
        %parallel_loop3A_684 = arith.index_cast %parallel_loop3A_450 : i32 to index
        %parallel_loop3A_685 = arith.constant 288 : index
        %parallel_loop3A_686 = tpu.vector_load %arg14[%parallel_loop3A_684, %parallel_loop3A_685] {strides = array<i32>} : memref<48x768xf32, #tpu.memory_space<vmem>>, vector<1x16xf32>,
        %parallel_loop3A_687 = vector.shape_cast %parallel_loop3A_686 : vector<1x16xf32> to vector<16xf32>
        %parallel_loop3A_688 = arith.addf %parallel_loop3A_687, %get3A_105 : vector<16xf32>
        %parallel_loop3A_689 = arith.index_cast %parallel_loop3A_450 : i32 to index
        %parallel_loop3A_690 = arith.constant 288 : index
        %parallel_loop3A_691 = tpu.vector_load %arg14[%parallel_loop3A_689, %parallel_loop3A_690] {strides = array<i32>} : memref<48x768xf32, #tpu.memory_space<vmem>>, vector<1x16xf32>,
        %parallel_loop3A_692 = vector.shape_cast %parallel_loop3A_691 : vector<1x16xf32> to vector<16xf32>
        %parallel_loop3A_693 = vector.shape_cast %parallel_loop3A_688 : vector<16xf32> to vector<1x16xf32>
        tpu.vector_store %arg14[%parallel_loop3A_689, %parallel_loop3A_690], %parallel_loop3A_693 {strides = array<i32>} : memref<48x768xf32, #tpu.memory_space<vmem>>, vector<1x16xf32>,
        %parallel_loop3A_694 = arith.index_cast %parallel_loop3A_450 : i32 to index
        %parallel_loop3A_695 = arith.constant 304 : index
        %parallel_loop3A_696 = tpu.vector_load %arg14[%parallel_loop3A_694, %parallel_loop3A_695] {strides = array<i32>} : memref<48x768xf32, #tpu.memory_space<vmem>>, vector<1x16xf32>,
        %parallel_loop3A_697 = vector.shape_cast %parallel_loop3A_696 : vector<1x16xf32> to vector<16xf32>
        %parallel_loop3A_698 = arith.addf %parallel_loop3A_697, %get3A_109 : vector<16xf32>
        %parallel_loop3A_699 = arith.index_cast %parallel_loop3A_450 : i32 to index
        %parallel_loop3A_700 = arith.constant 304 : index
        %parallel_loop3A_701 = tpu.vector_load %arg14[%parallel_loop3A_699, %parallel_loop3A_700] {strides = array<i32>} : memref<48x768xf32, #tpu.memory_space<vmem>>, vector<1x16xf32>,
        %parallel_loop3A_702 = vector.shape_cast %parallel_loop3A_701 : vector<1x16xf32> to vector<16xf32>
        %parallel_loop3A_703 = vector.shape_cast %parallel_loop3A_698 : vector<16xf32> to vector<1x16xf32>
        tpu.vector_store %arg14[%parallel_loop3A_699, %parallel_loop3A_700], %parallel_loop3A_703 {strides = array<i32>} : memref<48x768xf32, #tpu.memory_space<vmem>>, vector<1x16xf32>,
        %parallel_loop3A_704 = arith.index_cast %parallel_loop3A_450 : i32 to index
        %parallel_loop3A_705 = arith.constant 320 : index
        %parallel_loop3A_706 = tpu.vector_load %arg14[%parallel_loop3A_704, %parallel_loop3A_705] {strides = array<i32>} : memref<48x768xf32, #tpu.memory_space<vmem>>, vector<1x16xf32>,
        %parallel_loop3A_707 = vector.shape_cast %parallel_loop3A_706 : vector<1x16xf32> to vector<16xf32>
        %parallel_loop3A_708 = arith.addf %parallel_loop3A_707, %get3A_113 : vector<16xf32>
        %parallel_loop3A_709 = arith.index_cast %parallel_loop3A_450 : i32 to index
        %parallel_loop3A_710 = arith.constant 320 : index
        %parallel_loop3A_711 = tpu.vector_load %arg14[%parallel_loop3A_709, %parallel_loop3A_710] {strides = array<i32>} : memref<48x768xf32, #tpu.memory_space<vmem>>, vector<1x16xf32>,
        %parallel_loop3A_712 = vector.shape_cast %parallel_loop3A_711 : vector<1x16xf32> to vector<16xf32>
        %parallel_loop3A_713 = vector.shape_cast %parallel_loop3A_708 : vector<16xf32> to vector<1x16xf32>
        tpu.vector_store %arg14[%parallel_loop3A_709, %parallel_loop3A_710], %parallel_loop3A_713 {strides = array<i32>} : memref<48x768xf32, #tpu.memory_space<vmem>>, vector<1x16xf32>,
        %parallel_loop3A_714 = arith.index_cast %parallel_loop3A_450 : i32 to index
        %parallel_loop3A_715 = arith.constant 336 : index
        %parallel_loop3A_716 = tpu.vector_load %arg14[%parallel_loop3A_714, %parallel_loop3A_715] {strides = array<i32>} : memref<48x768xf32, #tpu.memory_space<vmem>>, vector<1x16xf32>,
        %parallel_loop3A_717 = vector.shape_cast %parallel_loop3A_716 : vector<1x16xf32> to vector<16xf32>
        %parallel_loop3A_718 = arith.addf %parallel_loop3A_717, %get3A_117 : vector<16xf32>
        %parallel_loop3A_719 = arith.index_cast %parallel_loop3A_450 : i32 to index
        %parallel_loop3A_720 = arith.constant 336 : index
        %parallel_loop3A_721 = tpu.vector_load %arg14[%parallel_loop3A_719, %parallel_loop3A_720] {strides = array<i32>} : memref<48x768xf32, #tpu.memory_space<vmem>>, vector<1x16xf32>,
        %parallel_loop3A_722 = vector.shape_cast %parallel_loop3A_721 : vector<1x16xf32> to vector<16xf32>
        %parallel_loop3A_723 = vector.shape_cast %parallel_loop3A_718 : vector<16xf32> to vector<1x16xf32>
        tpu.vector_store %arg14[%parallel_loop3A_719, %parallel_loop3A_720], %parallel_loop3A_723 {strides = array<i32>} : memref<48x768xf32, #tpu.memory_space<vmem>>, vector<1x16xf32>,
        %parallel_loop3A_724 = arith.index_cast %parallel_loop3A_450 : i32 to index
        %parallel_loop3A_725 = arith.constant 352 : index
        %parallel_loop3A_726 = tpu.vector_load %arg14[%parallel_loop3A_724, %parallel_loop3A_725] {strides = array<i32>} : memref<48x768xf32, #tpu.memory_space<vmem>>, vector<1x16xf32>,
        %parallel_loop3A_727 = vector.shape_cast %parallel_loop3A_726 : vector<1x16xf32> to vector<16xf32>
        %parallel_loop3A_728 = arith.addf %parallel_loop3A_727, %get3A_121 : vector<16xf32>
        %parallel_loop3A_729 = arith.index_cast %parallel_loop3A_450 : i32 to index
        %parallel_loop3A_730 = arith.constant 352 : index
        %parallel_loop3A_731 = tpu.vector_load %arg14[%parallel_loop3A_729, %parallel_loop3A_730] {strides = array<i32>} : memref<48x768xf32, #tpu.memory_space<vmem>>, vector<1x16xf32>,
        %parallel_loop3A_732 = vector.shape_cast %parallel_loop3A_731 : vector<1x16xf32> to vector<16xf32>
        %parallel_loop3A_733 = vector.shape_cast %parallel_loop3A_728 : vector<16xf32> to vector<1x16xf32>
        tpu.vector_store %arg14[%parallel_loop3A_729, %parallel_loop3A_730], %parallel_loop3A_733 {strides = array<i32>} : memref<48x768xf32, #tpu.memory_space<vmem>>, vector<1x16xf32>,
        %parallel_loop3A_734 = arith.index_cast %parallel_loop3A_450 : i32 to index
        %parallel_loop3A_735 = arith.constant 368 : index
        %parallel_loop3A_736 = tpu.vector_load %arg14[%parallel_loop3A_734, %parallel_loop3A_735] {strides = array<i32>} : memref<48x768xf32, #tpu.memory_space<vmem>>, vector<1x16xf32>,
        %parallel_loop3A_737 = vector.shape_cast %parallel_loop3A_736 : vector<1x16xf32> to vector<16xf32>
        %parallel_loop3A_738 = arith.addf %parallel_loop3A_737, %get3A_125 : vector<16xf32>
        %parallel_loop3A_739 = arith.index_cast %parallel_loop3A_450 : i32 to index
        %parallel_loop3A_740 = arith.constant 368 : index
        %parallel_loop3A_741 = tpu.vector_load %arg14[%parallel_loop3A_739, %parallel_loop3A_740] {strides = array<i32>} : memref<48x768xf32, #tpu.memory_space<vmem>>, vector<1x16xf32>,
        %parallel_loop3A_742 = vector.shape_cast %parallel_loop3A_741 : vector<1x16xf32> to vector<16xf32>
        %parallel_loop3A_743 = vector.shape_cast %parallel_loop3A_738 : vector<16xf32> to vector<1x16xf32>
        tpu.vector_store %arg14[%parallel_loop3A_739, %parallel_loop3A_740], %parallel_loop3A_743 {strides = array<i32>} : memref<48x768xf32, #tpu.memory_space<vmem>>, vector<1x16xf32>,
        %parallel_loop3A_744 = arith.index_cast %parallel_loop3A_450 : i32 to index
        %parallel_loop3A_745 = arith.constant 384 : index
        %parallel_loop3A_746 = tpu.vector_load %arg14[%parallel_loop3A_744, %parallel_loop3A_745] {strides = array<i32>} : memref<48x768xf32, #tpu.memory_space<vmem>>, vector<1x16xf32>,
        %parallel_loop3A_747 = vector.shape_cast %parallel_loop3A_746 : vector<1x16xf32> to vector<16xf32>
        %parallel_loop3A_748 = arith.addf %parallel_loop3A_747, %get3A_129 : vector<16xf32>
        %parallel_loop3A_749 = arith.index_cast %parallel_loop3A_450 : i32 to index
        %parallel_loop3A_750 = arith.constant 384 : index
        %parallel_loop3A_751 = tpu.vector_load %arg14[%parallel_loop3A_749, %parallel_loop3A_750] {strides = array<i32>} : memref<48x768xf32, #tpu.memory_space<vmem>>, vector<1x16xf32>,
        %parallel_loop3A_752 = vector.shape_cast %parallel_loop3A_751 : vector<1x16xf32> to vector<16xf32>
        %parallel_loop3A_753 = vector.shape_cast %parallel_loop3A_748 : vector<16xf32> to vector<1x16xf32>
        tpu.vector_store %arg14[%parallel_loop3A_749, %parallel_loop3A_750], %parallel_loop3A_753 {strides = array<i32>} : memref<48x768xf32, #tpu.memory_space<vmem>>, vector<1x16xf32>,
        %parallel_loop3A_754 = arith.index_cast %parallel_loop3A_450 : i32 to index
        %parallel_loop3A_755 = arith.constant 400 : index
        %parallel_loop3A_756 = tpu.vector_load %arg14[%parallel_loop3A_754, %parallel_loop3A_755] {strides = array<i32>} : memref<48x768xf32, #tpu.memory_space<vmem>>, vector<1x16xf32>,
        %parallel_loop3A_757 = vector.shape_cast %parallel_loop3A_756 : vector<1x16xf32> to vector<16xf32>
        %parallel_loop3A_758 = arith.addf %parallel_loop3A_757, %get3A_133 : vector<16xf32>
        %parallel_loop3A_759 = arith.index_cast %parallel_loop3A_450 : i32 to index
        %parallel_loop3A_760 = arith.constant 400 : index
        %parallel_loop3A_761 = tpu.vector_load %arg14[%parallel_loop3A_759, %parallel_loop3A_760] {strides = array<i32>} : memref<48x768xf32, #tpu.memory_space<vmem>>, vector<1x16xf32>,
        %parallel_loop3A_762 = vector.shape_cast %parallel_loop3A_761 : vector<1x16xf32> to vector<16xf32>
        %parallel_loop3A_763 = vector.shape_cast %parallel_loop3A_758 : vector<16xf32> to vector<1x16xf32>
        tpu.vector_store %arg14[%parallel_loop3A_759, %parallel_loop3A_760], %parallel_loop3A_763 {strides = array<i32>} : memref<48x768xf32, #tpu.memory_space<vmem>>, vector<1x16xf32>,
        %parallel_loop3A_764 = arith.index_cast %parallel_loop3A_450 : i32 to index
        %parallel_loop3A_765 = arith.constant 416 : index
        %parallel_loop3A_766 = tpu.vector_load %arg14[%parallel_loop3A_764, %parallel_loop3A_765] {strides = array<i32>} : memref<48x768xf32, #tpu.memory_space<vmem>>, vector<1x16xf32>,
        %parallel_loop3A_767 = vector.shape_cast %parallel_loop3A_766 : vector<1x16xf32> to vector<16xf32>
        %parallel_loop3A_768 = arith.addf %parallel_loop3A_767, %get3A_137 : vector<16xf32>
        %parallel_loop3A_769 = arith.index_cast %parallel_loop3A_450 : i32 to index
        %parallel_loop3A_770 = arith.constant 416 : index
        %parallel_loop3A_771 = tpu.vector_load %arg14[%parallel_loop3A_769, %parallel_loop3A_770] {strides = array<i32>} : memref<48x768xf32, #tpu.memory_space<vmem>>, vector<1x16xf32>,
        %parallel_loop3A_772 = vector.shape_cast %parallel_loop3A_771 : vector<1x16xf32> to vector<16xf32>
        %parallel_loop3A_773 = vector.shape_cast %parallel_loop3A_768 : vector<16xf32> to vector<1x16xf32>
        tpu.vector_store %arg14[%parallel_loop3A_769, %parallel_loop3A_770], %parallel_loop3A_773 {strides = array<i32>} : memref<48x768xf32, #tpu.memory_space<vmem>>, vector<1x16xf32>,
        %parallel_loop3A_774 = arith.index_cast %parallel_loop3A_450 : i32 to index
        %parallel_loop3A_775 = arith.constant 432 : index
        %parallel_loop3A_776 = tpu.vector_load %arg14[%parallel_loop3A_774, %parallel_loop3A_775] {strides = array<i32>} : memref<48x768xf32, #tpu.memory_space<vmem>>, vector<1x16xf32>,
        %parallel_loop3A_777 = vector.shape_cast %parallel_loop3A_776 : vector<1x16xf32> to vector<16xf32>
        %parallel_loop3A_778 = arith.addf %parallel_loop3A_777, %get3A_141 : vector<16xf32>
        %parallel_loop3A_779 = arith.index_cast %parallel_loop3A_450 : i32 to index
        %parallel_loop3A_780 = arith.constant 432 : index
        %parallel_loop3A_781 = tpu.vector_load %arg14[%parallel_loop3A_779, %parallel_loop3A_780] {strides = array<i32>} : memref<48x768xf32, #tpu.memory_space<vmem>>, vector<1x16xf32>,
        %parallel_loop3A_782 = vector.shape_cast %parallel_loop3A_781 : vector<1x16xf32> to vector<16xf32>
        %parallel_loop3A_783 = vector.shape_cast %parallel_loop3A_778 : vector<16xf32> to vector<1x16xf32>
        tpu.vector_store %arg14[%parallel_loop3A_779, %parallel_loop3A_780], %parallel_loop3A_783 {strides = array<i32>} : memref<48x768xf32, #tpu.memory_space<vmem>>, vector<1x16xf32>,
        %parallel_loop3A_784 = arith.index_cast %parallel_loop3A_450 : i32 to index
        %parallel_loop3A_785 = arith.constant 448 : index
        %parallel_loop3A_786 = tpu.vector_load %arg14[%parallel_loop3A_784, %parallel_loop3A_785] {strides = array<i32>} : memref<48x768xf32, #tpu.memory_space<vmem>>, vector<1x16xf32>,
        %parallel_loop3A_787 = vector.shape_cast %parallel_loop3A_786 : vector<1x16xf32> to vector<16xf32>
        %parallel_loop3A_788 = arith.addf %parallel_loop3A_787, %get3A_145 : vector<16xf32>
        %parallel_loop3A_789 = arith.index_cast %parallel_loop3A_450 : i32 to index
        %parallel_loop3A_790 = arith.constant 448 : index
        %parallel_loop3A_791 = tpu.vector_load %arg14[%parallel_loop3A_789, %parallel_loop3A_790] {strides = array<i32>} : memref<48x768xf32, #tpu.memory_space<vmem>>, vector<1x16xf32>,
        %parallel_loop3A_792 = vector.shape_cast %parallel_loop3A_791 : vector<1x16xf32> to vector<16xf32>
        %parallel_loop3A_793 = vector.shape_cast %parallel_loop3A_788 : vector<16xf32> to vector<1x16xf32>
        tpu.vector_store %arg14[%parallel_loop3A_789, %parallel_loop3A_790], %parallel_loop3A_793 {strides = array<i32>} : memref<48x768xf32, #tpu.memory_space<vmem>>, vector<1x16xf32>,
        %parallel_loop3A_794 = arith.index_cast %parallel_loop3A_450 : i32 to index
        %parallel_loop3A_795 = arith.constant 464 : index
        %parallel_loop3A_796 = tpu.vector_load %arg14[%parallel_loop3A_794, %parallel_loop3A_795] {strides = array<i32>} : memref<48x768xf32, #tpu.memory_space<vmem>>, vector<1x16xf32>,
        %parallel_loop3A_797 = vector.shape_cast %parallel_loop3A_796 : vector<1x16xf32> to vector<16xf32>
        %parallel_loop3A_798 = arith.addf %parallel_loop3A_797, %get3A_149 : vector<16xf32>
        %parallel_loop3A_799 = arith.index_cast %parallel_loop3A_450 : i32 to index
        %parallel_loop3A_800 = arith.constant 464 : index
        %parallel_loop3A_801 = tpu.vector_load %arg14[%parallel_loop3A_799, %parallel_loop3A_800] {strides = array<i32>} : memref<48x768xf32, #tpu.memory_space<vmem>>, vector<1x16xf32>,
        %parallel_loop3A_802 = vector.shape_cast %parallel_loop3A_801 : vector<1x16xf32> to vector<16xf32>
        %parallel_loop3A_803 = vector.shape_cast %parallel_loop3A_798 : vector<16xf32> to vector<1x16xf32>
        tpu.vector_store %arg14[%parallel_loop3A_799, %parallel_loop3A_800], %parallel_loop3A_803 {strides = array<i32>} : memref<48x768xf32, #tpu.memory_space<vmem>>, vector<1x16xf32>,
        %parallel_loop3A_804 = arith.index_cast %parallel_loop3A_450 : i32 to index
        %parallel_loop3A_805 = arith.constant 480 : index
        %parallel_loop3A_806 = tpu.vector_load %arg14[%parallel_loop3A_804, %parallel_loop3A_805] {strides = array<i32>} : memref<48x768xf32, #tpu.memory_space<vmem>>, vector<1x16xf32>,
        %parallel_loop3A_807 = vector.shape_cast %parallel_loop3A_806 : vector<1x16xf32> to vector<16xf32>
        %parallel_loop3A_808 = arith.addf %parallel_loop3A_807, %get3A_153 : vector<16xf32>
        %parallel_loop3A_809 = arith.index_cast %parallel_loop3A_450 : i32 to index
        %parallel_loop3A_810 = arith.constant 480 : index
        %parallel_loop3A_811 = tpu.vector_load %arg14[%parallel_loop3A_809, %parallel_loop3A_810] {strides = array<i32>} : memref<48x768xf32, #tpu.memory_space<vmem>>, vector<1x16xf32>,
        %parallel_loop3A_812 = vector.shape_cast %parallel_loop3A_811 : vector<1x16xf32> to vector<16xf32>
        %parallel_loop3A_813 = vector.shape_cast %parallel_loop3A_808 : vector<16xf32> to vector<1x16xf32>
        tpu.vector_store %arg14[%parallel_loop3A_809, %parallel_loop3A_810], %parallel_loop3A_813 {strides = array<i32>} : memref<48x768xf32, #tpu.memory_space<vmem>>, vector<1x16xf32>,
        %parallel_loop3A_814 = arith.index_cast %parallel_loop3A_450 : i32 to index
        %parallel_loop3A_815 = arith.constant 496 : index
        %parallel_loop3A_816 = tpu.vector_load %arg14[%parallel_loop3A_814, %parallel_loop3A_815] {strides = array<i32>} : memref<48x768xf32, #tpu.memory_space<vmem>>, vector<1x16xf32>,
        %parallel_loop3A_817 = vector.shape_cast %parallel_loop3A_816 : vector<1x16xf32> to vector<16xf32>
        %parallel_loop3A_818 = arith.addf %parallel_loop3A_817, %get3A_157 : vector<16xf32>
        %parallel_loop3A_819 = arith.index_cast %parallel_loop3A_450 : i32 to index
        %parallel_loop3A_820 = arith.constant 496 : index
        %parallel_loop3A_821 = tpu.vector_load %arg14[%parallel_loop3A_819, %parallel_loop3A_820] {strides = array<i32>} : memref<48x768xf32, #tpu.memory_space<vmem>>, vector<1x16xf32>,
        %parallel_loop3A_822 = vector.shape_cast %parallel_loop3A_821 : vector<1x16xf32> to vector<16xf32>
        %parallel_loop3A_823 = vector.shape_cast %parallel_loop3A_818 : vector<16xf32> to vector<1x16xf32>
        tpu.vector_store %arg14[%parallel_loop3A_819, %parallel_loop3A_820], %parallel_loop3A_823 {strides = array<i32>} : memref<48x768xf32, #tpu.memory_space<vmem>>, vector<1x16xf32>,
        %parallel_loop3A_824 = arith.index_cast %parallel_loop3A_450 : i32 to index
        %parallel_loop3A_825 = arith.constant 512 : index
        %parallel_loop3A_826 = tpu.vector_load %arg14[%parallel_loop3A_824, %parallel_loop3A_825] {strides = array<i32>} : memref<48x768xf32, #tpu.memory_space<vmem>>, vector<1x16xf32>,
        %parallel_loop3A_827 = vector.shape_cast %parallel_loop3A_826 : vector<1x16xf32> to vector<16xf32>
        %parallel_loop3A_828 = arith.addf %parallel_loop3A_827, %get3A_161 : vector<16xf32>
        %parallel_loop3A_829 = arith.index_cast %parallel_loop3A_450 : i32 to index
        %parallel_loop3A_830 = arith.constant 512 : index
        %parallel_loop3A_831 = tpu.vector_load %arg14[%parallel_loop3A_829, %parallel_loop3A_830] {strides = array<i32>} : memref<48x768xf32, #tpu.memory_space<vmem>>, vector<1x16xf32>,
        %parallel_loop3A_832 = vector.shape_cast %parallel_loop3A_831 : vector<1x16xf32> to vector<16xf32>
        %parallel_loop3A_833 = vector.shape_cast %parallel_loop3A_828 : vector<16xf32> to vector<1x16xf32>
        tpu.vector_store %arg14[%parallel_loop3A_829, %parallel_loop3A_830], %parallel_loop3A_833 {strides = array<i32>} : memref<48x768xf32, #tpu.memory_space<vmem>>, vector<1x16xf32>,
        %parallel_loop3A_834 = arith.index_cast %parallel_loop3A_450 : i32 to index
        %parallel_loop3A_835 = arith.constant 528 : index
        %parallel_loop3A_836 = tpu.vector_load %arg14[%parallel_loop3A_834, %parallel_loop3A_835] {strides = array<i32>} : memref<48x768xf32, #tpu.memory_space<vmem>>, vector<1x16xf32>,
        %parallel_loop3A_837 = vector.shape_cast %parallel_loop3A_836 : vector<1x16xf32> to vector<16xf32>
        %parallel_loop3A_838 = arith.addf %parallel_loop3A_837, %get3A_165 : vector<16xf32>
        %parallel_loop3A_839 = arith.index_cast %parallel_loop3A_450 : i32 to index
        %parallel_loop3A_840 = arith.constant 528 : index
        %parallel_loop3A_841 = tpu.vector_load %arg14[%parallel_loop3A_839, %parallel_loop3A_840] {strides = array<i32>} : memref<48x768xf32, #tpu.memory_space<vmem>>, vector<1x16xf32>,
        %parallel_loop3A_842 = vector.shape_cast %parallel_loop3A_841 : vector<1x16xf32> to vector<16xf32>
        %parallel_loop3A_843 = vector.shape_cast %parallel_loop3A_838 : vector<16xf32> to vector<1x16xf32>
        tpu.vector_store %arg14[%parallel_loop3A_839, %parallel_loop3A_840], %parallel_loop3A_843 {strides = array<i32>} : memref<48x768xf32, #tpu.memory_space<vmem>>, vector<1x16xf32>,
        %parallel_loop3A_844 = arith.index_cast %parallel_loop3A_450 : i32 to index
        %parallel_loop3A_845 = arith.constant 544 : index
        %parallel_loop3A_846 = tpu.vector_load %arg14[%parallel_loop3A_844, %parallel_loop3A_845] {strides = array<i32>} : memref<48x768xf32, #tpu.memory_space<vmem>>, vector<1x16xf32>,
        %parallel_loop3A_847 = vector.shape_cast %parallel_loop3A_846 : vector<1x16xf32> to vector<16xf32>
        %parallel_loop3A_848 = arith.addf %parallel_loop3A_847, %get3A_169 : vector<16xf32>
        %parallel_loop3A_849 = arith.index_cast %parallel_loop3A_450 : i32 to index
        %parallel_loop3A_850 = arith.constant 544 : index
        %parallel_loop3A_851 = tpu.vector_load %arg14[%parallel_loop3A_849, %parallel_loop3A_850] {strides = array<i32>} : memref<48x768xf32, #tpu.memory_space<vmem>>, vector<1x16xf32>,
        %parallel_loop3A_852 = vector.shape_cast %parallel_loop3A_851 : vector<1x16xf32> to vector<16xf32>
        %parallel_loop3A_853 = vector.shape_cast %parallel_loop3A_848 : vector<16xf32> to vector<1x16xf32>
        tpu.vector_store %arg14[%parallel_loop3A_849, %parallel_loop3A_850], %parallel_loop3A_853 {strides = array<i32>} : memref<48x768xf32, #tpu.memory_space<vmem>>, vector<1x16xf32>,
        %parallel_loop3A_854 = arith.index_cast %parallel_loop3A_450 : i32 to index
        %parallel_loop3A_855 = arith.constant 560 : index
        %parallel_loop3A_856 = tpu.vector_load %arg14[%parallel_loop3A_854, %parallel_loop3A_855] {strides = array<i32>} : memref<48x768xf32, #tpu.memory_space<vmem>>, vector<1x16xf32>,
        %parallel_loop3A_857 = vector.shape_cast %parallel_loop3A_856 : vector<1x16xf32> to vector<16xf32>
        %parallel_loop3A_858 = arith.addf %parallel_loop3A_857, %get3A_173 : vector<16xf32>
        %parallel_loop3A_859 = arith.index_cast %parallel_loop3A_450 : i32 to index
        %parallel_loop3A_860 = arith.constant 560 : index
        %parallel_loop3A_861 = tpu.vector_load %arg14[%parallel_loop3A_859, %parallel_loop3A_860] {strides = array<i32>} : memref<48x768xf32, #tpu.memory_space<vmem>>, vector<1x16xf32>,
        %parallel_loop3A_862 = vector.shape_cast %parallel_loop3A_861 : vector<1x16xf32> to vector<16xf32>
        %parallel_loop3A_863 = vector.shape_cast %parallel_loop3A_858 : vector<16xf32> to vector<1x16xf32>
        tpu.vector_store %arg14[%parallel_loop3A_859, %parallel_loop3A_860], %parallel_loop3A_863 {strides = array<i32>} : memref<48x768xf32, #tpu.memory_space<vmem>>, vector<1x16xf32>,
        %parallel_loop3A_864 = arith.index_cast %parallel_loop3A_450 : i32 to index
        %parallel_loop3A_865 = arith.constant 576 : index
        %parallel_loop3A_866 = tpu.vector_load %arg14[%parallel_loop3A_864, %parallel_loop3A_865] {strides = array<i32>} : memref<48x768xf32, #tpu.memory_space<vmem>>, vector<1x16xf32>,
        %parallel_loop3A_867 = vector.shape_cast %parallel_loop3A_866 : vector<1x16xf32> to vector<16xf32>
        %parallel_loop3A_868 = arith.index_cast %parallel_loop3A_455 : i32 to index
        %parallel_loop3A_869 = arith.constant 0 : index
        %parallel_loop3A_870 = tpu.vector_load %arg12[%parallel_loop3A_868, %parallel_loop3A_869] {strides = array<i32>} : memref<32x192xf32, #tpu.memory_space<vmem>>, vector<1x16xf32>,
        %parallel_loop3A_871 = vector.shape_cast %parallel_loop3A_870 : vector<1x16xf32> to vector<16xf32>
        %parallel_loop3A_872 = arith.addf %parallel_loop3A_867, %parallel_loop3A_871 : vector<16xf32>
        %parallel_loop3A_873 = arith.index_cast %parallel_loop3A_450 : i32 to index
        %parallel_loop3A_874 = arith.constant 576 : index
        %parallel_loop3A_875 = tpu.vector_load %arg14[%parallel_loop3A_873, %parallel_loop3A_874] {strides = array<i32>} : memref<48x768xf32, #tpu.memory_space<vmem>>, vector<1x16xf32>,
        %parallel_loop3A_876 = vector.shape_cast %parallel_loop3A_875 : vector<1x16xf32> to vector<16xf32>
        %parallel_loop3A_877 = vector.shape_cast %parallel_loop3A_872 : vector<16xf32> to vector<1x16xf32>
        tpu.vector_store %arg14[%parallel_loop3A_873, %parallel_loop3A_874], %parallel_loop3A_877 {strides = array<i32>} : memref<48x768xf32, #tpu.memory_space<vmem>>, vector<1x16xf32>,
        %parallel_loop3A_878 = arith.index_cast %parallel_loop3A_450 : i32 to index
        %parallel_loop3A_879 = arith.constant 592 : index
        %parallel_loop3A_880 = tpu.vector_load %arg14[%parallel_loop3A_878, %parallel_loop3A_879] {strides = array<i32>} : memref<48x768xf32, #tpu.memory_space<vmem>>, vector<1x16xf32>,
        %parallel_loop3A_881 = vector.shape_cast %parallel_loop3A_880 : vector<1x16xf32> to vector<16xf32>
        %parallel_loop3A_882 = arith.index_cast %parallel_loop3A_455 : i32 to index
        %parallel_loop3A_883 = arith.constant 16 : index
        %parallel_loop3A_884 = tpu.vector_load %arg12[%parallel_loop3A_882, %parallel_loop3A_883] {strides = array<i32>} : memref<32x192xf32, #tpu.memory_space<vmem>>, vector<1x16xf32>,
        %parallel_loop3A_885 = vector.shape_cast %parallel_loop3A_884 : vector<1x16xf32> to vector<16xf32>
        %parallel_loop3A_886 = arith.addf %parallel_loop3A_881, %parallel_loop3A_885 : vector<16xf32>
        %parallel_loop3A_887 = arith.index_cast %parallel_loop3A_450 : i32 to index
        %parallel_loop3A_888 = arith.constant 592 : index
        %parallel_loop3A_889 = tpu.vector_load %arg14[%parallel_loop3A_887, %parallel_loop3A_888] {strides = array<i32>} : memref<48x768xf32, #tpu.memory_space<vmem>>, vector<1x16xf32>,
        %parallel_loop3A_890 = vector.shape_cast %parallel_loop3A_889 : vector<1x16xf32> to vector<16xf32>
        %parallel_loop3A_891 = vector.shape_cast %parallel_loop3A_886 : vector<16xf32> to vector<1x16xf32>
        tpu.vector_store %arg14[%parallel_loop3A_887, %parallel_loop3A_888], %parallel_loop3A_891 {strides = array<i32>} : memref<48x768xf32, #tpu.memory_space<vmem>>, vector<1x16xf32>,
        %parallel_loop3A_892 = arith.index_cast %parallel_loop3A_450 : i32 to index
        %parallel_loop3A_893 = arith.constant 608 : index
        %parallel_loop3A_894 = tpu.vector_load %arg14[%parallel_loop3A_892, %parallel_loop3A_893] {strides = array<i32>} : memref<48x768xf32, #tpu.memory_space<vmem>>, vector<1x16xf32>,
        %parallel_loop3A_895 = vector.shape_cast %parallel_loop3A_894 : vector<1x16xf32> to vector<16xf32>
        %parallel_loop3A_896 = arith.index_cast %parallel_loop3A_455 : i32 to index
        %parallel_loop3A_897 = arith.constant 32 : index
        %parallel_loop3A_898 = tpu.vector_load %arg12[%parallel_loop3A_896, %parallel_loop3A_897] {strides = array<i32>} : memref<32x192xf32, #tpu.memory_space<vmem>>, vector<1x16xf32>,
        %parallel_loop3A_899 = vector.shape_cast %parallel_loop3A_898 : vector<1x16xf32> to vector<16xf32>
        %parallel_loop3A_900 = arith.addf %parallel_loop3A_895, %parallel_loop3A_899 : vector<16xf32>
        %parallel_loop3A_901 = arith.index_cast %parallel_loop3A_450 : i32 to index
        %parallel_loop3A_902 = arith.constant 608 : index
        %parallel_loop3A_903 = tpu.vector_load %arg14[%parallel_loop3A_901, %parallel_loop3A_902] {strides = array<i32>} : memref<48x768xf32, #tpu.memory_space<vmem>>, vector<1x16xf32>,
        %parallel_loop3A_904 = vector.shape_cast %parallel_loop3A_903 : vector<1x16xf32> to vector<16xf32>
        %parallel_loop3A_905 = vector.shape_cast %parallel_loop3A_900 : vector<16xf32> to vector<1x16xf32>
        tpu.vector_store %arg14[%parallel_loop3A_901, %parallel_loop3A_902], %parallel_loop3A_905 {strides = array<i32>} : memref<48x768xf32, #tpu.memory_space<vmem>>, vector<1x16xf32>,
        %parallel_loop3A_906 = arith.index_cast %parallel_loop3A_450 : i32 to index
        %parallel_loop3A_907 = arith.constant 624 : index
        %parallel_loop3A_908 = tpu.vector_load %arg14[%parallel_loop3A_906, %parallel_loop3A_907] {strides = array<i32>} : memref<48x768xf32, #tpu.memory_space<vmem>>, vector<1x16xf32>,
        %parallel_loop3A_909 = vector.shape_cast %parallel_loop3A_908 : vector<1x16xf32> to vector<16xf32>
        %parallel_loop3A_910 = arith.index_cast %parallel_loop3A_455 : i32 to index
        %parallel_loop3A_911 = arith.constant 48 : index
        %parallel_loop3A_912 = tpu.vector_load %arg12[%parallel_loop3A_910, %parallel_loop3A_911] {strides = array<i32>} : memref<32x192xf32, #tpu.memory_space<vmem>>, vector<1x16xf32>,
        %parallel_loop3A_913 = vector.shape_cast %parallel_loop3A_912 : vector<1x16xf32> to vector<16xf32>
        %parallel_loop3A_914 = arith.addf %parallel_loop3A_909, %parallel_loop3A_913 : vector<16xf32>
        %parallel_loop3A_915 = arith.index_cast %parallel_loop3A_450 : i32 to index
        %parallel_loop3A_916 = arith.constant 624 : index
        %parallel_loop3A_917 = tpu.vector_load %arg14[%parallel_loop3A_915, %parallel_loop3A_916] {strides = array<i32>} : memref<48x768xf32, #tpu.memory_space<vmem>>, vector<1x16xf32>,
        %parallel_loop3A_918 = vector.shape_cast %parallel_loop3A_917 : vector<1x16xf32> to vector<16xf32>
        %parallel_loop3A_919 = vector.shape_cast %parallel_loop3A_914 : vector<16xf32> to vector<1x16xf32>
        tpu.vector_store %arg14[%parallel_loop3A_915, %parallel_loop3A_916], %parallel_loop3A_919 {strides = array<i32>} : memref<48x768xf32, #tpu.memory_space<vmem>>, vector<1x16xf32>,
        %parallel_loop3A_920 = arith.index_cast %parallel_loop3A_450 : i32 to index
        %parallel_loop3A_921 = arith.constant 640 : index
        %parallel_loop3A_922 = tpu.vector_load %arg14[%parallel_loop3A_920, %parallel_loop3A_921] {strides = array<i32>} : memref<48x768xf32, #tpu.memory_space<vmem>>, vector<1x16xf32>,
        %parallel_loop3A_923 = vector.shape_cast %parallel_loop3A_922 : vector<1x16xf32> to vector<16xf32>
        %parallel_loop3A_924 = arith.index_cast %parallel_loop3A_455 : i32 to index
        %parallel_loop3A_925 = arith.constant 64 : index
        %parallel_loop3A_926 = tpu.vector_load %arg12[%parallel_loop3A_924, %parallel_loop3A_925] {strides = array<i32>} : memref<32x192xf32, #tpu.memory_space<vmem>>, vector<1x16xf32>,
        %parallel_loop3A_927 = vector.shape_cast %parallel_loop3A_926 : vector<1x16xf32> to vector<16xf32>
        %parallel_loop3A_928 = arith.addf %parallel_loop3A_923, %parallel_loop3A_927 : vector<16xf32>
        %parallel_loop3A_929 = arith.index_cast %parallel_loop3A_450 : i32 to index
        %parallel_loop3A_930 = arith.constant 640 : index
        %parallel_loop3A_931 = tpu.vector_load %arg14[%parallel_loop3A_929, %parallel_loop3A_930] {strides = array<i32>} : memref<48x768xf32, #tpu.memory_space<vmem>>, vector<1x16xf32>,
        %parallel_loop3A_932 = vector.shape_cast %parallel_loop3A_931 : vector<1x16xf32> to vector<16xf32>
        %parallel_loop3A_933 = vector.shape_cast %parallel_loop3A_928 : vector<16xf32> to vector<1x16xf32>
        tpu.vector_store %arg14[%parallel_loop3A_929, %parallel_loop3A_930], %parallel_loop3A_933 {strides = array<i32>} : memref<48x768xf32, #tpu.memory_space<vmem>>, vector<1x16xf32>,
        %parallel_loop3A_934 = arith.index_cast %parallel_loop3A_450 : i32 to index
        %parallel_loop3A_935 = arith.constant 656 : index
        %parallel_loop3A_936 = tpu.vector_load %arg14[%parallel_loop3A_934, %parallel_loop3A_935] {strides = array<i32>} : memref<48x768xf32, #tpu.memory_space<vmem>>, vector<1x16xf32>,
        %parallel_loop3A_937 = vector.shape_cast %parallel_loop3A_936 : vector<1x16xf32> to vector<16xf32>
        %parallel_loop3A_938 = arith.index_cast %parallel_loop3A_455 : i32 to index
        %parallel_loop3A_939 = arith.constant 80 : index
        %parallel_loop3A_940 = tpu.vector_load %arg12[%parallel_loop3A_938, %parallel_loop3A_939] {strides = array<i32>} : memref<32x192xf32, #tpu.memory_space<vmem>>, vector<1x16xf32>,
        %parallel_loop3A_941 = vector.shape_cast %parallel_loop3A_940 : vector<1x16xf32> to vector<16xf32>
        %parallel_loop3A_942 = arith.addf %parallel_loop3A_937, %parallel_loop3A_941 : vector<16xf32>
        %parallel_loop3A_943 = arith.index_cast %parallel_loop3A_450 : i32 to index
        %parallel_loop3A_944 = arith.constant 656 : index
        %parallel_loop3A_945 = tpu.vector_load %arg14[%parallel_loop3A_943, %parallel_loop3A_944] {strides = array<i32>} : memref<48x768xf32, #tpu.memory_space<vmem>>, vector<1x16xf32>,
        %parallel_loop3A_946 = vector.shape_cast %parallel_loop3A_945 : vector<1x16xf32> to vector<16xf32>
        %parallel_loop3A_947 = vector.shape_cast %parallel_loop3A_942 : vector<16xf32> to vector<1x16xf32>
        tpu.vector_store %arg14[%parallel_loop3A_943, %parallel_loop3A_944], %parallel_loop3A_947 {strides = array<i32>} : memref<48x768xf32, #tpu.memory_space<vmem>>, vector<1x16xf32>,
        %parallel_loop3A_948 = arith.index_cast %parallel_loop3A_450 : i32 to index
        %parallel_loop3A_949 = arith.constant 672 : index
        %parallel_loop3A_950 = tpu.vector_load %arg14[%parallel_loop3A_948, %parallel_loop3A_949] {strides = array<i32>} : memref<48x768xf32, #tpu.memory_space<vmem>>, vector<1x16xf32>,
        %parallel_loop3A_951 = vector.shape_cast %parallel_loop3A_950 : vector<1x16xf32> to vector<16xf32>
        %parallel_loop3A_952 = arith.index_cast %parallel_loop3A_455 : i32 to index
        %parallel_loop3A_953 = arith.constant 96 : index
        %parallel_loop3A_954 = tpu.vector_load %arg12[%parallel_loop3A_952, %parallel_loop3A_953] {strides = array<i32>} : memref<32x192xf32, #tpu.memory_space<vmem>>, vector<1x16xf32>,
        %parallel_loop3A_955 = vector.shape_cast %parallel_loop3A_954 : vector<1x16xf32> to vector<16xf32>
        %parallel_loop3A_956 = arith.addf %parallel_loop3A_951, %parallel_loop3A_955 : vector<16xf32>
        %parallel_loop3A_957 = arith.index_cast %parallel_loop3A_450 : i32 to index
        %parallel_loop3A_958 = arith.constant 672 : index
        %parallel_loop3A_959 = tpu.vector_load %arg14[%parallel_loop3A_957, %parallel_loop3A_958] {strides = array<i32>} : memref<48x768xf32, #tpu.memory_space<vmem>>, vector<1x16xf32>,
        %parallel_loop3A_960 = vector.shape_cast %parallel_loop3A_959 : vector<1x16xf32> to vector<16xf32>
        %parallel_loop3A_961 = vector.shape_cast %parallel_loop3A_956 : vector<16xf32> to vector<1x16xf32>
        tpu.vector_store %arg14[%parallel_loop3A_957, %parallel_loop3A_958], %parallel_loop3A_961 {strides = array<i32>} : memref<48x768xf32, #tpu.memory_space<vmem>>, vector<1x16xf32>,
        %parallel_loop3A_962 = arith.index_cast %parallel_loop3A_450 : i32 to index
        %parallel_loop3A_963 = arith.constant 688 : index
        %parallel_loop3A_964 = tpu.vector_load %arg14[%parallel_loop3A_962, %parallel_loop3A_963] {strides = array<i32>} : memref<48x768xf32, #tpu.memory_space<vmem>>, vector<1x16xf32>,
        %parallel_loop3A_965 = vector.shape_cast %parallel_loop3A_964 : vector<1x16xf32> to vector<16xf32>
        %parallel_loop3A_966 = arith.index_cast %parallel_loop3A_455 : i32 to index
        %parallel_loop3A_967 = arith.constant 112 : index
        %parallel_loop3A_968 = tpu.vector_load %arg12[%parallel_loop3A_966, %parallel_loop3A_967] {strides = array<i32>} : memref<32x192xf32, #tpu.memory_space<vmem>>, vector<1x16xf32>,
        %parallel_loop3A_969 = vector.shape_cast %parallel_loop3A_968 : vector<1x16xf32> to vector<16xf32>
        %parallel_loop3A_970 = arith.addf %parallel_loop3A_965, %parallel_loop3A_969 : vector<16xf32>
        %parallel_loop3A_971 = arith.index_cast %parallel_loop3A_450 : i32 to index
        %parallel_loop3A_972 = arith.constant 688 : index
        %parallel_loop3A_973 = tpu.vector_load %arg14[%parallel_loop3A_971, %parallel_loop3A_972] {strides = array<i32>} : memref<48x768xf32, #tpu.memory_space<vmem>>, vector<1x16xf32>,
        %parallel_loop3A_974 = vector.shape_cast %parallel_loop3A_973 : vector<1x16xf32> to vector<16xf32>
        %parallel_loop3A_975 = vector.shape_cast %parallel_loop3A_970 : vector<16xf32> to vector<1x16xf32>
        tpu.vector_store %arg14[%parallel_loop3A_971, %parallel_loop3A_972], %parallel_loop3A_975 {strides = array<i32>} : memref<48x768xf32, #tpu.memory_space<vmem>>, vector<1x16xf32>,
        %parallel_loop3A_976 = arith.index_cast %parallel_loop3A_450 : i32 to index
        %parallel_loop3A_977 = arith.constant 704 : index
        %parallel_loop3A_978 = tpu.vector_load %arg14[%parallel_loop3A_976, %parallel_loop3A_977] {strides = array<i32>} : memref<48x768xf32, #tpu.memory_space<vmem>>, vector<1x16xf32>,
        %parallel_loop3A_979 = vector.shape_cast %parallel_loop3A_978 : vector<1x16xf32> to vector<16xf32>
        %parallel_loop3A_980 = arith.index_cast %parallel_loop3A_455 : i32 to index
        %parallel_loop3A_981 = arith.constant 128 : index
        %parallel_loop3A_982 = tpu.vector_load %arg12[%parallel_loop3A_980, %parallel_loop3A_981] {strides = array<i32>} : memref<32x192xf32, #tpu.memory_space<vmem>>, vector<1x16xf32>,
        %parallel_loop3A_983 = vector.shape_cast %parallel_loop3A_982 : vector<1x16xf32> to vector<16xf32>
        %parallel_loop3A_984 = arith.addf %parallel_loop3A_979, %parallel_loop3A_983 : vector<16xf32>
        %parallel_loop3A_985 = arith.index_cast %parallel_loop3A_450 : i32 to index
        %parallel_loop3A_986 = arith.constant 704 : index
        %parallel_loop3A_987 = tpu.vector_load %arg14[%parallel_loop3A_985, %parallel_loop3A_986] {strides = array<i32>} : memref<48x768xf32, #tpu.memory_space<vmem>>, vector<1x16xf32>,
        %parallel_loop3A_988 = vector.shape_cast %parallel_loop3A_987 : vector<1x16xf32> to vector<16xf32>
        %parallel_loop3A_989 = vector.shape_cast %parallel_loop3A_984 : vector<16xf32> to vector<1x16xf32>
        tpu.vector_store %arg14[%parallel_loop3A_985, %parallel_loop3A_986], %parallel_loop3A_989 {strides = array<i32>} : memref<48x768xf32, #tpu.memory_space<vmem>>, vector<1x16xf32>,
        %parallel_loop3A_990 = arith.index_cast %parallel_loop3A_450 : i32 to index
        %parallel_loop3A_991 = arith.constant 720 : index
        %parallel_loop3A_992 = tpu.vector_load %arg14[%parallel_loop3A_990, %parallel_loop3A_991] {strides = array<i32>} : memref<48x768xf32, #tpu.memory_space<vmem>>, vector<1x16xf32>,
        %parallel_loop3A_993 = vector.shape_cast %parallel_loop3A_992 : vector<1x16xf32> to vector<16xf32>
        %parallel_loop3A_994 = arith.index_cast %parallel_loop3A_455 : i32 to index
        %parallel_loop3A_995 = arith.constant 144 : index
        %parallel_loop3A_996 = tpu.vector_load %arg12[%parallel_loop3A_994, %parallel_loop3A_995] {strides = array<i32>} : memref<32x192xf32, #tpu.memory_space<vmem>>, vector<1x16xf32>,
        %parallel_loop3A_997 = vector.shape_cast %parallel_loop3A_996 : vector<1x16xf32> to vector<16xf32>
        %parallel_loop3A_998 = arith.addf %parallel_loop3A_993, %parallel_loop3A_997 : vector<16xf32>
        %parallel_loop3A_999 = arith.index_cast %parallel_loop3A_450 : i32 to index
        %parallel_loop3A_1000 = arith.constant 720 : index
        %parallel_loop3A_1001 = tpu.vector_load %arg14[%parallel_loop3A_999, %parallel_loop3A_1000] {strides = array<i32>} : memref<48x768xf32, #tpu.memory_space<vmem>>, vector<1x16xf32>,
        %parallel_loop3A_1002 = vector.shape_cast %parallel_loop3A_1001 : vector<1x16xf32> to vector<16xf32>
        %parallel_loop3A_1003 = vector.shape_cast %parallel_loop3A_998 : vector<16xf32> to vector<1x16xf32>
        tpu.vector_store %arg14[%parallel_loop3A_999, %parallel_loop3A_1000], %parallel_loop3A_1003 {strides = array<i32>} : memref<48x768xf32, #tpu.memory_space<vmem>>, vector<1x16xf32>,
        %parallel_loop3A_1004 = arith.index_cast %parallel_loop3A_450 : i32 to index
        %parallel_loop3A_1005 = arith.constant 736 : index
        %parallel_loop3A_1006 = tpu.vector_load %arg14[%parallel_loop3A_1004, %parallel_loop3A_1005] {strides = array<i32>} : memref<48x768xf32, #tpu.memory_space<vmem>>, vector<1x16xf32>,
        %parallel_loop3A_1007 = vector.shape_cast %parallel_loop3A_1006 : vector<1x16xf32> to vector<16xf32>
        %parallel_loop3A_1008 = arith.index_cast %parallel_loop3A_455 : i32 to index
        %parallel_loop3A_1009 = arith.constant 160 : index
        %parallel_loop3A_1010 = tpu.vector_load %arg12[%parallel_loop3A_1008, %parallel_loop3A_1009] {strides = array<i32>} : memref<32x192xf32, #tpu.memory_space<vmem>>, vector<1x16xf32>,
        %parallel_loop3A_1011 = vector.shape_cast %parallel_loop3A_1010 : vector<1x16xf32> to vector<16xf32>
        %parallel_loop3A_1012 = arith.addf %parallel_loop3A_1007, %parallel_loop3A_1011 : vector<16xf32>
        %parallel_loop3A_1013 = arith.index_cast %parallel_loop3A_450 : i32 to index
        %parallel_loop3A_1014 = arith.constant 736 : index
        %parallel_loop3A_1015 = tpu.vector_load %arg14[%parallel_loop3A_1013, %parallel_loop3A_1014] {strides = array<i32>} : memref<48x768xf32, #tpu.memory_space<vmem>>, vector<1x16xf32>,
        %parallel_loop3A_1016 = vector.shape_cast %parallel_loop3A_1015 : vector<1x16xf32> to vector<16xf32>
        %parallel_loop3A_1017 = vector.shape_cast %parallel_loop3A_1012 : vector<16xf32> to vector<1x16xf32>
        tpu.vector_store %arg14[%parallel_loop3A_1013, %parallel_loop3A_1014], %parallel_loop3A_1017 {strides = array<i32>} : memref<48x768xf32, #tpu.memory_space<vmem>>, vector<1x16xf32>,
        %parallel_loop3A_1018 = arith.index_cast %parallel_loop3A_450 : i32 to index
        %parallel_loop3A_1019 = arith.constant 752 : index
        %parallel_loop3A_1020 = tpu.vector_load %arg14[%parallel_loop3A_1018, %parallel_loop3A_1019] {strides = array<i32>} : memref<48x768xf32, #tpu.memory_space<vmem>>, vector<1x16xf32>,
        %parallel_loop3A_1021 = vector.shape_cast %parallel_loop3A_1020 : vector<1x16xf32> to vector<16xf32>
        %parallel_loop3A_1022 = arith.index_cast %parallel_loop3A_455 : i32 to index
        %parallel_loop3A_1023 = arith.constant 176 : index
        %parallel_loop3A_1024 = tpu.vector_load %arg12[%parallel_loop3A_1022, %parallel_loop3A_1023] {strides = array<i32>} : memref<32x192xf32, #tpu.memory_space<vmem>>, vector<1x16xf32>,
        %parallel_loop3A_1025 = vector.shape_cast %parallel_loop3A_1024 : vector<1x16xf32> to vector<16xf32>
        %parallel_loop3A_1026 = arith.addf %parallel_loop3A_1021, %parallel_loop3A_1025 : vector<16xf32>
        %parallel_loop3A_1027 = arith.index_cast %parallel_loop3A_450 : i32 to index
        %parallel_loop3A_1028 = arith.constant 752 : index
        %parallel_loop3A_1029 = tpu.vector_load %arg14[%parallel_loop3A_1027, %parallel_loop3A_1028] {strides = array<i32>} : memref<48x768xf32, #tpu.memory_space<vmem>>, vector<1x16xf32>,
        %parallel_loop3A_1030 = vector.shape_cast %parallel_loop3A_1029 : vector<1x16xf32> to vector<16xf32>
        %parallel_loop3A_1031 = vector.shape_cast %parallel_loop3A_1026 : vector<16xf32> to vector<1x16xf32>
        tpu.vector_store %arg14[%parallel_loop3A_1027, %parallel_loop3A_1028], %parallel_loop3A_1031 {strides = array<i32>} : memref<48x768xf32, #tpu.memory_space<vmem>>, vector<1x16xf32>,
      } {sc.loop_unroll_factor = 1 : i64, sc.parallel_access}
      %mul3A_178 = arith.constant 48 : i32
      %mul3A_179 = arith.muli %add3A_62, %mul3A_178 : i32
      %add3A_180 = arith.addi %mul3A_18, %mul3A_179 : i32
      %dma_start3A_181 = arith.constant 0 : i32
      %dma_start3A_182 = tpu.memref_slice %arg8[%add3A_180, %dma_start3A_181] : memref<36864x768xf32, #tpu.memory_space<hbm>> -> memref<48x768xf32, #tpu.memory_space<hbm>>
      %dma_start3A_183 = arith.constant 0 : i32
      %dma_start3A_184 = tpu.memref_slice %arg8[%add3A_180, %dma_start3A_183] : memref<36864x768xf32, #tpu.memory_space<hbm>> -> memref<48x768xf32, #tpu.memory_space<hbm>>
      tpu.enqueue_dma source(%arg14 : memref<48x768xf32, #tpu.memory_space<vmem>>) target(%dma_start3A_184 : memref<48x768xf32, #tpu.memory_space<hbm>>) target_semaphore(%arg20 : memref<!tpu.dma_semaphore, #tpu.memory_space<semaphore_mem>>)
      %mul3A_185 = arith.constant 3 : i32
      %mul3A_186 = arith.muli %scan3A_57, %mul3A_185 : i32
      %add3A_187 = arith.constant 1 : i32
      %add3A_188 = arith.addi %mul3A_186, %add3A_187 : i32
      %add3A_189 = arith.constant 1 : i32
      %add3A_190 = arith.addi %add3A_188, %add3A_189 : i32
      %lt3A_191 = arith.constant 24 : i32
      %lt3A_192 = arith.cmpi slt, %add3A_190, %lt3A_191 : i32
      %convert_element_type3A_193 = arith.extui %lt3A_192 : i1 to i32
      %cond3A_194 = arith.constant 0 : i32
      %cond3A_195 = arith.cmpi ne, %convert_element_type3A_193, %cond3A_194 : i32
      scf.if %cond3A_195 {
        %sub3A_450 = arith.constant 2 : i32
        %sub3A_451 = arith.subi %add3A_188, %sub3A_450 : i32
        %ge3A_452 = arith.constant 0 : i32
        %ge3A_453 = arith.cmpi sge, %sub3A_451, %ge3A_452 : i32
        %convert_element_type3A_454 = arith.extui %ge3A_453 : i1 to i32
        %cond3A_455 = arith.constant 0 : i32
        %cond3A_456 = arith.cmpi ne, %convert_element_type3A_454, %cond3A_455 : i32
        scf.if %cond3A_456 {
          %sub3A_466 = arith.constant 2 : i32
          %sub3A_467 = arith.subi %add3A_188, %sub3A_466 : i32
          %mul3A_468 = arith.constant 48 : i32
          %mul3A_469 = arith.muli %sub3A_467, %mul3A_468 : i32
          %add3A_470 = arith.addi %mul3A_18, %mul3A_469 : i32
          %dma_wait3A_471 = arith.constant 0 : i32
          %dma_wait3A_472 = tpu.memref_slice %arg8[%add3A_470, %dma_wait3A_471] : memref<36864x768xf32, #tpu.memory_space<hbm>> -> memref<48x768xf32, #tpu.memory_space<hbm>>
          %dma_wait3A_473 = arith.constant 0 : i32
          %dma_wait3A_474 = tpu.memref_slice %arg8[%add3A_470, %dma_wait3A_473] : memref<36864x768xf32, #tpu.memory_space<hbm>> -> memref<48x768xf32, #tpu.memory_space<hbm>>
          tpu.wait_dma2 semaphore(%arg22 : memref<!tpu.dma_semaphore, #tpu.memory_space<semaphore_mem>>) src(%arg16 : memref<48x768xf32, #tpu.memory_space<vmem>>) dst(%dma_wait3A_474 : memref<48x768xf32, #tpu.memory_space<hbm>>)
        } else {
        }
        %add3A_457 = arith.constant 1 : i32
        %add3A_458 = arith.addi %add3A_188, %add3A_457 : i32
        %mul3A_459 = arith.constant 48 : i32
        %mul3A_460 = arith.muli %add3A_458, %mul3A_459 : i32
        %add3A_461 = arith.addi %mul3A_18, %mul3A_460 : i32
        %dma_start3A_462 = arith.constant 0 : i32
        %dma_start3A_463 = tpu.memref_slice %arg2[%add3A_461, %dma_start3A_462] : memref<36864x768xf32, #tpu.memory_space<hbm>> -> memref<48x768xf32, #tpu.memory_space<hbm>>
        %dma_start3A_464 = arith.constant 0 : i32
        %dma_start3A_465 = tpu.memref_slice %arg2[%add3A_461, %dma_start3A_464] : memref<36864x768xf32, #tpu.memory_space<hbm>> -> memref<48x768xf32, #tpu.memory_space<hbm>>
        tpu.enqueue_dma source(%dma_start3A_465 : memref<48x768xf32, #tpu.memory_space<hbm>>) target(%arg16 : memref<48x768xf32, #tpu.memory_space<vmem>>) target_semaphore(%arg19 : memref<!tpu.dma_semaphore, #tpu.memory_space<semaphore_mem>>)
      } else {
      }
      %mul3A_196 = arith.constant 48 : i32
      %mul3A_197 = arith.muli %add3A_188, %mul3A_196 : i32
      %add3A_198 = arith.addi %mul3A_18, %mul3A_197 : i32
      %dma_wait3A_199 = arith.constant 0 : i32
      %dma_wait3A_200 = tpu.memref_slice %arg2[%add3A_198, %dma_wait3A_199] : memref<36864x768xf32, #tpu.memory_space<hbm>> -> memref<48x768xf32, #tpu.memory_space<hbm>>
      %dma_wait3A_201 = arith.constant 0 : i32
      %dma_wait3A_202 = tpu.memref_slice %arg2[%add3A_198, %dma_wait3A_201] : memref<36864x768xf32, #tpu.memory_space<hbm>> -> memref<48x768xf32, #tpu.memory_space<hbm>>
      tpu.wait_dma2 semaphore(%arg18 : memref<!tpu.dma_semaphore, #tpu.memory_space<semaphore_mem>>) src(%dma_wait3A_202 : memref<48x768xf32, #tpu.memory_space<hbm>>) dst(%arg15 : memref<48x768xf32, #tpu.memory_space<vmem>>)
      %ge3A_203 = arith.constant 12 : i32
      %ge3A_204 = arith.cmpi sge, %add3A_188, %ge3A_203 : i32
      %convert_element_type3A_205 = arith.extui %ge3A_204 : i1 to i32
      %mul3A_206 = arith.constant 12 : i32
      %mul3A_207 = arith.muli %convert_element_type3A_205, %mul3A_206 : i32
      %sub3A_208 = arith.subi %add3A_188, %mul3A_207 : i32
      %get3A_209 = arith.index_cast %sub3A_208 : i32 to index
      %get3A_210 = arith.constant 0 : index
      %get3A_211 = tpu.vector_load %arg10[%get3A_209, %get3A_210] {strides = array<i32>} : memref<12x192xf32, #tpu.memory_space<vmem>>, vector<1x16xf32>,
      %get3A_212 = vector.shape_cast %get3A_211 : vector<1x16xf32> to vector<16xf32>
      %get3A_213 = arith.index_cast %sub3A_208 : i32 to index
      %get3A_214 = arith.constant 16 : index
      %get3A_215 = tpu.vector_load %arg10[%get3A_213, %get3A_214] {strides = array<i32>} : memref<12x192xf32, #tpu.memory_space<vmem>>, vector<1x16xf32>,
      %get3A_216 = vector.shape_cast %get3A_215 : vector<1x16xf32> to vector<16xf32>
      %get3A_217 = arith.index_cast %sub3A_208 : i32 to index
      %get3A_218 = arith.constant 32 : index
      %get3A_219 = tpu.vector_load %arg10[%get3A_217, %get3A_218] {strides = array<i32>} : memref<12x192xf32, #tpu.memory_space<vmem>>, vector<1x16xf32>,
      %get3A_220 = vector.shape_cast %get3A_219 : vector<1x16xf32> to vector<16xf32>
      %get3A_221 = arith.index_cast %sub3A_208 : i32 to index
      %get3A_222 = arith.constant 48 : index
      %get3A_223 = tpu.vector_load %arg10[%get3A_221, %get3A_222] {strides = array<i32>} : memref<12x192xf32, #tpu.memory_space<vmem>>, vector<1x16xf32>,
      %get3A_224 = vector.shape_cast %get3A_223 : vector<1x16xf32> to vector<16xf32>
      %get3A_225 = arith.index_cast %sub3A_208 : i32 to index
      %get3A_226 = arith.constant 64 : index
      %get3A_227 = tpu.vector_load %arg10[%get3A_225, %get3A_226] {strides = array<i32>} : memref<12x192xf32, #tpu.memory_space<vmem>>, vector<1x16xf32>,
      %get3A_228 = vector.shape_cast %get3A_227 : vector<1x16xf32> to vector<16xf32>
      %get3A_229 = arith.index_cast %sub3A_208 : i32 to index
      %get3A_230 = arith.constant 80 : index
      %get3A_231 = tpu.vector_load %arg10[%get3A_229, %get3A_230] {strides = array<i32>} : memref<12x192xf32, #tpu.memory_space<vmem>>, vector<1x16xf32>,
      %get3A_232 = vector.shape_cast %get3A_231 : vector<1x16xf32> to vector<16xf32>
      %get3A_233 = arith.index_cast %sub3A_208 : i32 to index
      %get3A_234 = arith.constant 96 : index
      %get3A_235 = tpu.vector_load %arg10[%get3A_233, %get3A_234] {strides = array<i32>} : memref<12x192xf32, #tpu.memory_space<vmem>>, vector<1x16xf32>,
      %get3A_236 = vector.shape_cast %get3A_235 : vector<1x16xf32> to vector<16xf32>
      %get3A_237 = arith.index_cast %sub3A_208 : i32 to index
      %get3A_238 = arith.constant 112 : index
      %get3A_239 = tpu.vector_load %arg10[%get3A_237, %get3A_238] {strides = array<i32>} : memref<12x192xf32, #tpu.memory_space<vmem>>, vector<1x16xf32>,
      %get3A_240 = vector.shape_cast %get3A_239 : vector<1x16xf32> to vector<16xf32>
      %get3A_241 = arith.index_cast %sub3A_208 : i32 to index
      %get3A_242 = arith.constant 128 : index
      %get3A_243 = tpu.vector_load %arg10[%get3A_241, %get3A_242] {strides = array<i32>} : memref<12x192xf32, #tpu.memory_space<vmem>>, vector<1x16xf32>,
      %get3A_244 = vector.shape_cast %get3A_243 : vector<1x16xf32> to vector<16xf32>
      %get3A_245 = arith.index_cast %sub3A_208 : i32 to index
      %get3A_246 = arith.constant 144 : index
      %get3A_247 = tpu.vector_load %arg10[%get3A_245, %get3A_246] {strides = array<i32>} : memref<12x192xf32, #tpu.memory_space<vmem>>, vector<1x16xf32>,
      %get3A_248 = vector.shape_cast %get3A_247 : vector<1x16xf32> to vector<16xf32>
      %get3A_249 = arith.index_cast %sub3A_208 : i32 to index
      %get3A_250 = arith.constant 160 : index
      %get3A_251 = tpu.vector_load %arg10[%get3A_249, %get3A_250] {strides = array<i32>} : memref<12x192xf32, #tpu.memory_space<vmem>>, vector<1x16xf32>,
      %get3A_252 = vector.shape_cast %get3A_251 : vector<1x16xf32> to vector<16xf32>
      %get3A_253 = arith.index_cast %sub3A_208 : i32 to index
      %get3A_254 = arith.constant 176 : index
      %get3A_255 = tpu.vector_load %arg10[%get3A_253, %get3A_254] {strides = array<i32>} : memref<12x192xf32, #tpu.memory_space<vmem>>, vector<1x16xf32>,
      %get3A_256 = vector.shape_cast %get3A_255 : vector<1x16xf32> to vector<16xf32>
      %get3A_257 = arith.index_cast %sub3A_208 : i32 to index
      %get3A_258 = arith.constant 0 : index
      %get3A_259 = tpu.vector_load %arg11[%get3A_257, %get3A_258] {strides = array<i32>} : memref<16x256xf32, #tpu.memory_space<vmem>>, vector<1x16xf32>,
      %get3A_260 = vector.shape_cast %get3A_259 : vector<1x16xf32> to vector<16xf32>
      %get3A_261 = arith.index_cast %sub3A_208 : i32 to index
      %get3A_262 = arith.constant 16 : index
      %get3A_263 = tpu.vector_load %arg11[%get3A_261, %get3A_262] {strides = array<i32>} : memref<16x256xf32, #tpu.memory_space<vmem>>, vector<1x16xf32>,
      %get3A_264 = vector.shape_cast %get3A_263 : vector<1x16xf32> to vector<16xf32>
      %get3A_265 = arith.index_cast %sub3A_208 : i32 to index
      %get3A_266 = arith.constant 32 : index
      %get3A_267 = tpu.vector_load %arg11[%get3A_265, %get3A_266] {strides = array<i32>} : memref<16x256xf32, #tpu.memory_space<vmem>>, vector<1x16xf32>,
      %get3A_268 = vector.shape_cast %get3A_267 : vector<1x16xf32> to vector<16xf32>
      %get3A_269 = arith.index_cast %sub3A_208 : i32 to index
      %get3A_270 = arith.constant 48 : index
      %get3A_271 = tpu.vector_load %arg11[%get3A_269, %get3A_270] {strides = array<i32>} : memref<16x256xf32, #tpu.memory_space<vmem>>, vector<1x16xf32>,
      %get3A_272 = vector.shape_cast %get3A_271 : vector<1x16xf32> to vector<16xf32>
      %get3A_273 = arith.index_cast %sub3A_208 : i32 to index
      %get3A_274 = arith.constant 64 : index
      %get3A_275 = tpu.vector_load %arg11[%get3A_273, %get3A_274] {strides = array<i32>} : memref<16x256xf32, #tpu.memory_space<vmem>>, vector<1x16xf32>,
      %get3A_276 = vector.shape_cast %get3A_275 : vector<1x16xf32> to vector<16xf32>
      %get3A_277 = arith.index_cast %sub3A_208 : i32 to index
      %get3A_278 = arith.constant 80 : index
      %get3A_279 = tpu.vector_load %arg11[%get3A_277, %get3A_278] {strides = array<i32>} : memref<16x256xf32, #tpu.memory_space<vmem>>, vector<1x16xf32>,
      %get3A_280 = vector.shape_cast %get3A_279 : vector<1x16xf32> to vector<16xf32>
      %get3A_281 = arith.index_cast %sub3A_208 : i32 to index
      %get3A_282 = arith.constant 96 : index
      %get3A_283 = tpu.vector_load %arg11[%get3A_281, %get3A_282] {strides = array<i32>} : memref<16x256xf32, #tpu.memory_space<vmem>>, vector<1x16xf32>,
      %get3A_284 = vector.shape_cast %get3A_283 : vector<1x16xf32> to vector<16xf32>
      %get3A_285 = arith.index_cast %sub3A_208 : i32 to index
      %get3A_286 = arith.constant 112 : index
      %get3A_287 = tpu.vector_load %arg11[%get3A_285, %get3A_286] {strides = array<i32>} : memref<16x256xf32, #tpu.memory_space<vmem>>, vector<1x16xf32>,
      %get3A_288 = vector.shape_cast %get3A_287 : vector<1x16xf32> to vector<16xf32>
      %get3A_289 = arith.index_cast %sub3A_208 : i32 to index
      %get3A_290 = arith.constant 128 : index
      %get3A_291 = tpu.vector_load %arg11[%get3A_289, %get3A_290] {strides = array<i32>} : memref<16x256xf32, #tpu.memory_space<vmem>>, vector<1x16xf32>,
      %get3A_292 = vector.shape_cast %get3A_291 : vector<1x16xf32> to vector<16xf32>
      %get3A_293 = arith.index_cast %sub3A_208 : i32 to index
      %get3A_294 = arith.constant 144 : index
      %get3A_295 = tpu.vector_load %arg11[%get3A_293, %get3A_294] {strides = array<i32>} : memref<16x256xf32, #tpu.memory_space<vmem>>, vector<1x16xf32>,
      %get3A_296 = vector.shape_cast %get3A_295 : vector<1x16xf32> to vector<16xf32>
      %get3A_297 = arith.index_cast %sub3A_208 : i32 to index
      %get3A_298 = arith.constant 160 : index
      %get3A_299 = tpu.vector_load %arg11[%get3A_297, %get3A_298] {strides = array<i32>} : memref<16x256xf32, #tpu.memory_space<vmem>>, vector<1x16xf32>,
      %get3A_300 = vector.shape_cast %get3A_299 : vector<1x16xf32> to vector<16xf32>
      %get3A_301 = arith.index_cast %sub3A_208 : i32 to index
      %get3A_302 = arith.constant 176 : index
      %get3A_303 = tpu.vector_load %arg11[%get3A_301, %get3A_302] {strides = array<i32>} : memref<16x256xf32, #tpu.memory_space<vmem>>, vector<1x16xf32>,
      %get3A_304 = vector.shape_cast %get3A_303 : vector<1x16xf32> to vector<16xf32>
      %mul3A_305 = arith.constant 16 : i32
      %mul3A_306 = arith.muli %convert_element_type3A_205, %mul3A_305 : i32
      %parallel_loop3A_307 = arith.constant 0 : i32
      %parallel_loop3A_308 = arith.constant 48 : i32
      %parallel_loop3A_309 = arith.constant 1 : i32
      scf.for %parallel_loop3A_450 = %parallel_loop3A_307 to %parallel_loop3A_308 step %parallel_loop3A_309  : i32 {
        %parallel_loop3A_451 = arith.constant 4 : i32
        %parallel_loop3A_452 = arith.shrsi %parallel_loop3A_450, %parallel_loop3A_451 : i32
        %parallel_loop3A_453 = arith.constant 15 : i32
        %parallel_loop3A_454 = arith.andi %parallel_loop3A_450, %parallel_loop3A_453 : i32
        %parallel_loop3A_455 = arith.addi %mul3A_306, %parallel_loop3A_454 : i32
        %parallel_loop3A_456 = arith.index_cast %parallel_loop3A_450 : i32 to index
        %parallel_loop3A_457 = arith.constant 0 : index
        %parallel_loop3A_458 = tpu.vector_load %arg15[%parallel_loop3A_456, %parallel_loop3A_457] {strides = array<i32>} : memref<48x768xf32, #tpu.memory_space<vmem>>, vector<1x16xf32>,
        %parallel_loop3A_459 = vector.shape_cast %parallel_loop3A_458 : vector<1x16xf32> to vector<16xf32>
        %parallel_loop3A_460 = arith.index_cast %parallel_loop3A_452 : i32 to index
        %parallel_loop3A_461 = arith.constant 0 : index
        %parallel_loop3A_462 = tpu.vector_load %arg9[%parallel_loop3A_460, %parallel_loop3A_461] {strides = array<i32>} : memref<3x192xf32, #tpu.memory_space<vmem>>, vector<1x16xf32>,
        %parallel_loop3A_463 = vector.shape_cast %parallel_loop3A_462 : vector<1x16xf32> to vector<16xf32>
        %parallel_loop3A_464 = arith.addf %parallel_loop3A_459, %parallel_loop3A_463 : vector<16xf32>
        %parallel_loop3A_465 = arith.index_cast %parallel_loop3A_450 : i32 to index
        %parallel_loop3A_466 = arith.constant 0 : index
        %parallel_loop3A_467 = tpu.vector_load %arg15[%parallel_loop3A_465, %parallel_loop3A_466] {strides = array<i32>} : memref<48x768xf32, #tpu.memory_space<vmem>>, vector<1x16xf32>,
        %parallel_loop3A_468 = vector.shape_cast %parallel_loop3A_467 : vector<1x16xf32> to vector<16xf32>
        %parallel_loop3A_469 = vector.shape_cast %parallel_loop3A_464 : vector<16xf32> to vector<1x16xf32>
        tpu.vector_store %arg15[%parallel_loop3A_465, %parallel_loop3A_466], %parallel_loop3A_469 {strides = array<i32>} : memref<48x768xf32, #tpu.memory_space<vmem>>, vector<1x16xf32>,
        %parallel_loop3A_470 = arith.index_cast %parallel_loop3A_450 : i32 to index
        %parallel_loop3A_471 = arith.constant 16 : index
        %parallel_loop3A_472 = tpu.vector_load %arg15[%parallel_loop3A_470, %parallel_loop3A_471] {strides = array<i32>} : memref<48x768xf32, #tpu.memory_space<vmem>>, vector<1x16xf32>,
        %parallel_loop3A_473 = vector.shape_cast %parallel_loop3A_472 : vector<1x16xf32> to vector<16xf32>
        %parallel_loop3A_474 = arith.index_cast %parallel_loop3A_452 : i32 to index
        %parallel_loop3A_475 = arith.constant 16 : index
        %parallel_loop3A_476 = tpu.vector_load %arg9[%parallel_loop3A_474, %parallel_loop3A_475] {strides = array<i32>} : memref<3x192xf32, #tpu.memory_space<vmem>>, vector<1x16xf32>,
        %parallel_loop3A_477 = vector.shape_cast %parallel_loop3A_476 : vector<1x16xf32> to vector<16xf32>
        %parallel_loop3A_478 = arith.addf %parallel_loop3A_473, %parallel_loop3A_477 : vector<16xf32>
        %parallel_loop3A_479 = arith.index_cast %parallel_loop3A_450 : i32 to index
        %parallel_loop3A_480 = arith.constant 16 : index
        %parallel_loop3A_481 = tpu.vector_load %arg15[%parallel_loop3A_479, %parallel_loop3A_480] {strides = array<i32>} : memref<48x768xf32, #tpu.memory_space<vmem>>, vector<1x16xf32>,
        %parallel_loop3A_482 = vector.shape_cast %parallel_loop3A_481 : vector<1x16xf32> to vector<16xf32>
        %parallel_loop3A_483 = vector.shape_cast %parallel_loop3A_478 : vector<16xf32> to vector<1x16xf32>
        tpu.vector_store %arg15[%parallel_loop3A_479, %parallel_loop3A_480], %parallel_loop3A_483 {strides = array<i32>} : memref<48x768xf32, #tpu.memory_space<vmem>>, vector<1x16xf32>,
        %parallel_loop3A_484 = arith.index_cast %parallel_loop3A_450 : i32 to index
        %parallel_loop3A_485 = arith.constant 32 : index
        %parallel_loop3A_486 = tpu.vector_load %arg15[%parallel_loop3A_484, %parallel_loop3A_485] {strides = array<i32>} : memref<48x768xf32, #tpu.memory_space<vmem>>, vector<1x16xf32>,
        %parallel_loop3A_487 = vector.shape_cast %parallel_loop3A_486 : vector<1x16xf32> to vector<16xf32>
        %parallel_loop3A_488 = arith.index_cast %parallel_loop3A_452 : i32 to index
        %parallel_loop3A_489 = arith.constant 32 : index
        %parallel_loop3A_490 = tpu.vector_load %arg9[%parallel_loop3A_488, %parallel_loop3A_489] {strides = array<i32>} : memref<3x192xf32, #tpu.memory_space<vmem>>, vector<1x16xf32>,
        %parallel_loop3A_491 = vector.shape_cast %parallel_loop3A_490 : vector<1x16xf32> to vector<16xf32>
        %parallel_loop3A_492 = arith.addf %parallel_loop3A_487, %parallel_loop3A_491 : vector<16xf32>
        %parallel_loop3A_493 = arith.index_cast %parallel_loop3A_450 : i32 to index
        %parallel_loop3A_494 = arith.constant 32 : index
        %parallel_loop3A_495 = tpu.vector_load %arg15[%parallel_loop3A_493, %parallel_loop3A_494] {strides = array<i32>} : memref<48x768xf32, #tpu.memory_space<vmem>>, vector<1x16xf32>,
        %parallel_loop3A_496 = vector.shape_cast %parallel_loop3A_495 : vector<1x16xf32> to vector<16xf32>
        %parallel_loop3A_497 = vector.shape_cast %parallel_loop3A_492 : vector<16xf32> to vector<1x16xf32>
        tpu.vector_store %arg15[%parallel_loop3A_493, %parallel_loop3A_494], %parallel_loop3A_497 {strides = array<i32>} : memref<48x768xf32, #tpu.memory_space<vmem>>, vector<1x16xf32>,
        %parallel_loop3A_498 = arith.index_cast %parallel_loop3A_450 : i32 to index
        %parallel_loop3A_499 = arith.constant 48 : index
        %parallel_loop3A_500 = tpu.vector_load %arg15[%parallel_loop3A_498, %parallel_loop3A_499] {strides = array<i32>} : memref<48x768xf32, #tpu.memory_space<vmem>>, vector<1x16xf32>,
        %parallel_loop3A_501 = vector.shape_cast %parallel_loop3A_500 : vector<1x16xf32> to vector<16xf32>
        %parallel_loop3A_502 = arith.index_cast %parallel_loop3A_452 : i32 to index
        %parallel_loop3A_503 = arith.constant 48 : index
        %parallel_loop3A_504 = tpu.vector_load %arg9[%parallel_loop3A_502, %parallel_loop3A_503] {strides = array<i32>} : memref<3x192xf32, #tpu.memory_space<vmem>>, vector<1x16xf32>,
        %parallel_loop3A_505 = vector.shape_cast %parallel_loop3A_504 : vector<1x16xf32> to vector<16xf32>
        %parallel_loop3A_506 = arith.addf %parallel_loop3A_501, %parallel_loop3A_505 : vector<16xf32>
        %parallel_loop3A_507 = arith.index_cast %parallel_loop3A_450 : i32 to index
        %parallel_loop3A_508 = arith.constant 48 : index
        %parallel_loop3A_509 = tpu.vector_load %arg15[%parallel_loop3A_507, %parallel_loop3A_508] {strides = array<i32>} : memref<48x768xf32, #tpu.memory_space<vmem>>, vector<1x16xf32>,
        %parallel_loop3A_510 = vector.shape_cast %parallel_loop3A_509 : vector<1x16xf32> to vector<16xf32>
        %parallel_loop3A_511 = vector.shape_cast %parallel_loop3A_506 : vector<16xf32> to vector<1x16xf32>
        tpu.vector_store %arg15[%parallel_loop3A_507, %parallel_loop3A_508], %parallel_loop3A_511 {strides = array<i32>} : memref<48x768xf32, #tpu.memory_space<vmem>>, vector<1x16xf32>,
        %parallel_loop3A_512 = arith.index_cast %parallel_loop3A_450 : i32 to index
        %parallel_loop3A_513 = arith.constant 64 : index
        %parallel_loop3A_514 = tpu.vector_load %arg15[%parallel_loop3A_512, %parallel_loop3A_513] {strides = array<i32>} : memref<48x768xf32, #tpu.memory_space<vmem>>, vector<1x16xf32>,
        %parallel_loop3A_515 = vector.shape_cast %parallel_loop3A_514 : vector<1x16xf32> to vector<16xf32>
        %parallel_loop3A_516 = arith.index_cast %parallel_loop3A_452 : i32 to index
        %parallel_loop3A_517 = arith.constant 64 : index
        %parallel_loop3A_518 = tpu.vector_load %arg9[%parallel_loop3A_516, %parallel_loop3A_517] {strides = array<i32>} : memref<3x192xf32, #tpu.memory_space<vmem>>, vector<1x16xf32>,
        %parallel_loop3A_519 = vector.shape_cast %parallel_loop3A_518 : vector<1x16xf32> to vector<16xf32>
        %parallel_loop3A_520 = arith.addf %parallel_loop3A_515, %parallel_loop3A_519 : vector<16xf32>
        %parallel_loop3A_521 = arith.index_cast %parallel_loop3A_450 : i32 to index
        %parallel_loop3A_522 = arith.constant 64 : index
        %parallel_loop3A_523 = tpu.vector_load %arg15[%parallel_loop3A_521, %parallel_loop3A_522] {strides = array<i32>} : memref<48x768xf32, #tpu.memory_space<vmem>>, vector<1x16xf32>,
        %parallel_loop3A_524 = vector.shape_cast %parallel_loop3A_523 : vector<1x16xf32> to vector<16xf32>
        %parallel_loop3A_525 = vector.shape_cast %parallel_loop3A_520 : vector<16xf32> to vector<1x16xf32>
        tpu.vector_store %arg15[%parallel_loop3A_521, %parallel_loop3A_522], %parallel_loop3A_525 {strides = array<i32>} : memref<48x768xf32, #tpu.memory_space<vmem>>, vector<1x16xf32>,
        %parallel_loop3A_526 = arith.index_cast %parallel_loop3A_450 : i32 to index
        %parallel_loop3A_527 = arith.constant 80 : index
        %parallel_loop3A_528 = tpu.vector_load %arg15[%parallel_loop3A_526, %parallel_loop3A_527] {strides = array<i32>} : memref<48x768xf32, #tpu.memory_space<vmem>>, vector<1x16xf32>,
        %parallel_loop3A_529 = vector.shape_cast %parallel_loop3A_528 : vector<1x16xf32> to vector<16xf32>
        %parallel_loop3A_530 = arith.index_cast %parallel_loop3A_452 : i32 to index
        %parallel_loop3A_531 = arith.constant 80 : index
        %parallel_loop3A_532 = tpu.vector_load %arg9[%parallel_loop3A_530, %parallel_loop3A_531] {strides = array<i32>} : memref<3x192xf32, #tpu.memory_space<vmem>>, vector<1x16xf32>,
        %parallel_loop3A_533 = vector.shape_cast %parallel_loop3A_532 : vector<1x16xf32> to vector<16xf32>
        %parallel_loop3A_534 = arith.addf %parallel_loop3A_529, %parallel_loop3A_533 : vector<16xf32>
        %parallel_loop3A_535 = arith.index_cast %parallel_loop3A_450 : i32 to index
        %parallel_loop3A_536 = arith.constant 80 : index
        %parallel_loop3A_537 = tpu.vector_load %arg15[%parallel_loop3A_535, %parallel_loop3A_536] {strides = array<i32>} : memref<48x768xf32, #tpu.memory_space<vmem>>, vector<1x16xf32>,
        %parallel_loop3A_538 = vector.shape_cast %parallel_loop3A_537 : vector<1x16xf32> to vector<16xf32>
        %parallel_loop3A_539 = vector.shape_cast %parallel_loop3A_534 : vector<16xf32> to vector<1x16xf32>
        tpu.vector_store %arg15[%parallel_loop3A_535, %parallel_loop3A_536], %parallel_loop3A_539 {strides = array<i32>} : memref<48x768xf32, #tpu.memory_space<vmem>>, vector<1x16xf32>,
        %parallel_loop3A_540 = arith.index_cast %parallel_loop3A_450 : i32 to index
        %parallel_loop3A_541 = arith.constant 96 : index
        %parallel_loop3A_542 = tpu.vector_load %arg15[%parallel_loop3A_540, %parallel_loop3A_541] {strides = array<i32>} : memref<48x768xf32, #tpu.memory_space<vmem>>, vector<1x16xf32>,
        %parallel_loop3A_543 = vector.shape_cast %parallel_loop3A_542 : vector<1x16xf32> to vector<16xf32>
        %parallel_loop3A_544 = arith.index_cast %parallel_loop3A_452 : i32 to index
        %parallel_loop3A_545 = arith.constant 96 : index
        %parallel_loop3A_546 = tpu.vector_load %arg9[%parallel_loop3A_544, %parallel_loop3A_545] {strides = array<i32>} : memref<3x192xf32, #tpu.memory_space<vmem>>, vector<1x16xf32>,
        %parallel_loop3A_547 = vector.shape_cast %parallel_loop3A_546 : vector<1x16xf32> to vector<16xf32>
        %parallel_loop3A_548 = arith.addf %parallel_loop3A_543, %parallel_loop3A_547 : vector<16xf32>
        %parallel_loop3A_549 = arith.index_cast %parallel_loop3A_450 : i32 to index
        %parallel_loop3A_550 = arith.constant 96 : index
        %parallel_loop3A_551 = tpu.vector_load %arg15[%parallel_loop3A_549, %parallel_loop3A_550] {strides = array<i32>} : memref<48x768xf32, #tpu.memory_space<vmem>>, vector<1x16xf32>,
        %parallel_loop3A_552 = vector.shape_cast %parallel_loop3A_551 : vector<1x16xf32> to vector<16xf32>
        %parallel_loop3A_553 = vector.shape_cast %parallel_loop3A_548 : vector<16xf32> to vector<1x16xf32>
        tpu.vector_store %arg15[%parallel_loop3A_549, %parallel_loop3A_550], %parallel_loop3A_553 {strides = array<i32>} : memref<48x768xf32, #tpu.memory_space<vmem>>, vector<1x16xf32>,
        %parallel_loop3A_554 = arith.index_cast %parallel_loop3A_450 : i32 to index
        %parallel_loop3A_555 = arith.constant 112 : index
        %parallel_loop3A_556 = tpu.vector_load %arg15[%parallel_loop3A_554, %parallel_loop3A_555] {strides = array<i32>} : memref<48x768xf32, #tpu.memory_space<vmem>>, vector<1x16xf32>,
        %parallel_loop3A_557 = vector.shape_cast %parallel_loop3A_556 : vector<1x16xf32> to vector<16xf32>
        %parallel_loop3A_558 = arith.index_cast %parallel_loop3A_452 : i32 to index
        %parallel_loop3A_559 = arith.constant 112 : index
        %parallel_loop3A_560 = tpu.vector_load %arg9[%parallel_loop3A_558, %parallel_loop3A_559] {strides = array<i32>} : memref<3x192xf32, #tpu.memory_space<vmem>>, vector<1x16xf32>,
        %parallel_loop3A_561 = vector.shape_cast %parallel_loop3A_560 : vector<1x16xf32> to vector<16xf32>
        %parallel_loop3A_562 = arith.addf %parallel_loop3A_557, %parallel_loop3A_561 : vector<16xf32>
        %parallel_loop3A_563 = arith.index_cast %parallel_loop3A_450 : i32 to index
        %parallel_loop3A_564 = arith.constant 112 : index
        %parallel_loop3A_565 = tpu.vector_load %arg15[%parallel_loop3A_563, %parallel_loop3A_564] {strides = array<i32>} : memref<48x768xf32, #tpu.memory_space<vmem>>, vector<1x16xf32>,
        %parallel_loop3A_566 = vector.shape_cast %parallel_loop3A_565 : vector<1x16xf32> to vector<16xf32>
        %parallel_loop3A_567 = vector.shape_cast %parallel_loop3A_562 : vector<16xf32> to vector<1x16xf32>
        tpu.vector_store %arg15[%parallel_loop3A_563, %parallel_loop3A_564], %parallel_loop3A_567 {strides = array<i32>} : memref<48x768xf32, #tpu.memory_space<vmem>>, vector<1x16xf32>,
        %parallel_loop3A_568 = arith.index_cast %parallel_loop3A_450 : i32 to index
        %parallel_loop3A_569 = arith.constant 128 : index
        %parallel_loop3A_570 = tpu.vector_load %arg15[%parallel_loop3A_568, %parallel_loop3A_569] {strides = array<i32>} : memref<48x768xf32, #tpu.memory_space<vmem>>, vector<1x16xf32>,
        %parallel_loop3A_571 = vector.shape_cast %parallel_loop3A_570 : vector<1x16xf32> to vector<16xf32>
        %parallel_loop3A_572 = arith.index_cast %parallel_loop3A_452 : i32 to index
        %parallel_loop3A_573 = arith.constant 128 : index
        %parallel_loop3A_574 = tpu.vector_load %arg9[%parallel_loop3A_572, %parallel_loop3A_573] {strides = array<i32>} : memref<3x192xf32, #tpu.memory_space<vmem>>, vector<1x16xf32>,
        %parallel_loop3A_575 = vector.shape_cast %parallel_loop3A_574 : vector<1x16xf32> to vector<16xf32>
        %parallel_loop3A_576 = arith.addf %parallel_loop3A_571, %parallel_loop3A_575 : vector<16xf32>
        %parallel_loop3A_577 = arith.index_cast %parallel_loop3A_450 : i32 to index
        %parallel_loop3A_578 = arith.constant 128 : index
        %parallel_loop3A_579 = tpu.vector_load %arg15[%parallel_loop3A_577, %parallel_loop3A_578] {strides = array<i32>} : memref<48x768xf32, #tpu.memory_space<vmem>>, vector<1x16xf32>,
        %parallel_loop3A_580 = vector.shape_cast %parallel_loop3A_579 : vector<1x16xf32> to vector<16xf32>
        %parallel_loop3A_581 = vector.shape_cast %parallel_loop3A_576 : vector<16xf32> to vector<1x16xf32>
        tpu.vector_store %arg15[%parallel_loop3A_577, %parallel_loop3A_578], %parallel_loop3A_581 {strides = array<i32>} : memref<48x768xf32, #tpu.memory_space<vmem>>, vector<1x16xf32>,
        %parallel_loop3A_582 = arith.index_cast %parallel_loop3A_450 : i32 to index
        %parallel_loop3A_583 = arith.constant 144 : index
        %parallel_loop3A_584 = tpu.vector_load %arg15[%parallel_loop3A_582, %parallel_loop3A_583] {strides = array<i32>} : memref<48x768xf32, #tpu.memory_space<vmem>>, vector<1x16xf32>,
        %parallel_loop3A_585 = vector.shape_cast %parallel_loop3A_584 : vector<1x16xf32> to vector<16xf32>
        %parallel_loop3A_586 = arith.index_cast %parallel_loop3A_452 : i32 to index
        %parallel_loop3A_587 = arith.constant 144 : index
        %parallel_loop3A_588 = tpu.vector_load %arg9[%parallel_loop3A_586, %parallel_loop3A_587] {strides = array<i32>} : memref<3x192xf32, #tpu.memory_space<vmem>>, vector<1x16xf32>,
        %parallel_loop3A_589 = vector.shape_cast %parallel_loop3A_588 : vector<1x16xf32> to vector<16xf32>
        %parallel_loop3A_590 = arith.addf %parallel_loop3A_585, %parallel_loop3A_589 : vector<16xf32>
        %parallel_loop3A_591 = arith.index_cast %parallel_loop3A_450 : i32 to index
        %parallel_loop3A_592 = arith.constant 144 : index
        %parallel_loop3A_593 = tpu.vector_load %arg15[%parallel_loop3A_591, %parallel_loop3A_592] {strides = array<i32>} : memref<48x768xf32, #tpu.memory_space<vmem>>, vector<1x16xf32>,
        %parallel_loop3A_594 = vector.shape_cast %parallel_loop3A_593 : vector<1x16xf32> to vector<16xf32>
        %parallel_loop3A_595 = vector.shape_cast %parallel_loop3A_590 : vector<16xf32> to vector<1x16xf32>
        tpu.vector_store %arg15[%parallel_loop3A_591, %parallel_loop3A_592], %parallel_loop3A_595 {strides = array<i32>} : memref<48x768xf32, #tpu.memory_space<vmem>>, vector<1x16xf32>,
        %parallel_loop3A_596 = arith.index_cast %parallel_loop3A_450 : i32 to index
        %parallel_loop3A_597 = arith.constant 160 : index
        %parallel_loop3A_598 = tpu.vector_load %arg15[%parallel_loop3A_596, %parallel_loop3A_597] {strides = array<i32>} : memref<48x768xf32, #tpu.memory_space<vmem>>, vector<1x16xf32>,
        %parallel_loop3A_599 = vector.shape_cast %parallel_loop3A_598 : vector<1x16xf32> to vector<16xf32>
        %parallel_loop3A_600 = arith.index_cast %parallel_loop3A_452 : i32 to index
        %parallel_loop3A_601 = arith.constant 160 : index
        %parallel_loop3A_602 = tpu.vector_load %arg9[%parallel_loop3A_600, %parallel_loop3A_601] {strides = array<i32>} : memref<3x192xf32, #tpu.memory_space<vmem>>, vector<1x16xf32>,
        %parallel_loop3A_603 = vector.shape_cast %parallel_loop3A_602 : vector<1x16xf32> to vector<16xf32>
        %parallel_loop3A_604 = arith.addf %parallel_loop3A_599, %parallel_loop3A_603 : vector<16xf32>
        %parallel_loop3A_605 = arith.index_cast %parallel_loop3A_450 : i32 to index
        %parallel_loop3A_606 = arith.constant 160 : index
        %parallel_loop3A_607 = tpu.vector_load %arg15[%parallel_loop3A_605, %parallel_loop3A_606] {strides = array<i32>} : memref<48x768xf32, #tpu.memory_space<vmem>>, vector<1x16xf32>,
        %parallel_loop3A_608 = vector.shape_cast %parallel_loop3A_607 : vector<1x16xf32> to vector<16xf32>
        %parallel_loop3A_609 = vector.shape_cast %parallel_loop3A_604 : vector<16xf32> to vector<1x16xf32>
        tpu.vector_store %arg15[%parallel_loop3A_605, %parallel_loop3A_606], %parallel_loop3A_609 {strides = array<i32>} : memref<48x768xf32, #tpu.memory_space<vmem>>, vector<1x16xf32>,
        %parallel_loop3A_610 = arith.index_cast %parallel_loop3A_450 : i32 to index
        %parallel_loop3A_611 = arith.constant 176 : index
        %parallel_loop3A_612 = tpu.vector_load %arg15[%parallel_loop3A_610, %parallel_loop3A_611] {strides = array<i32>} : memref<48x768xf32, #tpu.memory_space<vmem>>, vector<1x16xf32>,
        %parallel_loop3A_613 = vector.shape_cast %parallel_loop3A_612 : vector<1x16xf32> to vector<16xf32>
        %parallel_loop3A_614 = arith.index_cast %parallel_loop3A_452 : i32 to index
        %parallel_loop3A_615 = arith.constant 176 : index
        %parallel_loop3A_616 = tpu.vector_load %arg9[%parallel_loop3A_614, %parallel_loop3A_615] {strides = array<i32>} : memref<3x192xf32, #tpu.memory_space<vmem>>, vector<1x16xf32>,
        %parallel_loop3A_617 = vector.shape_cast %parallel_loop3A_616 : vector<1x16xf32> to vector<16xf32>
        %parallel_loop3A_618 = arith.addf %parallel_loop3A_613, %parallel_loop3A_617 : vector<16xf32>
        %parallel_loop3A_619 = arith.index_cast %parallel_loop3A_450 : i32 to index
        %parallel_loop3A_620 = arith.constant 176 : index
        %parallel_loop3A_621 = tpu.vector_load %arg15[%parallel_loop3A_619, %parallel_loop3A_620] {strides = array<i32>} : memref<48x768xf32, #tpu.memory_space<vmem>>, vector<1x16xf32>,
        %parallel_loop3A_622 = vector.shape_cast %parallel_loop3A_621 : vector<1x16xf32> to vector<16xf32>
        %parallel_loop3A_623 = vector.shape_cast %parallel_loop3A_618 : vector<16xf32> to vector<1x16xf32>
        tpu.vector_store %arg15[%parallel_loop3A_619, %parallel_loop3A_620], %parallel_loop3A_623 {strides = array<i32>} : memref<48x768xf32, #tpu.memory_space<vmem>>, vector<1x16xf32>,
        %parallel_loop3A_624 = arith.index_cast %parallel_loop3A_450 : i32 to index
        %parallel_loop3A_625 = arith.constant 192 : index
        %parallel_loop3A_626 = tpu.vector_load %arg15[%parallel_loop3A_624, %parallel_loop3A_625] {strides = array<i32>} : memref<48x768xf32, #tpu.memory_space<vmem>>, vector<1x16xf32>,
        %parallel_loop3A_627 = vector.shape_cast %parallel_loop3A_626 : vector<1x16xf32> to vector<16xf32>
        %parallel_loop3A_628 = arith.addf %parallel_loop3A_627, %get3A_212 : vector<16xf32>
        %parallel_loop3A_629 = arith.index_cast %parallel_loop3A_450 : i32 to index
        %parallel_loop3A_630 = arith.constant 192 : index
        %parallel_loop3A_631 = tpu.vector_load %arg15[%parallel_loop3A_629, %parallel_loop3A_630] {strides = array<i32>} : memref<48x768xf32, #tpu.memory_space<vmem>>, vector<1x16xf32>,
        %parallel_loop3A_632 = vector.shape_cast %parallel_loop3A_631 : vector<1x16xf32> to vector<16xf32>
        %parallel_loop3A_633 = vector.shape_cast %parallel_loop3A_628 : vector<16xf32> to vector<1x16xf32>
        tpu.vector_store %arg15[%parallel_loop3A_629, %parallel_loop3A_630], %parallel_loop3A_633 {strides = array<i32>} : memref<48x768xf32, #tpu.memory_space<vmem>>, vector<1x16xf32>,
        %parallel_loop3A_634 = arith.index_cast %parallel_loop3A_450 : i32 to index
        %parallel_loop3A_635 = arith.constant 208 : index
        %parallel_loop3A_636 = tpu.vector_load %arg15[%parallel_loop3A_634, %parallel_loop3A_635] {strides = array<i32>} : memref<48x768xf32, #tpu.memory_space<vmem>>, vector<1x16xf32>,
        %parallel_loop3A_637 = vector.shape_cast %parallel_loop3A_636 : vector<1x16xf32> to vector<16xf32>
        %parallel_loop3A_638 = arith.addf %parallel_loop3A_637, %get3A_216 : vector<16xf32>
        %parallel_loop3A_639 = arith.index_cast %parallel_loop3A_450 : i32 to index
        %parallel_loop3A_640 = arith.constant 208 : index
        %parallel_loop3A_641 = tpu.vector_load %arg15[%parallel_loop3A_639, %parallel_loop3A_640] {strides = array<i32>} : memref<48x768xf32, #tpu.memory_space<vmem>>, vector<1x16xf32>,
        %parallel_loop3A_642 = vector.shape_cast %parallel_loop3A_641 : vector<1x16xf32> to vector<16xf32>
        %parallel_loop3A_643 = vector.shape_cast %parallel_loop3A_638 : vector<16xf32> to vector<1x16xf32>
        tpu.vector_store %arg15[%parallel_loop3A_639, %parallel_loop3A_640], %parallel_loop3A_643 {strides = array<i32>} : memref<48x768xf32, #tpu.memory_space<vmem>>, vector<1x16xf32>,
        %parallel_loop3A_644 = arith.index_cast %parallel_loop3A_450 : i32 to index
        %parallel_loop3A_645 = arith.constant 224 : index
        %parallel_loop3A_646 = tpu.vector_load %arg15[%parallel_loop3A_644, %parallel_loop3A_645] {strides = array<i32>} : memref<48x768xf32, #tpu.memory_space<vmem>>, vector<1x16xf32>,
        %parallel_loop3A_647 = vector.shape_cast %parallel_loop3A_646 : vector<1x16xf32> to vector<16xf32>
        %parallel_loop3A_648 = arith.addf %parallel_loop3A_647, %get3A_220 : vector<16xf32>
        %parallel_loop3A_649 = arith.index_cast %parallel_loop3A_450 : i32 to index
        %parallel_loop3A_650 = arith.constant 224 : index
        %parallel_loop3A_651 = tpu.vector_load %arg15[%parallel_loop3A_649, %parallel_loop3A_650] {strides = array<i32>} : memref<48x768xf32, #tpu.memory_space<vmem>>, vector<1x16xf32>,
        %parallel_loop3A_652 = vector.shape_cast %parallel_loop3A_651 : vector<1x16xf32> to vector<16xf32>
        %parallel_loop3A_653 = vector.shape_cast %parallel_loop3A_648 : vector<16xf32> to vector<1x16xf32>
        tpu.vector_store %arg15[%parallel_loop3A_649, %parallel_loop3A_650], %parallel_loop3A_653 {strides = array<i32>} : memref<48x768xf32, #tpu.memory_space<vmem>>, vector<1x16xf32>,
        %parallel_loop3A_654 = arith.index_cast %parallel_loop3A_450 : i32 to index
        %parallel_loop3A_655 = arith.constant 240 : index
        %parallel_loop3A_656 = tpu.vector_load %arg15[%parallel_loop3A_654, %parallel_loop3A_655] {strides = array<i32>} : memref<48x768xf32, #tpu.memory_space<vmem>>, vector<1x16xf32>,
        %parallel_loop3A_657 = vector.shape_cast %parallel_loop3A_656 : vector<1x16xf32> to vector<16xf32>
        %parallel_loop3A_658 = arith.addf %parallel_loop3A_657, %get3A_224 : vector<16xf32>
        %parallel_loop3A_659 = arith.index_cast %parallel_loop3A_450 : i32 to index
        %parallel_loop3A_660 = arith.constant 240 : index
        %parallel_loop3A_661 = tpu.vector_load %arg15[%parallel_loop3A_659, %parallel_loop3A_660] {strides = array<i32>} : memref<48x768xf32, #tpu.memory_space<vmem>>, vector<1x16xf32>,
        %parallel_loop3A_662 = vector.shape_cast %parallel_loop3A_661 : vector<1x16xf32> to vector<16xf32>
        %parallel_loop3A_663 = vector.shape_cast %parallel_loop3A_658 : vector<16xf32> to vector<1x16xf32>
        tpu.vector_store %arg15[%parallel_loop3A_659, %parallel_loop3A_660], %parallel_loop3A_663 {strides = array<i32>} : memref<48x768xf32, #tpu.memory_space<vmem>>, vector<1x16xf32>,
        %parallel_loop3A_664 = arith.index_cast %parallel_loop3A_450 : i32 to index
        %parallel_loop3A_665 = arith.constant 256 : index
        %parallel_loop3A_666 = tpu.vector_load %arg15[%parallel_loop3A_664, %parallel_loop3A_665] {strides = array<i32>} : memref<48x768xf32, #tpu.memory_space<vmem>>, vector<1x16xf32>,
        %parallel_loop3A_667 = vector.shape_cast %parallel_loop3A_666 : vector<1x16xf32> to vector<16xf32>
        %parallel_loop3A_668 = arith.addf %parallel_loop3A_667, %get3A_228 : vector<16xf32>
        %parallel_loop3A_669 = arith.index_cast %parallel_loop3A_450 : i32 to index
        %parallel_loop3A_670 = arith.constant 256 : index
        %parallel_loop3A_671 = tpu.vector_load %arg15[%parallel_loop3A_669, %parallel_loop3A_670] {strides = array<i32>} : memref<48x768xf32, #tpu.memory_space<vmem>>, vector<1x16xf32>,
        %parallel_loop3A_672 = vector.shape_cast %parallel_loop3A_671 : vector<1x16xf32> to vector<16xf32>
        %parallel_loop3A_673 = vector.shape_cast %parallel_loop3A_668 : vector<16xf32> to vector<1x16xf32>
        tpu.vector_store %arg15[%parallel_loop3A_669, %parallel_loop3A_670], %parallel_loop3A_673 {strides = array<i32>} : memref<48x768xf32, #tpu.memory_space<vmem>>, vector<1x16xf32>,
        %parallel_loop3A_674 = arith.index_cast %parallel_loop3A_450 : i32 to index
        %parallel_loop3A_675 = arith.constant 272 : index
        %parallel_loop3A_676 = tpu.vector_load %arg15[%parallel_loop3A_674, %parallel_loop3A_675] {strides = array<i32>} : memref<48x768xf32, #tpu.memory_space<vmem>>, vector<1x16xf32>,
        %parallel_loop3A_677 = vector.shape_cast %parallel_loop3A_676 : vector<1x16xf32> to vector<16xf32>
        %parallel_loop3A_678 = arith.addf %parallel_loop3A_677, %get3A_232 : vector<16xf32>
        %parallel_loop3A_679 = arith.index_cast %parallel_loop3A_450 : i32 to index
        %parallel_loop3A_680 = arith.constant 272 : index
        %parallel_loop3A_681 = tpu.vector_load %arg15[%parallel_loop3A_679, %parallel_loop3A_680] {strides = array<i32>} : memref<48x768xf32, #tpu.memory_space<vmem>>, vector<1x16xf32>,
        %parallel_loop3A_682 = vector.shape_cast %parallel_loop3A_681 : vector<1x16xf32> to vector<16xf32>
        %parallel_loop3A_683 = vector.shape_cast %parallel_loop3A_678 : vector<16xf32> to vector<1x16xf32>
        tpu.vector_store %arg15[%parallel_loop3A_679, %parallel_loop3A_680], %parallel_loop3A_683 {strides = array<i32>} : memref<48x768xf32, #tpu.memory_space<vmem>>, vector<1x16xf32>,
        %parallel_loop3A_684 = arith.index_cast %parallel_loop3A_450 : i32 to index
        %parallel_loop3A_685 = arith.constant 288 : index
        %parallel_loop3A_686 = tpu.vector_load %arg15[%parallel_loop3A_684, %parallel_loop3A_685] {strides = array<i32>} : memref<48x768xf32, #tpu.memory_space<vmem>>, vector<1x16xf32>,
        %parallel_loop3A_687 = vector.shape_cast %parallel_loop3A_686 : vector<1x16xf32> to vector<16xf32>
        %parallel_loop3A_688 = arith.addf %parallel_loop3A_687, %get3A_236 : vector<16xf32>
        %parallel_loop3A_689 = arith.index_cast %parallel_loop3A_450 : i32 to index
        %parallel_loop3A_690 = arith.constant 288 : index
        %parallel_loop3A_691 = tpu.vector_load %arg15[%parallel_loop3A_689, %parallel_loop3A_690] {strides = array<i32>} : memref<48x768xf32, #tpu.memory_space<vmem>>, vector<1x16xf32>,
        %parallel_loop3A_692 = vector.shape_cast %parallel_loop3A_691 : vector<1x16xf32> to vector<16xf32>
        %parallel_loop3A_693 = vector.shape_cast %parallel_loop3A_688 : vector<16xf32> to vector<1x16xf32>
        tpu.vector_store %arg15[%parallel_loop3A_689, %parallel_loop3A_690], %parallel_loop3A_693 {strides = array<i32>} : memref<48x768xf32, #tpu.memory_space<vmem>>, vector<1x16xf32>,
        %parallel_loop3A_694 = arith.index_cast %parallel_loop3A_450 : i32 to index
        %parallel_loop3A_695 = arith.constant 304 : index
        %parallel_loop3A_696 = tpu.vector_load %arg15[%parallel_loop3A_694, %parallel_loop3A_695] {strides = array<i32>} : memref<48x768xf32, #tpu.memory_space<vmem>>, vector<1x16xf32>,
        %parallel_loop3A_697 = vector.shape_cast %parallel_loop3A_696 : vector<1x16xf32> to vector<16xf32>
        %parallel_loop3A_698 = arith.addf %parallel_loop3A_697, %get3A_240 : vector<16xf32>
        %parallel_loop3A_699 = arith.index_cast %parallel_loop3A_450 : i32 to index
        %parallel_loop3A_700 = arith.constant 304 : index
        %parallel_loop3A_701 = tpu.vector_load %arg15[%parallel_loop3A_699, %parallel_loop3A_700] {strides = array<i32>} : memref<48x768xf32, #tpu.memory_space<vmem>>, vector<1x16xf32>,
        %parallel_loop3A_702 = vector.shape_cast %parallel_loop3A_701 : vector<1x16xf32> to vector<16xf32>
        %parallel_loop3A_703 = vector.shape_cast %parallel_loop3A_698 : vector<16xf32> to vector<1x16xf32>
        tpu.vector_store %arg15[%parallel_loop3A_699, %parallel_loop3A_700], %parallel_loop3A_703 {strides = array<i32>} : memref<48x768xf32, #tpu.memory_space<vmem>>, vector<1x16xf32>,
        %parallel_loop3A_704 = arith.index_cast %parallel_loop3A_450 : i32 to index
        %parallel_loop3A_705 = arith.constant 320 : index
        %parallel_loop3A_706 = tpu.vector_load %arg15[%parallel_loop3A_704, %parallel_loop3A_705] {strides = array<i32>} : memref<48x768xf32, #tpu.memory_space<vmem>>, vector<1x16xf32>,
        %parallel_loop3A_707 = vector.shape_cast %parallel_loop3A_706 : vector<1x16xf32> to vector<16xf32>
        %parallel_loop3A_708 = arith.addf %parallel_loop3A_707, %get3A_244 : vector<16xf32>
        %parallel_loop3A_709 = arith.index_cast %parallel_loop3A_450 : i32 to index
        %parallel_loop3A_710 = arith.constant 320 : index
        %parallel_loop3A_711 = tpu.vector_load %arg15[%parallel_loop3A_709, %parallel_loop3A_710] {strides = array<i32>} : memref<48x768xf32, #tpu.memory_space<vmem>>, vector<1x16xf32>,
        %parallel_loop3A_712 = vector.shape_cast %parallel_loop3A_711 : vector<1x16xf32> to vector<16xf32>
        %parallel_loop3A_713 = vector.shape_cast %parallel_loop3A_708 : vector<16xf32> to vector<1x16xf32>
        tpu.vector_store %arg15[%parallel_loop3A_709, %parallel_loop3A_710], %parallel_loop3A_713 {strides = array<i32>} : memref<48x768xf32, #tpu.memory_space<vmem>>, vector<1x16xf32>,
        %parallel_loop3A_714 = arith.index_cast %parallel_loop3A_450 : i32 to index
        %parallel_loop3A_715 = arith.constant 336 : index
        %parallel_loop3A_716 = tpu.vector_load %arg15[%parallel_loop3A_714, %parallel_loop3A_715] {strides = array<i32>} : memref<48x768xf32, #tpu.memory_space<vmem>>, vector<1x16xf32>,
        %parallel_loop3A_717 = vector.shape_cast %parallel_loop3A_716 : vector<1x16xf32> to vector<16xf32>
        %parallel_loop3A_718 = arith.addf %parallel_loop3A_717, %get3A_248 : vector<16xf32>
        %parallel_loop3A_719 = arith.index_cast %parallel_loop3A_450 : i32 to index
        %parallel_loop3A_720 = arith.constant 336 : index
        %parallel_loop3A_721 = tpu.vector_load %arg15[%parallel_loop3A_719, %parallel_loop3A_720] {strides = array<i32>} : memref<48x768xf32, #tpu.memory_space<vmem>>, vector<1x16xf32>,
        %parallel_loop3A_722 = vector.shape_cast %parallel_loop3A_721 : vector<1x16xf32> to vector<16xf32>
        %parallel_loop3A_723 = vector.shape_cast %parallel_loop3A_718 : vector<16xf32> to vector<1x16xf32>
        tpu.vector_store %arg15[%parallel_loop3A_719, %parallel_loop3A_720], %parallel_loop3A_723 {strides = array<i32>} : memref<48x768xf32, #tpu.memory_space<vmem>>, vector<1x16xf32>,
        %parallel_loop3A_724 = arith.index_cast %parallel_loop3A_450 : i32 to index
        %parallel_loop3A_725 = arith.constant 352 : index
        %parallel_loop3A_726 = tpu.vector_load %arg15[%parallel_loop3A_724, %parallel_loop3A_725] {strides = array<i32>} : memref<48x768xf32, #tpu.memory_space<vmem>>, vector<1x16xf32>,
        %parallel_loop3A_727 = vector.shape_cast %parallel_loop3A_726 : vector<1x16xf32> to vector<16xf32>
        %parallel_loop3A_728 = arith.addf %parallel_loop3A_727, %get3A_252 : vector<16xf32>
        %parallel_loop3A_729 = arith.index_cast %parallel_loop3A_450 : i32 to index
        %parallel_loop3A_730 = arith.constant 352 : index
        %parallel_loop3A_731 = tpu.vector_load %arg15[%parallel_loop3A_729, %parallel_loop3A_730] {strides = array<i32>} : memref<48x768xf32, #tpu.memory_space<vmem>>, vector<1x16xf32>,
        %parallel_loop3A_732 = vector.shape_cast %parallel_loop3A_731 : vector<1x16xf32> to vector<16xf32>
        %parallel_loop3A_733 = vector.shape_cast %parallel_loop3A_728 : vector<16xf32> to vector<1x16xf32>
        tpu.vector_store %arg15[%parallel_loop3A_729, %parallel_loop3A_730], %parallel_loop3A_733 {strides = array<i32>} : memref<48x768xf32, #tpu.memory_space<vmem>>, vector<1x16xf32>,
        %parallel_loop3A_734 = arith.index_cast %parallel_loop3A_450 : i32 to index
        %parallel_loop3A_735 = arith.constant 368 : index
        %parallel_loop3A_736 = tpu.vector_load %arg15[%parallel_loop3A_734, %parallel_loop3A_735] {strides = array<i32>} : memref<48x768xf32, #tpu.memory_space<vmem>>, vector<1x16xf32>,
        %parallel_loop3A_737 = vector.shape_cast %parallel_loop3A_736 : vector<1x16xf32> to vector<16xf32>
        %parallel_loop3A_738 = arith.addf %parallel_loop3A_737, %get3A_256 : vector<16xf32>
        %parallel_loop3A_739 = arith.index_cast %parallel_loop3A_450 : i32 to index
        %parallel_loop3A_740 = arith.constant 368 : index
        %parallel_loop3A_741 = tpu.vector_load %arg15[%parallel_loop3A_739, %parallel_loop3A_740] {strides = array<i32>} : memref<48x768xf32, #tpu.memory_space<vmem>>, vector<1x16xf32>,
        %parallel_loop3A_742 = vector.shape_cast %parallel_loop3A_741 : vector<1x16xf32> to vector<16xf32>
        %parallel_loop3A_743 = vector.shape_cast %parallel_loop3A_738 : vector<16xf32> to vector<1x16xf32>
        tpu.vector_store %arg15[%parallel_loop3A_739, %parallel_loop3A_740], %parallel_loop3A_743 {strides = array<i32>} : memref<48x768xf32, #tpu.memory_space<vmem>>, vector<1x16xf32>,
        %parallel_loop3A_744 = arith.index_cast %parallel_loop3A_450 : i32 to index
        %parallel_loop3A_745 = arith.constant 384 : index
        %parallel_loop3A_746 = tpu.vector_load %arg15[%parallel_loop3A_744, %parallel_loop3A_745] {strides = array<i32>} : memref<48x768xf32, #tpu.memory_space<vmem>>, vector<1x16xf32>,
        %parallel_loop3A_747 = vector.shape_cast %parallel_loop3A_746 : vector<1x16xf32> to vector<16xf32>
        %parallel_loop3A_748 = arith.addf %parallel_loop3A_747, %get3A_260 : vector<16xf32>
        %parallel_loop3A_749 = arith.index_cast %parallel_loop3A_450 : i32 to index
        %parallel_loop3A_750 = arith.constant 384 : index
        %parallel_loop3A_751 = tpu.vector_load %arg15[%parallel_loop3A_749, %parallel_loop3A_750] {strides = array<i32>} : memref<48x768xf32, #tpu.memory_space<vmem>>, vector<1x16xf32>,
        %parallel_loop3A_752 = vector.shape_cast %parallel_loop3A_751 : vector<1x16xf32> to vector<16xf32>
        %parallel_loop3A_753 = vector.shape_cast %parallel_loop3A_748 : vector<16xf32> to vector<1x16xf32>
        tpu.vector_store %arg15[%parallel_loop3A_749, %parallel_loop3A_750], %parallel_loop3A_753 {strides = array<i32>} : memref<48x768xf32, #tpu.memory_space<vmem>>, vector<1x16xf32>,
        %parallel_loop3A_754 = arith.index_cast %parallel_loop3A_450 : i32 to index
        %parallel_loop3A_755 = arith.constant 400 : index
        %parallel_loop3A_756 = tpu.vector_load %arg15[%parallel_loop3A_754, %parallel_loop3A_755] {strides = array<i32>} : memref<48x768xf32, #tpu.memory_space<vmem>>, vector<1x16xf32>,
        %parallel_loop3A_757 = vector.shape_cast %parallel_loop3A_756 : vector<1x16xf32> to vector<16xf32>
        %parallel_loop3A_758 = arith.addf %parallel_loop3A_757, %get3A_264 : vector<16xf32>
        %parallel_loop3A_759 = arith.index_cast %parallel_loop3A_450 : i32 to index
        %parallel_loop3A_760 = arith.constant 400 : index
        %parallel_loop3A_761 = tpu.vector_load %arg15[%parallel_loop3A_759, %parallel_loop3A_760] {strides = array<i32>} : memref<48x768xf32, #tpu.memory_space<vmem>>, vector<1x16xf32>,
        %parallel_loop3A_762 = vector.shape_cast %parallel_loop3A_761 : vector<1x16xf32> to vector<16xf32>
        %parallel_loop3A_763 = vector.shape_cast %parallel_loop3A_758 : vector<16xf32> to vector<1x16xf32>
        tpu.vector_store %arg15[%parallel_loop3A_759, %parallel_loop3A_760], %parallel_loop3A_763 {strides = array<i32>} : memref<48x768xf32, #tpu.memory_space<vmem>>, vector<1x16xf32>,
        %parallel_loop3A_764 = arith.index_cast %parallel_loop3A_450 : i32 to index
        %parallel_loop3A_765 = arith.constant 416 : index
        %parallel_loop3A_766 = tpu.vector_load %arg15[%parallel_loop3A_764, %parallel_loop3A_765] {strides = array<i32>} : memref<48x768xf32, #tpu.memory_space<vmem>>, vector<1x16xf32>,
        %parallel_loop3A_767 = vector.shape_cast %parallel_loop3A_766 : vector<1x16xf32> to vector<16xf32>
        %parallel_loop3A_768 = arith.addf %parallel_loop3A_767, %get3A_268 : vector<16xf32>
        %parallel_loop3A_769 = arith.index_cast %parallel_loop3A_450 : i32 to index
        %parallel_loop3A_770 = arith.constant 416 : index
        %parallel_loop3A_771 = tpu.vector_load %arg15[%parallel_loop3A_769, %parallel_loop3A_770] {strides = array<i32>} : memref<48x768xf32, #tpu.memory_space<vmem>>, vector<1x16xf32>,
        %parallel_loop3A_772 = vector.shape_cast %parallel_loop3A_771 : vector<1x16xf32> to vector<16xf32>
        %parallel_loop3A_773 = vector.shape_cast %parallel_loop3A_768 : vector<16xf32> to vector<1x16xf32>
        tpu.vector_store %arg15[%parallel_loop3A_769, %parallel_loop3A_770], %parallel_loop3A_773 {strides = array<i32>} : memref<48x768xf32, #tpu.memory_space<vmem>>, vector<1x16xf32>,
        %parallel_loop3A_774 = arith.index_cast %parallel_loop3A_450 : i32 to index
        %parallel_loop3A_775 = arith.constant 432 : index
        %parallel_loop3A_776 = tpu.vector_load %arg15[%parallel_loop3A_774, %parallel_loop3A_775] {strides = array<i32>} : memref<48x768xf32, #tpu.memory_space<vmem>>, vector<1x16xf32>,
        %parallel_loop3A_777 = vector.shape_cast %parallel_loop3A_776 : vector<1x16xf32> to vector<16xf32>
        %parallel_loop3A_778 = arith.addf %parallel_loop3A_777, %get3A_272 : vector<16xf32>
        %parallel_loop3A_779 = arith.index_cast %parallel_loop3A_450 : i32 to index
        %parallel_loop3A_780 = arith.constant 432 : index
        %parallel_loop3A_781 = tpu.vector_load %arg15[%parallel_loop3A_779, %parallel_loop3A_780] {strides = array<i32>} : memref<48x768xf32, #tpu.memory_space<vmem>>, vector<1x16xf32>,
        %parallel_loop3A_782 = vector.shape_cast %parallel_loop3A_781 : vector<1x16xf32> to vector<16xf32>
        %parallel_loop3A_783 = vector.shape_cast %parallel_loop3A_778 : vector<16xf32> to vector<1x16xf32>
        tpu.vector_store %arg15[%parallel_loop3A_779, %parallel_loop3A_780], %parallel_loop3A_783 {strides = array<i32>} : memref<48x768xf32, #tpu.memory_space<vmem>>, vector<1x16xf32>,
        %parallel_loop3A_784 = arith.index_cast %parallel_loop3A_450 : i32 to index
        %parallel_loop3A_785 = arith.constant 448 : index
        %parallel_loop3A_786 = tpu.vector_load %arg15[%parallel_loop3A_784, %parallel_loop3A_785] {strides = array<i32>} : memref<48x768xf32, #tpu.memory_space<vmem>>, vector<1x16xf32>,
        %parallel_loop3A_787 = vector.shape_cast %parallel_loop3A_786 : vector<1x16xf32> to vector<16xf32>
        %parallel_loop3A_788 = arith.addf %parallel_loop3A_787, %get3A_276 : vector<16xf32>
        %parallel_loop3A_789 = arith.index_cast %parallel_loop3A_450 : i32 to index
        %parallel_loop3A_790 = arith.constant 448 : index
        %parallel_loop3A_791 = tpu.vector_load %arg15[%parallel_loop3A_789, %parallel_loop3A_790] {strides = array<i32>} : memref<48x768xf32, #tpu.memory_space<vmem>>, vector<1x16xf32>,
        %parallel_loop3A_792 = vector.shape_cast %parallel_loop3A_791 : vector<1x16xf32> to vector<16xf32>
        %parallel_loop3A_793 = vector.shape_cast %parallel_loop3A_788 : vector<16xf32> to vector<1x16xf32>
        tpu.vector_store %arg15[%parallel_loop3A_789, %parallel_loop3A_790], %parallel_loop3A_793 {strides = array<i32>} : memref<48x768xf32, #tpu.memory_space<vmem>>, vector<1x16xf32>,
        %parallel_loop3A_794 = arith.index_cast %parallel_loop3A_450 : i32 to index
        %parallel_loop3A_795 = arith.constant 464 : index
        %parallel_loop3A_796 = tpu.vector_load %arg15[%parallel_loop3A_794, %parallel_loop3A_795] {strides = array<i32>} : memref<48x768xf32, #tpu.memory_space<vmem>>, vector<1x16xf32>,
        %parallel_loop3A_797 = vector.shape_cast %parallel_loop3A_796 : vector<1x16xf32> to vector<16xf32>
        %parallel_loop3A_798 = arith.addf %parallel_loop3A_797, %get3A_280 : vector<16xf32>
        %parallel_loop3A_799 = arith.index_cast %parallel_loop3A_450 : i32 to index
        %parallel_loop3A_800 = arith.constant 464 : index
        %parallel_loop3A_801 = tpu.vector_load %arg15[%parallel_loop3A_799, %parallel_loop3A_800] {strides = array<i32>} : memref<48x768xf32, #tpu.memory_space<vmem>>, vector<1x16xf32>,
        %parallel_loop3A_802 = vector.shape_cast %parallel_loop3A_801 : vector<1x16xf32> to vector<16xf32>
        %parallel_loop3A_803 = vector.shape_cast %parallel_loop3A_798 : vector<16xf32> to vector<1x16xf32>
        tpu.vector_store %arg15[%parallel_loop3A_799, %parallel_loop3A_800], %parallel_loop3A_803 {strides = array<i32>} : memref<48x768xf32, #tpu.memory_space<vmem>>, vector<1x16xf32>,
        %parallel_loop3A_804 = arith.index_cast %parallel_loop3A_450 : i32 to index
        %parallel_loop3A_805 = arith.constant 480 : index
        %parallel_loop3A_806 = tpu.vector_load %arg15[%parallel_loop3A_804, %parallel_loop3A_805] {strides = array<i32>} : memref<48x768xf32, #tpu.memory_space<vmem>>, vector<1x16xf32>,
        %parallel_loop3A_807 = vector.shape_cast %parallel_loop3A_806 : vector<1x16xf32> to vector<16xf32>
        %parallel_loop3A_808 = arith.addf %parallel_loop3A_807, %get3A_284 : vector<16xf32>
        %parallel_loop3A_809 = arith.index_cast %parallel_loop3A_450 : i32 to index
        %parallel_loop3A_810 = arith.constant 480 : index
        %parallel_loop3A_811 = tpu.vector_load %arg15[%parallel_loop3A_809, %parallel_loop3A_810] {strides = array<i32>} : memref<48x768xf32, #tpu.memory_space<vmem>>, vector<1x16xf32>,
        %parallel_loop3A_812 = vector.shape_cast %parallel_loop3A_811 : vector<1x16xf32> to vector<16xf32>
        %parallel_loop3A_813 = vector.shape_cast %parallel_loop3A_808 : vector<16xf32> to vector<1x16xf32>
        tpu.vector_store %arg15[%parallel_loop3A_809, %parallel_loop3A_810], %parallel_loop3A_813 {strides = array<i32>} : memref<48x768xf32, #tpu.memory_space<vmem>>, vector<1x16xf32>,
        %parallel_loop3A_814 = arith.index_cast %parallel_loop3A_450 : i32 to index
        %parallel_loop3A_815 = arith.constant 496 : index
        %parallel_loop3A_816 = tpu.vector_load %arg15[%parallel_loop3A_814, %parallel_loop3A_815] {strides = array<i32>} : memref<48x768xf32, #tpu.memory_space<vmem>>, vector<1x16xf32>,
        %parallel_loop3A_817 = vector.shape_cast %parallel_loop3A_816 : vector<1x16xf32> to vector<16xf32>
        %parallel_loop3A_818 = arith.addf %parallel_loop3A_817, %get3A_288 : vector<16xf32>
        %parallel_loop3A_819 = arith.index_cast %parallel_loop3A_450 : i32 to index
        %parallel_loop3A_820 = arith.constant 496 : index
        %parallel_loop3A_821 = tpu.vector_load %arg15[%parallel_loop3A_819, %parallel_loop3A_820] {strides = array<i32>} : memref<48x768xf32, #tpu.memory_space<vmem>>, vector<1x16xf32>,
        %parallel_loop3A_822 = vector.shape_cast %parallel_loop3A_821 : vector<1x16xf32> to vector<16xf32>
        %parallel_loop3A_823 = vector.shape_cast %parallel_loop3A_818 : vector<16xf32> to vector<1x16xf32>
        tpu.vector_store %arg15[%parallel_loop3A_819, %parallel_loop3A_820], %parallel_loop3A_823 {strides = array<i32>} : memref<48x768xf32, #tpu.memory_space<vmem>>, vector<1x16xf32>,
        %parallel_loop3A_824 = arith.index_cast %parallel_loop3A_450 : i32 to index
        %parallel_loop3A_825 = arith.constant 512 : index
        %parallel_loop3A_826 = tpu.vector_load %arg15[%parallel_loop3A_824, %parallel_loop3A_825] {strides = array<i32>} : memref<48x768xf32, #tpu.memory_space<vmem>>, vector<1x16xf32>,
        %parallel_loop3A_827 = vector.shape_cast %parallel_loop3A_826 : vector<1x16xf32> to vector<16xf32>
        %parallel_loop3A_828 = arith.addf %parallel_loop3A_827, %get3A_292 : vector<16xf32>
        %parallel_loop3A_829 = arith.index_cast %parallel_loop3A_450 : i32 to index
        %parallel_loop3A_830 = arith.constant 512 : index
        %parallel_loop3A_831 = tpu.vector_load %arg15[%parallel_loop3A_829, %parallel_loop3A_830] {strides = array<i32>} : memref<48x768xf32, #tpu.memory_space<vmem>>, vector<1x16xf32>,
        %parallel_loop3A_832 = vector.shape_cast %parallel_loop3A_831 : vector<1x16xf32> to vector<16xf32>
        %parallel_loop3A_833 = vector.shape_cast %parallel_loop3A_828 : vector<16xf32> to vector<1x16xf32>
        tpu.vector_store %arg15[%parallel_loop3A_829, %parallel_loop3A_830], %parallel_loop3A_833 {strides = array<i32>} : memref<48x768xf32, #tpu.memory_space<vmem>>, vector<1x16xf32>,
        %parallel_loop3A_834 = arith.index_cast %parallel_loop3A_450 : i32 to index
        %parallel_loop3A_835 = arith.constant 528 : index
        %parallel_loop3A_836 = tpu.vector_load %arg15[%parallel_loop3A_834, %parallel_loop3A_835] {strides = array<i32>} : memref<48x768xf32, #tpu.memory_space<vmem>>, vector<1x16xf32>,
        %parallel_loop3A_837 = vector.shape_cast %parallel_loop3A_836 : vector<1x16xf32> to vector<16xf32>
        %parallel_loop3A_838 = arith.addf %parallel_loop3A_837, %get3A_296 : vector<16xf32>
        %parallel_loop3A_839 = arith.index_cast %parallel_loop3A_450 : i32 to index
        %parallel_loop3A_840 = arith.constant 528 : index
        %parallel_loop3A_841 = tpu.vector_load %arg15[%parallel_loop3A_839, %parallel_loop3A_840] {strides = array<i32>} : memref<48x768xf32, #tpu.memory_space<vmem>>, vector<1x16xf32>,
        %parallel_loop3A_842 = vector.shape_cast %parallel_loop3A_841 : vector<1x16xf32> to vector<16xf32>
        %parallel_loop3A_843 = vector.shape_cast %parallel_loop3A_838 : vector<16xf32> to vector<1x16xf32>
        tpu.vector_store %arg15[%parallel_loop3A_839, %parallel_loop3A_840], %parallel_loop3A_843 {strides = array<i32>} : memref<48x768xf32, #tpu.memory_space<vmem>>, vector<1x16xf32>,
        %parallel_loop3A_844 = arith.index_cast %parallel_loop3A_450 : i32 to index
        %parallel_loop3A_845 = arith.constant 544 : index
        %parallel_loop3A_846 = tpu.vector_load %arg15[%parallel_loop3A_844, %parallel_loop3A_845] {strides = array<i32>} : memref<48x768xf32, #tpu.memory_space<vmem>>, vector<1x16xf32>,
        %parallel_loop3A_847 = vector.shape_cast %parallel_loop3A_846 : vector<1x16xf32> to vector<16xf32>
        %parallel_loop3A_848 = arith.addf %parallel_loop3A_847, %get3A_300 : vector<16xf32>
        %parallel_loop3A_849 = arith.index_cast %parallel_loop3A_450 : i32 to index
        %parallel_loop3A_850 = arith.constant 544 : index
        %parallel_loop3A_851 = tpu.vector_load %arg15[%parallel_loop3A_849, %parallel_loop3A_850] {strides = array<i32>} : memref<48x768xf32, #tpu.memory_space<vmem>>, vector<1x16xf32>,
        %parallel_loop3A_852 = vector.shape_cast %parallel_loop3A_851 : vector<1x16xf32> to vector<16xf32>
        %parallel_loop3A_853 = vector.shape_cast %parallel_loop3A_848 : vector<16xf32> to vector<1x16xf32>
        tpu.vector_store %arg15[%parallel_loop3A_849, %parallel_loop3A_850], %parallel_loop3A_853 {strides = array<i32>} : memref<48x768xf32, #tpu.memory_space<vmem>>, vector<1x16xf32>,
        %parallel_loop3A_854 = arith.index_cast %parallel_loop3A_450 : i32 to index
        %parallel_loop3A_855 = arith.constant 560 : index
        %parallel_loop3A_856 = tpu.vector_load %arg15[%parallel_loop3A_854, %parallel_loop3A_855] {strides = array<i32>} : memref<48x768xf32, #tpu.memory_space<vmem>>, vector<1x16xf32>,
        %parallel_loop3A_857 = vector.shape_cast %parallel_loop3A_856 : vector<1x16xf32> to vector<16xf32>
        %parallel_loop3A_858 = arith.addf %parallel_loop3A_857, %get3A_304 : vector<16xf32>
        %parallel_loop3A_859 = arith.index_cast %parallel_loop3A_450 : i32 to index
        %parallel_loop3A_860 = arith.constant 560 : index
        %parallel_loop3A_861 = tpu.vector_load %arg15[%parallel_loop3A_859, %parallel_loop3A_860] {strides = array<i32>} : memref<48x768xf32, #tpu.memory_space<vmem>>, vector<1x16xf32>,
        %parallel_loop3A_862 = vector.shape_cast %parallel_loop3A_861 : vector<1x16xf32> to vector<16xf32>
        %parallel_loop3A_863 = vector.shape_cast %parallel_loop3A_858 : vector<16xf32> to vector<1x16xf32>
        tpu.vector_store %arg15[%parallel_loop3A_859, %parallel_loop3A_860], %parallel_loop3A_863 {strides = array<i32>} : memref<48x768xf32, #tpu.memory_space<vmem>>, vector<1x16xf32>,
        %parallel_loop3A_864 = arith.index_cast %parallel_loop3A_450 : i32 to index
        %parallel_loop3A_865 = arith.constant 576 : index
        %parallel_loop3A_866 = tpu.vector_load %arg15[%parallel_loop3A_864, %parallel_loop3A_865] {strides = array<i32>} : memref<48x768xf32, #tpu.memory_space<vmem>>, vector<1x16xf32>,
        %parallel_loop3A_867 = vector.shape_cast %parallel_loop3A_866 : vector<1x16xf32> to vector<16xf32>
        %parallel_loop3A_868 = arith.index_cast %parallel_loop3A_455 : i32 to index
        %parallel_loop3A_869 = arith.constant 0 : index
        %parallel_loop3A_870 = tpu.vector_load %arg12[%parallel_loop3A_868, %parallel_loop3A_869] {strides = array<i32>} : memref<32x192xf32, #tpu.memory_space<vmem>>, vector<1x16xf32>,
        %parallel_loop3A_871 = vector.shape_cast %parallel_loop3A_870 : vector<1x16xf32> to vector<16xf32>
        %parallel_loop3A_872 = arith.addf %parallel_loop3A_867, %parallel_loop3A_871 : vector<16xf32>
        %parallel_loop3A_873 = arith.index_cast %parallel_loop3A_450 : i32 to index
        %parallel_loop3A_874 = arith.constant 576 : index
        %parallel_loop3A_875 = tpu.vector_load %arg15[%parallel_loop3A_873, %parallel_loop3A_874] {strides = array<i32>} : memref<48x768xf32, #tpu.memory_space<vmem>>, vector<1x16xf32>,
        %parallel_loop3A_876 = vector.shape_cast %parallel_loop3A_875 : vector<1x16xf32> to vector<16xf32>
        %parallel_loop3A_877 = vector.shape_cast %parallel_loop3A_872 : vector<16xf32> to vector<1x16xf32>
        tpu.vector_store %arg15[%parallel_loop3A_873, %parallel_loop3A_874], %parallel_loop3A_877 {strides = array<i32>} : memref<48x768xf32, #tpu.memory_space<vmem>>, vector<1x16xf32>,
        %parallel_loop3A_878 = arith.index_cast %parallel_loop3A_450 : i32 to index
        %parallel_loop3A_879 = arith.constant 592 : index
        %parallel_loop3A_880 = tpu.vector_load %arg15[%parallel_loop3A_878, %parallel_loop3A_879] {strides = array<i32>} : memref<48x768xf32, #tpu.memory_space<vmem>>, vector<1x16xf32>,
        %parallel_loop3A_881 = vector.shape_cast %parallel_loop3A_880 : vector<1x16xf32> to vector<16xf32>
        %parallel_loop3A_882 = arith.index_cast %parallel_loop3A_455 : i32 to index
        %parallel_loop3A_883 = arith.constant 16 : index
        %parallel_loop3A_884 = tpu.vector_load %arg12[%parallel_loop3A_882, %parallel_loop3A_883] {strides = array<i32>} : memref<32x192xf32, #tpu.memory_space<vmem>>, vector<1x16xf32>,
        %parallel_loop3A_885 = vector.shape_cast %parallel_loop3A_884 : vector<1x16xf32> to vector<16xf32>
        %parallel_loop3A_886 = arith.addf %parallel_loop3A_881, %parallel_loop3A_885 : vector<16xf32>
        %parallel_loop3A_887 = arith.index_cast %parallel_loop3A_450 : i32 to index
        %parallel_loop3A_888 = arith.constant 592 : index
        %parallel_loop3A_889 = tpu.vector_load %arg15[%parallel_loop3A_887, %parallel_loop3A_888] {strides = array<i32>} : memref<48x768xf32, #tpu.memory_space<vmem>>, vector<1x16xf32>,
        %parallel_loop3A_890 = vector.shape_cast %parallel_loop3A_889 : vector<1x16xf32> to vector<16xf32>
        %parallel_loop3A_891 = vector.shape_cast %parallel_loop3A_886 : vector<16xf32> to vector<1x16xf32>
        tpu.vector_store %arg15[%parallel_loop3A_887, %parallel_loop3A_888], %parallel_loop3A_891 {strides = array<i32>} : memref<48x768xf32, #tpu.memory_space<vmem>>, vector<1x16xf32>,
        %parallel_loop3A_892 = arith.index_cast %parallel_loop3A_450 : i32 to index
        %parallel_loop3A_893 = arith.constant 608 : index
        %parallel_loop3A_894 = tpu.vector_load %arg15[%parallel_loop3A_892, %parallel_loop3A_893] {strides = array<i32>} : memref<48x768xf32, #tpu.memory_space<vmem>>, vector<1x16xf32>,
        %parallel_loop3A_895 = vector.shape_cast %parallel_loop3A_894 : vector<1x16xf32> to vector<16xf32>
        %parallel_loop3A_896 = arith.index_cast %parallel_loop3A_455 : i32 to index
        %parallel_loop3A_897 = arith.constant 32 : index
        %parallel_loop3A_898 = tpu.vector_load %arg12[%parallel_loop3A_896, %parallel_loop3A_897] {strides = array<i32>} : memref<32x192xf32, #tpu.memory_space<vmem>>, vector<1x16xf32>,
        %parallel_loop3A_899 = vector.shape_cast %parallel_loop3A_898 : vector<1x16xf32> to vector<16xf32>
        %parallel_loop3A_900 = arith.addf %parallel_loop3A_895, %parallel_loop3A_899 : vector<16xf32>
        %parallel_loop3A_901 = arith.index_cast %parallel_loop3A_450 : i32 to index
        %parallel_loop3A_902 = arith.constant 608 : index
        %parallel_loop3A_903 = tpu.vector_load %arg15[%parallel_loop3A_901, %parallel_loop3A_902] {strides = array<i32>} : memref<48x768xf32, #tpu.memory_space<vmem>>, vector<1x16xf32>,
        %parallel_loop3A_904 = vector.shape_cast %parallel_loop3A_903 : vector<1x16xf32> to vector<16xf32>
        %parallel_loop3A_905 = vector.shape_cast %parallel_loop3A_900 : vector<16xf32> to vector<1x16xf32>
        tpu.vector_store %arg15[%parallel_loop3A_901, %parallel_loop3A_902], %parallel_loop3A_905 {strides = array<i32>} : memref<48x768xf32, #tpu.memory_space<vmem>>, vector<1x16xf32>,
        %parallel_loop3A_906 = arith.index_cast %parallel_loop3A_450 : i32 to index
        %parallel_loop3A_907 = arith.constant 624 : index
        %parallel_loop3A_908 = tpu.vector_load %arg15[%parallel_loop3A_906, %parallel_loop3A_907] {strides = array<i32>} : memref<48x768xf32, #tpu.memory_space<vmem>>, vector<1x16xf32>,
        %parallel_loop3A_909 = vector.shape_cast %parallel_loop3A_908 : vector<1x16xf32> to vector<16xf32>
        %parallel_loop3A_910 = arith.index_cast %parallel_loop3A_455 : i32 to index
        %parallel_loop3A_911 = arith.constant 48 : index
        %parallel_loop3A_912 = tpu.vector_load %arg12[%parallel_loop3A_910, %parallel_loop3A_911] {strides = array<i32>} : memref<32x192xf32, #tpu.memory_space<vmem>>, vector<1x16xf32>,
        %parallel_loop3A_913 = vector.shape_cast %parallel_loop3A_912 : vector<1x16xf32> to vector<16xf32>
        %parallel_loop3A_914 = arith.addf %parallel_loop3A_909, %parallel_loop3A_913 : vector<16xf32>
        %parallel_loop3A_915 = arith.index_cast %parallel_loop3A_450 : i32 to index
        %parallel_loop3A_916 = arith.constant 624 : index
        %parallel_loop3A_917 = tpu.vector_load %arg15[%parallel_loop3A_915, %parallel_loop3A_916] {strides = array<i32>} : memref<48x768xf32, #tpu.memory_space<vmem>>, vector<1x16xf32>,
        %parallel_loop3A_918 = vector.shape_cast %parallel_loop3A_917 : vector<1x16xf32> to vector<16xf32>
        %parallel_loop3A_919 = vector.shape_cast %parallel_loop3A_914 : vector<16xf32> to vector<1x16xf32>
        tpu.vector_store %arg15[%parallel_loop3A_915, %parallel_loop3A_916], %parallel_loop3A_919 {strides = array<i32>} : memref<48x768xf32, #tpu.memory_space<vmem>>, vector<1x16xf32>,
        %parallel_loop3A_920 = arith.index_cast %parallel_loop3A_450 : i32 to index
        %parallel_loop3A_921 = arith.constant 640 : index
        %parallel_loop3A_922 = tpu.vector_load %arg15[%parallel_loop3A_920, %parallel_loop3A_921] {strides = array<i32>} : memref<48x768xf32, #tpu.memory_space<vmem>>, vector<1x16xf32>,
        %parallel_loop3A_923 = vector.shape_cast %parallel_loop3A_922 : vector<1x16xf32> to vector<16xf32>
        %parallel_loop3A_924 = arith.index_cast %parallel_loop3A_455 : i32 to index
        %parallel_loop3A_925 = arith.constant 64 : index
        %parallel_loop3A_926 = tpu.vector_load %arg12[%parallel_loop3A_924, %parallel_loop3A_925] {strides = array<i32>} : memref<32x192xf32, #tpu.memory_space<vmem>>, vector<1x16xf32>,
        %parallel_loop3A_927 = vector.shape_cast %parallel_loop3A_926 : vector<1x16xf32> to vector<16xf32>
        %parallel_loop3A_928 = arith.addf %parallel_loop3A_923, %parallel_loop3A_927 : vector<16xf32>
        %parallel_loop3A_929 = arith.index_cast %parallel_loop3A_450 : i32 to index
        %parallel_loop3A_930 = arith.constant 640 : index
        %parallel_loop3A_931 = tpu.vector_load %arg15[%parallel_loop3A_929, %parallel_loop3A_930] {strides = array<i32>} : memref<48x768xf32, #tpu.memory_space<vmem>>, vector<1x16xf32>,
        %parallel_loop3A_932 = vector.shape_cast %parallel_loop3A_931 : vector<1x16xf32> to vector<16xf32>
        %parallel_loop3A_933 = vector.shape_cast %parallel_loop3A_928 : vector<16xf32> to vector<1x16xf32>
        tpu.vector_store %arg15[%parallel_loop3A_929, %parallel_loop3A_930], %parallel_loop3A_933 {strides = array<i32>} : memref<48x768xf32, #tpu.memory_space<vmem>>, vector<1x16xf32>,
        %parallel_loop3A_934 = arith.index_cast %parallel_loop3A_450 : i32 to index
        %parallel_loop3A_935 = arith.constant 656 : index
        %parallel_loop3A_936 = tpu.vector_load %arg15[%parallel_loop3A_934, %parallel_loop3A_935] {strides = array<i32>} : memref<48x768xf32, #tpu.memory_space<vmem>>, vector<1x16xf32>,
        %parallel_loop3A_937 = vector.shape_cast %parallel_loop3A_936 : vector<1x16xf32> to vector<16xf32>
        %parallel_loop3A_938 = arith.index_cast %parallel_loop3A_455 : i32 to index
        %parallel_loop3A_939 = arith.constant 80 : index
        %parallel_loop3A_940 = tpu.vector_load %arg12[%parallel_loop3A_938, %parallel_loop3A_939] {strides = array<i32>} : memref<32x192xf32, #tpu.memory_space<vmem>>, vector<1x16xf32>,
        %parallel_loop3A_941 = vector.shape_cast %parallel_loop3A_940 : vector<1x16xf32> to vector<16xf32>
        %parallel_loop3A_942 = arith.addf %parallel_loop3A_937, %parallel_loop3A_941 : vector<16xf32>
        %parallel_loop3A_943 = arith.index_cast %parallel_loop3A_450 : i32 to index
        %parallel_loop3A_944 = arith.constant 656 : index
        %parallel_loop3A_945 = tpu.vector_load %arg15[%parallel_loop3A_943, %parallel_loop3A_944] {strides = array<i32>} : memref<48x768xf32, #tpu.memory_space<vmem>>, vector<1x16xf32>,
        %parallel_loop3A_946 = vector.shape_cast %parallel_loop3A_945 : vector<1x16xf32> to vector<16xf32>
        %parallel_loop3A_947 = vector.shape_cast %parallel_loop3A_942 : vector<16xf32> to vector<1x16xf32>
        tpu.vector_store %arg15[%parallel_loop3A_943, %parallel_loop3A_944], %parallel_loop3A_947 {strides = array<i32>} : memref<48x768xf32, #tpu.memory_space<vmem>>, vector<1x16xf32>,
        %parallel_loop3A_948 = arith.index_cast %parallel_loop3A_450 : i32 to index
        %parallel_loop3A_949 = arith.constant 672 : index
        %parallel_loop3A_950 = tpu.vector_load %arg15[%parallel_loop3A_948, %parallel_loop3A_949] {strides = array<i32>} : memref<48x768xf32, #tpu.memory_space<vmem>>, vector<1x16xf32>,
        %parallel_loop3A_951 = vector.shape_cast %parallel_loop3A_950 : vector<1x16xf32> to vector<16xf32>
        %parallel_loop3A_952 = arith.index_cast %parallel_loop3A_455 : i32 to index
        %parallel_loop3A_953 = arith.constant 96 : index
        %parallel_loop3A_954 = tpu.vector_load %arg12[%parallel_loop3A_952, %parallel_loop3A_953] {strides = array<i32>} : memref<32x192xf32, #tpu.memory_space<vmem>>, vector<1x16xf32>,
        %parallel_loop3A_955 = vector.shape_cast %parallel_loop3A_954 : vector<1x16xf32> to vector<16xf32>
        %parallel_loop3A_956 = arith.addf %parallel_loop3A_951, %parallel_loop3A_955 : vector<16xf32>
        %parallel_loop3A_957 = arith.index_cast %parallel_loop3A_450 : i32 to index
        %parallel_loop3A_958 = arith.constant 672 : index
        %parallel_loop3A_959 = tpu.vector_load %arg15[%parallel_loop3A_957, %parallel_loop3A_958] {strides = array<i32>} : memref<48x768xf32, #tpu.memory_space<vmem>>, vector<1x16xf32>,
        %parallel_loop3A_960 = vector.shape_cast %parallel_loop3A_959 : vector<1x16xf32> to vector<16xf32>
        %parallel_loop3A_961 = vector.shape_cast %parallel_loop3A_956 : vector<16xf32> to vector<1x16xf32>
        tpu.vector_store %arg15[%parallel_loop3A_957, %parallel_loop3A_958], %parallel_loop3A_961 {strides = array<i32>} : memref<48x768xf32, #tpu.memory_space<vmem>>, vector<1x16xf32>,
        %parallel_loop3A_962 = arith.index_cast %parallel_loop3A_450 : i32 to index
        %parallel_loop3A_963 = arith.constant 688 : index
        %parallel_loop3A_964 = tpu.vector_load %arg15[%parallel_loop3A_962, %parallel_loop3A_963] {strides = array<i32>} : memref<48x768xf32, #tpu.memory_space<vmem>>, vector<1x16xf32>,
        %parallel_loop3A_965 = vector.shape_cast %parallel_loop3A_964 : vector<1x16xf32> to vector<16xf32>
        %parallel_loop3A_966 = arith.index_cast %parallel_loop3A_455 : i32 to index
        %parallel_loop3A_967 = arith.constant 112 : index
        %parallel_loop3A_968 = tpu.vector_load %arg12[%parallel_loop3A_966, %parallel_loop3A_967] {strides = array<i32>} : memref<32x192xf32, #tpu.memory_space<vmem>>, vector<1x16xf32>,
        %parallel_loop3A_969 = vector.shape_cast %parallel_loop3A_968 : vector<1x16xf32> to vector<16xf32>
        %parallel_loop3A_970 = arith.addf %parallel_loop3A_965, %parallel_loop3A_969 : vector<16xf32>
        %parallel_loop3A_971 = arith.index_cast %parallel_loop3A_450 : i32 to index
        %parallel_loop3A_972 = arith.constant 688 : index
        %parallel_loop3A_973 = tpu.vector_load %arg15[%parallel_loop3A_971, %parallel_loop3A_972] {strides = array<i32>} : memref<48x768xf32, #tpu.memory_space<vmem>>, vector<1x16xf32>,
        %parallel_loop3A_974 = vector.shape_cast %parallel_loop3A_973 : vector<1x16xf32> to vector<16xf32>
        %parallel_loop3A_975 = vector.shape_cast %parallel_loop3A_970 : vector<16xf32> to vector<1x16xf32>
        tpu.vector_store %arg15[%parallel_loop3A_971, %parallel_loop3A_972], %parallel_loop3A_975 {strides = array<i32>} : memref<48x768xf32, #tpu.memory_space<vmem>>, vector<1x16xf32>,
        %parallel_loop3A_976 = arith.index_cast %parallel_loop3A_450 : i32 to index
        %parallel_loop3A_977 = arith.constant 704 : index
        %parallel_loop3A_978 = tpu.vector_load %arg15[%parallel_loop3A_976, %parallel_loop3A_977] {strides = array<i32>} : memref<48x768xf32, #tpu.memory_space<vmem>>, vector<1x16xf32>,
        %parallel_loop3A_979 = vector.shape_cast %parallel_loop3A_978 : vector<1x16xf32> to vector<16xf32>
        %parallel_loop3A_980 = arith.index_cast %parallel_loop3A_455 : i32 to index
        %parallel_loop3A_981 = arith.constant 128 : index
        %parallel_loop3A_982 = tpu.vector_load %arg12[%parallel_loop3A_980, %parallel_loop3A_981] {strides = array<i32>} : memref<32x192xf32, #tpu.memory_space<vmem>>, vector<1x16xf32>,
        %parallel_loop3A_983 = vector.shape_cast %parallel_loop3A_982 : vector<1x16xf32> to vector<16xf32>
        %parallel_loop3A_984 = arith.addf %parallel_loop3A_979, %parallel_loop3A_983 : vector<16xf32>
        %parallel_loop3A_985 = arith.index_cast %parallel_loop3A_450 : i32 to index
        %parallel_loop3A_986 = arith.constant 704 : index
        %parallel_loop3A_987 = tpu.vector_load %arg15[%parallel_loop3A_985, %parallel_loop3A_986] {strides = array<i32>} : memref<48x768xf32, #tpu.memory_space<vmem>>, vector<1x16xf32>,
        %parallel_loop3A_988 = vector.shape_cast %parallel_loop3A_987 : vector<1x16xf32> to vector<16xf32>
        %parallel_loop3A_989 = vector.shape_cast %parallel_loop3A_984 : vector<16xf32> to vector<1x16xf32>
        tpu.vector_store %arg15[%parallel_loop3A_985, %parallel_loop3A_986], %parallel_loop3A_989 {strides = array<i32>} : memref<48x768xf32, #tpu.memory_space<vmem>>, vector<1x16xf32>,
        %parallel_loop3A_990 = arith.index_cast %parallel_loop3A_450 : i32 to index
        %parallel_loop3A_991 = arith.constant 720 : index
        %parallel_loop3A_992 = tpu.vector_load %arg15[%parallel_loop3A_990, %parallel_loop3A_991] {strides = array<i32>} : memref<48x768xf32, #tpu.memory_space<vmem>>, vector<1x16xf32>,
        %parallel_loop3A_993 = vector.shape_cast %parallel_loop3A_992 : vector<1x16xf32> to vector<16xf32>
        %parallel_loop3A_994 = arith.index_cast %parallel_loop3A_455 : i32 to index
        %parallel_loop3A_995 = arith.constant 144 : index
        %parallel_loop3A_996 = tpu.vector_load %arg12[%parallel_loop3A_994, %parallel_loop3A_995] {strides = array<i32>} : memref<32x192xf32, #tpu.memory_space<vmem>>, vector<1x16xf32>,
        %parallel_loop3A_997 = vector.shape_cast %parallel_loop3A_996 : vector<1x16xf32> to vector<16xf32>
        %parallel_loop3A_998 = arith.addf %parallel_loop3A_993, %parallel_loop3A_997 : vector<16xf32>
        %parallel_loop3A_999 = arith.index_cast %parallel_loop3A_450 : i32 to index
        %parallel_loop3A_1000 = arith.constant 720 : index
        %parallel_loop3A_1001 = tpu.vector_load %arg15[%parallel_loop3A_999, %parallel_loop3A_1000] {strides = array<i32>} : memref<48x768xf32, #tpu.memory_space<vmem>>, vector<1x16xf32>,
        %parallel_loop3A_1002 = vector.shape_cast %parallel_loop3A_1001 : vector<1x16xf32> to vector<16xf32>
        %parallel_loop3A_1003 = vector.shape_cast %parallel_loop3A_998 : vector<16xf32> to vector<1x16xf32>
        tpu.vector_store %arg15[%parallel_loop3A_999, %parallel_loop3A_1000], %parallel_loop3A_1003 {strides = array<i32>} : memref<48x768xf32, #tpu.memory_space<vmem>>, vector<1x16xf32>,
        %parallel_loop3A_1004 = arith.index_cast %parallel_loop3A_450 : i32 to index
        %parallel_loop3A_1005 = arith.constant 736 : index
        %parallel_loop3A_1006 = tpu.vector_load %arg15[%parallel_loop3A_1004, %parallel_loop3A_1005] {strides = array<i32>} : memref<48x768xf32, #tpu.memory_space<vmem>>, vector<1x16xf32>,
        %parallel_loop3A_1007 = vector.shape_cast %parallel_loop3A_1006 : vector<1x16xf32> to vector<16xf32>
        %parallel_loop3A_1008 = arith.index_cast %parallel_loop3A_455 : i32 to index
        %parallel_loop3A_1009 = arith.constant 160 : index
        %parallel_loop3A_1010 = tpu.vector_load %arg12[%parallel_loop3A_1008, %parallel_loop3A_1009] {strides = array<i32>} : memref<32x192xf32, #tpu.memory_space<vmem>>, vector<1x16xf32>,
        %parallel_loop3A_1011 = vector.shape_cast %parallel_loop3A_1010 : vector<1x16xf32> to vector<16xf32>
        %parallel_loop3A_1012 = arith.addf %parallel_loop3A_1007, %parallel_loop3A_1011 : vector<16xf32>
        %parallel_loop3A_1013 = arith.index_cast %parallel_loop3A_450 : i32 to index
        %parallel_loop3A_1014 = arith.constant 736 : index
        %parallel_loop3A_1015 = tpu.vector_load %arg15[%parallel_loop3A_1013, %parallel_loop3A_1014] {strides = array<i32>} : memref<48x768xf32, #tpu.memory_space<vmem>>, vector<1x16xf32>,
        %parallel_loop3A_1016 = vector.shape_cast %parallel_loop3A_1015 : vector<1x16xf32> to vector<16xf32>
        %parallel_loop3A_1017 = vector.shape_cast %parallel_loop3A_1012 : vector<16xf32> to vector<1x16xf32>
        tpu.vector_store %arg15[%parallel_loop3A_1013, %parallel_loop3A_1014], %parallel_loop3A_1017 {strides = array<i32>} : memref<48x768xf32, #tpu.memory_space<vmem>>, vector<1x16xf32>,
        %parallel_loop3A_1018 = arith.index_cast %parallel_loop3A_450 : i32 to index
        %parallel_loop3A_1019 = arith.constant 752 : index
        %parallel_loop3A_1020 = tpu.vector_load %arg15[%parallel_loop3A_1018, %parallel_loop3A_1019] {strides = array<i32>} : memref<48x768xf32, #tpu.memory_space<vmem>>, vector<1x16xf32>,
        %parallel_loop3A_1021 = vector.shape_cast %parallel_loop3A_1020 : vector<1x16xf32> to vector<16xf32>
        %parallel_loop3A_1022 = arith.index_cast %parallel_loop3A_455 : i32 to index
        %parallel_loop3A_1023 = arith.constant 176 : index
        %parallel_loop3A_1024 = tpu.vector_load %arg12[%parallel_loop3A_1022, %parallel_loop3A_1023] {strides = array<i32>} : memref<32x192xf32, #tpu.memory_space<vmem>>, vector<1x16xf32>,
        %parallel_loop3A_1025 = vector.shape_cast %parallel_loop3A_1024 : vector<1x16xf32> to vector<16xf32>
        %parallel_loop3A_1026 = arith.addf %parallel_loop3A_1021, %parallel_loop3A_1025 : vector<16xf32>
        %parallel_loop3A_1027 = arith.index_cast %parallel_loop3A_450 : i32 to index
        %parallel_loop3A_1028 = arith.constant 752 : index
        %parallel_loop3A_1029 = tpu.vector_load %arg15[%parallel_loop3A_1027, %parallel_loop3A_1028] {strides = array<i32>} : memref<48x768xf32, #tpu.memory_space<vmem>>, vector<1x16xf32>,
        %parallel_loop3A_1030 = vector.shape_cast %parallel_loop3A_1029 : vector<1x16xf32> to vector<16xf32>
        %parallel_loop3A_1031 = vector.shape_cast %parallel_loop3A_1026 : vector<16xf32> to vector<1x16xf32>
        tpu.vector_store %arg15[%parallel_loop3A_1027, %parallel_loop3A_1028], %parallel_loop3A_1031 {strides = array<i32>} : memref<48x768xf32, #tpu.memory_space<vmem>>, vector<1x16xf32>,
      } {sc.loop_unroll_factor = 1 : i64, sc.parallel_access}
      %mul3A_310 = arith.constant 48 : i32
      %mul3A_311 = arith.muli %add3A_188, %mul3A_310 : i32
      %add3A_312 = arith.addi %mul3A_18, %mul3A_311 : i32
      %dma_start3A_313 = arith.constant 0 : i32
      %dma_start3A_314 = tpu.memref_slice %arg8[%add3A_312, %dma_start3A_313] : memref<36864x768xf32, #tpu.memory_space<hbm>> -> memref<48x768xf32, #tpu.memory_space<hbm>>
      %dma_start3A_315 = arith.constant 0 : i32
      %dma_start3A_316 = tpu.memref_slice %arg8[%add3A_312, %dma_start3A_315] : memref<36864x768xf32, #tpu.memory_space<hbm>> -> memref<48x768xf32, #tpu.memory_space<hbm>>
      tpu.enqueue_dma source(%arg15 : memref<48x768xf32, #tpu.memory_space<vmem>>) target(%dma_start3A_316 : memref<48x768xf32, #tpu.memory_space<hbm>>) target_semaphore(%arg21 : memref<!tpu.dma_semaphore, #tpu.memory_space<semaphore_mem>>)
      %mul3A_317 = arith.constant 3 : i32
      %mul3A_318 = arith.muli %scan3A_57, %mul3A_317 : i32
      %add3A_319 = arith.constant 2 : i32
      %add3A_320 = arith.addi %mul3A_318, %add3A_319 : i32
      %add3A_321 = arith.constant 1 : i32
      %add3A_322 = arith.addi %add3A_320, %add3A_321 : i32
      %lt3A_323 = arith.constant 24 : i32
      %lt3A_324 = arith.cmpi slt, %add3A_322, %lt3A_323 : i32
      %convert_element_type3A_325 = arith.extui %lt3A_324 : i1 to i32
      %cond3A_326 = arith.constant 0 : i32
      %cond3A_327 = arith.cmpi ne, %convert_element_type3A_325, %cond3A_326 : i32
      scf.if %cond3A_327 {
        %sub3A_450 = arith.constant 2 : i32
        %sub3A_451 = arith.subi %add3A_320, %sub3A_450 : i32
        %ge3A_452 = arith.constant 0 : i32
        %ge3A_453 = arith.cmpi sge, %sub3A_451, %ge3A_452 : i32
        %convert_element_type3A_454 = arith.extui %ge3A_453 : i1 to i32
        %cond3A_455 = arith.constant 0 : i32
        %cond3A_456 = arith.cmpi ne, %convert_element_type3A_454, %cond3A_455 : i32
        scf.if %cond3A_456 {
          %sub3A_466 = arith.constant 2 : i32
          %sub3A_467 = arith.subi %add3A_320, %sub3A_466 : i32
          %mul3A_468 = arith.constant 48 : i32
          %mul3A_469 = arith.muli %sub3A_467, %mul3A_468 : i32
          %add3A_470 = arith.addi %mul3A_18, %mul3A_469 : i32
          %dma_wait3A_471 = arith.constant 0 : i32
          %dma_wait3A_472 = tpu.memref_slice %arg8[%add3A_470, %dma_wait3A_471] : memref<36864x768xf32, #tpu.memory_space<hbm>> -> memref<48x768xf32, #tpu.memory_space<hbm>>
          %dma_wait3A_473 = arith.constant 0 : i32
          %dma_wait3A_474 = tpu.memref_slice %arg8[%add3A_470, %dma_wait3A_473] : memref<36864x768xf32, #tpu.memory_space<hbm>> -> memref<48x768xf32, #tpu.memory_space<hbm>>
          tpu.wait_dma2 semaphore(%arg20 : memref<!tpu.dma_semaphore, #tpu.memory_space<semaphore_mem>>) src(%arg14 : memref<48x768xf32, #tpu.memory_space<vmem>>) dst(%dma_wait3A_474 : memref<48x768xf32, #tpu.memory_space<hbm>>)
        } else {
        }
        %add3A_457 = arith.constant 1 : i32
        %add3A_458 = arith.addi %add3A_320, %add3A_457 : i32
        %mul3A_459 = arith.constant 48 : i32
        %mul3A_460 = arith.muli %add3A_458, %mul3A_459 : i32
        %add3A_461 = arith.addi %mul3A_18, %mul3A_460 : i32
        %dma_start3A_462 = arith.constant 0 : i32
        %dma_start3A_463 = tpu.memref_slice %arg2[%add3A_461, %dma_start3A_462] : memref<36864x768xf32, #tpu.memory_space<hbm>> -> memref<48x768xf32, #tpu.memory_space<hbm>>
        %dma_start3A_464 = arith.constant 0 : i32
        %dma_start3A_465 = tpu.memref_slice %arg2[%add3A_461, %dma_start3A_464] : memref<36864x768xf32, #tpu.memory_space<hbm>> -> memref<48x768xf32, #tpu.memory_space<hbm>>
        tpu.enqueue_dma source(%dma_start3A_465 : memref<48x768xf32, #tpu.memory_space<hbm>>) target(%arg14 : memref<48x768xf32, #tpu.memory_space<vmem>>) target_semaphore(%arg17 : memref<!tpu.dma_semaphore, #tpu.memory_space<semaphore_mem>>)
      } else {
      }
      %mul3A_328 = arith.constant 48 : i32
      %mul3A_329 = arith.muli %add3A_320, %mul3A_328 : i32
      %add3A_330 = arith.addi %mul3A_18, %mul3A_329 : i32
      %dma_wait3A_331 = arith.constant 0 : i32
      %dma_wait3A_332 = tpu.memref_slice %arg2[%add3A_330, %dma_wait3A_331] : memref<36864x768xf32, #tpu.memory_space<hbm>> -> memref<48x768xf32, #tpu.memory_space<hbm>>
      %dma_wait3A_333 = arith.constant 0 : i32
      %dma_wait3A_334 = tpu.memref_slice %arg2[%add3A_330, %dma_wait3A_333] : memref<36864x768xf32, #tpu.memory_space<hbm>> -> memref<48x768xf32, #tpu.memory_space<hbm>>
      tpu.wait_dma2 semaphore(%arg19 : memref<!tpu.dma_semaphore, #tpu.memory_space<semaphore_mem>>) src(%dma_wait3A_334 : memref<48x768xf32, #tpu.memory_space<hbm>>) dst(%arg16 : memref<48x768xf32, #tpu.memory_space<vmem>>)
      %ge3A_335 = arith.constant 12 : i32
      %ge3A_336 = arith.cmpi sge, %add3A_320, %ge3A_335 : i32
      %convert_element_type3A_337 = arith.extui %ge3A_336 : i1 to i32
      %mul3A_338 = arith.constant 12 : i32
      %mul3A_339 = arith.muli %convert_element_type3A_337, %mul3A_338 : i32
      %sub3A_340 = arith.subi %add3A_320, %mul3A_339 : i32
      %get3A_341 = arith.index_cast %sub3A_340 : i32 to index
      %get3A_342 = arith.constant 0 : index
      %get3A_343 = tpu.vector_load %arg10[%get3A_341, %get3A_342] {strides = array<i32>} : memref<12x192xf32, #tpu.memory_space<vmem>>, vector<1x16xf32>,
      %get3A_344 = vector.shape_cast %get3A_343 : vector<1x16xf32> to vector<16xf32>
      %get3A_345 = arith.index_cast %sub3A_340 : i32 to index
      %get3A_346 = arith.constant 16 : index
      %get3A_347 = tpu.vector_load %arg10[%get3A_345, %get3A_346] {strides = array<i32>} : memref<12x192xf32, #tpu.memory_space<vmem>>, vector<1x16xf32>,
      %get3A_348 = vector.shape_cast %get3A_347 : vector<1x16xf32> to vector<16xf32>
      %get3A_349 = arith.index_cast %sub3A_340 : i32 to index
      %get3A_350 = arith.constant 32 : index
      %get3A_351 = tpu.vector_load %arg10[%get3A_349, %get3A_350] {strides = array<i32>} : memref<12x192xf32, #tpu.memory_space<vmem>>, vector<1x16xf32>,
      %get3A_352 = vector.shape_cast %get3A_351 : vector<1x16xf32> to vector<16xf32>
      %get3A_353 = arith.index_cast %sub3A_340 : i32 to index
      %get3A_354 = arith.constant 48 : index
      %get3A_355 = tpu.vector_load %arg10[%get3A_353, %get3A_354] {strides = array<i32>} : memref<12x192xf32, #tpu.memory_space<vmem>>, vector<1x16xf32>,
      %get3A_356 = vector.shape_cast %get3A_355 : vector<1x16xf32> to vector<16xf32>
      %get3A_357 = arith.index_cast %sub3A_340 : i32 to index
      %get3A_358 = arith.constant 64 : index
      %get3A_359 = tpu.vector_load %arg10[%get3A_357, %get3A_358] {strides = array<i32>} : memref<12x192xf32, #tpu.memory_space<vmem>>, vector<1x16xf32>,
      %get3A_360 = vector.shape_cast %get3A_359 : vector<1x16xf32> to vector<16xf32>
      %get3A_361 = arith.index_cast %sub3A_340 : i32 to index
      %get3A_362 = arith.constant 80 : index
      %get3A_363 = tpu.vector_load %arg10[%get3A_361, %get3A_362] {strides = array<i32>} : memref<12x192xf32, #tpu.memory_space<vmem>>, vector<1x16xf32>,
      %get3A_364 = vector.shape_cast %get3A_363 : vector<1x16xf32> to vector<16xf32>
      %get3A_365 = arith.index_cast %sub3A_340 : i32 to index
      %get3A_366 = arith.constant 96 : index
      %get3A_367 = tpu.vector_load %arg10[%get3A_365, %get3A_366] {strides = array<i32>} : memref<12x192xf32, #tpu.memory_space<vmem>>, vector<1x16xf32>,
      %get3A_368 = vector.shape_cast %get3A_367 : vector<1x16xf32> to vector<16xf32>
      %get3A_369 = arith.index_cast %sub3A_340 : i32 to index
      %get3A_370 = arith.constant 112 : index
      %get3A_371 = tpu.vector_load %arg10[%get3A_369, %get3A_370] {strides = array<i32>} : memref<12x192xf32, #tpu.memory_space<vmem>>, vector<1x16xf32>,
      %get3A_372 = vector.shape_cast %get3A_371 : vector<1x16xf32> to vector<16xf32>
      %get3A_373 = arith.index_cast %sub3A_340 : i32 to index
      %get3A_374 = arith.constant 128 : index
      %get3A_375 = tpu.vector_load %arg10[%get3A_373, %get3A_374] {strides = array<i32>} : memref<12x192xf32, #tpu.memory_space<vmem>>, vector<1x16xf32>,
      %get3A_376 = vector.shape_cast %get3A_375 : vector<1x16xf32> to vector<16xf32>
      %get3A_377 = arith.index_cast %sub3A_340 : i32 to index
      %get3A_378 = arith.constant 144 : index
      %get3A_379 = tpu.vector_load %arg10[%get3A_377, %get3A_378] {strides = array<i32>} : memref<12x192xf32, #tpu.memory_space<vmem>>, vector<1x16xf32>,
      %get3A_380 = vector.shape_cast %get3A_379 : vector<1x16xf32> to vector<16xf32>
      %get3A_381 = arith.index_cast %sub3A_340 : i32 to index
      %get3A_382 = arith.constant 160 : index
      %get3A_383 = tpu.vector_load %arg10[%get3A_381, %get3A_382] {strides = array<i32>} : memref<12x192xf32, #tpu.memory_space<vmem>>, vector<1x16xf32>,
      %get3A_384 = vector.shape_cast %get3A_383 : vector<1x16xf32> to vector<16xf32>
      %get3A_385 = arith.index_cast %sub3A_340 : i32 to index
      %get3A_386 = arith.constant 176 : index
      %get3A_387 = tpu.vector_load %arg10[%get3A_385, %get3A_386] {strides = array<i32>} : memref<12x192xf32, #tpu.memory_space<vmem>>, vector<1x16xf32>,
      %get3A_388 = vector.shape_cast %get3A_387 : vector<1x16xf32> to vector<16xf32>
      %get3A_389 = arith.index_cast %sub3A_340 : i32 to index
      %get3A_390 = arith.constant 0 : index
      %get3A_391 = tpu.vector_load %arg11[%get3A_389, %get3A_390] {strides = array<i32>} : memref<16x256xf32, #tpu.memory_space<vmem>>, vector<1x16xf32>,
      %get3A_392 = vector.shape_cast %get3A_391 : vector<1x16xf32> to vector<16xf32>
      %get3A_393 = arith.index_cast %sub3A_340 : i32 to index
      %get3A_394 = arith.constant 16 : index
      %get3A_395 = tpu.vector_load %arg11[%get3A_393, %get3A_394] {strides = array<i32>} : memref<16x256xf32, #tpu.memory_space<vmem>>, vector<1x16xf32>,
      %get3A_396 = vector.shape_cast %get3A_395 : vector<1x16xf32> to vector<16xf32>
      %get3A_397 = arith.index_cast %sub3A_340 : i32 to index
      %get3A_398 = arith.constant 32 : index
      %get3A_399 = tpu.vector_load %arg11[%get3A_397, %get3A_398] {strides = array<i32>} : memref<16x256xf32, #tpu.memory_space<vmem>>, vector<1x16xf32>,
      %get3A_400 = vector.shape_cast %get3A_399 : vector<1x16xf32> to vector<16xf32>
      %get3A_401 = arith.index_cast %sub3A_340 : i32 to index
      %get3A_402 = arith.constant 48 : index
      %get3A_403 = tpu.vector_load %arg11[%get3A_401, %get3A_402] {strides = array<i32>} : memref<16x256xf32, #tpu.memory_space<vmem>>, vector<1x16xf32>,
      %get3A_404 = vector.shape_cast %get3A_403 : vector<1x16xf32> to vector<16xf32>
      %get3A_405 = arith.index_cast %sub3A_340 : i32 to index
      %get3A_406 = arith.constant 64 : index
      %get3A_407 = tpu.vector_load %arg11[%get3A_405, %get3A_406] {strides = array<i32>} : memref<16x256xf32, #tpu.memory_space<vmem>>, vector<1x16xf32>,
      %get3A_408 = vector.shape_cast %get3A_407 : vector<1x16xf32> to vector<16xf32>
      %get3A_409 = arith.index_cast %sub3A_340 : i32 to index
      %get3A_410 = arith.constant 80 : index
      %get3A_411 = tpu.vector_load %arg11[%get3A_409, %get3A_410] {strides = array<i32>} : memref<16x256xf32, #tpu.memory_space<vmem>>, vector<1x16xf32>,
      %get3A_412 = vector.shape_cast %get3A_411 : vector<1x16xf32> to vector<16xf32>
      %get3A_413 = arith.index_cast %sub3A_340 : i32 to index
      %get3A_414 = arith.constant 96 : index
      %get3A_415 = tpu.vector_load %arg11[%get3A_413, %get3A_414] {strides = array<i32>} : memref<16x256xf32, #tpu.memory_space<vmem>>, vector<1x16xf32>,
      %get3A_416 = vector.shape_cast %get3A_415 : vector<1x16xf32> to vector<16xf32>
      %get3A_417 = arith.index_cast %sub3A_340 : i32 to index
      %get3A_418 = arith.constant 112 : index
      %get3A_419 = tpu.vector_load %arg11[%get3A_417, %get3A_418] {strides = array<i32>} : memref<16x256xf32, #tpu.memory_space<vmem>>, vector<1x16xf32>,
      %get3A_420 = vector.shape_cast %get3A_419 : vector<1x16xf32> to vector<16xf32>
      %get3A_421 = arith.index_cast %sub3A_340 : i32 to index
      %get3A_422 = arith.constant 128 : index
      %get3A_423 = tpu.vector_load %arg11[%get3A_421, %get3A_422] {strides = array<i32>} : memref<16x256xf32, #tpu.memory_space<vmem>>, vector<1x16xf32>,
      %get3A_424 = vector.shape_cast %get3A_423 : vector<1x16xf32> to vector<16xf32>
      %get3A_425 = arith.index_cast %sub3A_340 : i32 to index
      %get3A_426 = arith.constant 144 : index
      %get3A_427 = tpu.vector_load %arg11[%get3A_425, %get3A_426] {strides = array<i32>} : memref<16x256xf32, #tpu.memory_space<vmem>>, vector<1x16xf32>,
      %get3A_428 = vector.shape_cast %get3A_427 : vector<1x16xf32> to vector<16xf32>
      %get3A_429 = arith.index_cast %sub3A_340 : i32 to index
      %get3A_430 = arith.constant 160 : index
      %get3A_431 = tpu.vector_load %arg11[%get3A_429, %get3A_430] {strides = array<i32>} : memref<16x256xf32, #tpu.memory_space<vmem>>, vector<1x16xf32>,
      %get3A_432 = vector.shape_cast %get3A_431 : vector<1x16xf32> to vector<16xf32>
      %get3A_433 = arith.index_cast %sub3A_340 : i32 to index
      %get3A_434 = arith.constant 176 : index
      %get3A_435 = tpu.vector_load %arg11[%get3A_433, %get3A_434] {strides = array<i32>} : memref<16x256xf32, #tpu.memory_space<vmem>>, vector<1x16xf32>,
      %get3A_436 = vector.shape_cast %get3A_435 : vector<1x16xf32> to vector<16xf32>
      %mul3A_437 = arith.constant 16 : i32
      %mul3A_438 = arith.muli %convert_element_type3A_337, %mul3A_437 : i32
      %parallel_loop3A_439 = arith.constant 0 : i32
      %parallel_loop3A_440 = arith.constant 48 : i32
      %parallel_loop3A_441 = arith.constant 1 : i32
      scf.for %parallel_loop3A_450 = %parallel_loop3A_439 to %parallel_loop3A_440 step %parallel_loop3A_441  : i32 {
        %parallel_loop3A_451 = arith.constant 4 : i32
        %parallel_loop3A_452 = arith.shrsi %parallel_loop3A_450, %parallel_loop3A_451 : i32
        %parallel_loop3A_453 = arith.constant 15 : i32
        %parallel_loop3A_454 = arith.andi %parallel_loop3A_450, %parallel_loop3A_453 : i32
        %parallel_loop3A_455 = arith.addi %mul3A_438, %parallel_loop3A_454 : i32
        %parallel_loop3A_456 = arith.index_cast %parallel_loop3A_450 : i32 to index
        %parallel_loop3A_457 = arith.constant 0 : index
        %parallel_loop3A_458 = tpu.vector_load %arg16[%parallel_loop3A_456, %parallel_loop3A_457] {strides = array<i32>} : memref<48x768xf32, #tpu.memory_space<vmem>>, vector<1x16xf32>,
        %parallel_loop3A_459 = vector.shape_cast %parallel_loop3A_458 : vector<1x16xf32> to vector<16xf32>
        %parallel_loop3A_460 = arith.index_cast %parallel_loop3A_452 : i32 to index
        %parallel_loop3A_461 = arith.constant 0 : index
        %parallel_loop3A_462 = tpu.vector_load %arg9[%parallel_loop3A_460, %parallel_loop3A_461] {strides = array<i32>} : memref<3x192xf32, #tpu.memory_space<vmem>>, vector<1x16xf32>,
        %parallel_loop3A_463 = vector.shape_cast %parallel_loop3A_462 : vector<1x16xf32> to vector<16xf32>
        %parallel_loop3A_464 = arith.addf %parallel_loop3A_459, %parallel_loop3A_463 : vector<16xf32>
        %parallel_loop3A_465 = arith.index_cast %parallel_loop3A_450 : i32 to index
        %parallel_loop3A_466 = arith.constant 0 : index
        %parallel_loop3A_467 = tpu.vector_load %arg16[%parallel_loop3A_465, %parallel_loop3A_466] {strides = array<i32>} : memref<48x768xf32, #tpu.memory_space<vmem>>, vector<1x16xf32>,
        %parallel_loop3A_468 = vector.shape_cast %parallel_loop3A_467 : vector<1x16xf32> to vector<16xf32>
        %parallel_loop3A_469 = vector.shape_cast %parallel_loop3A_464 : vector<16xf32> to vector<1x16xf32>
        tpu.vector_store %arg16[%parallel_loop3A_465, %parallel_loop3A_466], %parallel_loop3A_469 {strides = array<i32>} : memref<48x768xf32, #tpu.memory_space<vmem>>, vector<1x16xf32>,
        %parallel_loop3A_470 = arith.index_cast %parallel_loop3A_450 : i32 to index
        %parallel_loop3A_471 = arith.constant 16 : index
        %parallel_loop3A_472 = tpu.vector_load %arg16[%parallel_loop3A_470, %parallel_loop3A_471] {strides = array<i32>} : memref<48x768xf32, #tpu.memory_space<vmem>>, vector<1x16xf32>,
        %parallel_loop3A_473 = vector.shape_cast %parallel_loop3A_472 : vector<1x16xf32> to vector<16xf32>
        %parallel_loop3A_474 = arith.index_cast %parallel_loop3A_452 : i32 to index
        %parallel_loop3A_475 = arith.constant 16 : index
        %parallel_loop3A_476 = tpu.vector_load %arg9[%parallel_loop3A_474, %parallel_loop3A_475] {strides = array<i32>} : memref<3x192xf32, #tpu.memory_space<vmem>>, vector<1x16xf32>,
        %parallel_loop3A_477 = vector.shape_cast %parallel_loop3A_476 : vector<1x16xf32> to vector<16xf32>
        %parallel_loop3A_478 = arith.addf %parallel_loop3A_473, %parallel_loop3A_477 : vector<16xf32>
        %parallel_loop3A_479 = arith.index_cast %parallel_loop3A_450 : i32 to index
        %parallel_loop3A_480 = arith.constant 16 : index
        %parallel_loop3A_481 = tpu.vector_load %arg16[%parallel_loop3A_479, %parallel_loop3A_480] {strides = array<i32>} : memref<48x768xf32, #tpu.memory_space<vmem>>, vector<1x16xf32>,
        %parallel_loop3A_482 = vector.shape_cast %parallel_loop3A_481 : vector<1x16xf32> to vector<16xf32>
        %parallel_loop3A_483 = vector.shape_cast %parallel_loop3A_478 : vector<16xf32> to vector<1x16xf32>
        tpu.vector_store %arg16[%parallel_loop3A_479, %parallel_loop3A_480], %parallel_loop3A_483 {strides = array<i32>} : memref<48x768xf32, #tpu.memory_space<vmem>>, vector<1x16xf32>,
        %parallel_loop3A_484 = arith.index_cast %parallel_loop3A_450 : i32 to index
        %parallel_loop3A_485 = arith.constant 32 : index
        %parallel_loop3A_486 = tpu.vector_load %arg16[%parallel_loop3A_484, %parallel_loop3A_485] {strides = array<i32>} : memref<48x768xf32, #tpu.memory_space<vmem>>, vector<1x16xf32>,
        %parallel_loop3A_487 = vector.shape_cast %parallel_loop3A_486 : vector<1x16xf32> to vector<16xf32>
        %parallel_loop3A_488 = arith.index_cast %parallel_loop3A_452 : i32 to index
        %parallel_loop3A_489 = arith.constant 32 : index
        %parallel_loop3A_490 = tpu.vector_load %arg9[%parallel_loop3A_488, %parallel_loop3A_489] {strides = array<i32>} : memref<3x192xf32, #tpu.memory_space<vmem>>, vector<1x16xf32>,
        %parallel_loop3A_491 = vector.shape_cast %parallel_loop3A_490 : vector<1x16xf32> to vector<16xf32>
        %parallel_loop3A_492 = arith.addf %parallel_loop3A_487, %parallel_loop3A_491 : vector<16xf32>
        %parallel_loop3A_493 = arith.index_cast %parallel_loop3A_450 : i32 to index
        %parallel_loop3A_494 = arith.constant 32 : index
        %parallel_loop3A_495 = tpu.vector_load %arg16[%parallel_loop3A_493, %parallel_loop3A_494] {strides = array<i32>} : memref<48x768xf32, #tpu.memory_space<vmem>>, vector<1x16xf32>,
        %parallel_loop3A_496 = vector.shape_cast %parallel_loop3A_495 : vector<1x16xf32> to vector<16xf32>
        %parallel_loop3A_497 = vector.shape_cast %parallel_loop3A_492 : vector<16xf32> to vector<1x16xf32>
        tpu.vector_store %arg16[%parallel_loop3A_493, %parallel_loop3A_494], %parallel_loop3A_497 {strides = array<i32>} : memref<48x768xf32, #tpu.memory_space<vmem>>, vector<1x16xf32>,
        %parallel_loop3A_498 = arith.index_cast %parallel_loop3A_450 : i32 to index
        %parallel_loop3A_499 = arith.constant 48 : index
        %parallel_loop3A_500 = tpu.vector_load %arg16[%parallel_loop3A_498, %parallel_loop3A_499] {strides = array<i32>} : memref<48x768xf32, #tpu.memory_space<vmem>>, vector<1x16xf32>,
        %parallel_loop3A_501 = vector.shape_cast %parallel_loop3A_500 : vector<1x16xf32> to vector<16xf32>
        %parallel_loop3A_502 = arith.index_cast %parallel_loop3A_452 : i32 to index
        %parallel_loop3A_503 = arith.constant 48 : index
        %parallel_loop3A_504 = tpu.vector_load %arg9[%parallel_loop3A_502, %parallel_loop3A_503] {strides = array<i32>} : memref<3x192xf32, #tpu.memory_space<vmem>>, vector<1x16xf32>,
        %parallel_loop3A_505 = vector.shape_cast %parallel_loop3A_504 : vector<1x16xf32> to vector<16xf32>
        %parallel_loop3A_506 = arith.addf %parallel_loop3A_501, %parallel_loop3A_505 : vector<16xf32>
        %parallel_loop3A_507 = arith.index_cast %parallel_loop3A_450 : i32 to index
        %parallel_loop3A_508 = arith.constant 48 : index
        %parallel_loop3A_509 = tpu.vector_load %arg16[%parallel_loop3A_507, %parallel_loop3A_508] {strides = array<i32>} : memref<48x768xf32, #tpu.memory_space<vmem>>, vector<1x16xf32>,
        %parallel_loop3A_510 = vector.shape_cast %parallel_loop3A_509 : vector<1x16xf32> to vector<16xf32>
        %parallel_loop3A_511 = vector.shape_cast %parallel_loop3A_506 : vector<16xf32> to vector<1x16xf32>
        tpu.vector_store %arg16[%parallel_loop3A_507, %parallel_loop3A_508], %parallel_loop3A_511 {strides = array<i32>} : memref<48x768xf32, #tpu.memory_space<vmem>>, vector<1x16xf32>,
        %parallel_loop3A_512 = arith.index_cast %parallel_loop3A_450 : i32 to index
        %parallel_loop3A_513 = arith.constant 64 : index
        %parallel_loop3A_514 = tpu.vector_load %arg16[%parallel_loop3A_512, %parallel_loop3A_513] {strides = array<i32>} : memref<48x768xf32, #tpu.memory_space<vmem>>, vector<1x16xf32>,
        %parallel_loop3A_515 = vector.shape_cast %parallel_loop3A_514 : vector<1x16xf32> to vector<16xf32>
        %parallel_loop3A_516 = arith.index_cast %parallel_loop3A_452 : i32 to index
        %parallel_loop3A_517 = arith.constant 64 : index
        %parallel_loop3A_518 = tpu.vector_load %arg9[%parallel_loop3A_516, %parallel_loop3A_517] {strides = array<i32>} : memref<3x192xf32, #tpu.memory_space<vmem>>, vector<1x16xf32>,
        %parallel_loop3A_519 = vector.shape_cast %parallel_loop3A_518 : vector<1x16xf32> to vector<16xf32>
        %parallel_loop3A_520 = arith.addf %parallel_loop3A_515, %parallel_loop3A_519 : vector<16xf32>
        %parallel_loop3A_521 = arith.index_cast %parallel_loop3A_450 : i32 to index
        %parallel_loop3A_522 = arith.constant 64 : index
        %parallel_loop3A_523 = tpu.vector_load %arg16[%parallel_loop3A_521, %parallel_loop3A_522] {strides = array<i32>} : memref<48x768xf32, #tpu.memory_space<vmem>>, vector<1x16xf32>,
        %parallel_loop3A_524 = vector.shape_cast %parallel_loop3A_523 : vector<1x16xf32> to vector<16xf32>
        %parallel_loop3A_525 = vector.shape_cast %parallel_loop3A_520 : vector<16xf32> to vector<1x16xf32>
        tpu.vector_store %arg16[%parallel_loop3A_521, %parallel_loop3A_522], %parallel_loop3A_525 {strides = array<i32>} : memref<48x768xf32, #tpu.memory_space<vmem>>, vector<1x16xf32>,
        %parallel_loop3A_526 = arith.index_cast %parallel_loop3A_450 : i32 to index
        %parallel_loop3A_527 = arith.constant 80 : index
        %parallel_loop3A_528 = tpu.vector_load %arg16[%parallel_loop3A_526, %parallel_loop3A_527] {strides = array<i32>} : memref<48x768xf32, #tpu.memory_space<vmem>>, vector<1x16xf32>,
        %parallel_loop3A_529 = vector.shape_cast %parallel_loop3A_528 : vector<1x16xf32> to vector<16xf32>
        %parallel_loop3A_530 = arith.index_cast %parallel_loop3A_452 : i32 to index
        %parallel_loop3A_531 = arith.constant 80 : index
        %parallel_loop3A_532 = tpu.vector_load %arg9[%parallel_loop3A_530, %parallel_loop3A_531] {strides = array<i32>} : memref<3x192xf32, #tpu.memory_space<vmem>>, vector<1x16xf32>,
        %parallel_loop3A_533 = vector.shape_cast %parallel_loop3A_532 : vector<1x16xf32> to vector<16xf32>
        %parallel_loop3A_534 = arith.addf %parallel_loop3A_529, %parallel_loop3A_533 : vector<16xf32>
        %parallel_loop3A_535 = arith.index_cast %parallel_loop3A_450 : i32 to index
        %parallel_loop3A_536 = arith.constant 80 : index
        %parallel_loop3A_537 = tpu.vector_load %arg16[%parallel_loop3A_535, %parallel_loop3A_536] {strides = array<i32>} : memref<48x768xf32, #tpu.memory_space<vmem>>, vector<1x16xf32>,
        %parallel_loop3A_538 = vector.shape_cast %parallel_loop3A_537 : vector<1x16xf32> to vector<16xf32>
        %parallel_loop3A_539 = vector.shape_cast %parallel_loop3A_534 : vector<16xf32> to vector<1x16xf32>
        tpu.vector_store %arg16[%parallel_loop3A_535, %parallel_loop3A_536], %parallel_loop3A_539 {strides = array<i32>} : memref<48x768xf32, #tpu.memory_space<vmem>>, vector<1x16xf32>,
        %parallel_loop3A_540 = arith.index_cast %parallel_loop3A_450 : i32 to index
        %parallel_loop3A_541 = arith.constant 96 : index
        %parallel_loop3A_542 = tpu.vector_load %arg16[%parallel_loop3A_540, %parallel_loop3A_541] {strides = array<i32>} : memref<48x768xf32, #tpu.memory_space<vmem>>, vector<1x16xf32>,
        %parallel_loop3A_543 = vector.shape_cast %parallel_loop3A_542 : vector<1x16xf32> to vector<16xf32>
        %parallel_loop3A_544 = arith.index_cast %parallel_loop3A_452 : i32 to index
        %parallel_loop3A_545 = arith.constant 96 : index
        %parallel_loop3A_546 = tpu.vector_load %arg9[%parallel_loop3A_544, %parallel_loop3A_545] {strides = array<i32>} : memref<3x192xf32, #tpu.memory_space<vmem>>, vector<1x16xf32>,
        %parallel_loop3A_547 = vector.shape_cast %parallel_loop3A_546 : vector<1x16xf32> to vector<16xf32>
        %parallel_loop3A_548 = arith.addf %parallel_loop3A_543, %parallel_loop3A_547 : vector<16xf32>
        %parallel_loop3A_549 = arith.index_cast %parallel_loop3A_450 : i32 to index
        %parallel_loop3A_550 = arith.constant 96 : index
        %parallel_loop3A_551 = tpu.vector_load %arg16[%parallel_loop3A_549, %parallel_loop3A_550] {strides = array<i32>} : memref<48x768xf32, #tpu.memory_space<vmem>>, vector<1x16xf32>,
        %parallel_loop3A_552 = vector.shape_cast %parallel_loop3A_551 : vector<1x16xf32> to vector<16xf32>
        %parallel_loop3A_553 = vector.shape_cast %parallel_loop3A_548 : vector<16xf32> to vector<1x16xf32>
        tpu.vector_store %arg16[%parallel_loop3A_549, %parallel_loop3A_550], %parallel_loop3A_553 {strides = array<i32>} : memref<48x768xf32, #tpu.memory_space<vmem>>, vector<1x16xf32>,
        %parallel_loop3A_554 = arith.index_cast %parallel_loop3A_450 : i32 to index
        %parallel_loop3A_555 = arith.constant 112 : index
        %parallel_loop3A_556 = tpu.vector_load %arg16[%parallel_loop3A_554, %parallel_loop3A_555] {strides = array<i32>} : memref<48x768xf32, #tpu.memory_space<vmem>>, vector<1x16xf32>,
        %parallel_loop3A_557 = vector.shape_cast %parallel_loop3A_556 : vector<1x16xf32> to vector<16xf32>
        %parallel_loop3A_558 = arith.index_cast %parallel_loop3A_452 : i32 to index
        %parallel_loop3A_559 = arith.constant 112 : index
        %parallel_loop3A_560 = tpu.vector_load %arg9[%parallel_loop3A_558, %parallel_loop3A_559] {strides = array<i32>} : memref<3x192xf32, #tpu.memory_space<vmem>>, vector<1x16xf32>,
        %parallel_loop3A_561 = vector.shape_cast %parallel_loop3A_560 : vector<1x16xf32> to vector<16xf32>
        %parallel_loop3A_562 = arith.addf %parallel_loop3A_557, %parallel_loop3A_561 : vector<16xf32>
        %parallel_loop3A_563 = arith.index_cast %parallel_loop3A_450 : i32 to index
        %parallel_loop3A_564 = arith.constant 112 : index
        %parallel_loop3A_565 = tpu.vector_load %arg16[%parallel_loop3A_563, %parallel_loop3A_564] {strides = array<i32>} : memref<48x768xf32, #tpu.memory_space<vmem>>, vector<1x16xf32>,
        %parallel_loop3A_566 = vector.shape_cast %parallel_loop3A_565 : vector<1x16xf32> to vector<16xf32>
        %parallel_loop3A_567 = vector.shape_cast %parallel_loop3A_562 : vector<16xf32> to vector<1x16xf32>
        tpu.vector_store %arg16[%parallel_loop3A_563, %parallel_loop3A_564], %parallel_loop3A_567 {strides = array<i32>} : memref<48x768xf32, #tpu.memory_space<vmem>>, vector<1x16xf32>,
        %parallel_loop3A_568 = arith.index_cast %parallel_loop3A_450 : i32 to index
        %parallel_loop3A_569 = arith.constant 128 : index
        %parallel_loop3A_570 = tpu.vector_load %arg16[%parallel_loop3A_568, %parallel_loop3A_569] {strides = array<i32>} : memref<48x768xf32, #tpu.memory_space<vmem>>, vector<1x16xf32>,
        %parallel_loop3A_571 = vector.shape_cast %parallel_loop3A_570 : vector<1x16xf32> to vector<16xf32>
        %parallel_loop3A_572 = arith.index_cast %parallel_loop3A_452 : i32 to index
        %parallel_loop3A_573 = arith.constant 128 : index
        %parallel_loop3A_574 = tpu.vector_load %arg9[%parallel_loop3A_572, %parallel_loop3A_573] {strides = array<i32>} : memref<3x192xf32, #tpu.memory_space<vmem>>, vector<1x16xf32>,
        %parallel_loop3A_575 = vector.shape_cast %parallel_loop3A_574 : vector<1x16xf32> to vector<16xf32>
        %parallel_loop3A_576 = arith.addf %parallel_loop3A_571, %parallel_loop3A_575 : vector<16xf32>
        %parallel_loop3A_577 = arith.index_cast %parallel_loop3A_450 : i32 to index
        %parallel_loop3A_578 = arith.constant 128 : index
        %parallel_loop3A_579 = tpu.vector_load %arg16[%parallel_loop3A_577, %parallel_loop3A_578] {strides = array<i32>} : memref<48x768xf32, #tpu.memory_space<vmem>>, vector<1x16xf32>,
        %parallel_loop3A_580 = vector.shape_cast %parallel_loop3A_579 : vector<1x16xf32> to vector<16xf32>
        %parallel_loop3A_581 = vector.shape_cast %parallel_loop3A_576 : vector<16xf32> to vector<1x16xf32>
        tpu.vector_store %arg16[%parallel_loop3A_577, %parallel_loop3A_578], %parallel_loop3A_581 {strides = array<i32>} : memref<48x768xf32, #tpu.memory_space<vmem>>, vector<1x16xf32>,
        %parallel_loop3A_582 = arith.index_cast %parallel_loop3A_450 : i32 to index
        %parallel_loop3A_583 = arith.constant 144 : index
        %parallel_loop3A_584 = tpu.vector_load %arg16[%parallel_loop3A_582, %parallel_loop3A_583] {strides = array<i32>} : memref<48x768xf32, #tpu.memory_space<vmem>>, vector<1x16xf32>,
        %parallel_loop3A_585 = vector.shape_cast %parallel_loop3A_584 : vector<1x16xf32> to vector<16xf32>
        %parallel_loop3A_586 = arith.index_cast %parallel_loop3A_452 : i32 to index
        %parallel_loop3A_587 = arith.constant 144 : index
        %parallel_loop3A_588 = tpu.vector_load %arg9[%parallel_loop3A_586, %parallel_loop3A_587] {strides = array<i32>} : memref<3x192xf32, #tpu.memory_space<vmem>>, vector<1x16xf32>,
        %parallel_loop3A_589 = vector.shape_cast %parallel_loop3A_588 : vector<1x16xf32> to vector<16xf32>
        %parallel_loop3A_590 = arith.addf %parallel_loop3A_585, %parallel_loop3A_589 : vector<16xf32>
        %parallel_loop3A_591 = arith.index_cast %parallel_loop3A_450 : i32 to index
        %parallel_loop3A_592 = arith.constant 144 : index
        %parallel_loop3A_593 = tpu.vector_load %arg16[%parallel_loop3A_591, %parallel_loop3A_592] {strides = array<i32>} : memref<48x768xf32, #tpu.memory_space<vmem>>, vector<1x16xf32>,
        %parallel_loop3A_594 = vector.shape_cast %parallel_loop3A_593 : vector<1x16xf32> to vector<16xf32>
        %parallel_loop3A_595 = vector.shape_cast %parallel_loop3A_590 : vector<16xf32> to vector<1x16xf32>
        tpu.vector_store %arg16[%parallel_loop3A_591, %parallel_loop3A_592], %parallel_loop3A_595 {strides = array<i32>} : memref<48x768xf32, #tpu.memory_space<vmem>>, vector<1x16xf32>,
        %parallel_loop3A_596 = arith.index_cast %parallel_loop3A_450 : i32 to index
        %parallel_loop3A_597 = arith.constant 160 : index
        %parallel_loop3A_598 = tpu.vector_load %arg16[%parallel_loop3A_596, %parallel_loop3A_597] {strides = array<i32>} : memref<48x768xf32, #tpu.memory_space<vmem>>, vector<1x16xf32>,
        %parallel_loop3A_599 = vector.shape_cast %parallel_loop3A_598 : vector<1x16xf32> to vector<16xf32>
        %parallel_loop3A_600 = arith.index_cast %parallel_loop3A_452 : i32 to index
        %parallel_loop3A_601 = arith.constant 160 : index
        %parallel_loop3A_602 = tpu.vector_load %arg9[%parallel_loop3A_600, %parallel_loop3A_601] {strides = array<i32>} : memref<3x192xf32, #tpu.memory_space<vmem>>, vector<1x16xf32>,
        %parallel_loop3A_603 = vector.shape_cast %parallel_loop3A_602 : vector<1x16xf32> to vector<16xf32>
        %parallel_loop3A_604 = arith.addf %parallel_loop3A_599, %parallel_loop3A_603 : vector<16xf32>
        %parallel_loop3A_605 = arith.index_cast %parallel_loop3A_450 : i32 to index
        %parallel_loop3A_606 = arith.constant 160 : index
        %parallel_loop3A_607 = tpu.vector_load %arg16[%parallel_loop3A_605, %parallel_loop3A_606] {strides = array<i32>} : memref<48x768xf32, #tpu.memory_space<vmem>>, vector<1x16xf32>,
        %parallel_loop3A_608 = vector.shape_cast %parallel_loop3A_607 : vector<1x16xf32> to vector<16xf32>
        %parallel_loop3A_609 = vector.shape_cast %parallel_loop3A_604 : vector<16xf32> to vector<1x16xf32>
        tpu.vector_store %arg16[%parallel_loop3A_605, %parallel_loop3A_606], %parallel_loop3A_609 {strides = array<i32>} : memref<48x768xf32, #tpu.memory_space<vmem>>, vector<1x16xf32>,
        %parallel_loop3A_610 = arith.index_cast %parallel_loop3A_450 : i32 to index
        %parallel_loop3A_611 = arith.constant 176 : index
        %parallel_loop3A_612 = tpu.vector_load %arg16[%parallel_loop3A_610, %parallel_loop3A_611] {strides = array<i32>} : memref<48x768xf32, #tpu.memory_space<vmem>>, vector<1x16xf32>,
        %parallel_loop3A_613 = vector.shape_cast %parallel_loop3A_612 : vector<1x16xf32> to vector<16xf32>
        %parallel_loop3A_614 = arith.index_cast %parallel_loop3A_452 : i32 to index
        %parallel_loop3A_615 = arith.constant 176 : index
        %parallel_loop3A_616 = tpu.vector_load %arg9[%parallel_loop3A_614, %parallel_loop3A_615] {strides = array<i32>} : memref<3x192xf32, #tpu.memory_space<vmem>>, vector<1x16xf32>,
        %parallel_loop3A_617 = vector.shape_cast %parallel_loop3A_616 : vector<1x16xf32> to vector<16xf32>
        %parallel_loop3A_618 = arith.addf %parallel_loop3A_613, %parallel_loop3A_617 : vector<16xf32>
        %parallel_loop3A_619 = arith.index_cast %parallel_loop3A_450 : i32 to index
        %parallel_loop3A_620 = arith.constant 176 : index
        %parallel_loop3A_621 = tpu.vector_load %arg16[%parallel_loop3A_619, %parallel_loop3A_620] {strides = array<i32>} : memref<48x768xf32, #tpu.memory_space<vmem>>, vector<1x16xf32>,
        %parallel_loop3A_622 = vector.shape_cast %parallel_loop3A_621 : vector<1x16xf32> to vector<16xf32>
        %parallel_loop3A_623 = vector.shape_cast %parallel_loop3A_618 : vector<16xf32> to vector<1x16xf32>
        tpu.vector_store %arg16[%parallel_loop3A_619, %parallel_loop3A_620], %parallel_loop3A_623 {strides = array<i32>} : memref<48x768xf32, #tpu.memory_space<vmem>>, vector<1x16xf32>,
        %parallel_loop3A_624 = arith.index_cast %parallel_loop3A_450 : i32 to index
        %parallel_loop3A_625 = arith.constant 192 : index
        %parallel_loop3A_626 = tpu.vector_load %arg16[%parallel_loop3A_624, %parallel_loop3A_625] {strides = array<i32>} : memref<48x768xf32, #tpu.memory_space<vmem>>, vector<1x16xf32>,
        %parallel_loop3A_627 = vector.shape_cast %parallel_loop3A_626 : vector<1x16xf32> to vector<16xf32>
        %parallel_loop3A_628 = arith.addf %parallel_loop3A_627, %get3A_344 : vector<16xf32>
        %parallel_loop3A_629 = arith.index_cast %parallel_loop3A_450 : i32 to index
        %parallel_loop3A_630 = arith.constant 192 : index
        %parallel_loop3A_631 = tpu.vector_load %arg16[%parallel_loop3A_629, %parallel_loop3A_630] {strides = array<i32>} : memref<48x768xf32, #tpu.memory_space<vmem>>, vector<1x16xf32>,
        %parallel_loop3A_632 = vector.shape_cast %parallel_loop3A_631 : vector<1x16xf32> to vector<16xf32>
        %parallel_loop3A_633 = vector.shape_cast %parallel_loop3A_628 : vector<16xf32> to vector<1x16xf32>
        tpu.vector_store %arg16[%parallel_loop3A_629, %parallel_loop3A_630], %parallel_loop3A_633 {strides = array<i32>} : memref<48x768xf32, #tpu.memory_space<vmem>>, vector<1x16xf32>,
        %parallel_loop3A_634 = arith.index_cast %parallel_loop3A_450 : i32 to index
        %parallel_loop3A_635 = arith.constant 208 : index
        %parallel_loop3A_636 = tpu.vector_load %arg16[%parallel_loop3A_634, %parallel_loop3A_635] {strides = array<i32>} : memref<48x768xf32, #tpu.memory_space<vmem>>, vector<1x16xf32>,
        %parallel_loop3A_637 = vector.shape_cast %parallel_loop3A_636 : vector<1x16xf32> to vector<16xf32>
        %parallel_loop3A_638 = arith.addf %parallel_loop3A_637, %get3A_348 : vector<16xf32>
        %parallel_loop3A_639 = arith.index_cast %parallel_loop3A_450 : i32 to index
        %parallel_loop3A_640 = arith.constant 208 : index
        %parallel_loop3A_641 = tpu.vector_load %arg16[%parallel_loop3A_639, %parallel_loop3A_640] {strides = array<i32>} : memref<48x768xf32, #tpu.memory_space<vmem>>, vector<1x16xf32>,
        %parallel_loop3A_642 = vector.shape_cast %parallel_loop3A_641 : vector<1x16xf32> to vector<16xf32>
        %parallel_loop3A_643 = vector.shape_cast %parallel_loop3A_638 : vector<16xf32> to vector<1x16xf32>
        tpu.vector_store %arg16[%parallel_loop3A_639, %parallel_loop3A_640], %parallel_loop3A_643 {strides = array<i32>} : memref<48x768xf32, #tpu.memory_space<vmem>>, vector<1x16xf32>,
        %parallel_loop3A_644 = arith.index_cast %parallel_loop3A_450 : i32 to index
        %parallel_loop3A_645 = arith.constant 224 : index
        %parallel_loop3A_646 = tpu.vector_load %arg16[%parallel_loop3A_644, %parallel_loop3A_645] {strides = array<i32>} : memref<48x768xf32, #tpu.memory_space<vmem>>, vector<1x16xf32>,
        %parallel_loop3A_647 = vector.shape_cast %parallel_loop3A_646 : vector<1x16xf32> to vector<16xf32>
        %parallel_loop3A_648 = arith.addf %parallel_loop3A_647, %get3A_352 : vector<16xf32>
        %parallel_loop3A_649 = arith.index_cast %parallel_loop3A_450 : i32 to index
        %parallel_loop3A_650 = arith.constant 224 : index
        %parallel_loop3A_651 = tpu.vector_load %arg16[%parallel_loop3A_649, %parallel_loop3A_650] {strides = array<i32>} : memref<48x768xf32, #tpu.memory_space<vmem>>, vector<1x16xf32>,
        %parallel_loop3A_652 = vector.shape_cast %parallel_loop3A_651 : vector<1x16xf32> to vector<16xf32>
        %parallel_loop3A_653 = vector.shape_cast %parallel_loop3A_648 : vector<16xf32> to vector<1x16xf32>
        tpu.vector_store %arg16[%parallel_loop3A_649, %parallel_loop3A_650], %parallel_loop3A_653 {strides = array<i32>} : memref<48x768xf32, #tpu.memory_space<vmem>>, vector<1x16xf32>,
        %parallel_loop3A_654 = arith.index_cast %parallel_loop3A_450 : i32 to index
        %parallel_loop3A_655 = arith.constant 240 : index
        %parallel_loop3A_656 = tpu.vector_load %arg16[%parallel_loop3A_654, %parallel_loop3A_655] {strides = array<i32>} : memref<48x768xf32, #tpu.memory_space<vmem>>, vector<1x16xf32>,
        %parallel_loop3A_657 = vector.shape_cast %parallel_loop3A_656 : vector<1x16xf32> to vector<16xf32>
        %parallel_loop3A_658 = arith.addf %parallel_loop3A_657, %get3A_356 : vector<16xf32>
        %parallel_loop3A_659 = arith.index_cast %parallel_loop3A_450 : i32 to index
        %parallel_loop3A_660 = arith.constant 240 : index
        %parallel_loop3A_661 = tpu.vector_load %arg16[%parallel_loop3A_659, %parallel_loop3A_660] {strides = array<i32>} : memref<48x768xf32, #tpu.memory_space<vmem>>, vector<1x16xf32>,
        %parallel_loop3A_662 = vector.shape_cast %parallel_loop3A_661 : vector<1x16xf32> to vector<16xf32>
        %parallel_loop3A_663 = vector.shape_cast %parallel_loop3A_658 : vector<16xf32> to vector<1x16xf32>
        tpu.vector_store %arg16[%parallel_loop3A_659, %parallel_loop3A_660], %parallel_loop3A_663 {strides = array<i32>} : memref<48x768xf32, #tpu.memory_space<vmem>>, vector<1x16xf32>,
        %parallel_loop3A_664 = arith.index_cast %parallel_loop3A_450 : i32 to index
        %parallel_loop3A_665 = arith.constant 256 : index
        %parallel_loop3A_666 = tpu.vector_load %arg16[%parallel_loop3A_664, %parallel_loop3A_665] {strides = array<i32>} : memref<48x768xf32, #tpu.memory_space<vmem>>, vector<1x16xf32>,
        %parallel_loop3A_667 = vector.shape_cast %parallel_loop3A_666 : vector<1x16xf32> to vector<16xf32>
        %parallel_loop3A_668 = arith.addf %parallel_loop3A_667, %get3A_360 : vector<16xf32>
        %parallel_loop3A_669 = arith.index_cast %parallel_loop3A_450 : i32 to index
        %parallel_loop3A_670 = arith.constant 256 : index
        %parallel_loop3A_671 = tpu.vector_load %arg16[%parallel_loop3A_669, %parallel_loop3A_670] {strides = array<i32>} : memref<48x768xf32, #tpu.memory_space<vmem>>, vector<1x16xf32>,
        %parallel_loop3A_672 = vector.shape_cast %parallel_loop3A_671 : vector<1x16xf32> to vector<16xf32>
        %parallel_loop3A_673 = vector.shape_cast %parallel_loop3A_668 : vector<16xf32> to vector<1x16xf32>
        tpu.vector_store %arg16[%parallel_loop3A_669, %parallel_loop3A_670], %parallel_loop3A_673 {strides = array<i32>} : memref<48x768xf32, #tpu.memory_space<vmem>>, vector<1x16xf32>,
        %parallel_loop3A_674 = arith.index_cast %parallel_loop3A_450 : i32 to index
        %parallel_loop3A_675 = arith.constant 272 : index
        %parallel_loop3A_676 = tpu.vector_load %arg16[%parallel_loop3A_674, %parallel_loop3A_675] {strides = array<i32>} : memref<48x768xf32, #tpu.memory_space<vmem>>, vector<1x16xf32>,
        %parallel_loop3A_677 = vector.shape_cast %parallel_loop3A_676 : vector<1x16xf32> to vector<16xf32>
        %parallel_loop3A_678 = arith.addf %parallel_loop3A_677, %get3A_364 : vector<16xf32>
        %parallel_loop3A_679 = arith.index_cast %parallel_loop3A_450 : i32 to index
        %parallel_loop3A_680 = arith.constant 272 : index
        %parallel_loop3A_681 = tpu.vector_load %arg16[%parallel_loop3A_679, %parallel_loop3A_680] {strides = array<i32>} : memref<48x768xf32, #tpu.memory_space<vmem>>, vector<1x16xf32>,
        %parallel_loop3A_682 = vector.shape_cast %parallel_loop3A_681 : vector<1x16xf32> to vector<16xf32>
        %parallel_loop3A_683 = vector.shape_cast %parallel_loop3A_678 : vector<16xf32> to vector<1x16xf32>
        tpu.vector_store %arg16[%parallel_loop3A_679, %parallel_loop3A_680], %parallel_loop3A_683 {strides = array<i32>} : memref<48x768xf32, #tpu.memory_space<vmem>>, vector<1x16xf32>,
        %parallel_loop3A_684 = arith.index_cast %parallel_loop3A_450 : i32 to index
        %parallel_loop3A_685 = arith.constant 288 : index
        %parallel_loop3A_686 = tpu.vector_load %arg16[%parallel_loop3A_684, %parallel_loop3A_685] {strides = array<i32>} : memref<48x768xf32, #tpu.memory_space<vmem>>, vector<1x16xf32>,
        %parallel_loop3A_687 = vector.shape_cast %parallel_loop3A_686 : vector<1x16xf32> to vector<16xf32>
        %parallel_loop3A_688 = arith.addf %parallel_loop3A_687, %get3A_368 : vector<16xf32>
        %parallel_loop3A_689 = arith.index_cast %parallel_loop3A_450 : i32 to index
        %parallel_loop3A_690 = arith.constant 288 : index
        %parallel_loop3A_691 = tpu.vector_load %arg16[%parallel_loop3A_689, %parallel_loop3A_690] {strides = array<i32>} : memref<48x768xf32, #tpu.memory_space<vmem>>, vector<1x16xf32>,
        %parallel_loop3A_692 = vector.shape_cast %parallel_loop3A_691 : vector<1x16xf32> to vector<16xf32>
        %parallel_loop3A_693 = vector.shape_cast %parallel_loop3A_688 : vector<16xf32> to vector<1x16xf32>
        tpu.vector_store %arg16[%parallel_loop3A_689, %parallel_loop3A_690], %parallel_loop3A_693 {strides = array<i32>} : memref<48x768xf32, #tpu.memory_space<vmem>>, vector<1x16xf32>,
        %parallel_loop3A_694 = arith.index_cast %parallel_loop3A_450 : i32 to index
        %parallel_loop3A_695 = arith.constant 304 : index
        %parallel_loop3A_696 = tpu.vector_load %arg16[%parallel_loop3A_694, %parallel_loop3A_695] {strides = array<i32>} : memref<48x768xf32, #tpu.memory_space<vmem>>, vector<1x16xf32>,
        %parallel_loop3A_697 = vector.shape_cast %parallel_loop3A_696 : vector<1x16xf32> to vector<16xf32>
        %parallel_loop3A_698 = arith.addf %parallel_loop3A_697, %get3A_372 : vector<16xf32>
        %parallel_loop3A_699 = arith.index_cast %parallel_loop3A_450 : i32 to index
        %parallel_loop3A_700 = arith.constant 304 : index
        %parallel_loop3A_701 = tpu.vector_load %arg16[%parallel_loop3A_699, %parallel_loop3A_700] {strides = array<i32>} : memref<48x768xf32, #tpu.memory_space<vmem>>, vector<1x16xf32>,
        %parallel_loop3A_702 = vector.shape_cast %parallel_loop3A_701 : vector<1x16xf32> to vector<16xf32>
        %parallel_loop3A_703 = vector.shape_cast %parallel_loop3A_698 : vector<16xf32> to vector<1x16xf32>
        tpu.vector_store %arg16[%parallel_loop3A_699, %parallel_loop3A_700], %parallel_loop3A_703 {strides = array<i32>} : memref<48x768xf32, #tpu.memory_space<vmem>>, vector<1x16xf32>,
        %parallel_loop3A_704 = arith.index_cast %parallel_loop3A_450 : i32 to index
        %parallel_loop3A_705 = arith.constant 320 : index
        %parallel_loop3A_706 = tpu.vector_load %arg16[%parallel_loop3A_704, %parallel_loop3A_705] {strides = array<i32>} : memref<48x768xf32, #tpu.memory_space<vmem>>, vector<1x16xf32>,
        %parallel_loop3A_707 = vector.shape_cast %parallel_loop3A_706 : vector<1x16xf32> to vector<16xf32>
        %parallel_loop3A_708 = arith.addf %parallel_loop3A_707, %get3A_376 : vector<16xf32>
        %parallel_loop3A_709 = arith.index_cast %parallel_loop3A_450 : i32 to index
        %parallel_loop3A_710 = arith.constant 320 : index
        %parallel_loop3A_711 = tpu.vector_load %arg16[%parallel_loop3A_709, %parallel_loop3A_710] {strides = array<i32>} : memref<48x768xf32, #tpu.memory_space<vmem>>, vector<1x16xf32>,
        %parallel_loop3A_712 = vector.shape_cast %parallel_loop3A_711 : vector<1x16xf32> to vector<16xf32>
        %parallel_loop3A_713 = vector.shape_cast %parallel_loop3A_708 : vector<16xf32> to vector<1x16xf32>
        tpu.vector_store %arg16[%parallel_loop3A_709, %parallel_loop3A_710], %parallel_loop3A_713 {strides = array<i32>} : memref<48x768xf32, #tpu.memory_space<vmem>>, vector<1x16xf32>,
        %parallel_loop3A_714 = arith.index_cast %parallel_loop3A_450 : i32 to index
        %parallel_loop3A_715 = arith.constant 336 : index
        %parallel_loop3A_716 = tpu.vector_load %arg16[%parallel_loop3A_714, %parallel_loop3A_715] {strides = array<i32>} : memref<48x768xf32, #tpu.memory_space<vmem>>, vector<1x16xf32>,
        %parallel_loop3A_717 = vector.shape_cast %parallel_loop3A_716 : vector<1x16xf32> to vector<16xf32>
        %parallel_loop3A_718 = arith.addf %parallel_loop3A_717, %get3A_380 : vector<16xf32>
        %parallel_loop3A_719 = arith.index_cast %parallel_loop3A_450 : i32 to index
        %parallel_loop3A_720 = arith.constant 336 : index
        %parallel_loop3A_721 = tpu.vector_load %arg16[%parallel_loop3A_719, %parallel_loop3A_720] {strides = array<i32>} : memref<48x768xf32, #tpu.memory_space<vmem>>, vector<1x16xf32>,
        %parallel_loop3A_722 = vector.shape_cast %parallel_loop3A_721 : vector<1x16xf32> to vector<16xf32>
        %parallel_loop3A_723 = vector.shape_cast %parallel_loop3A_718 : vector<16xf32> to vector<1x16xf32>
        tpu.vector_store %arg16[%parallel_loop3A_719, %parallel_loop3A_720], %parallel_loop3A_723 {strides = array<i32>} : memref<48x768xf32, #tpu.memory_space<vmem>>, vector<1x16xf32>,
        %parallel_loop3A_724 = arith.index_cast %parallel_loop3A_450 : i32 to index
        %parallel_loop3A_725 = arith.constant 352 : index
        %parallel_loop3A_726 = tpu.vector_load %arg16[%parallel_loop3A_724, %parallel_loop3A_725] {strides = array<i32>} : memref<48x768xf32, #tpu.memory_space<vmem>>, vector<1x16xf32>,
        %parallel_loop3A_727 = vector.shape_cast %parallel_loop3A_726 : vector<1x16xf32> to vector<16xf32>
        %parallel_loop3A_728 = arith.addf %parallel_loop3A_727, %get3A_384 : vector<16xf32>
        %parallel_loop3A_729 = arith.index_cast %parallel_loop3A_450 : i32 to index
        %parallel_loop3A_730 = arith.constant 352 : index
        %parallel_loop3A_731 = tpu.vector_load %arg16[%parallel_loop3A_729, %parallel_loop3A_730] {strides = array<i32>} : memref<48x768xf32, #tpu.memory_space<vmem>>, vector<1x16xf32>,
        %parallel_loop3A_732 = vector.shape_cast %parallel_loop3A_731 : vector<1x16xf32> to vector<16xf32>
        %parallel_loop3A_733 = vector.shape_cast %parallel_loop3A_728 : vector<16xf32> to vector<1x16xf32>
        tpu.vector_store %arg16[%parallel_loop3A_729, %parallel_loop3A_730], %parallel_loop3A_733 {strides = array<i32>} : memref<48x768xf32, #tpu.memory_space<vmem>>, vector<1x16xf32>,
        %parallel_loop3A_734 = arith.index_cast %parallel_loop3A_450 : i32 to index
        %parallel_loop3A_735 = arith.constant 368 : index
        %parallel_loop3A_736 = tpu.vector_load %arg16[%parallel_loop3A_734, %parallel_loop3A_735] {strides = array<i32>} : memref<48x768xf32, #tpu.memory_space<vmem>>, vector<1x16xf32>,
        %parallel_loop3A_737 = vector.shape_cast %parallel_loop3A_736 : vector<1x16xf32> to vector<16xf32>
        %parallel_loop3A_738 = arith.addf %parallel_loop3A_737, %get3A_388 : vector<16xf32>
        %parallel_loop3A_739 = arith.index_cast %parallel_loop3A_450 : i32 to index
        %parallel_loop3A_740 = arith.constant 368 : index
        %parallel_loop3A_741 = tpu.vector_load %arg16[%parallel_loop3A_739, %parallel_loop3A_740] {strides = array<i32>} : memref<48x768xf32, #tpu.memory_space<vmem>>, vector<1x16xf32>,
        %parallel_loop3A_742 = vector.shape_cast %parallel_loop3A_741 : vector<1x16xf32> to vector<16xf32>
        %parallel_loop3A_743 = vector.shape_cast %parallel_loop3A_738 : vector<16xf32> to vector<1x16xf32>
        tpu.vector_store %arg16[%parallel_loop3A_739, %parallel_loop3A_740], %parallel_loop3A_743 {strides = array<i32>} : memref<48x768xf32, #tpu.memory_space<vmem>>, vector<1x16xf32>,
        %parallel_loop3A_744 = arith.index_cast %parallel_loop3A_450 : i32 to index
        %parallel_loop3A_745 = arith.constant 384 : index
        %parallel_loop3A_746 = tpu.vector_load %arg16[%parallel_loop3A_744, %parallel_loop3A_745] {strides = array<i32>} : memref<48x768xf32, #tpu.memory_space<vmem>>, vector<1x16xf32>,
        %parallel_loop3A_747 = vector.shape_cast %parallel_loop3A_746 : vector<1x16xf32> to vector<16xf32>
        %parallel_loop3A_748 = arith.addf %parallel_loop3A_747, %get3A_392 : vector<16xf32>
        %parallel_loop3A_749 = arith.index_cast %parallel_loop3A_450 : i32 to index
        %parallel_loop3A_750 = arith.constant 384 : index
        %parallel_loop3A_751 = tpu.vector_load %arg16[%parallel_loop3A_749, %parallel_loop3A_750] {strides = array<i32>} : memref<48x768xf32, #tpu.memory_space<vmem>>, vector<1x16xf32>,
        %parallel_loop3A_752 = vector.shape_cast %parallel_loop3A_751 : vector<1x16xf32> to vector<16xf32>
        %parallel_loop3A_753 = vector.shape_cast %parallel_loop3A_748 : vector<16xf32> to vector<1x16xf32>
        tpu.vector_store %arg16[%parallel_loop3A_749, %parallel_loop3A_750], %parallel_loop3A_753 {strides = array<i32>} : memref<48x768xf32, #tpu.memory_space<vmem>>, vector<1x16xf32>,
        %parallel_loop3A_754 = arith.index_cast %parallel_loop3A_450 : i32 to index
        %parallel_loop3A_755 = arith.constant 400 : index
        %parallel_loop3A_756 = tpu.vector_load %arg16[%parallel_loop3A_754, %parallel_loop3A_755] {strides = array<i32>} : memref<48x768xf32, #tpu.memory_space<vmem>>, vector<1x16xf32>,
        %parallel_loop3A_757 = vector.shape_cast %parallel_loop3A_756 : vector<1x16xf32> to vector<16xf32>
        %parallel_loop3A_758 = arith.addf %parallel_loop3A_757, %get3A_396 : vector<16xf32>
        %parallel_loop3A_759 = arith.index_cast %parallel_loop3A_450 : i32 to index
        %parallel_loop3A_760 = arith.constant 400 : index
        %parallel_loop3A_761 = tpu.vector_load %arg16[%parallel_loop3A_759, %parallel_loop3A_760] {strides = array<i32>} : memref<48x768xf32, #tpu.memory_space<vmem>>, vector<1x16xf32>,
        %parallel_loop3A_762 = vector.shape_cast %parallel_loop3A_761 : vector<1x16xf32> to vector<16xf32>
        %parallel_loop3A_763 = vector.shape_cast %parallel_loop3A_758 : vector<16xf32> to vector<1x16xf32>
        tpu.vector_store %arg16[%parallel_loop3A_759, %parallel_loop3A_760], %parallel_loop3A_763 {strides = array<i32>} : memref<48x768xf32, #tpu.memory_space<vmem>>, vector<1x16xf32>,
        %parallel_loop3A_764 = arith.index_cast %parallel_loop3A_450 : i32 to index
        %parallel_loop3A_765 = arith.constant 416 : index
        %parallel_loop3A_766 = tpu.vector_load %arg16[%parallel_loop3A_764, %parallel_loop3A_765] {strides = array<i32>} : memref<48x768xf32, #tpu.memory_space<vmem>>, vector<1x16xf32>,
        %parallel_loop3A_767 = vector.shape_cast %parallel_loop3A_766 : vector<1x16xf32> to vector<16xf32>
        %parallel_loop3A_768 = arith.addf %parallel_loop3A_767, %get3A_400 : vector<16xf32>
        %parallel_loop3A_769 = arith.index_cast %parallel_loop3A_450 : i32 to index
        %parallel_loop3A_770 = arith.constant 416 : index
        %parallel_loop3A_771 = tpu.vector_load %arg16[%parallel_loop3A_769, %parallel_loop3A_770] {strides = array<i32>} : memref<48x768xf32, #tpu.memory_space<vmem>>, vector<1x16xf32>,
        %parallel_loop3A_772 = vector.shape_cast %parallel_loop3A_771 : vector<1x16xf32> to vector<16xf32>
        %parallel_loop3A_773 = vector.shape_cast %parallel_loop3A_768 : vector<16xf32> to vector<1x16xf32>
        tpu.vector_store %arg16[%parallel_loop3A_769, %parallel_loop3A_770], %parallel_loop3A_773 {strides = array<i32>} : memref<48x768xf32, #tpu.memory_space<vmem>>, vector<1x16xf32>,
        %parallel_loop3A_774 = arith.index_cast %parallel_loop3A_450 : i32 to index
        %parallel_loop3A_775 = arith.constant 432 : index
        %parallel_loop3A_776 = tpu.vector_load %arg16[%parallel_loop3A_774, %parallel_loop3A_775] {strides = array<i32>} : memref<48x768xf32, #tpu.memory_space<vmem>>, vector<1x16xf32>,
        %parallel_loop3A_777 = vector.shape_cast %parallel_loop3A_776 : vector<1x16xf32> to vector<16xf32>
        %parallel_loop3A_778 = arith.addf %parallel_loop3A_777, %get3A_404 : vector<16xf32>
        %parallel_loop3A_779 = arith.index_cast %parallel_loop3A_450 : i32 to index
        %parallel_loop3A_780 = arith.constant 432 : index
        %parallel_loop3A_781 = tpu.vector_load %arg16[%parallel_loop3A_779, %parallel_loop3A_780] {strides = array<i32>} : memref<48x768xf32, #tpu.memory_space<vmem>>, vector<1x16xf32>,
        %parallel_loop3A_782 = vector.shape_cast %parallel_loop3A_781 : vector<1x16xf32> to vector<16xf32>
        %parallel_loop3A_783 = vector.shape_cast %parallel_loop3A_778 : vector<16xf32> to vector<1x16xf32>
        tpu.vector_store %arg16[%parallel_loop3A_779, %parallel_loop3A_780], %parallel_loop3A_783 {strides = array<i32>} : memref<48x768xf32, #tpu.memory_space<vmem>>, vector<1x16xf32>,
        %parallel_loop3A_784 = arith.index_cast %parallel_loop3A_450 : i32 to index
        %parallel_loop3A_785 = arith.constant 448 : index
        %parallel_loop3A_786 = tpu.vector_load %arg16[%parallel_loop3A_784, %parallel_loop3A_785] {strides = array<i32>} : memref<48x768xf32, #tpu.memory_space<vmem>>, vector<1x16xf32>,
        %parallel_loop3A_787 = vector.shape_cast %parallel_loop3A_786 : vector<1x16xf32> to vector<16xf32>
        %parallel_loop3A_788 = arith.addf %parallel_loop3A_787, %get3A_408 : vector<16xf32>
        %parallel_loop3A_789 = arith.index_cast %parallel_loop3A_450 : i32 to index
        %parallel_loop3A_790 = arith.constant 448 : index
        %parallel_loop3A_791 = tpu.vector_load %arg16[%parallel_loop3A_789, %parallel_loop3A_790] {strides = array<i32>} : memref<48x768xf32, #tpu.memory_space<vmem>>, vector<1x16xf32>,
        %parallel_loop3A_792 = vector.shape_cast %parallel_loop3A_791 : vector<1x16xf32> to vector<16xf32>
        %parallel_loop3A_793 = vector.shape_cast %parallel_loop3A_788 : vector<16xf32> to vector<1x16xf32>
        tpu.vector_store %arg16[%parallel_loop3A_789, %parallel_loop3A_790], %parallel_loop3A_793 {strides = array<i32>} : memref<48x768xf32, #tpu.memory_space<vmem>>, vector<1x16xf32>,
        %parallel_loop3A_794 = arith.index_cast %parallel_loop3A_450 : i32 to index
        %parallel_loop3A_795 = arith.constant 464 : index
        %parallel_loop3A_796 = tpu.vector_load %arg16[%parallel_loop3A_794, %parallel_loop3A_795] {strides = array<i32>} : memref<48x768xf32, #tpu.memory_space<vmem>>, vector<1x16xf32>,
        %parallel_loop3A_797 = vector.shape_cast %parallel_loop3A_796 : vector<1x16xf32> to vector<16xf32>
        %parallel_loop3A_798 = arith.addf %parallel_loop3A_797, %get3A_412 : vector<16xf32>
        %parallel_loop3A_799 = arith.index_cast %parallel_loop3A_450 : i32 to index
        %parallel_loop3A_800 = arith.constant 464 : index
        %parallel_loop3A_801 = tpu.vector_load %arg16[%parallel_loop3A_799, %parallel_loop3A_800] {strides = array<i32>} : memref<48x768xf32, #tpu.memory_space<vmem>>, vector<1x16xf32>,
        %parallel_loop3A_802 = vector.shape_cast %parallel_loop3A_801 : vector<1x16xf32> to vector<16xf32>
        %parallel_loop3A_803 = vector.shape_cast %parallel_loop3A_798 : vector<16xf32> to vector<1x16xf32>
        tpu.vector_store %arg16[%parallel_loop3A_799, %parallel_loop3A_800], %parallel_loop3A_803 {strides = array<i32>} : memref<48x768xf32, #tpu.memory_space<vmem>>, vector<1x16xf32>,
        %parallel_loop3A_804 = arith.index_cast %parallel_loop3A_450 : i32 to index
        %parallel_loop3A_805 = arith.constant 480 : index
        %parallel_loop3A_806 = tpu.vector_load %arg16[%parallel_loop3A_804, %parallel_loop3A_805] {strides = array<i32>} : memref<48x768xf32, #tpu.memory_space<vmem>>, vector<1x16xf32>,
        %parallel_loop3A_807 = vector.shape_cast %parallel_loop3A_806 : vector<1x16xf32> to vector<16xf32>
        %parallel_loop3A_808 = arith.addf %parallel_loop3A_807, %get3A_416 : vector<16xf32>
        %parallel_loop3A_809 = arith.index_cast %parallel_loop3A_450 : i32 to index
        %parallel_loop3A_810 = arith.constant 480 : index
        %parallel_loop3A_811 = tpu.vector_load %arg16[%parallel_loop3A_809, %parallel_loop3A_810] {strides = array<i32>} : memref<48x768xf32, #tpu.memory_space<vmem>>, vector<1x16xf32>,
        %parallel_loop3A_812 = vector.shape_cast %parallel_loop3A_811 : vector<1x16xf32> to vector<16xf32>
        %parallel_loop3A_813 = vector.shape_cast %parallel_loop3A_808 : vector<16xf32> to vector<1x16xf32>
        tpu.vector_store %arg16[%parallel_loop3A_809, %parallel_loop3A_810], %parallel_loop3A_813 {strides = array<i32>} : memref<48x768xf32, #tpu.memory_space<vmem>>, vector<1x16xf32>,
        %parallel_loop3A_814 = arith.index_cast %parallel_loop3A_450 : i32 to index
        %parallel_loop3A_815 = arith.constant 496 : index
        %parallel_loop3A_816 = tpu.vector_load %arg16[%parallel_loop3A_814, %parallel_loop3A_815] {strides = array<i32>} : memref<48x768xf32, #tpu.memory_space<vmem>>, vector<1x16xf32>,
        %parallel_loop3A_817 = vector.shape_cast %parallel_loop3A_816 : vector<1x16xf32> to vector<16xf32>
        %parallel_loop3A_818 = arith.addf %parallel_loop3A_817, %get3A_420 : vector<16xf32>
        %parallel_loop3A_819 = arith.index_cast %parallel_loop3A_450 : i32 to index
        %parallel_loop3A_820 = arith.constant 496 : index
        %parallel_loop3A_821 = tpu.vector_load %arg16[%parallel_loop3A_819, %parallel_loop3A_820] {strides = array<i32>} : memref<48x768xf32, #tpu.memory_space<vmem>>, vector<1x16xf32>,
        %parallel_loop3A_822 = vector.shape_cast %parallel_loop3A_821 : vector<1x16xf32> to vector<16xf32>
        %parallel_loop3A_823 = vector.shape_cast %parallel_loop3A_818 : vector<16xf32> to vector<1x16xf32>
        tpu.vector_store %arg16[%parallel_loop3A_819, %parallel_loop3A_820], %parallel_loop3A_823 {strides = array<i32>} : memref<48x768xf32, #tpu.memory_space<vmem>>, vector<1x16xf32>,
        %parallel_loop3A_824 = arith.index_cast %parallel_loop3A_450 : i32 to index
        %parallel_loop3A_825 = arith.constant 512 : index
        %parallel_loop3A_826 = tpu.vector_load %arg16[%parallel_loop3A_824, %parallel_loop3A_825] {strides = array<i32>} : memref<48x768xf32, #tpu.memory_space<vmem>>, vector<1x16xf32>,
        %parallel_loop3A_827 = vector.shape_cast %parallel_loop3A_826 : vector<1x16xf32> to vector<16xf32>
        %parallel_loop3A_828 = arith.addf %parallel_loop3A_827, %get3A_424 : vector<16xf32>
        %parallel_loop3A_829 = arith.index_cast %parallel_loop3A_450 : i32 to index
        %parallel_loop3A_830 = arith.constant 512 : index
        %parallel_loop3A_831 = tpu.vector_load %arg16[%parallel_loop3A_829, %parallel_loop3A_830] {strides = array<i32>} : memref<48x768xf32, #tpu.memory_space<vmem>>, vector<1x16xf32>,
        %parallel_loop3A_832 = vector.shape_cast %parallel_loop3A_831 : vector<1x16xf32> to vector<16xf32>
        %parallel_loop3A_833 = vector.shape_cast %parallel_loop3A_828 : vector<16xf32> to vector<1x16xf32>
        tpu.vector_store %arg16[%parallel_loop3A_829, %parallel_loop3A_830], %parallel_loop3A_833 {strides = array<i32>} : memref<48x768xf32, #tpu.memory_space<vmem>>, vector<1x16xf32>,
        %parallel_loop3A_834 = arith.index_cast %parallel_loop3A_450 : i32 to index
        %parallel_loop3A_835 = arith.constant 528 : index
        %parallel_loop3A_836 = tpu.vector_load %arg16[%parallel_loop3A_834, %parallel_loop3A_835] {strides = array<i32>} : memref<48x768xf32, #tpu.memory_space<vmem>>, vector<1x16xf32>,
        %parallel_loop3A_837 = vector.shape_cast %parallel_loop3A_836 : vector<1x16xf32> to vector<16xf32>
        %parallel_loop3A_838 = arith.addf %parallel_loop3A_837, %get3A_428 : vector<16xf32>
        %parallel_loop3A_839 = arith.index_cast %parallel_loop3A_450 : i32 to index
        %parallel_loop3A_840 = arith.constant 528 : index
        %parallel_loop3A_841 = tpu.vector_load %arg16[%parallel_loop3A_839, %parallel_loop3A_840] {strides = array<i32>} : memref<48x768xf32, #tpu.memory_space<vmem>>, vector<1x16xf32>,
        %parallel_loop3A_842 = vector.shape_cast %parallel_loop3A_841 : vector<1x16xf32> to vector<16xf32>
        %parallel_loop3A_843 = vector.shape_cast %parallel_loop3A_838 : vector<16xf32> to vector<1x16xf32>
        tpu.vector_store %arg16[%parallel_loop3A_839, %parallel_loop3A_840], %parallel_loop3A_843 {strides = array<i32>} : memref<48x768xf32, #tpu.memory_space<vmem>>, vector<1x16xf32>,
        %parallel_loop3A_844 = arith.index_cast %parallel_loop3A_450 : i32 to index
        %parallel_loop3A_845 = arith.constant 544 : index
        %parallel_loop3A_846 = tpu.vector_load %arg16[%parallel_loop3A_844, %parallel_loop3A_845] {strides = array<i32>} : memref<48x768xf32, #tpu.memory_space<vmem>>, vector<1x16xf32>,
        %parallel_loop3A_847 = vector.shape_cast %parallel_loop3A_846 : vector<1x16xf32> to vector<16xf32>
        %parallel_loop3A_848 = arith.addf %parallel_loop3A_847, %get3A_432 : vector<16xf32>
        %parallel_loop3A_849 = arith.index_cast %parallel_loop3A_450 : i32 to index
        %parallel_loop3A_850 = arith.constant 544 : index
        %parallel_loop3A_851 = tpu.vector_load %arg16[%parallel_loop3A_849, %parallel_loop3A_850] {strides = array<i32>} : memref<48x768xf32, #tpu.memory_space<vmem>>, vector<1x16xf32>,
        %parallel_loop3A_852 = vector.shape_cast %parallel_loop3A_851 : vector<1x16xf32> to vector<16xf32>
        %parallel_loop3A_853 = vector.shape_cast %parallel_loop3A_848 : vector<16xf32> to vector<1x16xf32>
        tpu.vector_store %arg16[%parallel_loop3A_849, %parallel_loop3A_850], %parallel_loop3A_853 {strides = array<i32>} : memref<48x768xf32, #tpu.memory_space<vmem>>, vector<1x16xf32>,
        %parallel_loop3A_854 = arith.index_cast %parallel_loop3A_450 : i32 to index
        %parallel_loop3A_855 = arith.constant 560 : index
        %parallel_loop3A_856 = tpu.vector_load %arg16[%parallel_loop3A_854, %parallel_loop3A_855] {strides = array<i32>} : memref<48x768xf32, #tpu.memory_space<vmem>>, vector<1x16xf32>,
        %parallel_loop3A_857 = vector.shape_cast %parallel_loop3A_856 : vector<1x16xf32> to vector<16xf32>
        %parallel_loop3A_858 = arith.addf %parallel_loop3A_857, %get3A_436 : vector<16xf32>
        %parallel_loop3A_859 = arith.index_cast %parallel_loop3A_450 : i32 to index
        %parallel_loop3A_860 = arith.constant 560 : index
        %parallel_loop3A_861 = tpu.vector_load %arg16[%parallel_loop3A_859, %parallel_loop3A_860] {strides = array<i32>} : memref<48x768xf32, #tpu.memory_space<vmem>>, vector<1x16xf32>,
        %parallel_loop3A_862 = vector.shape_cast %parallel_loop3A_861 : vector<1x16xf32> to vector<16xf32>
        %parallel_loop3A_863 = vector.shape_cast %parallel_loop3A_858 : vector<16xf32> to vector<1x16xf32>
        tpu.vector_store %arg16[%parallel_loop3A_859, %parallel_loop3A_860], %parallel_loop3A_863 {strides = array<i32>} : memref<48x768xf32, #tpu.memory_space<vmem>>, vector<1x16xf32>,
        %parallel_loop3A_864 = arith.index_cast %parallel_loop3A_450 : i32 to index
        %parallel_loop3A_865 = arith.constant 576 : index
        %parallel_loop3A_866 = tpu.vector_load %arg16[%parallel_loop3A_864, %parallel_loop3A_865] {strides = array<i32>} : memref<48x768xf32, #tpu.memory_space<vmem>>, vector<1x16xf32>,
        %parallel_loop3A_867 = vector.shape_cast %parallel_loop3A_866 : vector<1x16xf32> to vector<16xf32>
        %parallel_loop3A_868 = arith.index_cast %parallel_loop3A_455 : i32 to index
        %parallel_loop3A_869 = arith.constant 0 : index
        %parallel_loop3A_870 = tpu.vector_load %arg12[%parallel_loop3A_868, %parallel_loop3A_869] {strides = array<i32>} : memref<32x192xf32, #tpu.memory_space<vmem>>, vector<1x16xf32>,
        %parallel_loop3A_871 = vector.shape_cast %parallel_loop3A_870 : vector<1x16xf32> to vector<16xf32>
        %parallel_loop3A_872 = arith.addf %parallel_loop3A_867, %parallel_loop3A_871 : vector<16xf32>
        %parallel_loop3A_873 = arith.index_cast %parallel_loop3A_450 : i32 to index
        %parallel_loop3A_874 = arith.constant 576 : index
        %parallel_loop3A_875 = tpu.vector_load %arg16[%parallel_loop3A_873, %parallel_loop3A_874] {strides = array<i32>} : memref<48x768xf32, #tpu.memory_space<vmem>>, vector<1x16xf32>,
        %parallel_loop3A_876 = vector.shape_cast %parallel_loop3A_875 : vector<1x16xf32> to vector<16xf32>
        %parallel_loop3A_877 = vector.shape_cast %parallel_loop3A_872 : vector<16xf32> to vector<1x16xf32>
        tpu.vector_store %arg16[%parallel_loop3A_873, %parallel_loop3A_874], %parallel_loop3A_877 {strides = array<i32>} : memref<48x768xf32, #tpu.memory_space<vmem>>, vector<1x16xf32>,
        %parallel_loop3A_878 = arith.index_cast %parallel_loop3A_450 : i32 to index
        %parallel_loop3A_879 = arith.constant 592 : index
        %parallel_loop3A_880 = tpu.vector_load %arg16[%parallel_loop3A_878, %parallel_loop3A_879] {strides = array<i32>} : memref<48x768xf32, #tpu.memory_space<vmem>>, vector<1x16xf32>,
        %parallel_loop3A_881 = vector.shape_cast %parallel_loop3A_880 : vector<1x16xf32> to vector<16xf32>
        %parallel_loop3A_882 = arith.index_cast %parallel_loop3A_455 : i32 to index
        %parallel_loop3A_883 = arith.constant 16 : index
        %parallel_loop3A_884 = tpu.vector_load %arg12[%parallel_loop3A_882, %parallel_loop3A_883] {strides = array<i32>} : memref<32x192xf32, #tpu.memory_space<vmem>>, vector<1x16xf32>,
        %parallel_loop3A_885 = vector.shape_cast %parallel_loop3A_884 : vector<1x16xf32> to vector<16xf32>
        %parallel_loop3A_886 = arith.addf %parallel_loop3A_881, %parallel_loop3A_885 : vector<16xf32>
        %parallel_loop3A_887 = arith.index_cast %parallel_loop3A_450 : i32 to index
        %parallel_loop3A_888 = arith.constant 592 : index
        %parallel_loop3A_889 = tpu.vector_load %arg16[%parallel_loop3A_887, %parallel_loop3A_888] {strides = array<i32>} : memref<48x768xf32, #tpu.memory_space<vmem>>, vector<1x16xf32>,
        %parallel_loop3A_890 = vector.shape_cast %parallel_loop3A_889 : vector<1x16xf32> to vector<16xf32>
        %parallel_loop3A_891 = vector.shape_cast %parallel_loop3A_886 : vector<16xf32> to vector<1x16xf32>
        tpu.vector_store %arg16[%parallel_loop3A_887, %parallel_loop3A_888], %parallel_loop3A_891 {strides = array<i32>} : memref<48x768xf32, #tpu.memory_space<vmem>>, vector<1x16xf32>,
        %parallel_loop3A_892 = arith.index_cast %parallel_loop3A_450 : i32 to index
        %parallel_loop3A_893 = arith.constant 608 : index
        %parallel_loop3A_894 = tpu.vector_load %arg16[%parallel_loop3A_892, %parallel_loop3A_893] {strides = array<i32>} : memref<48x768xf32, #tpu.memory_space<vmem>>, vector<1x16xf32>,
        %parallel_loop3A_895 = vector.shape_cast %parallel_loop3A_894 : vector<1x16xf32> to vector<16xf32>
        %parallel_loop3A_896 = arith.index_cast %parallel_loop3A_455 : i32 to index
        %parallel_loop3A_897 = arith.constant 32 : index
        %parallel_loop3A_898 = tpu.vector_load %arg12[%parallel_loop3A_896, %parallel_loop3A_897] {strides = array<i32>} : memref<32x192xf32, #tpu.memory_space<vmem>>, vector<1x16xf32>,
        %parallel_loop3A_899 = vector.shape_cast %parallel_loop3A_898 : vector<1x16xf32> to vector<16xf32>
        %parallel_loop3A_900 = arith.addf %parallel_loop3A_895, %parallel_loop3A_899 : vector<16xf32>
        %parallel_loop3A_901 = arith.index_cast %parallel_loop3A_450 : i32 to index
        %parallel_loop3A_902 = arith.constant 608 : index
        %parallel_loop3A_903 = tpu.vector_load %arg16[%parallel_loop3A_901, %parallel_loop3A_902] {strides = array<i32>} : memref<48x768xf32, #tpu.memory_space<vmem>>, vector<1x16xf32>,
        %parallel_loop3A_904 = vector.shape_cast %parallel_loop3A_903 : vector<1x16xf32> to vector<16xf32>
        %parallel_loop3A_905 = vector.shape_cast %parallel_loop3A_900 : vector<16xf32> to vector<1x16xf32>
        tpu.vector_store %arg16[%parallel_loop3A_901, %parallel_loop3A_902], %parallel_loop3A_905 {strides = array<i32>} : memref<48x768xf32, #tpu.memory_space<vmem>>, vector<1x16xf32>,
        %parallel_loop3A_906 = arith.index_cast %parallel_loop3A_450 : i32 to index
        %parallel_loop3A_907 = arith.constant 624 : index
        %parallel_loop3A_908 = tpu.vector_load %arg16[%parallel_loop3A_906, %parallel_loop3A_907] {strides = array<i32>} : memref<48x768xf32, #tpu.memory_space<vmem>>, vector<1x16xf32>,
        %parallel_loop3A_909 = vector.shape_cast %parallel_loop3A_908 : vector<1x16xf32> to vector<16xf32>
        %parallel_loop3A_910 = arith.index_cast %parallel_loop3A_455 : i32 to index
        %parallel_loop3A_911 = arith.constant 48 : index
        %parallel_loop3A_912 = tpu.vector_load %arg12[%parallel_loop3A_910, %parallel_loop3A_911] {strides = array<i32>} : memref<32x192xf32, #tpu.memory_space<vmem>>, vector<1x16xf32>,
        %parallel_loop3A_913 = vector.shape_cast %parallel_loop3A_912 : vector<1x16xf32> to vector<16xf32>
        %parallel_loop3A_914 = arith.addf %parallel_loop3A_909, %parallel_loop3A_913 : vector<16xf32>
        %parallel_loop3A_915 = arith.index_cast %parallel_loop3A_450 : i32 to index
        %parallel_loop3A_916 = arith.constant 624 : index
        %parallel_loop3A_917 = tpu.vector_load %arg16[%parallel_loop3A_915, %parallel_loop3A_916] {strides = array<i32>} : memref<48x768xf32, #tpu.memory_space<vmem>>, vector<1x16xf32>,
        %parallel_loop3A_918 = vector.shape_cast %parallel_loop3A_917 : vector<1x16xf32> to vector<16xf32>
        %parallel_loop3A_919 = vector.shape_cast %parallel_loop3A_914 : vector<16xf32> to vector<1x16xf32>
        tpu.vector_store %arg16[%parallel_loop3A_915, %parallel_loop3A_916], %parallel_loop3A_919 {strides = array<i32>} : memref<48x768xf32, #tpu.memory_space<vmem>>, vector<1x16xf32>,
        %parallel_loop3A_920 = arith.index_cast %parallel_loop3A_450 : i32 to index
        %parallel_loop3A_921 = arith.constant 640 : index
        %parallel_loop3A_922 = tpu.vector_load %arg16[%parallel_loop3A_920, %parallel_loop3A_921] {strides = array<i32>} : memref<48x768xf32, #tpu.memory_space<vmem>>, vector<1x16xf32>,
        %parallel_loop3A_923 = vector.shape_cast %parallel_loop3A_922 : vector<1x16xf32> to vector<16xf32>
        %parallel_loop3A_924 = arith.index_cast %parallel_loop3A_455 : i32 to index
        %parallel_loop3A_925 = arith.constant 64 : index
        %parallel_loop3A_926 = tpu.vector_load %arg12[%parallel_loop3A_924, %parallel_loop3A_925] {strides = array<i32>} : memref<32x192xf32, #tpu.memory_space<vmem>>, vector<1x16xf32>,
        %parallel_loop3A_927 = vector.shape_cast %parallel_loop3A_926 : vector<1x16xf32> to vector<16xf32>
        %parallel_loop3A_928 = arith.addf %parallel_loop3A_923, %parallel_loop3A_927 : vector<16xf32>
        %parallel_loop3A_929 = arith.index_cast %parallel_loop3A_450 : i32 to index
        %parallel_loop3A_930 = arith.constant 640 : index
        %parallel_loop3A_931 = tpu.vector_load %arg16[%parallel_loop3A_929, %parallel_loop3A_930] {strides = array<i32>} : memref<48x768xf32, #tpu.memory_space<vmem>>, vector<1x16xf32>,
        %parallel_loop3A_932 = vector.shape_cast %parallel_loop3A_931 : vector<1x16xf32> to vector<16xf32>
        %parallel_loop3A_933 = vector.shape_cast %parallel_loop3A_928 : vector<16xf32> to vector<1x16xf32>
        tpu.vector_store %arg16[%parallel_loop3A_929, %parallel_loop3A_930], %parallel_loop3A_933 {strides = array<i32>} : memref<48x768xf32, #tpu.memory_space<vmem>>, vector<1x16xf32>,
        %parallel_loop3A_934 = arith.index_cast %parallel_loop3A_450 : i32 to index
        %parallel_loop3A_935 = arith.constant 656 : index
        %parallel_loop3A_936 = tpu.vector_load %arg16[%parallel_loop3A_934, %parallel_loop3A_935] {strides = array<i32>} : memref<48x768xf32, #tpu.memory_space<vmem>>, vector<1x16xf32>,
        %parallel_loop3A_937 = vector.shape_cast %parallel_loop3A_936 : vector<1x16xf32> to vector<16xf32>
        %parallel_loop3A_938 = arith.index_cast %parallel_loop3A_455 : i32 to index
        %parallel_loop3A_939 = arith.constant 80 : index
        %parallel_loop3A_940 = tpu.vector_load %arg12[%parallel_loop3A_938, %parallel_loop3A_939] {strides = array<i32>} : memref<32x192xf32, #tpu.memory_space<vmem>>, vector<1x16xf32>,
        %parallel_loop3A_941 = vector.shape_cast %parallel_loop3A_940 : vector<1x16xf32> to vector<16xf32>
        %parallel_loop3A_942 = arith.addf %parallel_loop3A_937, %parallel_loop3A_941 : vector<16xf32>
        %parallel_loop3A_943 = arith.index_cast %parallel_loop3A_450 : i32 to index
        %parallel_loop3A_944 = arith.constant 656 : index
        %parallel_loop3A_945 = tpu.vector_load %arg16[%parallel_loop3A_943, %parallel_loop3A_944] {strides = array<i32>} : memref<48x768xf32, #tpu.memory_space<vmem>>, vector<1x16xf32>,
        %parallel_loop3A_946 = vector.shape_cast %parallel_loop3A_945 : vector<1x16xf32> to vector<16xf32>
        %parallel_loop3A_947 = vector.shape_cast %parallel_loop3A_942 : vector<16xf32> to vector<1x16xf32>
        tpu.vector_store %arg16[%parallel_loop3A_943, %parallel_loop3A_944], %parallel_loop3A_947 {strides = array<i32>} : memref<48x768xf32, #tpu.memory_space<vmem>>, vector<1x16xf32>,
        %parallel_loop3A_948 = arith.index_cast %parallel_loop3A_450 : i32 to index
        %parallel_loop3A_949 = arith.constant 672 : index
        %parallel_loop3A_950 = tpu.vector_load %arg16[%parallel_loop3A_948, %parallel_loop3A_949] {strides = array<i32>} : memref<48x768xf32, #tpu.memory_space<vmem>>, vector<1x16xf32>,
        %parallel_loop3A_951 = vector.shape_cast %parallel_loop3A_950 : vector<1x16xf32> to vector<16xf32>
        %parallel_loop3A_952 = arith.index_cast %parallel_loop3A_455 : i32 to index
        %parallel_loop3A_953 = arith.constant 96 : index
        %parallel_loop3A_954 = tpu.vector_load %arg12[%parallel_loop3A_952, %parallel_loop3A_953] {strides = array<i32>} : memref<32x192xf32, #tpu.memory_space<vmem>>, vector<1x16xf32>,
        %parallel_loop3A_955 = vector.shape_cast %parallel_loop3A_954 : vector<1x16xf32> to vector<16xf32>
        %parallel_loop3A_956 = arith.addf %parallel_loop3A_951, %parallel_loop3A_955 : vector<16xf32>
        %parallel_loop3A_957 = arith.index_cast %parallel_loop3A_450 : i32 to index
        %parallel_loop3A_958 = arith.constant 672 : index
        %parallel_loop3A_959 = tpu.vector_load %arg16[%parallel_loop3A_957, %parallel_loop3A_958] {strides = array<i32>} : memref<48x768xf32, #tpu.memory_space<vmem>>, vector<1x16xf32>,
        %parallel_loop3A_960 = vector.shape_cast %parallel_loop3A_959 : vector<1x16xf32> to vector<16xf32>
        %parallel_loop3A_961 = vector.shape_cast %parallel_loop3A_956 : vector<16xf32> to vector<1x16xf32>
        tpu.vector_store %arg16[%parallel_loop3A_957, %parallel_loop3A_958], %parallel_loop3A_961 {strides = array<i32>} : memref<48x768xf32, #tpu.memory_space<vmem>>, vector<1x16xf32>,
        %parallel_loop3A_962 = arith.index_cast %parallel_loop3A_450 : i32 to index
        %parallel_loop3A_963 = arith.constant 688 : index
        %parallel_loop3A_964 = tpu.vector_load %arg16[%parallel_loop3A_962, %parallel_loop3A_963] {strides = array<i32>} : memref<48x768xf32, #tpu.memory_space<vmem>>, vector<1x16xf32>,
        %parallel_loop3A_965 = vector.shape_cast %parallel_loop3A_964 : vector<1x16xf32> to vector<16xf32>
        %parallel_loop3A_966 = arith.index_cast %parallel_loop3A_455 : i32 to index
        %parallel_loop3A_967 = arith.constant 112 : index
        %parallel_loop3A_968 = tpu.vector_load %arg12[%parallel_loop3A_966, %parallel_loop3A_967] {strides = array<i32>} : memref<32x192xf32, #tpu.memory_space<vmem>>, vector<1x16xf32>,
        %parallel_loop3A_969 = vector.shape_cast %parallel_loop3A_968 : vector<1x16xf32> to vector<16xf32>
        %parallel_loop3A_970 = arith.addf %parallel_loop3A_965, %parallel_loop3A_969 : vector<16xf32>
        %parallel_loop3A_971 = arith.index_cast %parallel_loop3A_450 : i32 to index
        %parallel_loop3A_972 = arith.constant 688 : index
        %parallel_loop3A_973 = tpu.vector_load %arg16[%parallel_loop3A_971, %parallel_loop3A_972] {strides = array<i32>} : memref<48x768xf32, #tpu.memory_space<vmem>>, vector<1x16xf32>,
        %parallel_loop3A_974 = vector.shape_cast %parallel_loop3A_973 : vector<1x16xf32> to vector<16xf32>
        %parallel_loop3A_975 = vector.shape_cast %parallel_loop3A_970 : vector<16xf32> to vector<1x16xf32>
        tpu.vector_store %arg16[%parallel_loop3A_971, %parallel_loop3A_972], %parallel_loop3A_975 {strides = array<i32>} : memref<48x768xf32, #tpu.memory_space<vmem>>, vector<1x16xf32>,
        %parallel_loop3A_976 = arith.index_cast %parallel_loop3A_450 : i32 to index
        %parallel_loop3A_977 = arith.constant 704 : index
        %parallel_loop3A_978 = tpu.vector_load %arg16[%parallel_loop3A_976, %parallel_loop3A_977] {strides = array<i32>} : memref<48x768xf32, #tpu.memory_space<vmem>>, vector<1x16xf32>,
        %parallel_loop3A_979 = vector.shape_cast %parallel_loop3A_978 : vector<1x16xf32> to vector<16xf32>
        %parallel_loop3A_980 = arith.index_cast %parallel_loop3A_455 : i32 to index
        %parallel_loop3A_981 = arith.constant 128 : index
        %parallel_loop3A_982 = tpu.vector_load %arg12[%parallel_loop3A_980, %parallel_loop3A_981] {strides = array<i32>} : memref<32x192xf32, #tpu.memory_space<vmem>>, vector<1x16xf32>,
        %parallel_loop3A_983 = vector.shape_cast %parallel_loop3A_982 : vector<1x16xf32> to vector<16xf32>
        %parallel_loop3A_984 = arith.addf %parallel_loop3A_979, %parallel_loop3A_983 : vector<16xf32>
        %parallel_loop3A_985 = arith.index_cast %parallel_loop3A_450 : i32 to index
        %parallel_loop3A_986 = arith.constant 704 : index
        %parallel_loop3A_987 = tpu.vector_load %arg16[%parallel_loop3A_985, %parallel_loop3A_986] {strides = array<i32>} : memref<48x768xf32, #tpu.memory_space<vmem>>, vector<1x16xf32>,
        %parallel_loop3A_988 = vector.shape_cast %parallel_loop3A_987 : vector<1x16xf32> to vector<16xf32>
        %parallel_loop3A_989 = vector.shape_cast %parallel_loop3A_984 : vector<16xf32> to vector<1x16xf32>
        tpu.vector_store %arg16[%parallel_loop3A_985, %parallel_loop3A_986], %parallel_loop3A_989 {strides = array<i32>} : memref<48x768xf32, #tpu.memory_space<vmem>>, vector<1x16xf32>,
        %parallel_loop3A_990 = arith.index_cast %parallel_loop3A_450 : i32 to index
        %parallel_loop3A_991 = arith.constant 720 : index
        %parallel_loop3A_992 = tpu.vector_load %arg16[%parallel_loop3A_990, %parallel_loop3A_991] {strides = array<i32>} : memref<48x768xf32, #tpu.memory_space<vmem>>, vector<1x16xf32>,
        %parallel_loop3A_993 = vector.shape_cast %parallel_loop3A_992 : vector<1x16xf32> to vector<16xf32>
        %parallel_loop3A_994 = arith.index_cast %parallel_loop3A_455 : i32 to index
        %parallel_loop3A_995 = arith.constant 144 : index
        %parallel_loop3A_996 = tpu.vector_load %arg12[%parallel_loop3A_994, %parallel_loop3A_995] {strides = array<i32>} : memref<32x192xf32, #tpu.memory_space<vmem>>, vector<1x16xf32>,
        %parallel_loop3A_997 = vector.shape_cast %parallel_loop3A_996 : vector<1x16xf32> to vector<16xf32>
        %parallel_loop3A_998 = arith.addf %parallel_loop3A_993, %parallel_loop3A_997 : vector<16xf32>
        %parallel_loop3A_999 = arith.index_cast %parallel_loop3A_450 : i32 to index
        %parallel_loop3A_1000 = arith.constant 720 : index
        %parallel_loop3A_1001 = tpu.vector_load %arg16[%parallel_loop3A_999, %parallel_loop3A_1000] {strides = array<i32>} : memref<48x768xf32, #tpu.memory_space<vmem>>, vector<1x16xf32>,
        %parallel_loop3A_1002 = vector.shape_cast %parallel_loop3A_1001 : vector<1x16xf32> to vector<16xf32>
        %parallel_loop3A_1003 = vector.shape_cast %parallel_loop3A_998 : vector<16xf32> to vector<1x16xf32>
        tpu.vector_store %arg16[%parallel_loop3A_999, %parallel_loop3A_1000], %parallel_loop3A_1003 {strides = array<i32>} : memref<48x768xf32, #tpu.memory_space<vmem>>, vector<1x16xf32>,
        %parallel_loop3A_1004 = arith.index_cast %parallel_loop3A_450 : i32 to index
        %parallel_loop3A_1005 = arith.constant 736 : index
        %parallel_loop3A_1006 = tpu.vector_load %arg16[%parallel_loop3A_1004, %parallel_loop3A_1005] {strides = array<i32>} : memref<48x768xf32, #tpu.memory_space<vmem>>, vector<1x16xf32>,
        %parallel_loop3A_1007 = vector.shape_cast %parallel_loop3A_1006 : vector<1x16xf32> to vector<16xf32>
        %parallel_loop3A_1008 = arith.index_cast %parallel_loop3A_455 : i32 to index
        %parallel_loop3A_1009 = arith.constant 160 : index
        %parallel_loop3A_1010 = tpu.vector_load %arg12[%parallel_loop3A_1008, %parallel_loop3A_1009] {strides = array<i32>} : memref<32x192xf32, #tpu.memory_space<vmem>>, vector<1x16xf32>,
        %parallel_loop3A_1011 = vector.shape_cast %parallel_loop3A_1010 : vector<1x16xf32> to vector<16xf32>
        %parallel_loop3A_1012 = arith.addf %parallel_loop3A_1007, %parallel_loop3A_1011 : vector<16xf32>
        %parallel_loop3A_1013 = arith.index_cast %parallel_loop3A_450 : i32 to index
        %parallel_loop3A_1014 = arith.constant 736 : index
        %parallel_loop3A_1015 = tpu.vector_load %arg16[%parallel_loop3A_1013, %parallel_loop3A_1014] {strides = array<i32>} : memref<48x768xf32, #tpu.memory_space<vmem>>, vector<1x16xf32>,
        %parallel_loop3A_1016 = vector.shape_cast %parallel_loop3A_1015 : vector<1x16xf32> to vector<16xf32>
        %parallel_loop3A_1017 = vector.shape_cast %parallel_loop3A_1012 : vector<16xf32> to vector<1x16xf32>
        tpu.vector_store %arg16[%parallel_loop3A_1013, %parallel_loop3A_1014], %parallel_loop3A_1017 {strides = array<i32>} : memref<48x768xf32, #tpu.memory_space<vmem>>, vector<1x16xf32>,
        %parallel_loop3A_1018 = arith.index_cast %parallel_loop3A_450 : i32 to index
        %parallel_loop3A_1019 = arith.constant 752 : index
        %parallel_loop3A_1020 = tpu.vector_load %arg16[%parallel_loop3A_1018, %parallel_loop3A_1019] {strides = array<i32>} : memref<48x768xf32, #tpu.memory_space<vmem>>, vector<1x16xf32>,
        %parallel_loop3A_1021 = vector.shape_cast %parallel_loop3A_1020 : vector<1x16xf32> to vector<16xf32>
        %parallel_loop3A_1022 = arith.index_cast %parallel_loop3A_455 : i32 to index
        %parallel_loop3A_1023 = arith.constant 176 : index
        %parallel_loop3A_1024 = tpu.vector_load %arg12[%parallel_loop3A_1022, %parallel_loop3A_1023] {strides = array<i32>} : memref<32x192xf32, #tpu.memory_space<vmem>>, vector<1x16xf32>,
        %parallel_loop3A_1025 = vector.shape_cast %parallel_loop3A_1024 : vector<1x16xf32> to vector<16xf32>
        %parallel_loop3A_1026 = arith.addf %parallel_loop3A_1021, %parallel_loop3A_1025 : vector<16xf32>
        %parallel_loop3A_1027 = arith.index_cast %parallel_loop3A_450 : i32 to index
        %parallel_loop3A_1028 = arith.constant 752 : index
        %parallel_loop3A_1029 = tpu.vector_load %arg16[%parallel_loop3A_1027, %parallel_loop3A_1028] {strides = array<i32>} : memref<48x768xf32, #tpu.memory_space<vmem>>, vector<1x16xf32>,
        %parallel_loop3A_1030 = vector.shape_cast %parallel_loop3A_1029 : vector<1x16xf32> to vector<16xf32>
        %parallel_loop3A_1031 = vector.shape_cast %parallel_loop3A_1026 : vector<16xf32> to vector<1x16xf32>
        tpu.vector_store %arg16[%parallel_loop3A_1027, %parallel_loop3A_1028], %parallel_loop3A_1031 {strides = array<i32>} : memref<48x768xf32, #tpu.memory_space<vmem>>, vector<1x16xf32>,
      } {sc.loop_unroll_factor = 1 : i64, sc.parallel_access}
      %mul3A_442 = arith.constant 48 : i32
      %mul3A_443 = arith.muli %add3A_320, %mul3A_442 : i32
      %add3A_444 = arith.addi %mul3A_18, %mul3A_443 : i32
      %dma_start3A_445 = arith.constant 0 : i32
      %dma_start3A_446 = tpu.memref_slice %arg8[%add3A_444, %dma_start3A_445] : memref<36864x768xf32, #tpu.memory_space<hbm>> -> memref<48x768xf32, #tpu.memory_space<hbm>>
      %dma_start3A_447 = arith.constant 0 : i32
      %dma_start3A_448 = tpu.memref_slice %arg8[%add3A_444, %dma_start3A_447] : memref<36864x768xf32, #tpu.memory_space<hbm>> -> memref<48x768xf32, #tpu.memory_space<hbm>>
      tpu.enqueue_dma source(%arg16 : memref<48x768xf32, #tpu.memory_space<vmem>>) target(%dma_start3A_448 : memref<48x768xf32, #tpu.memory_space<hbm>>) target_semaphore(%arg22 : memref<!tpu.dma_semaphore, #tpu.memory_space<semaphore_mem>>)
      %scan3A_449 = arith.constant 0 : i32
      scf.yield %scan3A_449 : i32
    }
    %scan3A_38 = arith.constant 8 : i32
    %add3A_39 = arith.constant 1008 : i32
    %add3A_40 = arith.addi %mul3A_18, %add3A_39 : i32
    %dma_wait3A_41 = arith.constant 0 : i32
    %dma_wait3A_42 = tpu.memref_slice %arg8[%add3A_40, %dma_wait3A_41] : memref<36864x768xf32, #tpu.memory_space<hbm>> -> memref<48x768xf32, #tpu.memory_space<hbm>>
    %dma_wait3A_43 = arith.constant 0 : i32
    %dma_wait3A_44 = tpu.memref_slice %arg8[%add3A_40, %dma_wait3A_43] : memref<36864x768xf32, #tpu.memory_space<hbm>> -> memref<48x768xf32, #tpu.memory_space<hbm>>
    tpu.wait_dma2 semaphore(%arg20 : memref<!tpu.dma_semaphore, #tpu.memory_space<semaphore_mem>>) src(%arg14 : memref<48x768xf32, #tpu.memory_space<vmem>>) dst(%dma_wait3A_44 : memref<48x768xf32, #tpu.memory_space<hbm>>)
    %add3A_45 = arith.constant 1056 : i32
    %add3A_46 = arith.addi %mul3A_18, %add3A_45 : i32
    %dma_wait3A_47 = arith.constant 0 : i32
    %dma_wait3A_48 = tpu.memref_slice %arg8[%add3A_46, %dma_wait3A_47] : memref<36864x768xf32, #tpu.memory_space<hbm>> -> memref<48x768xf32, #tpu.memory_space<hbm>>
    %dma_wait3A_49 = arith.constant 0 : i32
    %dma_wait3A_50 = tpu.memref_slice %arg8[%add3A_46, %dma_wait3A_49] : memref<36864x768xf32, #tpu.memory_space<hbm>> -> memref<48x768xf32, #tpu.memory_space<hbm>>
    tpu.wait_dma2 semaphore(%arg21 : memref<!tpu.dma_semaphore, #tpu.memory_space<semaphore_mem>>) src(%arg15 : memref<48x768xf32, #tpu.memory_space<vmem>>) dst(%dma_wait3A_50 : memref<48x768xf32, #tpu.memory_space<hbm>>)
    %add3A_51 = arith.constant 1104 : i32
    %add3A_52 = arith.addi %mul3A_18, %add3A_51 : i32
    %dma_wait3A_53 = arith.constant 0 : i32
    %dma_wait3A_54 = tpu.memref_slice %arg8[%add3A_52, %dma_wait3A_53] : memref<36864x768xf32, #tpu.memory_space<hbm>> -> memref<48x768xf32, #tpu.memory_space<hbm>>
    %dma_wait3A_55 = arith.constant 0 : i32
    %dma_wait3A_56 = tpu.memref_slice %arg8[%add3A_52, %dma_wait3A_55] : memref<36864x768xf32, #tpu.memory_space<hbm>> -> memref<48x768xf32, #tpu.memory_space<hbm>>
    tpu.wait_dma2 semaphore(%arg22 : memref<!tpu.dma_semaphore, #tpu.memory_space<semaphore_mem>>) src(%arg16 : memref<48x768xf32, #tpu.memory_space<vmem>>) dst(%dma_wait3A_56 : memref<48x768xf32, #tpu.memory_space<hbm>>)
    return
  }
}

</mosaic_0001>

<sc_bundles>
// kernel: _sc_call.3.cloned.1.call-start
scs
__scs_entry_jumppad:
0x0: {  	(pc) =	sbr.rel $0x88, $3  }
0x1: {  	(tag) =	ssettag $0x0;
	lr =	simm.s32 $0x1  }
0x2: {  	[smem:$0x3F9B] =	sst lr;
	_ =	strace $0xD0000000  }
0x3: {  	_ = 	snop  }
0x4: {  	_ = 	snop  }
0x5: {  	_ = 	snop  }
0x6: {  	_ = 	snop  }
0x7: {  	_ = 	snop  }
__scs_overlays_trampoline_lowered:
0x8: {  	[smem:$0x3FAA] =	sst s0  }
0x9: {  	[smem:$0x3FAB] =	sst s1  }
0xa: {  	[smem:$0x3FAC] =	sst s2  }
0xb: {  	[smem:$0x3FAD] =	sst s3  }
0xc: {  	[smem:$0x3FAE] =	sst s4  }
0xd: {  	[smem:$0x3FAF] =	sst s5  }
0xe: {  	[smem:$0x3FB0] =	sst s6  }
0xf: {  	[smem:$0x3FB1] =	sst s7  }
0x10: {  	[smem:$0x3FB2] =	sst s8  }
0x11: {  	[smem:$0x3FB3] =	sst s9;
	s0 =	simm.s32 @!p0 $0x0  }
0x12: {  	s1 =	sld [smem:$0x3F99];
	s0 =	simm.s32 @p0 $0x1  }
0x13: {  	[smem:$0x3FB4] =	sst s0;
	s0 =	simm.s32 @!p1 $0x0  }
0x14: {  	s2 =	sld [smem:$0x3F98];
	s0 =	simm.s32 @p1 $0x1  }
0x15: {  	[smem:$0x3FB5] =	sst s0;
	s0 =	simm.s32 @!p2 $0x0  }
0x16: {  	s3 =	sld [smem:$0x3FDB];
	s0 =	simm.s32 @p2 $0x1  }
0x17: {  	s4 =	simm.s32 $0x1BF5;
	[smem:$0x3FB7] =	sst s0  }
0x18: {  	s0 =	sld [smem:$0x3F9A];
	_ =	swait.ge [sflag:s4], $0x0  }
0x19: {  	s7 =	sld [smem:$0x3F9B]  }
0x1a: {  	s8 =	sadd.s32 $0xFFFFE003, lr  }
0x1b: {  	s9 =	sadd.s32 $0xFFFFFEF7, lr;
	s5 =	simm.s32 $0xFFFFFFFF;
	p2 =	slt.u32 s8, $0xFFFFF086  }
0x1c: {  	p1 =	slt.u32 s9, $0xF7A;
	s5 =	simm.s32 @!p2 $0x0  }
0x1d: {  	s5 =	simm.s32 @p1 $0x1;
	p0 =	seq.s32 s7, s2  }
0x1e: {  	s7 =	smul.u32 @!p0 $0xF7A, s2;
	p2 =	seq.s32 @!p0 s5, $0x0  }
0x1f: {  	s9 =	smul.u32 $0xF7A, s1;
	s8 =	simm.s32 @!p0 $0x1BF5;
	p2 =	por !p2, p0  }
0x20: {  	[sflag:s8] =	ssyncset.s32 @!p0 $0xFFFFF086;
	s6 =	sadd.s32 @!p0 s3, s7;
	s7 =	simm.s32 @!p0 $0x108  }
0x21: {  	s3 =	sadd.s32 s3, s9;
	s6 =	sadd.s32 @!p0 $0x88, s6;
	s7 =	simm.s32 @p2 $0x1082  }
0x22: {  	[simem:s7], [sflag:s8] =	dma.local @!p0 [hbm:s6], $0xF7A  }
0x23: {  	s9 =	sor.u32 $0xD0000000, s2;
	s6 =	simm.s32 $0x108;
	_ =	swait.ge @!p0 [sflag:s8], $0x0  }
0x24: {  	s3 =	sadd.s32 $0x88, s3;
	s6 =	simm.s32 @!p1 $0x1082;
	[sflag:s4] =	ssyncset.s32 $0xFFFFF086  }
0x25: {  	[simem:s6], [sflag:s4] =	dma.local [hbm:s3], $0xF7A  }
0x26: {  	[smem:$0x3F9B] =	sst s1;
	(tag) =	ssettag s2;
	_ =	strace s9  }
0x27: {  	s1 =	sld [smem:$0x3FAB]  }
0x28: {  	s2 =	sld [smem:$0x3FAC]  }
0x29: {  	s4 =	sld [smem:$0x3FAE]  }
0x2a: {  	p0 =	seq.s32 s5, $0x0;
	s5 =	sld [smem:$0x3FAF]  }
0x2b: {  	s6 =	sld [smem:$0x3FB0]  }
0x2c: {  	s7 =	sld [smem:$0x3FB1]  }
0x2d: {  	s3 =	simm.s32 $0x108;
	s8 =	sld [smem:$0x3FB2]  }
0x2e: {  	s3 =	simm.s32 @!p0 $0x1082;
	s9 =	sld [smem:$0x3FB3]  }
0x2f: {  	lr =	sadd.s32 s0, s3;
	s0 =	sld [smem:$0x3FAA]  }
0x30: {  	s3 =	sld [smem:$0x3FAD]  }
0x31: {  	[smem:$0x3FB6] =	sst s10  }
0x32: {  	s10 =	sld [smem:$0x3FB4];
	_ =	sdelay $0x3  }
0x33: {  	p0 =	seq.s32 s10, $0x1;
	s10 =	sld [smem:$0x3FB6];
	_ =	sdelay $0x3  }
0x34: {  	[smem:$0x3FB6] =	sst s10  }
0x35: {  	s10 =	sld [smem:$0x3FB5];
	_ =	sdelay $0x3  }
0x36: {  	p1 =	seq.s32 s10, $0x1;
	s10 =	sld [smem:$0x3FB6];
	_ =	sdelay $0x3  }
0x37: {  	[smem:$0x3FB6] =	sst s10  }
0x38: {  	s10 =	sld [smem:$0x3FB7]  }
0x39: {  	_ = 	snop;
	(pc) =	sbr.ind lr, $3  }
0x3a: {  	_ = 	snop  }
0x3b: {  	_ = 	snop  }
0x3c: {  	p2 =	seq.s32 s10, $0x1;
	s10 =	sld [smem:$0x3FB6]  }
0x3d: {  	_ =	shalt  }
0x3e: {  	_ =	shalt  }
0x3f: {  	_ =	shalt  }
0x40: {  	_ =	shalt  }
0x41: {  	_ =	shalt  }
0x42: {  	_ =	shalt  }
0x43: {  	_ =	shalt  }
0x44: {  	_ =	shalt  }
0x45: {  	_ =	shalt  }
0x46: {  	_ =	shalt  }
0x47: {  	_ =	shalt  }
0x48: {  	_ =	shalt  }
0x49: {  	_ =	shalt  }
0x4a: {  	_ =	shalt  }
0x4b: {  	_ =	shalt  }
0x4c: {  	_ =	shalt  }
0x4d: {  	_ =	shalt  }
0x4e: {  	_ =	shalt  }
0x4f: {  	_ =	shalt  }
0x50: {  	_ =	shalt  }
0x51: {  	_ =	shalt  }
0x52: {  	_ =	shalt  }
0x53: {  	_ =	shalt  }
0x54: {  	_ =	shalt  }
0x55: {  	_ =	shalt  }
0x56: {  	_ =	shalt  }
0x57: {  	_ =	shalt  }
0x58: {  	_ =	shalt  }
0x59: {  	_ =	shalt  }
0x5a: {  	_ =	shalt  }
0x5b: {  	_ =	shalt  }
0x5c: {  	_ =	shalt  }
0x5d: {  	_ =	shalt  }
0x5e: {  	_ =	shalt  }
0x5f: {  	_ =	shalt  }
0x60: {  	_ =	shalt  }
0x61: {  	_ =	shalt  }
0x62: {  	_ =	shalt  }
0x63: {  	_ =	shalt  }
0x64: {  	_ =	shalt  }
0x65: {  	_ =	shalt  }
0x66: {  	_ =	shalt  }
0x67: {  	_ =	shalt  }
0x68: {  	_ =	shalt  }
0x69: {  	_ =	shalt  }
0x6a: {  	_ =	shalt  }
0x6b: {  	_ =	shalt  }
0x6c: {  	_ =	shalt  }
0x6d: {  	_ =	shalt  }
0x6e: {  	_ =	shalt  }
0x6f: {  	_ =	shalt  }
0x70: {  	_ =	shalt  }
0x71: {  	_ =	shalt  }
0x72: {  	_ =	shalt  }
0x73: {  	_ =	shalt  }
0x74: {  	_ =	shalt  }
0x75: {  	_ =	shalt  }
0x76: {  	_ =	shalt  }
0x77: {  	_ =	shalt  }
0x78: {  	_ =	shalt  }
0x79: {  	_ =	shalt  }
0x7a: {  	_ =	shalt  }
0x7b: {  	_ =	shalt  }
0x7c: {  	_ =	shalt  }
0x7d: {  	_ =	shalt  }
0x7e: {  	_ =	shalt  }
0x7f: {  	_ =	shalt  }
0x80: {  	_ =	shalt  }
0x81: {  	_ =	shalt  }
0x82: {  	_ =	shalt  }
0x83: {  	_ =	shalt  }
0x84: {  	_ =	shalt  }
0x85: {  	_ =	shalt  }
0x86: {  	_ =	shalt  }
0x87: {  	_ =	shalt  }
.Lfunc_end0:
.L_simem_size_0:
called_computation_lowered:
.L_overlay_start_0:
0x88: {  	s2 =	sld [smem:$0x3FD9]  }
0x89: {  	s3 =	sld [smem:$0x3FFE];
	_ =	sdelay $0x1  }
0x8a: {  	s1 =	srdreg.scid  }
0x8b: {  	s0 =	sand.u32 $0x1, s1  }
0x8c: {  	s17 =	sshll.u32 s0, $0xA;
	s2 =	sadd.s32 s3, s2  }
0x8d: {  	s2 =	sadd.s32 s2, s17  }
0x8e: {  	[smem:$0x3FC2] =	sst s2  }
0x8f: {  	_ = 	snop  }
0x90: {  	s2 =	sld [smem:$0x3FC9]  }
0x91: {  	s18 =	sld [smem:$0x3FC8]  }
0x92: {  	s4 =	sld [smem:$0x3FC7]  }
0x93: {  	s5 =	sld [smem:$0x3FC6]  }
0x94: {  	s6 =	sld [smem:$0x3FC5]  }
0x95: {  	s7 =	sld [smem:$0x3FD0];
	(tm) =	ssettm $0x1  }
0x96: {  	s8 =	sld [smem:$0x3FFB];
	_ =	sdelay $0x3  }
0x97: {  	_ =	strace s8  }
0x98: {  	s8 =	sld [smem:$0x3FFC];
	_ =	sdelay $0x3  }
0x99: {  	_ =	strace s8  }
0x9a: {  	s8 =	sld [smem:$0x3FFD];
	_ =	sdelay $0x3  }
0x9b: {  	_ =	strace s8  }
0x9c: {  	_ =	strace $0x8FFFFFFF  }
0x9d: {  	s19 =	sld [smem:$0x3FDB];
	_ =	sdelay $0x1  }
0x9e: {  	s9 =	simm.s32 $_scs_section_size  }
0x9f: {  	s10 =	simm.s32 $_size__tile_overlayer_lowered;
	s11 =	simm.s32 $_tile_overlayer_lowered  }
0xa0: {  	s22 =	simm.s32 $0x1BFF;
	s21 =	sshll.u32 s11, $0x1;
	s8 =	sadd.s32 s9, s19  }
0xa1: {  	s12 =	simm.s32 $0x0;
	s20 =	sshll.u32 s10, $0x1;
	s10 =	sadd.s32 s21, s8  }
0xa2: {  	[timem:s12], [sflag:s22] =	dma.local [hbm:s10], s20  }
0xa3: {  	_ =	swait.ge [sflag:s22], s20  }
0xa4: {  	s9 =	ssub.s32 $0x0, s20;
	[sflag:s22] =	ssyncset.done $0x0  }
0xa5: {  	[sflag:s22] =	ssyncadd.s32 s9;
	_ =	sdelay $0x1  }
0xa6: {  	s23 =	simm.s32 $0x1B8B  }
0xa7: {  	_ =	swait.ge [sflag:s23], $0x1  }
0xa8: {  	[sflag:s23] =	ssyncset.done $0x0  }
0xa9: {  	s25 =	simm.s32 $0x1B8E;
	s24 =	sld [smem:$0x3FFE];
	[sflag:s23] =	ssyncadd.s32 $0xFFFFFFFF  }
0xaa: {  	s26 =	simm.s32 $execute0_lowered;
	[smem:$0x3FD2] =	sst s25  }
0xab: {  	s10 =	sshll.u32 s26, $0x1;
	_ =	strace $0x80000046;
	[dreg:$0x1] =	wrdreg $0xFFFFFFFF  }
0xac: {  	s28 =	simm.s32 $_size_execute0_lowered;
	s8 =	sadd.s32 s8, s10;
	[dreg:$0x0] =	wrdreg $0x0  }
0xad: {  	s10 =	sshll.u32 s28, $0x1;
	[dreg:$0x2] =	wrdreg s8  }
0xae: {  	[dreg:$0x3] =	wrdreg s10  }
0xaf: {  	[dreg:$0x4] =	wrdreg $0xC0  }
0xb0: {  	_ =	task [dreg:s12], $0x5FFFF  }
0xb1: {  	[dreg:$0x1] =	wrdreg $0xFFFFFFFF  }
0xb2: {  	[dreg:$0x0] =	wrdreg $0x60  }
0xb3: {  	[dreg:$0x2] =	wrdreg s2  }
0xb4: {  	[dreg:$0x3] =	wrdreg s18  }
0xb5: {  	[dreg:$0x4] =	wrdreg s4  }
0xb6: {  	[dreg:$0x5] =	wrdreg s5  }
0xb7: {  	[dreg:$0x6] =	wrdreg s6  }
0xb8: {  	[dreg:$0x7] =	wrdreg s24  }
0xb9: {  	[dreg:$0x8] =	wrdreg s7  }
0xba: {  	[dreg:$0x9] =	wrdreg $0x9  }
0xbb: {  	_ =	task.clear_ibuf [dreg:s12], $0xAFFFF;
	_ =	strace $0x90000046  }
0xbc: {  	s29 =	simm.s32 $0x9;
	_ =	strace $0x80000048  }
0xbd: {  	_ =	swait.ge [sflag:s29], $0x1  }
0xbe: {  	[sflag:s29] =	ssyncadd.s32 $0xFFFFFFFF  }
0xbf: {  	_ =	strace $0x90000048  }
0xc0: {  	_ =	sfence  }
0xc1: {  	s30 =	sld [smem:$0x0];
	_ =	sdelay $0x2  }
0xc2: {  	s31 =	sshll.u32 s1, $0xD;
	s1 =	sshrl.u32 s1, $0x2  }
0xc3: {  	s3 =	sand.u32 $0x4000, s31;
	s1 =	sadd.s32 s1, s30  }
0xc4: {  	s0 =	sor.u32 s3, s0;
	s1 =	sshll.u32 s1, $0x11  }
0xc5: {  	s0 =	sor.u32 s1, s0  }
0xc6: {  	s0 =	sadd.s32 $0x8F2B, s0  }
0xc7: {  	[sflag:s0] =	ssyncadd.remote.s32 $0x1  }
0xc8: {  	_ =	sfence.sel $0xFFFF  }
0xc9: {  	[dreg:$0x0] =	wrdreg $0xFFFFFFFF;
	(pc) =	sbr.abs _section_cstart, $3  }
0xca: {  	[dreg:$0x1] =	wrdreg $0xFFFFFFFF  }
0xcb: {  	_ =	task.clear_ibuf [dreg:s12], $0x2FFFF;
	_ =	strace $0x9FFFFFFF  }
0xcc: {  	(tm) =	ssettm $0x7FFFFFFF  }
0xcd: {  	_ =	shalt  }
tec
execute0_lowered:
.L_overlay_start_1:
0x0: {  	(tag) =	ssettag $0x1  }
0x1: {  	s0 =	rddreg [dreg:$0x0]  }
0x2: {  	s1 =	rddreg [dreg:$0x4];
	s2 =	srdreg.scid  }
0x3: {  	s9 =	stileid.u32;
	s3 =	rddreg [dreg:$0x5]  }
0x4: {  	s6 =	rddreg [dreg:$0x6];
	s7 =	simm.s32 $0x0;
	s22 =	simm.s32 $0xD480  }
0x5: {  	s23 =	simm.s32 $0x1;
	s2 =	sand.u32 $0x1, s2;
	s4 =	sshll.u32 s9, $0x1  }
0x6: {  	[smem:$0x7FF] =	sst s7;
	s9 =	sshrl.u32 s9, $0x1;
	s4 =	sor.u32 s2, s4  }
0x7: {  	_ =	strace $0x80000047;
	s2 =	ssub.s32 $0x2, s2;
	s29 =	sand.u32 $0x6, s9  }
0x8: {  	s8 =	smul.u32 $0x480, s4;
	s4 =	sshll.u32 s4, $0xA;
	s26 =	sshrl.u32 s2, $0x1  }
0x9: {  	s1 =	sadd.s32 s1, s29;
	s3 =	sadd.s32 s4, s3;
	s2 =	ssub.s32 s2, s26  }
0xa: {  	[dreg:$0xa] =	wrdreg s1;
	s5 =	sshrl.u32 s8, $0x3;
	s3 =	sadd.s32 $0x400, s3  }
0xb: {  	s30 =	sadd.s32 $0x90, s8;
	s5 =	smul.u32 $0x300, s5;
	[dreg:$0x9] =	wrdreg s3  }
0xc: {  	v2 =	vlaneseq.u32;
	s24 =	simm.s32 $0x16480;
	s31 =	smax.u32 s2, $0x1;
	[dreg:$0xb] =	wrdreg s30  }
0xd: {  	s25 =	simm.s32 $0x2;
	vm0 =	vmmov $0xffff;
	v1 =	vshrl.u32 v2, $0x3;
	[dreg:$0xc] =	wrdreg s31;
	s28 =	sadd.s32 s0, s5  }
0xe: {  	v0 =	vand.u32 $0x7, v2;
	v2 =	vor.u32 $0x8, v2;
	v1 =	vmul.u32 $0x8, v1;
	s26 =	simm.s32 $0x3;
	s3 =	simm.s32 $0x0;
	[dreg:$0x8] =	wrdreg s28  }
.LBB2_1:
0xf: {  	[dreg:$0xd] =	wrdreg s3  }
0x10: {  	s1 =	rddreg [dreg:$0x8];
	s2 =	simm.s32 $0x4480  }
0x11: {  	[tilespmem:s2], [sflag:$0x1] =	stream.linear.gather [hbm4b:s1+s7], $0x9000, $0x38;
	[tilespmem:$0x1F480] =	vst v63  }
0x12: {  	s14 =	rddreg [dreg:$0x1];
	s15 =	simm.s32 $0x8  }
0x13: {  	[tilespmem:s7], [sflag:$0x8] =	stream.linear.gather [hbm4b:s14+s7], $0x400, $0x38;
	[tilespmem:$0x1F480] =	vst v63  }
0x14: {  	_ =	swait.ge [sflag:s15], $0x400  }
0x15: {  	[sflag:s15] =	ssyncset.done $0x0  }
0x16: {  	[sflag:s15] =	ssyncadd.s32 $0xFFFFFC00  }
0x17: {  	s17 =	simm.s32 $0x400;
	s16 =	rddreg [dreg:$0x2]  }
0x18: {  	[tilespmem:s17], [sflag:$0x8] =	stream.linear.gather [hbm4b:s16+s7], $0x1000, $0x38;
	[tilespmem:$0x1F480] =	vst v63  }
0x19: {  	_ =	swait.ge [sflag:s15], $0x1000  }
0x1a: {  	[sflag:s15] =	ssyncset.done $0x0  }
0x1b: {  	s19 =	simm.s32 $0x2400;
	s18 =	rddreg [dreg:$0x9];
	[sflag:s15] =	ssyncadd.s32 $0xFFFFF000  }
0x1c: {  	[tilespmem:s19], [sflag:$0x8] =	stream.linear.gather [hbm4b:s18+s7], $0x2000, $0x38;
	[tilespmem:$0x1F480] =	vst v63  }
0x1d: {  	_ =	swait.ge [sflag:s15], $0x2000  }
0x1e: {  	[sflag:s15] =	ssyncset.done $0x0  }
0x1f: {  	s21 =	simm.s32 $0x4400;
	s20 =	rddreg [dreg:$0xa];
	[sflag:s15] =	ssyncadd.s32 $0xFFFFE000  }
0x20: {  	[tilespmem:s21], [sflag:$0x8] =	stream.linear.gather [hbm4b:s20+s7], $0x10, $0x38;
	[tilespmem:$0x1F480] =	vst v63  }
0x21: {  	_ =	swait.ge [sflag:s15], $0x10  }
0x22: {  	[sflag:s15] =	ssyncset.done $0x0  }
0x23: {  	[sflag:s15] =	ssyncadd.s32 $0xFFFFFFF0  }
0x24: {  	v3 =	vld [tilespmem:$0x4400];
	_ =	sdelay $0x4  }
0x25: {  	v4 =	vshll.u32 v3, $0x1  }
0x26: {  	v3 =	vand.u32 $0x7, v3;
	v4 =	vand.u32 $0xFFFFFFF0, v4  }
0x27: {  	v3 =	vor.u32 v3, v4  }
0x28: {  	v4 =	vperm.xlane v3, v0;
	_ =	sdelay $0x1  }
0x29: {  	v3 =	vperm.xlane v3, v2;
	v4 =	vadd.s32 v1, v4;
	_ =	sdelay $0x1  }
0x2a: {  	v3 =	vadd.s32 v1, v3;
	_ =	sdelay $0x1  }
0x2b: {  	s29 =	simm.s32 $0x1400;
	s28 =	rddreg [dreg:$0x3]  }
0x2c: {  	[tilespmem:s29], [sflag:$0x7] =	stream.indirect_vreg.gather [hbm4b:s28+s7], $0x80, v4, vm0, $0xb8;
	[tilespmem:$0x1F480] =	vst v63  }
0x2d: {  	s30 =	simm.s32 $0x1C00;
	s31 =	simm.s32 $0x7  }
0x2e: {  	[tilespmem:s30], [sflag:$0x7] =	stream.indirect_vreg.gather [hbm4b:s28+s7], $0x80, v3, vm0, $0xb8;
	[tilespmem:$0x1F480] =	vst v63  }
0x2f: {  	_ =	swait.ge [sflag:s31], $0x1000  }
0x30: {  	[sflag:s31] =	ssyncset.done $0x0  }
0x31: {  	s5 =	simm.s32 $0x0;
	[sflag:s31] =	ssyncadd.s32 $0xFFFFF000  }
.LBB2_2:
0x32: {  	s1 =	smul.u32 $0x3, s5;
	_ =	sdelay $0x1  }
0x33: {  	s17 =	sadd.s32 $0x1, s1  }
0x34: {  	p0 =	seq.s32 s5, $0x0;
	s2 =	smul.u32 $0x30, s17  }
0x35: {  	s3 =	simm.s32 @!p0 $0x5  }
0x36: {  	_ =	swait.ge @!p0 [sflag:s3], $0x9000;
	s2 =	sadd.s32 s8, s2  }
0x37: {  	p1 =	sgt.u32 s5, $0x3;
	[sflag:s3] =	ssyncset.done @!p0 $0x0;
	s2 =	sshrl.u32 s2, $0x3  }
0x38: {  	[sflag:s3] =	ssyncadd.s32 @!p0 $0xFFFF7000;
	s3 =	simm.s32 $0xFFFFFFF4;
	s16 =	smul.u32 $0x300, s2  }
0x39: {  	s3 =	simm.s32 @!p1 $0x0  }
0x3a: {  	s4 =	simm.s32 $0x0;
	s11 =	sadd.s32 s1, s3;
	s2 =	sadd.s32 s0, s16  }
0x3b: {  	[tilespmem:s22], [sflag:$0x2] =	stream.linear.gather [hbm4b:s2+s4], $0x9000, $0x38;
	[tilespmem:$0x1F480] =	vst v63  }
0x3c: {  	s9 =	sshll.u32 s11, $0x8;
	s2 =	sshll.u32 s11, $0x7;
	_ =	swait.ge [sflag:s23], $0x9000  }
0x3d: {  	s9 =	sand.u32 $0xFFFFF800, s9;
	s2 =	sand.u32 $0x380, s2;
	[sflag:s23] =	ssyncset.done $0x0  }
0x3e: {  	s10 =	sor.u32 s2, s9;
	[sflag:s23] =	ssyncadd.s32 $0xFFFF7000  }
0x3f: {  	v26 =	vld [tilespmem:s10+$0x400]  }
0x40: {  	v25 =	vld [tilespmem:s10+$0x410]  }
0x41: {  	v24 =	vld [tilespmem:s10+$0x420]  }
0x42: {  	v23 =	vld [tilespmem:s10+$0x430]  }
0x43: {  	v22 =	vld [tilespmem:s10+$0x440]  }
0x44: {  	v21 =	vld [tilespmem:s10+$0x450]  }
0x45: {  	v20 =	vld [tilespmem:s10+$0x460]  }
0x46: {  	v19 =	vld [tilespmem:s10+$0x470]  }
0x47: {  	v18 =	vld [tilespmem:s10+$0x800]  }
0x48: {  	v17 =	vld [tilespmem:s10+$0x810]  }
0x49: {  	v16 =	vld [tilespmem:s10+$0x820]  }
0x4a: {  	v15 =	vld [tilespmem:s10+$0x830]  }
0x4b: {  	v14 =	vld [tilespmem:s10+$0x1400]  }
0x4c: {  	v13 =	vld [tilespmem:s10+$0x1410]  }
0x4d: {  	s12 =	simm.s32 $0x0;
	v12 =	vld [tilespmem:s10+$0x1420]  }
0x4e: {  	s11 =	smul.u32 $0x6000, s12;
	v11 =	vld [tilespmem:s10+$0x1430]  }
0x4f: {  	v10 =	vld [tilespmem:s10+$0x1440]  }
0x50: {  	s13 =	sand.u32 $0x180, s4;
	s14 =	sand.u32 $0x380, s4;
	s11 =	sshra.s32 s11, $0x2;
	v9 =	vld [tilespmem:s10+$0x1450]  }
0x51: {  	s18 =	sor.u32 s14, s11;
	v3 =	vld [tilespmem:s13+$0x0]  }
0x52: {  	v27 =	vld [tilespmem:s18+$0x4480]  }
0x53: {  	v8 =	vld [tilespmem:s10+$0x1460]  }
0x54: {  	v7 =	vld [tilespmem:s10+$0x1470]  }
0x55: {  	v6 =	vld [tilespmem:s10+$0x1800]  }
0x56: {  	v5 =	vld [tilespmem:s10+$0x1810]  }
0x57: {  	v4 =	vld [tilespmem:s10+$0x1820];
	v27 =	vadd.f32 v3, v27  }
0x58: {  	v3 =	vld [tilespmem:s10+$0x1830]  }
0x59: {  	[tilespmem:s18+$0x4480] =	vst v27;
	v27 =	vld [tilespmem:s18+$0x4490]  }
0x5a: {  	v28 =	vld [tilespmem:s13+$0x10];
	_ =	sdelay $0x4  }
0x5b: {  	v27 =	vadd.f32 v28, v27;
	_ =	sdelay $0x1  }
0x5c: {  	[tilespmem:s18+$0x4490] =	vst v27;
	v27 =	vld [tilespmem:s18+$0x44A0]  }
0x5d: {  	v28 =	vld [tilespmem:s13+$0x20];
	_ =	sdelay $0x4  }
0x5e: {  	v27 =	vadd.f32 v28, v27;
	_ =	sdelay $0x1  }
0x5f: {  	[tilespmem:s18+$0x44A0] =	vst v27;
	v27 =	vld [tilespmem:s18+$0x44B0]  }
0x60: {  	v28 =	vld [tilespmem:s13+$0x30];
	_ =	sdelay $0x4  }
0x61: {  	v27 =	vadd.f32 v28, v27;
	_ =	sdelay $0x1  }
0x62: {  	[tilespmem:s18+$0x44B0] =	vst v27;
	v27 =	vld [tilespmem:s18+$0x44C0]  }
0x63: {  	v28 =	vld [tilespmem:s13+$0x40];
	_ =	sdelay $0x4  }
0x64: {  	v27 =	vadd.f32 v28, v27;
	_ =	sdelay $0x1  }
0x65: {  	[tilespmem:s18+$0x44C0] =	vst v27;
	v27 =	vld [tilespmem:s18+$0x44D0]  }
0x66: {  	v28 =	vld [tilespmem:s13+$0x50];
	_ =	sdelay $0x4  }
0x67: {  	v27 =	vadd.f32 v28, v27;
	_ =	sdelay $0x1  }
0x68: {  	v28 =	vld [tilespmem:s18+$0x44E0];
	[tilespmem:s18+$0x44D0] =	vst v27  }
0x69: {  	v27 =	vld [tilespmem:s13+$0x60];
	_ =	sdelay $0x4  }
0x6a: {  	v27 =	vadd.f32 v27, v28;
	_ =	sdelay $0x1  }
0x6b: {  	v28 =	vld [tilespmem:s18+$0x44F0];
	[tilespmem:s18+$0x44E0] =	vst v27  }
0x6c: {  	v27 =	vld [tilespmem:s13+$0x70];
	_ =	sdelay $0x4  }
0x6d: {  	v27 =	vadd.f32 v27, v28;
	_ =	sdelay $0x1  }
0x6e: {  	v28 =	vld [tilespmem:s18+$0x4880];
	[tilespmem:s18+$0x44F0] =	vst v27  }
0x6f: {  	v27 =	vld [tilespmem:s13+$0x200]  }
0x70: {  	s21 =	simm.s32 $0x0  }
0x71: {  	s10 =	smul.u32 $0x6000, s21  }
0x72: {  	s22 =	simm.s32 $0x8;
	s12 =	simm.s32 $0x80  }
0x73: {  	s19 =	sand.u32 $0x380, s12;
	s11 =	sand.u32 $0x180, s22;
	s10 =	sshra.s32 s10, $0x2  }
0x74: {  	v29 =	vld [tilespmem:s11+$0x0];
	s20 =	sor.u32 s19, s10;
	v27 =	vadd.f32 v27, v28  }
0x75: {  	v30 =	vld [tilespmem:s20+$0x4480]  }
0x76: {  	v28 =	vld [tilespmem:s18+$0x4890];
	[tilespmem:s18+$0x4880] =	vst v27  }
0x77: {  	v27 =	vld [tilespmem:s13+$0x210];
	_ =	sdelay $0x2  }
0x78: {  	v29 =	vadd.f32 v29, v30  }
0x79: {  	v32 =	vld [tilespmem:s18+$0x48D0]  }
0x7a: {  	[tilespmem:s20+$0x4480] =	vst v29;
	v29 =	vld [tilespmem:s20+$0x4490];
	v27 =	vadd.f32 v27, v28  }
0x7b: {  	v31 =	vld [tilespmem:s11+$0x10]  }
0x7c: {  	v28 =	vld [tilespmem:s18+$0x48A0];
	[tilespmem:s18+$0x4890] =	vst v27  }
0x7d: {  	v27 =	vld [tilespmem:s13+$0x220]  }
0x7e: {  	v33 =	vld [tilespmem:s18+$0x48E0]  }
0x7f: {  	v30 =	vld [tilespmem:s18+$0x48C0]  }
0x80: {  	v34 =	vld [tilespmem:s18+$0x48F0]  }
0x81: {  	v35 =	vld [tilespmem:s18+$0x4C80]  }
0x82: {  	v29 =	vadd.f32 v31, v29;
	v31 =	vld [tilespmem:s20+$0x44A0];
	v27 =	vadd.f32 v27, v28  }
0x83: {  	v28 =	vld [tilespmem:s18+$0x4C90]  }
0x84: {  	[tilespmem:s18+$0x48A0] =	vst v27;
	v27 =	vadd.f32 v30, v26;
	v30 =	vld [tilespmem:s18+$0x4CA0]  }
0x85: {  	[tilespmem:s20+$0x4490] =	vst v29;
	v29 =	vld [tilespmem:s18+$0x4CB0]  }
0x86: {  	v63 =	vld [tilespmem:s11+$0x20]  }
0x87: {  	v36 =	vld [tilespmem:s13+$0x230];
	[tilespmem:s18+$0x48C0] =	vst v27;
	v27 =	vadd.f32 v33, v24  }
0x88: {  	v38 =	vld [tilespmem:s18+$0x4CD0];
	v28 =	vadd.f32 v28, v21  }
0x89: {  	v39 =	vld [tilespmem:s18+$0x4CE0];
	[tilespmem:s18+$0x48E0] =	vst v27;
	v30 =	vadd.f32 v30, v20  }
0x8a: {  	v29 =	vadd.f32 v29, v19;
	v27 =	vld [tilespmem:s18+$0x4CC0];
	[tilespmem:s18+$0x4C90] =	vst v28  }
0x8b: {  	v28 =	vld [tilespmem:s18+$0x4CF0];
	[tilespmem:s18+$0x4CA0] =	vst v30;
	v30 =	vadd.f32 v63, v31  }
0x8c: {  	[tilespmem:s18+$0x4CB0] =	vst v29;
	v29 =	vld [tilespmem:s18+$0x5090]  }
0x8d: {  	v32 =	vadd.f32 v32, v25;
	[tilespmem:s20+$0x44A0] =	vst v30;
	v30 =	vld [tilespmem:s20+$0x44B0]  }
0x8e: {  	v62 =	vadd.f32 v34, v23;
	v41 =	vld [tilespmem:s11+$0x30]  }
0x8f: {  	[tilespmem:s18+$0x48D0] =	vst v32;
	v31 =	vld [tilespmem:s18+$0x5080];
	v27 =	vadd.f32 v27, v18  }
0x90: {  	v43 =	vld [tilespmem:s18+$0x50B0];
	[tilespmem:s18+$0x48F0] =	vst v62;
	v28 =	vadd.f32 v28, v15  }
0x91: {  	v44 =	vld [tilespmem:s18+$0x50C0];
	v37 =	vadd.f32 v35, v22;
	[tilespmem:s18+$0x4CC0] =	vst v27  }
0x92: {  	v27 =	vld [tilespmem:s18+$0x50A0];
	[tilespmem:s18+$0x4CF0] =	vst v28;
	v28 =	vadd.f32 v29, v13  }
0x93: {  	v45 =	vld [tilespmem:s18+$0x50D0];
	[tilespmem:s18+$0x4C80] =	vst v37;
	v30 =	vadd.f32 v41, v30  }
0x94: {  	v31 =	vadd.f32 v31, v14;
	[tilespmem:s18+$0x5090] =	vst v28;
	v28 =	vld [tilespmem:s18+$0x50F0]  }
0x95: {  	v40 =	vadd.f32 v38, v17;
	[tilespmem:s20+$0x44B0] =	vst v30;
	v30 =	vld [tilespmem:s20+$0x44C0]  }
0x96: {  	v42 =	vadd.f32 v39, v16;
	[tilespmem:s18+$0x5080] =	vst v31;
	v31 =	vld [tilespmem:s11+$0x40]  }
0x97: {  	[tilespmem:s18+$0x4CD0] =	vst v40;
	v29 =	vld [tilespmem:s18+$0x50E0];
	v27 =	vadd.f32 v27, v12  }
0x98: {  	v47 =	vld [tilespmem:s18+$0x5490];
	v46 =	vadd.f32 v44, v10;
	[tilespmem:s18+$0x4CE0] =	vst v42  }
0x99: {  	v48 =	vadd.f32 v45, v9;
	[tilespmem:s18+$0x50A0] =	vst v27;
	v27 =	vld [tilespmem:s18+$0x5480]  }
0x9a: {  	v49 =	vld [tilespmem:s18+$0x54A0];
	[tilespmem:s18+$0x50C0] =	vst v46;
	v28 =	vadd.f32 v28, v7  }
0x9b: {  	[tilespmem:s18+$0x50D0] =	vst v48;
	v30 =	vadd.f32 v31, v30;
	v31 =	vld [tilespmem:s18+$0x54B0]  }
0x9c: {  	v29 =	vadd.f32 v29, v8;
	[tilespmem:s18+$0x50F0] =	vst v28  }
0x9d: {  	v28 =	vadd.f32 v47, v5;
	[tilespmem:s20+$0x44C0] =	vst v30;
	v30 =	vld [tilespmem:s18+$0x48B0]  }
0x9e: {  	[tilespmem:s18+$0x50E0] =	vst v29;
	v27 =	vadd.f32 v27, v6  }
0x9f: {  	v32 =	vadd.f32 v43, v11;
	v29 =	vld [tilespmem:s20+$0x44D0];
	[tilespmem:s18+$0x5490] =	vst v28  }
0xa0: {  	s28 =	simm.s32 $0x10;
	s2 =	simm.s32 $0x10;
	[tilespmem:s18+$0x5480] =	vst v27;
	v27 =	vadd.f32 v49, v4;
	v28 =	vadd.f32 v31, v3;
	v31 =	vld [tilespmem:s11+$0x50]  }
0xa1: {  	s29 =	simm.s32 $0x0;
	s4 =	sand.u32 $0x8, s4;
	s2 =	simm.s32 @!p1 $0x0;
	[tilespmem:s18+$0x50B0] =	vst v32  }
0xa2: {  	s30 =	smul.u32 $0x6000, s29;
	s4 =	sor.u32 s2, s4;
	s21 =	sand.u32 $0x180, s28;
	[tilespmem:s18+$0x54A0] =	vst v27;
	v30 =	vadd.f32 v36, v30  }
0xa3: {  	s15 =	simm.s32 $0x100;
	s4 =	sshll.u32 s4, $0x8;
	v27 =	vld [tilespmem:s21+$0x0];
	[tilespmem:s18+$0x54B0] =	vst v28  }
0xa4: {  	s31 =	sshra.s32 s30, $0x2;
	s9 =	sadd.s32 s14, s4;
	s10 =	sand.u32 $0x380, s15;
	v28 =	vld [tilespmem:s18+$0x54C0];
	[tilespmem:s18+$0x48B0] =	vst v30  }
0xa5: {  	s4 =	sor.u32 s10, s31;
	v30 =	vld [tilespmem:s9+$0x2400];
	v29 =	vadd.f32 v31, v29  }
0xa6: {  	v31 =	vld [tilespmem:s4+$0x4480]  }
0xa7: {  	v50 =	vld [tilespmem:s20+$0x44E0];
	[tilespmem:s20+$0x44D0] =	vst v29  }
0xa8: {  	v29 =	vld [tilespmem:s11+$0x60];
	_ =	sdelay $0x1  }
0xa9: {  	v28 =	vadd.f32 v30, v28  }
0xaa: {  	v30 =	vld [tilespmem:s18+$0x54D0];
	v27 =	vadd.f32 v27, v31  }
0xab: {  	v31 =	vld [tilespmem:s20+$0x44F0];
	[tilespmem:s18+$0x54C0] =	vst v28  }
0xac: {  	[tilespmem:s4+$0x4480] =	vst v27;
	v28 =	vld [tilespmem:s9+$0x2410];
	v27 =	vadd.f32 v29, v50  }
0xad: {  	v29 =	vld [tilespmem:s4+$0x4490]  }
0xae: {  	v51 =	vld [tilespmem:s21+$0x10];
	[tilespmem:s20+$0x44E0] =	vst v27  }
0xaf: {  	v52 =	vld [tilespmem:s11+$0x70];
	_ =	sdelay $0x1  }
0xb0: {  	v56 =	vld [tilespmem:s18+$0x54F0];
	v28 =	vadd.f32 v28, v30  }
0xb1: {  	v53 =	vld [tilespmem:s20+$0x4880]  }
0xb2: {  	v30 =	vld [tilespmem:s18+$0x54E0];
	[tilespmem:s18+$0x54D0] =	vst v28;
	v28 =	vadd.f32 v51, v29  }
0xb3: {  	v29 =	vld [tilespmem:s9+$0x2420];
	v31 =	vadd.f32 v52, v31  }
0xb4: {  	v54 =	vld [tilespmem:s4+$0x44A0];
	[tilespmem:s4+$0x4490] =	vst v28  }
0xb5: {  	v55 =	vld [tilespmem:s21+$0x20];
	[tilespmem:s20+$0x44F0] =	vst v31  }
0xb6: {  	v31 =	vld [tilespmem:s11+$0x200]  }
0xb7: {  	v61 =	vld [tilespmem:s18+$0x5880]  }
0xb8: {  	v57 =	vld [tilespmem:s20+$0x4890];
	v30 =	vadd.f32 v29, v30  }
0xb9: {  	v38 =	vld [tilespmem:s20+$0x48A0]  }
0xba: {  	v35 =	vld [tilespmem:s20+$0x4CA0];
	[tilespmem:s18+$0x54E0] =	vst v30;
	v30 =	vadd.f32 v55, v54  }
0xbb: {  	v31 =	vadd.f32 v31, v53;
	v58 =	vld [tilespmem:s9+$0x2430]  }
0xbc: {  	v59 =	vld [tilespmem:s4+$0x44B0];
	[tilespmem:s4+$0x44A0] =	vst v30  }
0xbd: {  	v60 =	vld [tilespmem:s21+$0x30];
	[tilespmem:s20+$0x4880] =	vst v31  }
0xbe: {  	v31 =	vld [tilespmem:s11+$0x210]  }
0xbf: {  	v39 =	vld [tilespmem:s4+$0x44C0]  }
0xc0: {  	v37 =	vld [tilespmem:s20+$0x48C0];
	v32 =	vadd.f32 v58, v56  }
0xc1: {  	v42 =	vld [tilespmem:s20+$0x48E0]  }
0xc2: {  	v33 =	vld [tilespmem:s20+$0x4C80];
	v34 =	vadd.f32 v60, v59;
	[tilespmem:s18+$0x54F0] =	vst v32  }
0xc3: {  	v31 =	vadd.f32 v31, v57;
	v32 =	vld [tilespmem:s9+$0x2440]  }
0xc4: {  	v41 =	vld [tilespmem:s20+$0x48D0];
	[tilespmem:s4+$0x44B0] =	vst v34  }
0xc5: {  	[tilespmem:s20+$0x4890] =	vst v31;
	v40 =	vld [tilespmem:s21+$0x40]  }
0xc6: {  	v31 =	vld [tilespmem:s11+$0x220]  }
0xc7: {  	v36 =	vld [tilespmem:s20+$0x48F0]  }
0xc8: {  	v27 =	vld [tilespmem:s18+$0x58C0];
	v32 =	vadd.f32 v32, v61  }
0xc9: {  	v28 =	vld [tilespmem:s18+$0x58B0]  }
0xca: {  	v30 =	vld [tilespmem:s18+$0x5890];
	v62 =	vadd.f32 v40, v39;
	[tilespmem:s18+$0x5880] =	vst v32  }
0xcb: {  	v31 =	vadd.f32 v31, v38;
	v32 =	vld [tilespmem:s9+$0x2450]  }
0xcc: {  	v63 =	vadd.f32 v37, v26;
	v29 =	vld [tilespmem:s18+$0x58A0];
	[tilespmem:s4+$0x44C0] =	vst v62  }
0xcd: {  	v37 =	vadd.f32 v41, v25;
	v34 =	vld [tilespmem:s20+$0x4C90];
	[tilespmem:s20+$0x48A0] =	vst v31  }
0xce: {  	s14 =	simm.s32 $0x3;
	s13 =	simm.s32 $0x1;
	v38 =	vadd.f32 v42, v24;
	v31 =	vld [tilespmem:s11+$0x230];
	s11 =	simm.s32 $0x2;
	[tilespmem:s20+$0x48C0] =	vst v63  }
.LBB2_3:
0xcf: {  	p1 =	sne.s32 s14, $0x2F;
	[tilespmem:s20+$0x48D0] =	vst v37;
	v36 =	vadd.f32 v36, v23;
	v37 =	vld [tilespmem:s20+$0x4CB0]  }
0xd0: {  	[tilespmem:s20+$0x48E0] =	vst v38;
	v38 =	vld [tilespmem:s20+$0x4CC0];
	v30 =	vadd.f32 v32, v30  }
0xd1: {  	v32 =	vadd.f32 v33, v22;
	[tilespmem:s20+$0x48F0] =	vst v36;
	v33 =	vld [tilespmem:s20+$0x4CD0]  }
0xd2: {  	v34 =	vadd.f32 v34, v21;
	v36 =	vld [tilespmem:s20+$0x4CE0];
	[tilespmem:s18+$0x5890] =	vst v30  }
0xd3: {  	v30 =	vadd.f32 v35, v20;
	[tilespmem:s20+$0x4C80] =	vst v32;
	v32 =	vld [tilespmem:s9+$0x2460]  }
0xd4: {  	[tilespmem:s20+$0x4C90] =	vst v34;
	v34 =	vadd.f32 v37, v19;
	v35 =	vld [tilespmem:s20+$0x4CF0]  }
0xd5: {  	[tilespmem:s20+$0x4CA0] =	vst v30;
	v30 =	vadd.f32 v38, v18;
	v37 =	vld [tilespmem:s20+$0x5080]  }
0xd6: {  	[tilespmem:s20+$0x4CB0] =	vst v34;
	v33 =	vadd.f32 v33, v17;
	v34 =	vld [tilespmem:s20+$0x5090]  }
0xd7: {  	[tilespmem:s20+$0x4CC0] =	vst v30;
	v30 =	vadd.f32 v36, v16;
	v36 =	vld [tilespmem:s20+$0x50A0]  }
0xd8: {  	[tilespmem:s20+$0x4CD0] =	vst v33;
	v33 =	vld [tilespmem:s20+$0x50B0];
	v29 =	vadd.f32 v32, v29  }
0xd9: {  	[tilespmem:s20+$0x4CE0] =	vst v30;
	v30 =	vadd.f32 v35, v15;
	v32 =	vld [tilespmem:s20+$0x50C0]  }
0xda: {  	v35 =	vadd.f32 v37, v14;
	v37 =	vld [tilespmem:s20+$0x50D0];
	[tilespmem:s18+$0x58A0] =	vst v29  }
0xdb: {  	[tilespmem:s20+$0x4CF0] =	vst v30;
	v29 =	vadd.f32 v34, v13;
	v30 =	vld [tilespmem:s9+$0x2470]  }
0xdc: {  	[tilespmem:s20+$0x5080] =	vst v35;
	v34 =	vadd.f32 v36, v12;
	v35 =	vld [tilespmem:s20+$0x50E0]  }
0xdd: {  	[tilespmem:s20+$0x5090] =	vst v29;
	v29 =	vadd.f32 v33, v11;
	v33 =	vld [tilespmem:s20+$0x50F0]  }
0xde: {  	[tilespmem:s20+$0x50A0] =	vst v34;
	v32 =	vadd.f32 v32, v10;
	v34 =	vld [tilespmem:s20+$0x5480]  }
0xdf: {  	[tilespmem:s20+$0x50B0] =	vst v29;
	v29 =	vadd.f32 v37, v9;
	v36 =	vld [tilespmem:s20+$0x5490]  }
0xe0: {  	[tilespmem:s20+$0x50C0] =	vst v32;
	v32 =	vld [tilespmem:s20+$0x54A0];
	v28 =	vadd.f32 v30, v28  }
0xe1: {  	[tilespmem:s20+$0x50D0] =	vst v29;
	v29 =	vadd.f32 v35, v8;
	v30 =	vld [tilespmem:s20+$0x54B0]  }
0xe2: {  	s28 =	sadd.s32 $0x8, s28;
	v35 =	vld [tilespmem:s20+$0x48B0];
	v33 =	vadd.f32 v33, v7;
	[tilespmem:s18+$0x58B0] =	vst v28  }
0xe3: {  	s12 =	sand.u32 $0x180, s28;
	[tilespmem:s20+$0x50E0] =	vst v29;
	v28 =	vadd.f32 v34, v6;
	v29 =	vld [tilespmem:s9+$0x2800]  }
0xe4: {  	v34 =	vld [tilespmem:s12+$0x0];
	[tilespmem:s20+$0x50F0] =	vst v33;
	v33 =	vadd.f32 v36, v5  }
0xe5: {  	v36 =	vld [tilespmem:s4+$0x44D0];
	[tilespmem:s20+$0x5480] =	vst v28;
	v28 =	vadd.f32 v32, v4  }
0xe6: {  	s29 =	sand.u32 $0x8, s13;
	s13 =	smov.u32 s11;
	s11 =	smov.u32 s14;
	v32 =	vld [tilespmem:s21+$0x50];
	[tilespmem:s20+$0x5490] =	vst v33;
	v30 =	vadd.f32 v30, v3  }
0xe7: {  	s29 =	sor.u32 s2, s29;
	v31 =	vadd.f32 v31, v35;
	[tilespmem:s20+$0x54A0] =	vst v28;
	v33 =	vld [tilespmem:s18+$0x58F0]  }
0xe8: {  	s30 =	sshrl.u32 s14, $0x3;
	s29 =	sshll.u32 s29, $0x8;
	[tilespmem:s20+$0x54B0] =	vst v30;
	v27 =	vadd.f32 v29, v27;
	v28 =	vld [tilespmem:s18+$0x58D0]  }
0xe9: {  	s30 =	smul.u32 $0x6000, s30;
	s31 =	sadd.s32 s19, s29;
	s19 =	smov.u32 s10;
	[tilespmem:s20+$0x48B0] =	vst v31;
	v29 =	vld [tilespmem:s20+$0x54C0]  }
0xea: {  	s15 =	sadd.s32 $0x80, s15;
	v30 =	vld [tilespmem:s31+$0x2400];
	[tilespmem:s18+$0x58C0] =	vst v27  }
0xeb: {  	s10 =	sand.u32 $0x380, s15;
	s29 =	sshra.s32 s30, $0x2;
	v27 =	vadd.f32 v32, v36;
	v31 =	vld [tilespmem:s9+$0x2810]  }
0xec: {  	s29 =	sor.u32 s10, s29;
	v32 =	vld [tilespmem:s4+$0x44E0]  }
0xed: {  	v35 =	vld [tilespmem:s29+$0x4480];
	[tilespmem:s4+$0x44D0] =	vst v27  }
0xee: {  	v27 =	vld [tilespmem:s21+$0x60]  }
0xef: {  	v29 =	vadd.f32 v30, v29;
	v30 =	vld [tilespmem:s18+$0x58E0]  }
0xf0: {  	v36 =	vld [tilespmem:s20+$0x54D0];
	v28 =	vadd.f32 v31, v28  }
0xf1: {  	v31 =	vld [tilespmem:s4+$0x44F0];
	[tilespmem:s20+$0x54C0] =	vst v29  }
0xf2: {  	v29 =	vadd.f32 v34, v35;
	v34 =	vld [tilespmem:s31+$0x2410];
	[tilespmem:s18+$0x58D0] =	vst v28  }
0xf3: {  	v27 =	vadd.f32 v27, v32;
	v28 =	vld [tilespmem:s9+$0x2820]  }
0xf4: {  	[tilespmem:s29+$0x4480] =	vst v29;
	v29 =	vld [tilespmem:s29+$0x4490]  }
0xf5: {  	v32 =	vld [tilespmem:s12+$0x10];
	[tilespmem:s4+$0x44E0] =	vst v27  }
0xf6: {  	v35 =	vld [tilespmem:s21+$0x70]  }
0xf7: {  	v34 =	vadd.f32 v34, v36;
	v27 =	vld [tilespmem:s20+$0x58C0]  }
0xf8: {  	v36 =	vld [tilespmem:s20+$0x54E0];
	v28 =	vadd.f32 v28, v30  }
0xf9: {  	v30 =	vld [tilespmem:s4+$0x4880];
	[tilespmem:s20+$0x54D0] =	vst v34  }
0xfa: {  	v29 =	vadd.f32 v32, v29;
	v32 =	vld [tilespmem:s31+$0x2420];
	[tilespmem:s18+$0x58E0] =	vst v28  }
0xfb: {  	v28 =	vadd.f32 v35, v31;
	v31 =	vld [tilespmem:s9+$0x2830];
	s9 =	smov.u32 s31  }
0xfc: {  	[tilespmem:s29+$0x4490] =	vst v29;
	v34 =	vld [tilespmem:s29+$0x44A0]  }
0xfd: {  	v35 =	vld [tilespmem:s12+$0x20];
	[tilespmem:s4+$0x44F0] =	vst v28  }
0xfe: {  	v37 =	vld [tilespmem:s21+$0x200]  }
0xff: {  	v32 =	vadd.f32 v32, v36;
	v28 =	vld [tilespmem:s20+$0x58B0]  }
0x100: {  	v29 =	vld [tilespmem:s20+$0x58A0];
	v31 =	vadd.f32 v31, v33  }
0x101: {  	[tilespmem:s20+$0x54E0] =	vst v32;
	v32 =	vld [tilespmem:s20+$0x54F0]  }
0x102: {  	v33 =	vadd.f32 v35, v34;
	v34 =	vld [tilespmem:s4+$0x4890];
	[tilespmem:s18+$0x58F0] =	vst v31;
	s18 =	smov.u32 s20;
	s20 =	smov.u32 s4;
	s4 =	smov.u32 s29  }
0x103: {  	v30 =	vadd.f32 v37, v30;
	v31 =	vld [tilespmem:s9+$0x2430]  }
0x104: {  	[tilespmem:s4+$0x44A0] =	vst v33;
	v33 =	vld [tilespmem:s4+$0x44B0]  }
0x105: {  	v35 =	vld [tilespmem:s12+$0x30];
	[tilespmem:s20+$0x4880] =	vst v30  }
0x106: {  	v36 =	vld [tilespmem:s21+$0x210]  }
0x107: {  	v30 =	vld [tilespmem:s18+$0x5890]  }
0x108: {  	v31 =	vadd.f32 v31, v32;
	v32 =	vld [tilespmem:s18+$0x5880]  }
0x109: {  	v37 =	vld [tilespmem:s20+$0x48C0]  }
0x10a: {  	v33 =	vadd.f32 v35, v33;
	v35 =	vld [tilespmem:s20+$0x48A0];
	[tilespmem:s18+$0x54F0] =	vst v31  }
0x10b: {  	v31 =	vadd.f32 v36, v34;
	v34 =	vld [tilespmem:s9+$0x2440]  }
0x10c: {  	[tilespmem:s4+$0x44B0] =	vst v33;
	v33 =	vld [tilespmem:s4+$0x44C0]  }
0x10d: {  	v38 =	vld [tilespmem:s12+$0x40];
	[tilespmem:s20+$0x4890] =	vst v31  }
0x10e: {  	v31 =	vld [tilespmem:s21+$0x220]  }
0x10f: {  	v39 =	vld [tilespmem:s20+$0x48D0]  }
0x110: {  	v40 =	vld [tilespmem:s20+$0x48E0];
	v32 =	vadd.f32 v34, v32  }
0x111: {  	v36 =	vld [tilespmem:s20+$0x48F0]  }
.Ltmp0:
0x112: {  	v34 =	vadd.f32 v38, v33;
	v33 =	vld [tilespmem:s20+$0x4C80];
	[tilespmem:s18+$0x5880] =	vst v32;
	(pc) =	sbr.rel @p1 .LBB2_3-.Ltmp0, $4  }
0x113: {  	v31 =	vadd.f32 v31, v35;
	v32 =	vld [tilespmem:s9+$0x2450]  }
0x114: {  	v38 =	vadd.f32 v37, v26;
	[tilespmem:s4+$0x44C0] =	vst v34;
	v34 =	vld [tilespmem:s20+$0x4C90]  }
0x115: {  	v37 =	vadd.f32 v39, v25;
	[tilespmem:s20+$0x48A0] =	vst v31;
	v35 =	vld [tilespmem:s20+$0x4CA0]  }
0x116: {  	s14 =	sadd.s32 $0x1, s14;
	v31 =	vld [tilespmem:s21+$0x230];
	[tilespmem:s20+$0x48C0] =	vst v38;
	v38 =	vadd.f32 v40, v24;
	s21 =	smov.u32 s12  }
0x117: {  	v39 =	vld [tilespmem:s4+$0x44D0]  }
0x118: {  	v40 =	vld [tilespmem:s21+$0x50];
	_ =	sdelay $0x4  }
0x119: {  	v39 =	vadd.f32 v40, v39;
	_ =	sdelay $0x1  }
0x11a: {  	v47 =	vld [tilespmem:s4+$0x44E0];
	[tilespmem:s4+$0x44D0] =	vst v39  }
0x11b: {  	v39 =	vld [tilespmem:s21+$0x60];
	_ =	sdelay $0x4  }
0x11c: {  	v39 =	vadd.f32 v39, v47;
	_ =	sdelay $0x1  }
0x11d: {  	v48 =	vld [tilespmem:s4+$0x44F0];
	[tilespmem:s4+$0x44E0] =	vst v39  }
0x11e: {  	v39 =	vld [tilespmem:s21+$0x70];
	_ =	sdelay $0x4  }
0x11f: {  	v39 =	vadd.f32 v39, v48;
	_ =	sdelay $0x1  }
0x120: {  	v49 =	vld [tilespmem:s4+$0x4880];
	[tilespmem:s4+$0x44F0] =	vst v39  }
0x121: {  	v39 =	vld [tilespmem:s21+$0x200];
	_ =	sdelay $0x4  }
0x122: {  	v39 =	vadd.f32 v39, v49;
	_ =	sdelay $0x1  }
0x123: {  	v52 =	vld [tilespmem:s4+$0x4890];
	[tilespmem:s4+$0x4880] =	vst v39  }
0x124: {  	v39 =	vld [tilespmem:s21+$0x210]  }
0x125: {  	v50 =	vld [tilespmem:s20+$0x4CB0]  }
0x126: {  	v51 =	vld [tilespmem:s20+$0x4CC0]  }
0x127: {  	[tilespmem:s20+$0x48D0] =	vst v37;
	v36 =	vadd.f32 v36, v23;
	v53 =	vld [tilespmem:s20+$0x4CD0]  }
0x128: {  	v33 =	vadd.f32 v33, v22;
	v41 =	vld [tilespmem:s20+$0x4CE0];
	[tilespmem:s20+$0x48E0] =	vst v38  }
0x129: {  	v55 =	vld [tilespmem:s20+$0x4CF0];
	[tilespmem:s20+$0x48F0] =	vst v36;
	v36 =	vadd.f32 v39, v52  }
0x12a: {  	v57 =	vld [tilespmem:s4+$0x48A0];
	v34 =	vadd.f32 v34, v21;
	[tilespmem:s20+$0x4C80] =	vst v33  }
0x12b: {  	v58 =	vld [tilespmem:s20+$0x5080];
	v54 =	vadd.f32 v35, v20;
	[tilespmem:s4+$0x4890] =	vst v36  }
0x12c: {  	[tilespmem:s20+$0x4C90] =	vst v34;
	v37 =	vadd.f32 v50, v19;
	v36 =	vld [tilespmem:s21+$0x220]  }
0x12d: {  	v56 =	vld [tilespmem:s4+$0x48C0];
	[tilespmem:s20+$0x4CA0] =	vst v54;
	v38 =	vadd.f32 v51, v18  }
0x12e: {  	v42 =	vld [tilespmem:s4+$0x48D0];
	v40 =	vadd.f32 v53, v17;
	[tilespmem:s20+$0x4CB0] =	vst v37  }
0x12f: {  	v43 =	vld [tilespmem:s4+$0x48E0];
	v34 =	vadd.f32 v55, v15;
	[tilespmem:s20+$0x4CC0] =	vst v38  }
0x130: {  	v44 =	vld [tilespmem:s4+$0x48F0];
	[tilespmem:s20+$0x4CD0] =	vst v40;
	v49 =	vadd.f32 v58, v14  }
0x131: {  	v60 =	vld [tilespmem:s4+$0x4C80];
	[tilespmem:s20+$0x4CF0] =	vst v34;
	v33 =	vadd.f32 v36, v57  }
0x132: {  	v61 =	vld [tilespmem:s4+$0x4C90];
	v26 =	vadd.f32 v56, v26;
	[tilespmem:s20+$0x5080] =	vst v49  }
0x133: {  	v63 =	vld [tilespmem:s4+$0x4CA0];
	v25 =	vadd.f32 v42, v25;
	[tilespmem:s4+$0x48A0] =	vst v33  }
0x134: {  	v24 =	vadd.f32 v43, v24;
	v45 =	vld [tilespmem:s21+$0x230];
	[tilespmem:s4+$0x48C0] =	vst v26  }
0x135: {  	v23 =	vadd.f32 v44, v23;
	v47 =	vld [tilespmem:s4+$0x4CD0];
	[tilespmem:s4+$0x48D0] =	vst v25  }
0x136: {  	v59 =	vld [tilespmem:s20+$0x5090];
	v22 =	vadd.f32 v60, v22;
	[tilespmem:s4+$0x48E0] =	vst v24  }
0x137: {  	v62 =	vld [tilespmem:s20+$0x50A0];
	v21 =	vadd.f32 v61, v21;
	[tilespmem:s4+$0x48F0] =	vst v23  }
0x138: {  	v20 =	vadd.f32 v63, v20;
	v48 =	vld [tilespmem:s4+$0x4CE0];
	[tilespmem:s4+$0x4C80] =	vst v22  }
0x139: {  	v26 =	vadd.f32 v41, v16;
	v24 =	vld [tilespmem:s4+$0x4CC0];
	[tilespmem:s4+$0x4C90] =	vst v21  }
0x13a: {  	v17 =	vadd.f32 v47, v17;
	v22 =	vld [tilespmem:s4+$0x4CF0];
	[tilespmem:s4+$0x4CA0] =	vst v20  }
0x13b: {  	v21 =	vadd.f32 v59, v13;
	[tilespmem:s20+$0x4CE0] =	vst v26;
	v26 =	vld [tilespmem:s4+$0x4CB0]  }
0x13c: {  	v46 =	vld [tilespmem:s20+$0x50C0];
	v20 =	vadd.f32 v62, v12;
	[tilespmem:s4+$0x4CD0] =	vst v17  }
0x13d: {  	v16 =	vadd.f32 v48, v16;
	[tilespmem:s20+$0x5090] =	vst v21;
	v21 =	vld [tilespmem:s4+$0x5080]  }
0x13e: {  	v50 =	vld [tilespmem:s20+$0x50E0];
	[tilespmem:s20+$0x50A0] =	vst v20;
	v18 =	vadd.f32 v24, v18  }
0x13f: {  	v20 =	vld [tilespmem:s4+$0x5090];
	[tilespmem:s4+$0x4CE0] =	vst v16;
	v15 =	vadd.f32 v22, v15  }
0x140: {  	v16 =	vld [tilespmem:s4+$0x50C0];
	v19 =	vadd.f32 v26, v19;
	[tilespmem:s4+$0x4CC0] =	vst v18  }
0x141: {  	v25 =	vld [tilespmem:s20+$0x50B0];
	v18 =	vadd.f32 v46, v10;
	[tilespmem:s4+$0x4CF0] =	vst v15  }
0x142: {  	v23 =	vld [tilespmem:s20+$0x50D0];
	v14 =	vadd.f32 v21, v14;
	[tilespmem:s4+$0x4CB0] =	vst v19  }
0x143: {  	v17 =	vld [tilespmem:s4+$0x50B0];
	v21 =	vadd.f32 v50, v8;
	[tilespmem:s20+$0x50C0] =	vst v18  }
0x144: {  	v24 =	vld [tilespmem:s20+$0x5480];
	v13 =	vadd.f32 v20, v13;
	[tilespmem:s4+$0x5080] =	vst v14  }
0x145: {  	v22 =	vld [tilespmem:s20+$0x54B0];
	v10 =	vadd.f32 v16, v10;
	[tilespmem:s20+$0x50E0] =	vst v21  }
0x146: {  	v26 =	vld [tilespmem:s20+$0x50F0];
	v19 =	vadd.f32 v25, v11;
	[tilespmem:s4+$0x5090] =	vst v13  }
0x147: {  	v18 =	vadd.f32 v23, v9;
	v23 =	vld [tilespmem:s20+$0x54A0];
	[tilespmem:s4+$0x50C0] =	vst v10  }
0x148: {  	v11 =	vadd.f32 v17, v11;
	[tilespmem:s20+$0x50B0] =	vst v19;
	v19 =	vld [tilespmem:s4+$0x50A0]  }
0x149: {  	v15 =	vld [tilespmem:s20+$0x48B0];
	v13 =	vadd.f32 v24, v6;
	[tilespmem:s20+$0x50D0] =	vst v18  }
0x14a: {  	v25 =	vld [tilespmem:s20+$0x5490];
	v10 =	vadd.f32 v22, v3;
	[tilespmem:s4+$0x50B0] =	vst v11  }
0x14b: {  	v18 =	vld [tilespmem:s4+$0x50D0];
	v14 =	vadd.f32 v26, v7;
	[tilespmem:s20+$0x5480] =	vst v13  }
0x14c: {  	v20 =	vld [tilespmem:s4+$0x50E0];
	[tilespmem:s20+$0x54B0] =	vst v10;
	v11 =	vadd.f32 v23, v4  }
0x14d: {  	v13 =	vld [tilespmem:s4+$0x5480];
	[tilespmem:s20+$0x50F0] =	vst v14;
	v12 =	vadd.f32 v19, v12  }
0x14e: {  	v15 =	vadd.f32 v31, v15;
	v14 =	vld [tilespmem:s4+$0x50F0];
	[tilespmem:s20+$0x54A0] =	vst v11  }
0x14f: {  	v11 =	vld [tilespmem:s4+$0x54A0];
	[tilespmem:s4+$0x50A0] =	vst v12;
	v12 =	vadd.f32 v25, v5  }
0x150: {  	v10 =	vld [tilespmem:s4+$0x48B0];
	[tilespmem:s20+$0x48B0] =	vst v15;
	v9 =	vadd.f32 v18, v9  }
0x151: {  	v8 =	vadd.f32 v20, v8;
	[tilespmem:s20+$0x5490] =	vst v12;
	v12 =	vld [tilespmem:s4+$0x5490]  }
0x152: {  	v6 =	vadd.f32 v13, v6;
	[tilespmem:s4+$0x50D0] =	vst v9;
	v9 =	vld [tilespmem:s4+$0x54B0]  }
0x153: {  	[tilespmem:s4+$0x50E0] =	vst v8;
	v7 =	vadd.f32 v14, v7  }
0x154: {  	s12 =	sand.u32 $0x8, s13;
	[tilespmem:s4+$0x5480] =	vst v6;
	v4 =	vadd.f32 v11, v4  }
0x155: {  	s12 =	sor.u32 s2, s12;
	[tilespmem:s4+$0x50F0] =	vst v7;
	v7 =	vadd.f32 v45, v10  }
0x156: {  	s11 =	sand.u32 $0x8, s11;
	s12 =	sshll.u32 s12, $0x8;
	[tilespmem:s4+$0x54A0] =	vst v4;
	v5 =	vadd.f32 v12, v5  }
0x157: {  	s11 =	sor.u32 s2, s11;
	s12 =	sadd.s32 s19, s12;
	v6 =	vld [tilespmem:s20+$0x54C0];
	v3 =	vadd.f32 v9, v3;
	[tilespmem:s4+$0x48B0] =	vst v7  }
0x158: {  	s11 =	sshll.u32 s11, $0x8;
	[tilespmem:s4+$0x5490] =	vst v5;
	v5 =	vld [tilespmem:s12+$0x2400]  }
0x159: {  	s10 =	sadd.s32 s10, s11;
	[tilespmem:s4+$0x54B0] =	vst v3;
	v3 =	vld [tilespmem:s4+$0x54C0]  }
0x15a: {  	v4 =	vld [tilespmem:s10+$0x2400];
	_ =	sdelay $0x2  }
0x15b: {  	v5 =	vadd.f32 v5, v6;
	_ =	sdelay $0x1  }
0x15c: {  	v6 =	vld [tilespmem:s20+$0x54D0];
	v3 =	vadd.f32 v4, v3;
	[tilespmem:s20+$0x54C0] =	vst v5  }
0x15d: {  	v5 =	vld [tilespmem:s12+$0x2410]  }
0x15e: {  	v4 =	vld [tilespmem:s4+$0x54D0];
	[tilespmem:s4+$0x54C0] =	vst v3  }
0x15f: {  	v3 =	vld [tilespmem:s10+$0x2410];
	_ =	sdelay $0x2  }
0x160: {  	v5 =	vadd.f32 v5, v6;
	_ =	sdelay $0x1  }
0x161: {  	v7 =	vld [tilespmem:s20+$0x54E0];
	v3 =	vadd.f32 v3, v4;
	[tilespmem:s20+$0x54D0] =	vst v5  }
0x162: {  	v5 =	vld [tilespmem:s12+$0x2420]  }
0x163: {  	v8 =	vld [tilespmem:s4+$0x54E0];
	[tilespmem:s4+$0x54D0] =	vst v3  }
0x164: {  	v3 =	vld [tilespmem:s10+$0x2420];
	_ =	sdelay $0x2  }
0x165: {  	v5 =	vadd.f32 v5, v7;
	_ =	sdelay $0x1  }
0x166: {  	v3 =	vadd.f32 v3, v8;
	[tilespmem:s20+$0x54E0] =	vst v5;
	v5 =	vld [tilespmem:s20+$0x54F0]  }
0x167: {  	v11 =	vld [tilespmem:s12+$0x2430]  }
0x168: {  	[tilespmem:s4+$0x54E0] =	vst v3;
	v3 =	vld [tilespmem:s4+$0x54F0]  }
0x169: {  	v12 =	vld [tilespmem:s10+$0x2430];
	_ =	sdelay $0x3  }
0x16a: {  	v5 =	vadd.f32 v11, v5  }
0x16b: {  	v11 =	vld [tilespmem:s20+$0x5880];
	v3 =	vadd.f32 v12, v3  }
0x16c: {  	[tilespmem:s20+$0x54F0] =	vst v5;
	v5 =	vld [tilespmem:s4+$0x5880]  }
0x16d: {  	v12 =	vld [tilespmem:s12+$0x2440];
	[tilespmem:s4+$0x54F0] =	vst v3  }
0x16e: {  	v3 =	vld [tilespmem:s10+$0x2440];
	_ =	sdelay $0x3  }
0x16f: {  	v11 =	vadd.f32 v12, v11  }
0x170: {  	v13 =	vld [tilespmem:s20+$0x5890];
	v3 =	vadd.f32 v3, v5  }
0x171: {  	v14 =	vld [tilespmem:s4+$0x5890];
	[tilespmem:s20+$0x5880] =	vst v11  }
0x172: {  	v11 =	vld [tilespmem:s12+$0x2450];
	[tilespmem:s4+$0x5880] =	vst v3  }
0x173: {  	v3 =	vld [tilespmem:s10+$0x2450]  }
0x174: {  	v5 =	vadd.f32 v32, v30;
	_ =	sdelay $0x1  }
0x175: {  	[tilespmem:s18+$0x5890] =	vst v5  }
0x176: {  	v5 =	vld [tilespmem:s9+$0x2460];
	v11 =	vadd.f32 v11, v13  }
0x177: {  	v10 =	vld [tilespmem:s4+$0x58A0];
	v3 =	vadd.f32 v3, v14  }
0x178: {  	v9 =	vld [tilespmem:s20+$0x58A0];
	[tilespmem:s20+$0x5890] =	vst v11  }
0x179: {  	v11 =	vld [tilespmem:s12+$0x2460];
	[tilespmem:s4+$0x5890] =	vst v3  }
0x17a: {  	v3 =	vld [tilespmem:s10+$0x2460]  }
0x17b: {  	v5 =	vadd.f32 v5, v29;
	_ =	sdelay $0x1  }
0x17c: {  	[tilespmem:s18+$0x58A0] =	vst v5  }
0x17d: {  	v5 =	vld [tilespmem:s9+$0x2470];
	v9 =	vadd.f32 v11, v9  }
0x17e: {  	v7 =	vld [tilespmem:s20+$0x58B0];
	v3 =	vadd.f32 v3, v10  }
0x17f: {  	v8 =	vld [tilespmem:s4+$0x58B0];
	[tilespmem:s20+$0x58A0] =	vst v9  }
0x180: {  	v9 =	vld [tilespmem:s12+$0x2470];
	[tilespmem:s4+$0x58A0] =	vst v3  }
0x181: {  	v3 =	vld [tilespmem:s10+$0x2470]  }
0x182: {  	v5 =	vadd.f32 v5, v28;
	_ =	sdelay $0x1  }
0x183: {  	[tilespmem:s18+$0x58B0] =	vst v5  }
0x184: {  	v5 =	vld [tilespmem:s9+$0x2800];
	v7 =	vadd.f32 v9, v7  }
0x185: {  	v6 =	vld [tilespmem:s20+$0x58C0];
	v3 =	vadd.f32 v3, v8  }
0x186: {  	v4 =	vld [tilespmem:s4+$0x58C0];
	[tilespmem:s20+$0x58B0] =	vst v7  }
0x187: {  	v7 =	vld [tilespmem:s12+$0x2800];
	[tilespmem:s4+$0x58B0] =	vst v3  }
0x188: {  	v3 =	vld [tilespmem:s10+$0x2800]  }
0x189: {  	v5 =	vadd.f32 v5, v27;
	_ =	sdelay $0x1  }
0x18a: {  	v8 =	vld [tilespmem:s18+$0x58D0];
	[tilespmem:s18+$0x58C0] =	vst v5  }
0x18b: {  	v5 =	vld [tilespmem:s9+$0x2810];
	v6 =	vadd.f32 v7, v6  }
0x18c: {  	v7 =	vld [tilespmem:s20+$0x58D0];
	v3 =	vadd.f32 v3, v4  }
0x18d: {  	v4 =	vld [tilespmem:s4+$0x58D0];
	[tilespmem:s20+$0x58C0] =	vst v6  }
0x18e: {  	v6 =	vld [tilespmem:s12+$0x2810];
	[tilespmem:s4+$0x58C0] =	vst v3  }
0x18f: {  	v3 =	vld [tilespmem:s10+$0x2810]  }
0x190: {  	v5 =	vadd.f32 v5, v8;
	_ =	sdelay $0x1  }
0x191: {  	v8 =	vld [tilespmem:s18+$0x58E0];
	[tilespmem:s18+$0x58D0] =	vst v5  }
0x192: {  	v5 =	vld [tilespmem:s9+$0x2820];
	v6 =	vadd.f32 v6, v7  }
0x193: {  	v7 =	vld [tilespmem:s20+$0x58E0];
	v3 =	vadd.f32 v3, v4  }
0x194: {  	v4 =	vld [tilespmem:s4+$0x58E0];
	[tilespmem:s20+$0x58D0] =	vst v6  }
0x195: {  	v6 =	vld [tilespmem:s12+$0x2820];
	[tilespmem:s4+$0x58D0] =	vst v3  }
0x196: {  	v3 =	vld [tilespmem:s10+$0x2820];
	_ =	sdelay $0x1  }
0x197: {  	v5 =	vadd.f32 v5, v8  }
0x198: {  	v11 =	vld [tilespmem:s4+$0x58F0]  }
0x199: {  	v9 =	vld [tilespmem:s18+$0x58F0];
	[tilespmem:s18+$0x58E0] =	vst v5;
	v6 =	vadd.f32 v6, v7  }
0x19a: {  	v3 =	vadd.f32 v3, v4;
	v4 =	vld [tilespmem:s9+$0x2830]  }
0x19b: {  	v10 =	vld [tilespmem:s20+$0x58F0];
	[tilespmem:s20+$0x58E0] =	vst v6  }
0x19c: {  	v5 =	vld [tilespmem:s12+$0x2830];
	[tilespmem:s4+$0x58E0] =	vst v3  }
0x19d: {  	s19 =	smul.u32 $0x90, s5;
	v3 =	vld [tilespmem:s10+$0x2830];
	_ =	sdelay $0x1  }
0x19e: {  	s10 =	sadd.s32 s8, s19;
	v4 =	vadd.f32 v4, v9  }
0x19f: {  	s9 =	sshrl.u32 s10, $0x3  }
0x1a0: {  	s9 =	smul.u32 $0x300, s9;
	v5 =	vadd.f32 v5, v10;
	[tilespmem:s18+$0x58F0] =	vst v4;
	s18 =	sadd.s32 $0x2, s1  }
0x1a1: {  	v3 =	vadd.f32 v3, v11;
	s12 =	smul.u32 $0x30, s18  }
0x1a2: {  	[tilespmem:s20+$0x58F0] =	vst v5  }
0x1a3: {  	s13 =	simm.s32 $0x4480;
	s11 =	sadd.s32 s6, s9;
	[tilespmem:s4+$0x58F0] =	vst v3;
	s14 =	sadd.s32 s8, s12  }
0x1a4: {  	[hbm4b:s11+s7] =	stream.linear.scatter [tilespmem:s13], [sflag:$0x4], $0x9000, $0x38;
	[tilespmem:$0x1F480] =	vst v63  }
0x1a5: {  	s4 =	simm.s32 @!p0 $0x6;
	s1 =	sshrl.u32 s14, $0x3  }
0x1a6: {  	_ =	swait.ge @!p0 [sflag:s4], $0x9000;
	s1 =	smul.u32 $0x300, s1  }
0x1a7: {  	s17 =	sadd.s32 s17, s3;
	[sflag:s4] =	ssyncset.done @!p0 $0x0  }
0x1a8: {  	[sflag:s4] =	ssyncadd.s32 @!p0 $0xFFFF7000;
	s15 =	sadd.s32 s0, s1;
	s4 =	simm.s32 $0x0  }
0x1a9: {  	[tilespmem:s24], [sflag:$0x3] =	stream.linear.gather [hbm4b:s15+s4], $0x9000, $0x38;
	[tilespmem:$0x1F480] =	vst v63  }
0x1aa: {  	s9 =	sshll.u32 s17, $0x7;
	s20 =	sshll.u32 s17, $0x8;
	_ =	swait.ge [sflag:s25], $0x9000  }
0x1ab: {  	s9 =	sand.u32 $0x380, s9;
	s10 =	sand.u32 $0xFFFFF800, s20;
	[sflag:s25] =	ssyncset.done $0x0  }
0x1ac: {  	s9 =	sor.u32 s9, s10;
	[sflag:s25] =	ssyncadd.s32 $0xFFFF7000  }
0x1ad: {  	v26 =	vld [tilespmem:s9+$0x400]  }
0x1ae: {  	v25 =	vld [tilespmem:s9+$0x410]  }
0x1af: {  	v24 =	vld [tilespmem:s9+$0x420]  }
0x1b0: {  	v23 =	vld [tilespmem:s9+$0x430]  }
0x1b1: {  	v22 =	vld [tilespmem:s9+$0x440]  }
0x1b2: {  	v21 =	vld [tilespmem:s9+$0x450]  }
0x1b3: {  	v20 =	vld [tilespmem:s9+$0x460]  }
0x1b4: {  	v19 =	vld [tilespmem:s9+$0x470]  }
0x1b5: {  	v18 =	vld [tilespmem:s9+$0x800]  }
0x1b6: {  	v17 =	vld [tilespmem:s9+$0x810]  }
0x1b7: {  	v16 =	vld [tilespmem:s9+$0x820]  }
0x1b8: {  	v15 =	vld [tilespmem:s9+$0x830]  }
0x1b9: {  	v14 =	vld [tilespmem:s9+$0x1400]  }
0x1ba: {  	v13 =	vld [tilespmem:s9+$0x1410]  }
0x1bb: {  	s21 =	simm.s32 $0x0;
	v12 =	vld [tilespmem:s9+$0x1420]  }
0x1bc: {  	s22 =	smul.u32 $0x6000, s21;
	v11 =	vld [tilespmem:s9+$0x1430]  }
0x1bd: {  	v10 =	vld [tilespmem:s9+$0x1440]  }
0x1be: {  	s12 =	sshra.s32 s22, $0x2;
	s30 =	sand.u32 $0x180, s4;
	s31 =	sand.u32 $0x380, s4;
	v9 =	vld [tilespmem:s9+$0x1450]  }
0x1bf: {  	s17 =	sor.u32 s31, s12;
	v3 =	vld [tilespmem:s30+$0x0]  }
0x1c0: {  	v27 =	vld [tilespmem:s17+$0xD480]  }
0x1c1: {  	v8 =	vld [tilespmem:s9+$0x1460]  }
0x1c2: {  	v7 =	vld [tilespmem:s9+$0x1470]  }
0x1c3: {  	v6 =	vld [tilespmem:s9+$0x1800]  }
0x1c4: {  	v5 =	vld [tilespmem:s9+$0x1810]  }
0x1c5: {  	v4 =	vld [tilespmem:s9+$0x1820];
	v27 =	vadd.f32 v3, v27  }
0x1c6: {  	v3 =	vld [tilespmem:s9+$0x1830]  }
0x1c7: {  	[tilespmem:s17+$0xD480] =	vst v27;
	v27 =	vld [tilespmem:s17+$0xD490]  }
0x1c8: {  	v28 =	vld [tilespmem:s30+$0x10];
	_ =	sdelay $0x4  }
0x1c9: {  	v27 =	vadd.f32 v28, v27;
	_ =	sdelay $0x1  }
0x1ca: {  	[tilespmem:s17+$0xD490] =	vst v27;
	v27 =	vld [tilespmem:s17+$0xD4A0]  }
0x1cb: {  	v28 =	vld [tilespmem:s30+$0x20];
	_ =	sdelay $0x4  }
0x1cc: {  	v27 =	vadd.f32 v28, v27;
	_ =	sdelay $0x1  }
0x1cd: {  	[tilespmem:s17+$0xD4A0] =	vst v27;
	v27 =	vld [tilespmem:s17+$0xD4B0]  }
0x1ce: {  	v28 =	vld [tilespmem:s30+$0x30];
	_ =	sdelay $0x4  }
0x1cf: {  	v27 =	vadd.f32 v28, v27;
	_ =	sdelay $0x1  }
0x1d0: {  	[tilespmem:s17+$0xD4B0] =	vst v27;
	v27 =	vld [tilespmem:s17+$0xD4C0]  }
0x1d1: {  	v28 =	vld [tilespmem:s30+$0x40];
	_ =	sdelay $0x4  }
0x1d2: {  	v27 =	vadd.f32 v28, v27;
	_ =	sdelay $0x1  }
0x1d3: {  	[tilespmem:s17+$0xD4C0] =	vst v27;
	v27 =	vld [tilespmem:s17+$0xD4D0]  }
0x1d4: {  	v28 =	vld [tilespmem:s30+$0x50];
	_ =	sdelay $0x4  }
0x1d5: {  	v27 =	vadd.f32 v28, v27;
	_ =	sdelay $0x1  }
0x1d6: {  	v28 =	vld [tilespmem:s17+$0xD4E0];
	[tilespmem:s17+$0xD4D0] =	vst v27  }
0x1d7: {  	v27 =	vld [tilespmem:s30+$0x60];
	_ =	sdelay $0x4  }
0x1d8: {  	v27 =	vadd.f32 v27, v28;
	_ =	sdelay $0x1  }
0x1d9: {  	v28 =	vld [tilespmem:s17+$0xD4F0];
	[tilespmem:s17+$0xD4E0] =	vst v27  }
0x1da: {  	v27 =	vld [tilespmem:s30+$0x70];
	_ =	sdelay $0x4  }
0x1db: {  	v27 =	vadd.f32 v27, v28;
	_ =	sdelay $0x1  }
0x1dc: {  	v28 =	vld [tilespmem:s17+$0xD880];
	[tilespmem:s17+$0xD4F0] =	vst v27  }
0x1dd: {  	v27 =	vld [tilespmem:s30+$0x200]  }
0x1de: {  	s14 =	simm.s32 $0x0  }
0x1df: {  	s14 =	smul.u32 $0x6000, s14  }
0x1e0: {  	s20 =	simm.s32 $0x80;
	s15 =	simm.s32 $0x8  }
0x1e1: {  	s21 =	sshra.s32 s14, $0x2;
	s13 =	sand.u32 $0x180, s15;
	s9 =	sand.u32 $0x380, s20  }
0x1e2: {  	v29 =	vld [tilespmem:s13+$0x0];
	s20 =	sor.u32 s9, s21;
	v27 =	vadd.f32 v27, v28  }
0x1e3: {  	v30 =	vld [tilespmem:s20+$0xD480]  }
0x1e4: {  	v28 =	vld [tilespmem:s17+$0xD890];
	[tilespmem:s17+$0xD880] =	vst v27  }
0x1e5: {  	v27 =	vld [tilespmem:s30+$0x210];
	_ =	sdelay $0x2  }
0x1e6: {  	v29 =	vadd.f32 v29, v30  }
0x1e7: {  	v51 =	vld [tilespmem:s17+$0xD8D0]  }
0x1e8: {  	[tilespmem:s20+$0xD480] =	vst v29;
	v29 =	vld [tilespmem:s20+$0xD490];
	v27 =	vadd.f32 v27, v28  }
0x1e9: {  	v31 =	vld [tilespmem:s13+$0x10]  }
0x1ea: {  	v28 =	vld [tilespmem:s17+$0xD8A0];
	[tilespmem:s17+$0xD890] =	vst v27  }
0x1eb: {  	v27 =	vld [tilespmem:s30+$0x220]  }
0x1ec: {  	v52 =	vld [tilespmem:s17+$0xD8E0]  }
0x1ed: {  	v30 =	vld [tilespmem:s17+$0xD8C0]  }
0x1ee: {  	v53 =	vld [tilespmem:s17+$0xD8F0]  }
0x1ef: {  	v54 =	vld [tilespmem:s17+$0xDC80]  }
0x1f0: {  	v29 =	vadd.f32 v31, v29;
	v31 =	vld [tilespmem:s20+$0xD4A0];
	v27 =	vadd.f32 v27, v28  }
0x1f1: {  	v28 =	vld [tilespmem:s17+$0xDC90]  }
0x1f2: {  	[tilespmem:s17+$0xD8A0] =	vst v27;
	v27 =	vadd.f32 v30, v26;
	v30 =	vld [tilespmem:s17+$0xDCA0]  }
0x1f3: {  	[tilespmem:s20+$0xD490] =	vst v29;
	v29 =	vld [tilespmem:s17+$0xDCB0]  }
0x1f4: {  	v57 =	vld [tilespmem:s13+$0x20]  }
0x1f5: {  	v55 =	vld [tilespmem:s30+$0x230];
	[tilespmem:s17+$0xD8C0] =	vst v27;
	v27 =	vadd.f32 v52, v24  }
0x1f6: {  	v59 =	vld [tilespmem:s17+$0xDCD0];
	v28 =	vadd.f32 v28, v21  }
0x1f7: {  	v60 =	vld [tilespmem:s17+$0xDCE0];
	[tilespmem:s17+$0xD8E0] =	vst v27;
	v30 =	vadd.f32 v30, v20  }
0x1f8: {  	v29 =	vadd.f32 v29, v19;
	v27 =	vld [tilespmem:s17+$0xDCC0];
	[tilespmem:s17+$0xDC90] =	vst v28  }
0x1f9: {  	v28 =	vld [tilespmem:s17+$0xDCF0];
	[tilespmem:s17+$0xDCA0] =	vst v30;
	v30 =	vadd.f32 v57, v31  }
0x1fa: {  	[tilespmem:s17+$0xDCB0] =	vst v29;
	v29 =	vld [tilespmem:s17+$0xE090]  }
0x1fb: {  	v32 =	vadd.f32 v51, v25;
	[tilespmem:s20+$0xD4A0] =	vst v30;
	v30 =	vld [tilespmem:s20+$0xD4B0]  }
0x1fc: {  	v56 =	vadd.f32 v53, v23;
	v62 =	vld [tilespmem:s13+$0x30]  }
0x1fd: {  	[tilespmem:s17+$0xD8D0] =	vst v32;
	v31 =	vld [tilespmem:s17+$0xE080];
	v27 =	vadd.f32 v27, v18  }
0x1fe: {  	v37 =	vld [tilespmem:s17+$0xE0B0];
	[tilespmem:s17+$0xD8F0] =	vst v56;
	v28 =	vadd.f32 v28, v15  }
0x1ff: {  	v38 =	vld [tilespmem:s17+$0xE0C0];
	v58 =	vadd.f32 v54, v22;
	[tilespmem:s17+$0xDCC0] =	vst v27  }
0x200: {  	v27 =	vld [tilespmem:s17+$0xE0A0];
	[tilespmem:s17+$0xDCF0] =	vst v28;
	v28 =	vadd.f32 v29, v13  }
0x201: {  	v39 =	vld [tilespmem:s17+$0xE0D0];
	[tilespmem:s17+$0xDC80] =	vst v58;
	v30 =	vadd.f32 v62, v30  }
0x202: {  	v31 =	vadd.f32 v31, v14;
	[tilespmem:s17+$0xE090] =	vst v28;
	v28 =	vld [tilespmem:s17+$0xE0F0]  }
0x203: {  	v61 =	vadd.f32 v59, v17;
	[tilespmem:s20+$0xD4B0] =	vst v30;
	v30 =	vld [tilespmem:s20+$0xD4C0]  }
0x204: {  	v63 =	vadd.f32 v60, v16;
	[tilespmem:s17+$0xE080] =	vst v31;
	v31 =	vld [tilespmem:s13+$0x40]  }
0x205: {  	[tilespmem:s17+$0xDCD0] =	vst v61;
	v29 =	vld [tilespmem:s17+$0xE0E0];
	v27 =	vadd.f32 v27, v12  }
0x206: {  	v41 =	vld [tilespmem:s17+$0xE490];
	v40 =	vadd.f32 v38, v10;
	[tilespmem:s17+$0xDCE0] =	vst v63  }
0x207: {  	v42 =	vadd.f32 v39, v9;
	[tilespmem:s17+$0xE0A0] =	vst v27;
	v27 =	vld [tilespmem:s17+$0xE480]  }
0x208: {  	v43 =	vld [tilespmem:s17+$0xE4A0];
	[tilespmem:s17+$0xE0C0] =	vst v40;
	v28 =	vadd.f32 v28, v7  }
0x209: {  	[tilespmem:s17+$0xE0D0] =	vst v42;
	v30 =	vadd.f32 v31, v30;
	v31 =	vld [tilespmem:s17+$0xE4B0]  }
0x20a: {  	v29 =	vadd.f32 v29, v8;
	[tilespmem:s17+$0xE0F0] =	vst v28  }
0x20b: {  	v28 =	vadd.f32 v41, v5;
	[tilespmem:s20+$0xD4C0] =	vst v30;
	v30 =	vld [tilespmem:s17+$0xD8B0]  }
0x20c: {  	[tilespmem:s17+$0xE0E0] =	vst v29;
	v27 =	vadd.f32 v27, v6  }
0x20d: {  	v32 =	vadd.f32 v37, v11;
	v29 =	vld [tilespmem:s20+$0xD4D0];
	[tilespmem:s17+$0xE490] =	vst v28  }
0x20e: {  	[tilespmem:s17+$0xE480] =	vst v27;
	v27 =	vadd.f32 v43, v4;
	v28 =	vadd.f32 v31, v3;
	v31 =	vld [tilespmem:s13+$0x50]  }
0x20f: {  	s29 =	simm.s32 $0x10;
	s22 =	simm.s32 $0x0;
	s4 =	sand.u32 $0x8, s4;
	[tilespmem:s17+$0xE0B0] =	vst v32  }
0x210: {  	s28 =	sand.u32 $0x180, s29;
	s4 =	sor.u32 s2, s4;
	s30 =	smul.u32 $0x6000, s22;
	[tilespmem:s17+$0xE4A0] =	vst v27;
	v30 =	vadd.f32 v55, v30  }
0x211: {  	s15 =	simm.s32 $0x100;
	s4 =	sshll.u32 s4, $0x8;
	v27 =	vld [tilespmem:s28+$0x0];
	[tilespmem:s17+$0xE4B0] =	vst v28  }
0x212: {  	s11 =	sand.u32 $0x380, s15;
	s10 =	sadd.s32 s31, s4;
	s31 =	sshra.s32 s30, $0x2;
	v28 =	vld [tilespmem:s17+$0xE4C0];
	[tilespmem:s17+$0xD8B0] =	vst v30  }
0x213: {  	s4 =	sor.u32 s11, s31;
	v30 =	vld [tilespmem:s10+$0x2400];
	v29 =	vadd.f32 v31, v29  }
0x214: {  	v31 =	vld [tilespmem:s4+$0xD480]  }
0x215: {  	v44 =	vld [tilespmem:s20+$0xD4E0];
	[tilespmem:s20+$0xD4D0] =	vst v29  }
0x216: {  	v29 =	vld [tilespmem:s13+$0x60];
	_ =	sdelay $0x1  }
0x217: {  	v28 =	vadd.f32 v30, v28  }
0x218: {  	v30 =	vld [tilespmem:s17+$0xE4D0];
	v27 =	vadd.f32 v27, v31  }
0x219: {  	v31 =	vld [tilespmem:s20+$0xD4F0];
	[tilespmem:s17+$0xE4C0] =	vst v28  }
0x21a: {  	[tilespmem:s4+$0xD480] =	vst v27;
	v28 =	vld [tilespmem:s10+$0x2410];
	v27 =	vadd.f32 v29, v44  }
0x21b: {  	v29 =	vld [tilespmem:s4+$0xD490]  }
0x21c: {  	v45 =	vld [tilespmem:s28+$0x10];
	[tilespmem:s20+$0xD4E0] =	vst v27  }
0x21d: {  	v46 =	vld [tilespmem:s13+$0x70];
	_ =	sdelay $0x1  }
0x21e: {  	v50 =	vld [tilespmem:s17+$0xE4F0];
	v28 =	vadd.f32 v28, v30  }
0x21f: {  	v47 =	vld [tilespmem:s20+$0xD880]  }
0x220: {  	v30 =	vld [tilespmem:s17+$0xE4E0];
	[tilespmem:s17+$0xE4D0] =	vst v28;
	v28 =	vadd.f32 v45, v29  }
0x221: {  	v29 =	vld [tilespmem:s10+$0x2420];
	v31 =	vadd.f32 v46, v31  }
0x222: {  	v48 =	vld [tilespmem:s4+$0xD4A0];
	[tilespmem:s4+$0xD490] =	vst v28  }
0x223: {  	v49 =	vld [tilespmem:s28+$0x20];
	[tilespmem:s20+$0xD4F0] =	vst v31  }
0x224: {  	v31 =	vld [tilespmem:s13+$0x200]  }
0x225: {  	v51 =	vld [tilespmem:s20+$0xD890]  }
0x226: {  	v60 =	vld [tilespmem:s20+$0xD8D0];
	v30 =	vadd.f32 v29, v30  }
0x227: {  	v36 =	vld [tilespmem:s20+$0xD8F0]  }
0x228: {  	v33 =	vld [tilespmem:s20+$0xDC80];
	[tilespmem:s17+$0xE4E0] =	vst v30;
	v30 =	vadd.f32 v49, v48  }
0x229: {  	v31 =	vadd.f32 v31, v47;
	v52 =	vld [tilespmem:s10+$0x2430]  }
0x22a: {  	v53 =	vld [tilespmem:s4+$0xD4B0];
	[tilespmem:s4+$0xD4A0] =	vst v30  }
0x22b: {  	v54 =	vld [tilespmem:s28+$0x30];
	[tilespmem:s20+$0xD880] =	vst v31  }
0x22c: {  	v31 =	vld [tilespmem:s13+$0x210]  }
0x22d: {  	v35 =	vld [tilespmem:s20+$0xDCA0]  }
0x22e: {  	v56 =	vld [tilespmem:s20+$0xD8C0];
	v32 =	vadd.f32 v52, v50  }
0x22f: {  	v58 =	vld [tilespmem:s4+$0xD4C0]  }
0x230: {  	v55 =	vld [tilespmem:s17+$0xE880];
	v34 =	vadd.f32 v54, v53;
	[tilespmem:s17+$0xE4F0] =	vst v32  }
0x231: {  	v31 =	vadd.f32 v31, v51;
	v32 =	vld [tilespmem:s10+$0x2440]  }
0x232: {  	v57 =	vld [tilespmem:s20+$0xD8A0];
	[tilespmem:s4+$0xD4B0] =	vst v34  }
0x233: {  	[tilespmem:s20+$0xD890] =	vst v31;
	v59 =	vld [tilespmem:s28+$0x40]  }
0x234: {  	v31 =	vld [tilespmem:s13+$0x220]  }
0x235: {  	v61 =	vld [tilespmem:s20+$0xD8E0]  }
0x236: {  	v27 =	vld [tilespmem:s17+$0xE8C0];
	v32 =	vadd.f32 v32, v55  }
0x237: {  	v28 =	vld [tilespmem:s17+$0xE8B0]  }
0x238: {  	v30 =	vld [tilespmem:s17+$0xE890];
	v62 =	vadd.f32 v59, v58;
	[tilespmem:s17+$0xE880] =	vst v32  }
0x239: {  	v31 =	vadd.f32 v31, v57;
	v32 =	vld [tilespmem:s10+$0x2450]  }
0x23a: {  	v63 =	vadd.f32 v56, v26;
	v29 =	vld [tilespmem:s17+$0xE8A0];
	[tilespmem:s4+$0xD4C0] =	vst v62  }
0x23b: {  	v37 =	vadd.f32 v60, v25;
	v34 =	vld [tilespmem:s20+$0xDC90];
	[tilespmem:s20+$0xD8A0] =	vst v31  }
0x23c: {  	s14 =	simm.s32 $0x3;
	s21 =	simm.s32 $0x1;
	v38 =	vadd.f32 v61, v24;
	v31 =	vld [tilespmem:s13+$0x230];
	s13 =	simm.s32 $0x2;
	[tilespmem:s20+$0xD8C0] =	vst v63  }
.LBB2_5:
0x23d: {  	p0 =	sne.s32 s14, $0x2F;
	[tilespmem:s20+$0xD8D0] =	vst v37;
	v36 =	vadd.f32 v36, v23;
	v37 =	vld [tilespmem:s20+$0xDCB0]  }
0x23e: {  	[tilespmem:s20+$0xD8E0] =	vst v38;
	v38 =	vld [tilespmem:s20+$0xDCC0];
	v30 =	vadd.f32 v32, v30  }
0x23f: {  	v32 =	vadd.f32 v33, v22;
	[tilespmem:s20+$0xD8F0] =	vst v36;
	v33 =	vld [tilespmem:s20+$0xDCD0]  }
0x240: {  	v34 =	vadd.f32 v34, v21;
	v36 =	vld [tilespmem:s20+$0xDCE0];
	[tilespmem:s17+$0xE890] =	vst v30  }
0x241: {  	v30 =	vadd.f32 v35, v20;
	[tilespmem:s20+$0xDC80] =	vst v32;
	v32 =	vld [tilespmem:s10+$0x2460]  }
0x242: {  	[tilespmem:s20+$0xDC90] =	vst v34;
	v34 =	vadd.f32 v37, v19;
	v35 =	vld [tilespmem:s20+$0xDCF0]  }
0x243: {  	[tilespmem:s20+$0xDCA0] =	vst v30;
	v30 =	vadd.f32 v38, v18;
	v37 =	vld [tilespmem:s20+$0xE080]  }
0x244: {  	[tilespmem:s20+$0xDCB0] =	vst v34;
	v33 =	vadd.f32 v33, v17;
	v34 =	vld [tilespmem:s20+$0xE090]  }
0x245: {  	[tilespmem:s20+$0xDCC0] =	vst v30;
	v30 =	vadd.f32 v36, v16;
	v36 =	vld [tilespmem:s20+$0xE0A0]  }
0x246: {  	[tilespmem:s20+$0xDCD0] =	vst v33;
	v33 =	vld [tilespmem:s20+$0xE0B0];
	v29 =	vadd.f32 v32, v29  }
0x247: {  	[tilespmem:s20+$0xDCE0] =	vst v30;
	v30 =	vadd.f32 v35, v15;
	v32 =	vld [tilespmem:s20+$0xE0C0]  }
0x248: {  	v35 =	vadd.f32 v37, v14;
	v37 =	vld [tilespmem:s20+$0xE0D0];
	[tilespmem:s17+$0xE8A0] =	vst v29  }
0x249: {  	[tilespmem:s20+$0xDCF0] =	vst v30;
	v29 =	vadd.f32 v34, v13;
	v30 =	vld [tilespmem:s10+$0x2470]  }
0x24a: {  	[tilespmem:s20+$0xE080] =	vst v35;
	v34 =	vadd.f32 v36, v12;
	v35 =	vld [tilespmem:s20+$0xE0E0]  }
0x24b: {  	[tilespmem:s20+$0xE090] =	vst v29;
	v29 =	vadd.f32 v33, v11;
	v33 =	vld [tilespmem:s20+$0xE0F0]  }
0x24c: {  	[tilespmem:s20+$0xE0A0] =	vst v34;
	v32 =	vadd.f32 v32, v10;
	v34 =	vld [tilespmem:s20+$0xE480]  }
0x24d: {  	[tilespmem:s20+$0xE0B0] =	vst v29;
	v29 =	vadd.f32 v37, v9;
	v36 =	vld [tilespmem:s20+$0xE490]  }
0x24e: {  	[tilespmem:s20+$0xE0C0] =	vst v32;
	v32 =	vld [tilespmem:s20+$0xE4A0];
	v28 =	vadd.f32 v30, v28  }
0x24f: {  	[tilespmem:s20+$0xE0D0] =	vst v29;
	v29 =	vadd.f32 v35, v8;
	v30 =	vld [tilespmem:s20+$0xE4B0]  }
0x250: {  	s29 =	sadd.s32 $0x8, s29;
	v35 =	vld [tilespmem:s20+$0xD8B0];
	v33 =	vadd.f32 v33, v7;
	[tilespmem:s17+$0xE8B0] =	vst v28  }
0x251: {  	s12 =	sand.u32 $0x180, s29;
	[tilespmem:s20+$0xE0E0] =	vst v29;
	v28 =	vadd.f32 v34, v6;
	v29 =	vld [tilespmem:s10+$0x2800]  }
0x252: {  	v34 =	vld [tilespmem:s12+$0x0];
	[tilespmem:s20+$0xE0F0] =	vst v33;
	v33 =	vadd.f32 v36, v5  }
0x253: {  	v36 =	vld [tilespmem:s4+$0xD4D0];
	[tilespmem:s20+$0xE480] =	vst v28;
	v28 =	vadd.f32 v32, v4  }
0x254: {  	s30 =	sand.u32 $0x8, s21;
	s21 =	smov.u32 s13;
	s13 =	smov.u32 s14;
	v32 =	vld [tilespmem:s28+$0x50];
	[tilespmem:s20+$0xE490] =	vst v33;
	v30 =	vadd.f32 v30, v3  }
0x255: {  	s30 =	sor.u32 s2, s30;
	v31 =	vadd.f32 v31, v35;
	[tilespmem:s20+$0xE4A0] =	vst v28;
	v33 =	vld [tilespmem:s17+$0xE8F0]  }
0x256: {  	s31 =	sshrl.u32 s14, $0x3;
	s30 =	sshll.u32 s30, $0x8;
	[tilespmem:s20+$0xE4B0] =	vst v30;
	v27 =	vadd.f32 v29, v27;
	v28 =	vld [tilespmem:s17+$0xE8D0]  }
0x257: {  	s31 =	smul.u32 $0x6000, s31;
	s22 =	sadd.s32 s9, s30;
	s9 =	smov.u32 s11;
	[tilespmem:s20+$0xD8B0] =	vst v31;
	v29 =	vld [tilespmem:s20+$0xE4C0]  }
0x258: {  	s15 =	sadd.s32 $0x80, s15;
	v30 =	vld [tilespmem:s22+$0x2400];
	[tilespmem:s17+$0xE8C0] =	vst v27  }
0x259: {  	s11 =	sand.u32 $0x380, s15;
	s30 =	sshra.s32 s31, $0x2;
	v27 =	vadd.f32 v32, v36;
	v31 =	vld [tilespmem:s10+$0x2810]  }
0x25a: {  	s30 =	sor.u32 s11, s30;
	v32 =	vld [tilespmem:s4+$0xD4E0]  }
0x25b: {  	v35 =	vld [tilespmem:s30+$0xD480];
	[tilespmem:s4+$0xD4D0] =	vst v27  }
0x25c: {  	v27 =	vld [tilespmem:s28+$0x60]  }
0x25d: {  	v29 =	vadd.f32 v30, v29;
	v30 =	vld [tilespmem:s17+$0xE8E0]  }
0x25e: {  	v36 =	vld [tilespmem:s20+$0xE4D0];
	v28 =	vadd.f32 v31, v28  }
0x25f: {  	v31 =	vld [tilespmem:s4+$0xD4F0];
	[tilespmem:s20+$0xE4C0] =	vst v29  }
0x260: {  	v29 =	vadd.f32 v34, v35;
	v34 =	vld [tilespmem:s22+$0x2410];
	[tilespmem:s17+$0xE8D0] =	vst v28  }
0x261: {  	v27 =	vadd.f32 v27, v32;
	v28 =	vld [tilespmem:s10+$0x2820]  }
0x262: {  	[tilespmem:s30+$0xD480] =	vst v29;
	v29 =	vld [tilespmem:s30+$0xD490]  }
0x263: {  	v32 =	vld [tilespmem:s12+$0x10];
	[tilespmem:s4+$0xD4E0] =	vst v27  }
0x264: {  	v35 =	vld [tilespmem:s28+$0x70]  }
0x265: {  	v34 =	vadd.f32 v34, v36;
	v27 =	vld [tilespmem:s20+$0xE8C0]  }
0x266: {  	v36 =	vld [tilespmem:s20+$0xE4E0];
	v28 =	vadd.f32 v28, v30  }
0x267: {  	v30 =	vld [tilespmem:s4+$0xD880];
	[tilespmem:s20+$0xE4D0] =	vst v34  }
0x268: {  	v29 =	vadd.f32 v32, v29;
	v32 =	vld [tilespmem:s22+$0x2420];
	[tilespmem:s17+$0xE8E0] =	vst v28  }
0x269: {  	v28 =	vadd.f32 v35, v31;
	v31 =	vld [tilespmem:s10+$0x2830];
	s10 =	smov.u32 s22  }
0x26a: {  	[tilespmem:s30+$0xD490] =	vst v29;
	v34 =	vld [tilespmem:s30+$0xD4A0]  }
0x26b: {  	v35 =	vld [tilespmem:s12+$0x20];
	[tilespmem:s4+$0xD4F0] =	vst v28  }
0x26c: {  	v37 =	vld [tilespmem:s28+$0x200]  }
0x26d: {  	v32 =	vadd.f32 v32, v36;
	v28 =	vld [tilespmem:s20+$0xE8B0]  }
0x26e: {  	v29 =	vld [tilespmem:s20+$0xE8A0];
	v31 =	vadd.f32 v31, v33  }
0x26f: {  	[tilespmem:s20+$0xE4E0] =	vst v32;
	v32 =	vld [tilespmem:s20+$0xE4F0]  }
0x270: {  	v33 =	vadd.f32 v35, v34;
	v34 =	vld [tilespmem:s4+$0xD890];
	[tilespmem:s17+$0xE8F0] =	vst v31;
	s17 =	smov.u32 s20;
	s20 =	smov.u32 s4;
	s4 =	smov.u32 s30  }
0x271: {  	v30 =	vadd.f32 v37, v30;
	v31 =	vld [tilespmem:s10+$0x2430]  }
0x272: {  	[tilespmem:s4+$0xD4A0] =	vst v33;
	v33 =	vld [tilespmem:s4+$0xD4B0]  }
0x273: {  	v35 =	vld [tilespmem:s12+$0x30];
	[tilespmem:s20+$0xD880] =	vst v30  }
0x274: {  	v36 =	vld [tilespmem:s28+$0x210]  }
0x275: {  	v30 =	vld [tilespmem:s17+$0xE890]  }
0x276: {  	v31 =	vadd.f32 v31, v32;
	v32 =	vld [tilespmem:s17+$0xE880]  }
0x277: {  	v37 =	vld [tilespmem:s20+$0xD8C0]  }
0x278: {  	v33 =	vadd.f32 v35, v33;
	v35 =	vld [tilespmem:s20+$0xD8A0];
	[tilespmem:s17+$0xE4F0] =	vst v31  }
0x279: {  	v31 =	vadd.f32 v36, v34;
	v34 =	vld [tilespmem:s10+$0x2440]  }
0x27a: {  	[tilespmem:s4+$0xD4B0] =	vst v33;
	v33 =	vld [tilespmem:s4+$0xD4C0]  }
0x27b: {  	v38 =	vld [tilespmem:s12+$0x40];
	[tilespmem:s20+$0xD890] =	vst v31  }
0x27c: {  	v31 =	vld [tilespmem:s28+$0x220]  }
0x27d: {  	v39 =	vld [tilespmem:s20+$0xD8D0]  }
0x27e: {  	v40 =	vld [tilespmem:s20+$0xD8E0];
	v32 =	vadd.f32 v34, v32  }
0x27f: {  	v36 =	vld [tilespmem:s20+$0xD8F0]  }
.Ltmp1:
0x280: {  	v34 =	vadd.f32 v38, v33;
	v33 =	vld [tilespmem:s20+$0xDC80];
	[tilespmem:s17+$0xE880] =	vst v32;
	(pc) =	sbr.rel @p0 .LBB2_5-.Ltmp1, $4  }
0x281: {  	v31 =	vadd.f32 v31, v35;
	v32 =	vld [tilespmem:s10+$0x2450]  }
0x282: {  	v38 =	vadd.f32 v37, v26;
	[tilespmem:s4+$0xD4C0] =	vst v34;
	v34 =	vld [tilespmem:s20+$0xDC90]  }
0x283: {  	v37 =	vadd.f32 v39, v25;
	[tilespmem:s20+$0xD8A0] =	vst v31;
	v35 =	vld [tilespmem:s20+$0xDCA0]  }
0x284: {  	s14 =	sadd.s32 $0x1, s14;
	v31 =	vld [tilespmem:s28+$0x230];
	[tilespmem:s20+$0xD8C0] =	vst v38;
	v38 =	vadd.f32 v40, v24;
	s28 =	smov.u32 s12  }
0x285: {  	v39 =	vld [tilespmem:s4+$0xD4D0]  }
0x286: {  	v40 =	vld [tilespmem:s28+$0x50];
	_ =	sdelay $0x4  }
0x287: {  	v39 =	vadd.f32 v40, v39;
	_ =	sdelay $0x1  }
0x288: {  	v63 =	vld [tilespmem:s4+$0xD4E0];
	[tilespmem:s4+$0xD4D0] =	vst v39  }
0x289: {  	v39 =	vld [tilespmem:s28+$0x60];
	_ =	sdelay $0x4  }
0x28a: {  	v39 =	vadd.f32 v39, v63;
	_ =	sdelay $0x1  }
0x28b: {  	v44 =	vld [tilespmem:s4+$0xD4F0];
	[tilespmem:s4+$0xD4E0] =	vst v39  }
0x28c: {  	v39 =	vld [tilespmem:s28+$0x70];
	_ =	sdelay $0x4  }
0x28d: {  	v39 =	vadd.f32 v39, v44;
	_ =	sdelay $0x1  }
0x28e: {  	v45 =	vld [tilespmem:s4+$0xD880];
	[tilespmem:s4+$0xD4F0] =	vst v39  }
0x28f: {  	v39 =	vld [tilespmem:s28+$0x200];
	_ =	sdelay $0x4  }
0x290: {  	v39 =	vadd.f32 v39, v45;
	_ =	sdelay $0x1  }
0x291: {  	v48 =	vld [tilespmem:s4+$0xD890];
	[tilespmem:s4+$0xD880] =	vst v39  }
0x292: {  	v39 =	vld [tilespmem:s28+$0x210];
	_ =	sdelay $0x1  }
0x293: {  	v46 =	vld [tilespmem:s20+$0xDCB0]  }
0x294: {  	v36 =	vadd.f32 v36, v23;
	v47 =	vld [tilespmem:s20+$0xDCC0]  }
0x295: {  	[tilespmem:s20+$0xD8D0] =	vst v37;
	v49 =	vld [tilespmem:s20+$0xDCD0]  }
0x296: {  	v41 =	vld [tilespmem:s20+$0xDCE0];
	[tilespmem:s20+$0xD8F0] =	vst v36;
	v36 =	vadd.f32 v39, v48  }
0x297: {  	v33 =	vadd.f32 v33, v22;
	v51 =	vld [tilespmem:s20+$0xDCF0];
	[tilespmem:s20+$0xD8E0] =	vst v38  }
0x298: {  	v53 =	vld [tilespmem:s4+$0xD8A0];
	v34 =	vadd.f32 v34, v21;
	[tilespmem:s4+$0xD890] =	vst v36  }
0x299: {  	[tilespmem:s20+$0xDC80] =	vst v33;
	v50 =	vadd.f32 v35, v20;
	v36 =	vld [tilespmem:s28+$0x220]  }
0x29a: {  	v52 =	vld [tilespmem:s4+$0xD8C0];
	[tilespmem:s20+$0xDC90] =	vst v34;
	v37 =	vadd.f32 v46, v19  }
0x29b: {  	v42 =	vld [tilespmem:s4+$0xD8D0];
	[tilespmem:s20+$0xDCA0] =	vst v50;
	v38 =	vadd.f32 v47, v18  }
0x29c: {  	v43 =	vld [tilespmem:s4+$0xD8E0];
	v40 =	vadd.f32 v49, v17;
	[tilespmem:s20+$0xDCB0] =	vst v37  }
0x29d: {  	v34 =	vadd.f32 v51, v15;
	[tilespmem:s20+$0xDCC0] =	vst v38;
	v44 =	vld [tilespmem:s4+$0xD8F0]  }
0x29e: {  	v56 =	vld [tilespmem:s4+$0xDC80];
	[tilespmem:s20+$0xDCD0] =	vst v40;
	v33 =	vadd.f32 v36, v53  }
0x29f: {  	v57 =	vld [tilespmem:s4+$0xDC90];
	v26 =	vadd.f32 v52, v26;
	[tilespmem:s20+$0xDCF0] =	vst v34  }
0x2a0: {  	v59 =	vld [tilespmem:s4+$0xDCA0];
	v25 =	vadd.f32 v42, v25;
	[tilespmem:s4+$0xD8A0] =	vst v33  }
0x2a1: {  	v24 =	vadd.f32 v43, v24;
	v60 =	vld [tilespmem:s28+$0x230];
	[tilespmem:s4+$0xD8C0] =	vst v26  }
0x2a2: {  	v62 =	vld [tilespmem:s4+$0xDCD0];
	v23 =	vadd.f32 v44, v23;
	[tilespmem:s4+$0xD8D0] =	vst v25  }
0x2a3: {  	v54 =	vld [tilespmem:s20+$0xE080];
	v22 =	vadd.f32 v56, v22;
	[tilespmem:s4+$0xD8E0] =	vst v24  }
0x2a4: {  	v55 =	vld [tilespmem:s20+$0xE090];
	v21 =	vadd.f32 v57, v21;
	[tilespmem:s4+$0xD8F0] =	vst v23  }
0x2a5: {  	v58 =	vld [tilespmem:s20+$0xE0A0];
	v20 =	vadd.f32 v59, v20;
	[tilespmem:s4+$0xDC80] =	vst v22  }
0x2a6: {  	v63 =	vld [tilespmem:s4+$0xDCE0];
	v26 =	vadd.f32 v41, v16;
	[tilespmem:s4+$0xDC90] =	vst v21  }
0x2a7: {  	v17 =	vadd.f32 v62, v17;
	v24 =	vld [tilespmem:s4+$0xDCC0];
	[tilespmem:s4+$0xDCA0] =	vst v20  }
0x2a8: {  	v22 =	vadd.f32 v54, v14;
	[tilespmem:s20+$0xDCE0] =	vst v26;
	v26 =	vld [tilespmem:s4+$0xDCB0]  }
0x2a9: {  	v61 =	vld [tilespmem:s20+$0xE0C0];
	v21 =	vadd.f32 v55, v13;
	[tilespmem:s4+$0xDCD0] =	vst v17  }
0x2aa: {  	v20 =	vadd.f32 v58, v12;
	[tilespmem:s20+$0xE080] =	vst v22;
	v22 =	vld [tilespmem:s4+$0xDCF0]  }
0x2ab: {  	v16 =	vadd.f32 v63, v16;
	[tilespmem:s20+$0xE090] =	vst v21;
	v21 =	vld [tilespmem:s4+$0xE080]  }
0x2ac: {  	v38 =	vld [tilespmem:s20+$0xE0E0];
	[tilespmem:s20+$0xE0A0] =	vst v20;
	v18 =	vadd.f32 v24, v18  }
0x2ad: {  	v20 =	vld [tilespmem:s4+$0xE090];
	[tilespmem:s4+$0xDCE0] =	vst v16;
	v19 =	vadd.f32 v26, v19  }
0x2ae: {  	v16 =	vld [tilespmem:s4+$0xE0C0];
	[tilespmem:s4+$0xDCC0] =	vst v18;
	v18 =	vadd.f32 v61, v10  }
0x2af: {  	v25 =	vld [tilespmem:s20+$0xE0B0];
	v15 =	vadd.f32 v22, v15;
	[tilespmem:s4+$0xDCB0] =	vst v19  }
0x2b0: {  	v23 =	vld [tilespmem:s20+$0xE0D0];
	v14 =	vadd.f32 v21, v14;
	[tilespmem:s20+$0xE0C0] =	vst v18  }
0x2b1: {  	v17 =	vld [tilespmem:s4+$0xE0B0];
	v21 =	vadd.f32 v38, v8;
	[tilespmem:s4+$0xDCF0] =	vst v15  }
0x2b2: {  	v24 =	vld [tilespmem:s20+$0xE480];
	v13 =	vadd.f32 v20, v13;
	[tilespmem:s4+$0xE080] =	vst v14  }
0x2b3: {  	v26 =	vld [tilespmem:s20+$0xE0F0];
	v10 =	vadd.f32 v16, v10;
	[tilespmem:s20+$0xE0E0] =	vst v21  }
0x2b4: {  	v22 =	vld [tilespmem:s20+$0xE4B0];
	v19 =	vadd.f32 v25, v11;
	[tilespmem:s4+$0xE090] =	vst v13  }
0x2b5: {  	v18 =	vadd.f32 v23, v9;
	v23 =	vld [tilespmem:s20+$0xE4A0];
	[tilespmem:s4+$0xE0C0] =	vst v10  }
0x2b6: {  	v11 =	vadd.f32 v17, v11;
	[tilespmem:s20+$0xE0B0] =	vst v19;
	v19 =	vld [tilespmem:s4+$0xE0A0]  }
0x2b7: {  	v20 =	vld [tilespmem:s4+$0xE0E0];
	v13 =	vadd.f32 v24, v6;
	[tilespmem:s20+$0xE0D0] =	vst v18  }
0x2b8: {  	v25 =	vld [tilespmem:s20+$0xE490];
	[tilespmem:s4+$0xE0B0] =	vst v11;
	v14 =	vadd.f32 v26, v7  }
0x2b9: {  	v18 =	vld [tilespmem:s4+$0xE0D0];
	[tilespmem:s20+$0xE480] =	vst v13;
	v10 =	vadd.f32 v22, v3  }
0x2ba: {  	v15 =	vld [tilespmem:s20+$0xD8B0];
	[tilespmem:s20+$0xE0F0] =	vst v14;
	v11 =	vadd.f32 v23, v4  }
0x2bb: {  	v13 =	vld [tilespmem:s4+$0xE480];
	[tilespmem:s20+$0xE4B0] =	vst v10;
	v12 =	vadd.f32 v19, v12  }
0x2bc: {  	v8 =	vadd.f32 v20, v8;
	v14 =	vld [tilespmem:s4+$0xE0F0];
	[tilespmem:s20+$0xE4A0] =	vst v11  }
0x2bd: {  	v11 =	vld [tilespmem:s4+$0xE4A0];
	[tilespmem:s4+$0xE0A0] =	vst v12;
	v12 =	vadd.f32 v25, v5  }
0x2be: {  	v10 =	vld [tilespmem:s4+$0xD8B0];
	[tilespmem:s4+$0xE0E0] =	vst v8;
	v9 =	vadd.f32 v18, v9  }
0x2bf: {  	v15 =	vadd.f32 v31, v15;
	[tilespmem:s20+$0xE490] =	vst v12;
	v12 =	vld [tilespmem:s4+$0xE490]  }
0x2c0: {  	v6 =	vadd.f32 v13, v6;
	[tilespmem:s4+$0xE0D0] =	vst v9;
	v9 =	vld [tilespmem:s4+$0xE4B0]  }
0x2c1: {  	[tilespmem:s20+$0xD8B0] =	vst v15;
	v7 =	vadd.f32 v14, v7  }
0x2c2: {  	s12 =	sand.u32 $0x8, s21;
	[tilespmem:s4+$0xE480] =	vst v6;
	v4 =	vadd.f32 v11, v4  }
0x2c3: {  	s12 =	sor.u32 s2, s12;
	[tilespmem:s4+$0xE0F0] =	vst v7;
	v7 =	vadd.f32 v60, v10  }
0x2c4: {  	s22 =	sand.u32 $0x8, s13;
	s12 =	sshll.u32 s12, $0x8;
	[tilespmem:s4+$0xE4A0] =	vst v4;
	v5 =	vadd.f32 v12, v5  }
0x2c5: {  	s9 =	sadd.s32 s9, s12;
	s12 =	sor.u32 s2, s22;
	v6 =	vld [tilespmem:s20+$0xE4C0];
	v3 =	vadd.f32 v9, v3;
	[tilespmem:s4+$0xD8B0] =	vst v7  }
0x2c6: {  	s12 =	sshll.u32 s12, $0x8;
	[tilespmem:s4+$0xE490] =	vst v5;
	v5 =	vld [tilespmem:s9+$0x2400]  }
0x2c7: {  	s11 =	sadd.s32 s11, s12;
	[tilespmem:s4+$0xE4B0] =	vst v3;
	v3 =	vld [tilespmem:s4+$0xE4C0]  }
0x2c8: {  	v4 =	vld [tilespmem:s11+$0x2400];
	_ =	sdelay $0x2  }
0x2c9: {  	v5 =	vadd.f32 v5, v6;
	_ =	sdelay $0x1  }
0x2ca: {  	v6 =	vld [tilespmem:s20+$0xE4D0];
	v3 =	vadd.f32 v4, v3;
	[tilespmem:s20+$0xE4C0] =	vst v5  }
0x2cb: {  	v5 =	vld [tilespmem:s9+$0x2410]  }
0x2cc: {  	v4 =	vld [tilespmem:s4+$0xE4D0];
	[tilespmem:s4+$0xE4C0] =	vst v3  }
0x2cd: {  	v3 =	vld [tilespmem:s11+$0x2410];
	_ =	sdelay $0x2  }
0x2ce: {  	v5 =	vadd.f32 v5, v6;
	_ =	sdelay $0x1  }
0x2cf: {  	v7 =	vld [tilespmem:s20+$0xE4E0];
	v3 =	vadd.f32 v3, v4;
	[tilespmem:s20+$0xE4D0] =	vst v5  }
0x2d0: {  	v5 =	vld [tilespmem:s9+$0x2420]  }
0x2d1: {  	v8 =	vld [tilespmem:s4+$0xE4E0];
	[tilespmem:s4+$0xE4D0] =	vst v3  }
0x2d2: {  	v3 =	vld [tilespmem:s11+$0x2420];
	_ =	sdelay $0x2  }
0x2d3: {  	v5 =	vadd.f32 v5, v7;
	_ =	sdelay $0x1  }
0x2d4: {  	v3 =	vadd.f32 v3, v8;
	[tilespmem:s20+$0xE4E0] =	vst v5;
	v5 =	vld [tilespmem:s20+$0xE4F0]  }
0x2d5: {  	v11 =	vld [tilespmem:s9+$0x2430]  }
0x2d6: {  	[tilespmem:s4+$0xE4E0] =	vst v3;
	v3 =	vld [tilespmem:s4+$0xE4F0]  }
0x2d7: {  	v12 =	vld [tilespmem:s11+$0x2430];
	_ =	sdelay $0x3  }
0x2d8: {  	v5 =	vadd.f32 v11, v5  }
0x2d9: {  	v11 =	vld [tilespmem:s20+$0xE880];
	v3 =	vadd.f32 v12, v3  }
0x2da: {  	[tilespmem:s20+$0xE4F0] =	vst v5;
	v5 =	vld [tilespmem:s4+$0xE880]  }
0x2db: {  	v12 =	vld [tilespmem:s9+$0x2440];
	[tilespmem:s4+$0xE4F0] =	vst v3  }
0x2dc: {  	v3 =	vld [tilespmem:s11+$0x2440];
	_ =	sdelay $0x3  }
0x2dd: {  	v11 =	vadd.f32 v12, v11  }
0x2de: {  	v13 =	vld [tilespmem:s20+$0xE890];
	v3 =	vadd.f32 v3, v5  }
0x2df: {  	v14 =	vld [tilespmem:s4+$0xE890];
	[tilespmem:s20+$0xE880] =	vst v11  }
0x2e0: {  	v11 =	vld [tilespmem:s9+$0x2450];
	[tilespmem:s4+$0xE880] =	vst v3  }
0x2e1: {  	v3 =	vld [tilespmem:s11+$0x2450]  }
0x2e2: {  	v5 =	vadd.f32 v32, v30;
	_ =	sdelay $0x1  }
0x2e3: {  	[tilespmem:s17+$0xE890] =	vst v5  }
0x2e4: {  	v5 =	vld [tilespmem:s10+$0x2460];
	v11 =	vadd.f32 v11, v13  }
0x2e5: {  	v10 =	vld [tilespmem:s4+$0xE8A0];
	v3 =	vadd.f32 v3, v14  }
0x2e6: {  	v9 =	vld [tilespmem:s20+$0xE8A0];
	[tilespmem:s20+$0xE890] =	vst v11  }
0x2e7: {  	v11 =	vld [tilespmem:s9+$0x2460];
	[tilespmem:s4+$0xE890] =	vst v3  }
0x2e8: {  	v3 =	vld [tilespmem:s11+$0x2460]  }
0x2e9: {  	v5 =	vadd.f32 v5, v29;
	_ =	sdelay $0x1  }
0x2ea: {  	[tilespmem:s17+$0xE8A0] =	vst v5  }
0x2eb: {  	v5 =	vld [tilespmem:s10+$0x2470];
	v9 =	vadd.f32 v11, v9  }
0x2ec: {  	v7 =	vld [tilespmem:s20+$0xE8B0];
	v3 =	vadd.f32 v3, v10  }
0x2ed: {  	v8 =	vld [tilespmem:s4+$0xE8B0];
	[tilespmem:s20+$0xE8A0] =	vst v9  }
0x2ee: {  	v9 =	vld [tilespmem:s9+$0x2470];
	[tilespmem:s4+$0xE8A0] =	vst v3  }
0x2ef: {  	v3 =	vld [tilespmem:s11+$0x2470]  }
0x2f0: {  	v5 =	vadd.f32 v5, v28;
	_ =	sdelay $0x1  }
0x2f1: {  	[tilespmem:s17+$0xE8B0] =	vst v5  }
0x2f2: {  	v5 =	vld [tilespmem:s10+$0x2800];
	v7 =	vadd.f32 v9, v7  }
0x2f3: {  	v6 =	vld [tilespmem:s20+$0xE8C0];
	v3 =	vadd.f32 v3, v8  }
0x2f4: {  	v4 =	vld [tilespmem:s4+$0xE8C0];
	[tilespmem:s20+$0xE8B0] =	vst v7  }
0x2f5: {  	v7 =	vld [tilespmem:s9+$0x2800];
	[tilespmem:s4+$0xE8B0] =	vst v3  }
0x2f6: {  	v3 =	vld [tilespmem:s11+$0x2800]  }
0x2f7: {  	v5 =	vadd.f32 v5, v27;
	_ =	sdelay $0x1  }
0x2f8: {  	v8 =	vld [tilespmem:s17+$0xE8D0];
	[tilespmem:s17+$0xE8C0] =	vst v5  }
0x2f9: {  	v5 =	vld [tilespmem:s10+$0x2810];
	v6 =	vadd.f32 v7, v6  }
0x2fa: {  	v7 =	vld [tilespmem:s20+$0xE8D0];
	v3 =	vadd.f32 v3, v4  }
0x2fb: {  	v4 =	vld [tilespmem:s4+$0xE8D0];
	[tilespmem:s20+$0xE8C0] =	vst v6  }
0x2fc: {  	v6 =	vld [tilespmem:s9+$0x2810];
	[tilespmem:s4+$0xE8C0] =	vst v3  }
0x2fd: {  	v3 =	vld [tilespmem:s11+$0x2810]  }
0x2fe: {  	v5 =	vadd.f32 v5, v8;
	_ =	sdelay $0x1  }
0x2ff: {  	v8 =	vld [tilespmem:s17+$0xE8E0];
	[tilespmem:s17+$0xE8D0] =	vst v5  }
0x300: {  	v5 =	vld [tilespmem:s10+$0x2820];
	v6 =	vadd.f32 v6, v7  }
0x301: {  	v7 =	vld [tilespmem:s20+$0xE8E0];
	v3 =	vadd.f32 v3, v4  }
0x302: {  	v4 =	vld [tilespmem:s4+$0xE8E0];
	[tilespmem:s20+$0xE8D0] =	vst v6  }
0x303: {  	v6 =	vld [tilespmem:s9+$0x2820];
	[tilespmem:s4+$0xE8D0] =	vst v3  }
0x304: {  	v3 =	vld [tilespmem:s11+$0x2820];
	_ =	sdelay $0x2  }
0x305: {  	v11 =	vld [tilespmem:s4+$0xE8F0];
	v5 =	vadd.f32 v5, v8  }
0x306: {  	v10 =	vld [tilespmem:s20+$0xE8F0];
	v6 =	vadd.f32 v6, v7  }
0x307: {  	v9 =	vld [tilespmem:s17+$0xE8F0];
	[tilespmem:s17+$0xE8E0] =	vst v5;
	v3 =	vadd.f32 v3, v4  }
0x308: {  	v4 =	vld [tilespmem:s10+$0x2830];
	[tilespmem:s20+$0xE8E0] =	vst v6  }
0x309: {  	v5 =	vld [tilespmem:s9+$0x2830];
	[tilespmem:s4+$0xE8E0] =	vst v3  }
0x30a: {  	v3 =	vld [tilespmem:s11+$0x2830];
	_ =	sdelay $0x2  }
0x30b: {  	v4 =	vadd.f32 v4, v9  }
0x30c: {  	v5 =	vadd.f32 v5, v10  }
0x30d: {  	[tilespmem:s17+$0xE8F0] =	vst v4;
	v3 =	vadd.f32 v3, v11  }
0x30e: {  	[tilespmem:s20+$0xE8F0] =	vst v5  }
0x30f: {  	s22 =	simm.s32 $0xD480;
	s12 =	sadd.s32 s6, s16;
	[tilespmem:s4+$0xE8F0] =	vst v3  }
0x310: {  	[hbm4b:s12+s7] =	stream.linear.scatter [tilespmem:s22], [sflag:$0x5], $0x9000, $0x38;
	[tilespmem:$0x1F480] =	vst v63  }
0x311: {  	p0 =	seq.s32 s5, $0x7;
	s9 =	rddreg [dreg:$0xb]  }
0x312: {  	s9 =	sadd.s32 @!p0 s19, s9  }
0x313: {  	s4 =	simm.s32 @!p0 $0x4;
	s9 =	sshrl.u32 @!p0 s9, $0x3  }
0x314: {  	_ =	swait.ge @!p0 [sflag:s4], $0x9000;
	s9 =	smul.u32 @!p0 $0x300, s9  }
0x315: {  	s3 =	sadd.s32 s18, s3;
	s10 =	simm.s32 @!p0 $0x4480;
	[sflag:s4] =	ssyncset.done @!p0 $0x0  }
0x316: {  	[sflag:s4] =	ssyncadd.s32 @!p0 $0xFFFF7000;
	s4 =	sadd.s32 @!p0 s0, s9;
	s9 =	simm.s32 @!p0 $0x0  }
0x317: {  	[tilespmem:s10], [sflag:$0x1] =	stream.linear.gather @!p0 [hbm4b:s4+s9], $0x9000, $0x38;
	[tilespmem:$0x1F480] =	vst v63  }
0x318: {  	s13 =	sshll.u32 s3, $0x8;
	s3 =	sshll.u32 s3, $0x7;
	_ =	swait.ge [sflag:s26], $0x9000  }
0x319: {  	s3 =	sand.u32 $0x380, s3;
	s4 =	sand.u32 $0xFFFFF800, s13;
	[sflag:s26] =	ssyncset.done $0x0  }
0x31a: {  	s3 =	sor.u32 s3, s4;
	[sflag:s26] =	ssyncadd.s32 $0xFFFF7000  }
0x31b: {  	v26 =	vld [tilespmem:s3+$0x400]  }
0x31c: {  	v25 =	vld [tilespmem:s3+$0x410]  }
0x31d: {  	v24 =	vld [tilespmem:s3+$0x420]  }
0x31e: {  	v23 =	vld [tilespmem:s3+$0x430]  }
0x31f: {  	v22 =	vld [tilespmem:s3+$0x440]  }
0x320: {  	v16 =	vld [tilespmem:s3+$0x450]  }
0x321: {  	v17 =	vld [tilespmem:s3+$0x460]  }
0x322: {  	v15 =	vld [tilespmem:s3+$0x470]  }
0x323: {  	v21 =	vld [tilespmem:s3+$0x800]  }
0x324: {  	v20 =	vld [tilespmem:s3+$0x810]  }
0x325: {  	v19 =	vld [tilespmem:s3+$0x820]  }
0x326: {  	v18 =	vld [tilespmem:s3+$0x830]  }
0x327: {  	v14 =	vld [tilespmem:s3+$0x1400]  }
0x328: {  	s14 =	simm.s32 $0x0;
	v7 =	vld [tilespmem:s3+$0x1410]  }
0x329: {  	s15 =	smul.u32 $0x6000, s14;
	v8 =	vld [tilespmem:s3+$0x1420]  }
0x32a: {  	s11 =	simm.s32 $0x0;
	v6 =	vld [tilespmem:s3+$0x1430]  }
0x32b: {  	s16 =	sand.u32 $0x180, s11;
	s9 =	sshra.s32 s15, $0x2;
	s4 =	sand.u32 $0x380, s11;
	v11 =	vld [tilespmem:s3+$0x1440]  }
0x32c: {  	s13 =	sor.u32 s4, s9;
	v3 =	vld [tilespmem:s16+$0x0]  }
0x32d: {  	v27 =	vld [tilespmem:s13+$0x16480]  }
0x32e: {  	v10 =	vld [tilespmem:s3+$0x1450]  }
0x32f: {  	v13 =	vld [tilespmem:s3+$0x1460]  }
0x330: {  	v12 =	vld [tilespmem:s3+$0x1470]  }
0x331: {  	v9 =	vld [tilespmem:s3+$0x1800]  }
0x332: {  	v5 =	vld [tilespmem:s3+$0x1810];
	v27 =	vadd.f32 v3, v27  }
0x333: {  	v4 =	vld [tilespmem:s3+$0x1820]  }
0x334: {  	s9 =	sadd.s32 $0x16480, s13;
	v3 =	vld [tilespmem:s3+$0x1830];
	[tilespmem:s13+$0x16480] =	vst v27  }
0x335: {  	v27 =	vld [tilespmem:s9+$0x10]  }
0x336: {  	v28 =	vld [tilespmem:s16+$0x10];
	_ =	sdelay $0x4  }
0x337: {  	v27 =	vadd.f32 v28, v27;
	_ =	sdelay $0x1  }
0x338: {  	[tilespmem:s9+$0x10] =	vst v27;
	v27 =	vld [tilespmem:s9+$0x20]  }
0x339: {  	v28 =	vld [tilespmem:s16+$0x20];
	_ =	sdelay $0x4  }
0x33a: {  	v27 =	vadd.f32 v28, v27;
	_ =	sdelay $0x1  }
0x33b: {  	[tilespmem:s9+$0x20] =	vst v27;
	v27 =	vld [tilespmem:s9+$0x30]  }
0x33c: {  	v28 =	vld [tilespmem:s16+$0x30];
	_ =	sdelay $0x4  }
0x33d: {  	v27 =	vadd.f32 v28, v27;
	_ =	sdelay $0x1  }
0x33e: {  	v28 =	vld [tilespmem:s9+$0x40];
	[tilespmem:s9+$0x30] =	vst v27  }
0x33f: {  	v27 =	vld [tilespmem:s16+$0x40];
	_ =	sdelay $0x4  }
0x340: {  	v27 =	vadd.f32 v27, v28;
	_ =	sdelay $0x1  }
0x341: {  	v28 =	vld [tilespmem:s9+$0x50];
	[tilespmem:s9+$0x40] =	vst v27  }
0x342: {  	v27 =	vld [tilespmem:s16+$0x50];
	_ =	sdelay $0x4  }
0x343: {  	v27 =	vadd.f32 v27, v28;
	_ =	sdelay $0x1  }
0x344: {  	v28 =	vld [tilespmem:s9+$0x60];
	[tilespmem:s9+$0x50] =	vst v27  }
0x345: {  	v27 =	vld [tilespmem:s16+$0x60];
	_ =	sdelay $0x4  }
0x346: {  	v27 =	vadd.f32 v27, v28;
	_ =	sdelay $0x1  }
0x347: {  	v28 =	vld [tilespmem:s9+$0x70];
	[tilespmem:s9+$0x60] =	vst v27  }
0x348: {  	v27 =	vld [tilespmem:s16+$0x70];
	_ =	sdelay $0x4  }
0x349: {  	s18 =	simm.s32 $0x0;
	v27 =	vadd.f32 v27, v28  }
0x34a: {  	s3 =	smul.u32 $0x6000, s18  }
0x34b: {  	s14 =	simm.s32 $0x8;
	s19 =	simm.s32 $0x80;
	[tilespmem:s9+$0x70] =	vst v27;
	v27 =	vld [tilespmem:s9+$0x400]  }
0x34c: {  	s14 =	sand.u32 $0x180, s14;
	s17 =	sand.u32 $0x380, s19;
	s3 =	sshra.s32 s3, $0x2;
	v28 =	vld [tilespmem:s16+$0x200]  }
0x34d: {  	v29 =	vld [tilespmem:s14+$0x0];
	s3 =	sor.u32 s17, s3  }
0x34e: {  	v30 =	vld [tilespmem:s3+$0x16480];
	_ =	sdelay $0x2  }
0x34f: {  	v27 =	vadd.f32 v28, v27;
	_ =	sdelay $0x1  }
0x350: {  	v28 =	vadd.f32 v29, v30;
	v29 =	vld [tilespmem:s9+$0x410];
	[tilespmem:s9+$0x400] =	vst v27  }
0x351: {  	v27 =	vld [tilespmem:s16+$0x210]  }
0x352: {  	s12 =	sadd.s32 $0x16480, s3;
	[tilespmem:s3+$0x16480] =	vst v28  }
0x353: {  	v28 =	vld [tilespmem:s12+$0x10]  }
0x354: {  	v30 =	vld [tilespmem:s14+$0x10];
	_ =	sdelay $0x1  }
0x355: {  	v27 =	vadd.f32 v27, v29;
	_ =	sdelay $0x1  }
0x356: {  	v29 =	vld [tilespmem:s9+$0x420];
	[tilespmem:s9+$0x410] =	vst v27  }
0x357: {  	v27 =	vadd.f32 v30, v28;
	v28 =	vld [tilespmem:s16+$0x220]  }
0x358: {  	v39 =	vld [tilespmem:s9+$0x440]  }
0x359: {  	[tilespmem:s12+$0x10] =	vst v27;
	v27 =	vld [tilespmem:s12+$0x20]  }
0x35a: {  	v31 =	vld [tilespmem:s14+$0x20]  }
0x35b: {  	v40 =	vld [tilespmem:s9+$0x450]  }
0x35c: {  	v41 =	vld [tilespmem:s9+$0x470];
	v28 =	vadd.f32 v28, v29  }
0x35d: {  	v30 =	vld [tilespmem:s9+$0x430]  }
0x35e: {  	v29 =	vld [tilespmem:s9+$0x460];
	[tilespmem:s9+$0x420] =	vst v28  }
0x35f: {  	v27 =	vadd.f32 v31, v27;
	v28 =	vld [tilespmem:s16+$0x230]  }
0x360: {  	v31 =	vadd.f32 v39, v26  }
0x361: {  	v42 =	vadd.f32 v40, v25;
	[tilespmem:s12+$0x20] =	vst v27  }
0x362: {  	v27 =	vld [tilespmem:s12+$0x30];
	[tilespmem:s9+$0x440] =	vst v31;
	v31 =	vadd.f32 v41, v23  }
0x363: {  	[tilespmem:s9+$0x450] =	vst v42;
	v43 =	vld [tilespmem:s14+$0x30];
	v29 =	vadd.f32 v29, v24  }
0x364: {  	[tilespmem:s9+$0x470] =	vst v31;
	v28 =	vadd.f32 v28, v30  }
0x365: {  	[tilespmem:s9+$0x460] =	vst v29  }
0x366: {  	[tilespmem:s9+$0x430] =	vst v28  }
0x367: {  	v28 =	vld [tilespmem:s13+$0x16C80]  }
0x368: {  	v27 =	vadd.f32 v43, v27;
	_ =	sdelay $0x1  }
0x369: {  	v29 =	vld [tilespmem:s12+$0x40];
	[tilespmem:s12+$0x30] =	vst v27  }
0x36a: {  	s20 =	sadd.s32 $0x16C80, s13;
	v27 =	vld [tilespmem:s14+$0x40]  }
0x36b: {  	v30 =	vld [tilespmem:s20+$0x40];
	v28 =	vadd.f32 v28, v22  }
0x36c: {  	v31 =	vld [tilespmem:s20+$0x50]  }
0x36d: {  	v32 =	vld [tilespmem:s20+$0x60];
	[tilespmem:s13+$0x16C80] =	vst v28  }
0x36e: {  	v28 =	vld [tilespmem:s20+$0x70]  }
0x36f: {  	v27 =	vadd.f32 v27, v29;
	v29 =	vld [tilespmem:s20+$0x10]  }
0x370: {  	v30 =	vadd.f32 v30, v21;
	v44 =	vld [tilespmem:s20+$0x20]  }
0x371: {  	[tilespmem:s12+$0x40] =	vst v27;
	v27 =	vadd.f32 v31, v20;
	v31 =	vld [tilespmem:s20+$0x30]  }
0x372: {  	[tilespmem:s20+$0x40] =	vst v30;
	v30 =	vadd.f32 v32, v19  }
0x373: {  	v45 =	vld [tilespmem:s12+$0x50];
	[tilespmem:s20+$0x50] =	vst v27;
	v27 =	vadd.f32 v28, v18  }
0x374: {  	[tilespmem:s20+$0x60] =	vst v30;
	v28 =	vld [tilespmem:s14+$0x50];
	v29 =	vadd.f32 v29, v16  }
0x375: {  	v30 =	vadd.f32 v44, v17;
	[tilespmem:s20+$0x70] =	vst v27  }
0x376: {  	[tilespmem:s20+$0x10] =	vst v29;
	v27 =	vadd.f32 v31, v15  }
0x377: {  	[tilespmem:s20+$0x20] =	vst v30  }
0x378: {  	[tilespmem:s20+$0x30] =	vst v27  }
0x379: {  	v27 =	vadd.f32 v28, v45;
	v28 =	vld [tilespmem:s13+$0x17080];
	_ =	sdelay $0x2  }
0x37a: {  	v29 =	vld [tilespmem:s12+$0x60];
	[tilespmem:s12+$0x50] =	vst v27  }
0x37b: {  	s21 =	sadd.s32 $0x17080, s13;
	v27 =	vld [tilespmem:s14+$0x60]  }
0x37c: {  	v30 =	vld [tilespmem:s21+$0x40];
	v28 =	vadd.f32 v28, v14  }
0x37d: {  	v31 =	vld [tilespmem:s21+$0x50]  }
0x37e: {  	v46 =	vld [tilespmem:s21+$0x60];
	[tilespmem:s13+$0x17080] =	vst v28  }
0x37f: {  	s16 =	simm.s32 $0x0;
	v28 =	vld [tilespmem:s21+$0x70]  }
0x380: {  	s9 =	smul.u32 $0x6000, s16;
	v27 =	vadd.f32 v27, v29;
	v29 =	vld [tilespmem:s21+$0x10]  }
0x381: {  	s15 =	simm.s32 $0x100;
	s18 =	simm.s32 $0x10;
	v30 =	vadd.f32 v30, v11;
	v47 =	vld [tilespmem:s21+$0x20]  }
0x382: {  	s19 =	sand.u32 $0x380, s15;
	s20 =	sshra.s32 s9, $0x2;
	s9 =	sand.u32 $0x180, s18;
	[tilespmem:s12+$0x60] =	vst v27;
	v27 =	vadd.f32 v31, v10;
	v31 =	vld [tilespmem:s21+$0x30]  }
0x383: {  	s18 =	sor.u32 s19, s20;
	v48 =	vld [tilespmem:s9+$0x0];
	[tilespmem:s21+$0x40] =	vst v30;
	v30 =	vadd.f32 v46, v13  }
0x384: {  	v49 =	vld [tilespmem:s18+$0x16480];
	[tilespmem:s21+$0x50] =	vst v27;
	v27 =	vadd.f32 v28, v12  }
0x385: {  	[tilespmem:s21+$0x60] =	vst v30;
	v28 =	vadd.f32 v29, v7  }
0x386: {  	v29 =	vld [tilespmem:s12+$0x70];
	v30 =	vadd.f32 v47, v8;
	[tilespmem:s21+$0x70] =	vst v27  }
0x387: {  	v27 =	vld [tilespmem:s14+$0x70];
	[tilespmem:s21+$0x10] =	vst v28;
	v28 =	vadd.f32 v31, v6  }
0x388: {  	[tilespmem:s21+$0x20] =	vst v30  }
0x389: {  	v30 =	vadd.f32 v48, v49;
	[tilespmem:s21+$0x30] =	vst v28  }
0x38a: {  	v28 =	vld [tilespmem:s13+$0x17480]  }
0x38b: {  	[tilespmem:s18+$0x16480] =	vst v30  }
0x38c: {  	s10 =	sadd.s32 $0x16480, s18;
	v30 =	vld [tilespmem:s9+$0x10];
	v27 =	vadd.f32 v27, v29  }
0x38d: {  	v29 =	vld [tilespmem:s10+$0x10]  }
0x38e: {  	[tilespmem:s12+$0x70] =	vst v27;
	v27 =	vld [tilespmem:s12+$0x400]  }
0x38f: {  	v31 =	vld [tilespmem:s14+$0x200];
	v28 =	vadd.f32 v28, v9;
	_ =	sdelay $0x1  }
0x390: {  	v50 =	vld [tilespmem:s12+$0x410];
	s21 =	sadd.s32 $0x17480, s13;
	[tilespmem:s13+$0x17480] =	vst v28  }
0x391: {  	v28 =	vadd.f32 v30, v29;
	v29 =	vld [tilespmem:s21+$0x10]  }
0x392: {  	v30 =	vld [tilespmem:s21+$0x20]  }
0x393: {  	[tilespmem:s10+$0x10] =	vst v28;
	v28 =	vld [tilespmem:s21+$0x30];
	v27 =	vadd.f32 v31, v27  }
0x394: {  	v31 =	vld [tilespmem:s10+$0x20]  }
0x395: {  	v51 =	vld [tilespmem:s9+$0x20];
	[tilespmem:s12+$0x400] =	vst v27  }
0x396: {  	v27 =	vld [tilespmem:s14+$0x210]  }
0x397: {  	v29 =	vadd.f32 v29, v5  }
0x398: {  	s11 =	sand.u32 $0x8, s11;
	v30 =	vadd.f32 v30, v4  }
0x399: {  	s11 =	sor.u32 s2, s11;
	v52 =	vld [tilespmem:s12+$0x430];
	v28 =	vadd.f32 v28, v3;
	[tilespmem:s21+$0x10] =	vst v29  }
0x39a: {  	s11 =	sshll.u32 s11, $0x8;
	v55 =	vld [tilespmem:s12+$0x450];
	[tilespmem:s21+$0x20] =	vst v30;
	v30 =	vadd.f32 v51, v31  }
0x39b: {  	s16 =	sadd.s32 s4, s11;
	[tilespmem:s21+$0x30] =	vst v28;
	v28 =	vld [tilespmem:s21+$0x40];
	v27 =	vadd.f32 v27, v50  }
0x39c: {  	v31 =	vld [tilespmem:s16+$0x2400];
	[tilespmem:s10+$0x20] =	vst v30  }
0x39d: {  	v30 =	vld [tilespmem:s12+$0x420];
	[tilespmem:s12+$0x410] =	vst v27  }
0x39e: {  	v27 =	vld [tilespmem:s14+$0x220]  }
0x39f: {  	v53 =	vld [tilespmem:s10+$0x30]  }
0x3a0: {  	v54 =	vld [tilespmem:s9+$0x30]  }
0x3a1: {  	v29 =	vld [tilespmem:s12+$0x440];
	v28 =	vadd.f32 v31, v28  }
0x3a2: {  	v31 =	vld [tilespmem:s12+$0x460]  }
0x3a3: {  	[tilespmem:s21+$0x40] =	vst v28;
	v28 =	vld [tilespmem:s21+$0x50];
	v27 =	vadd.f32 v27, v30  }
0x3a4: {  	v30 =	vld [tilespmem:s16+$0x2410]  }
0x3a5: {  	v56 =	vld [tilespmem:s12+$0x470];
	v32 =	vadd.f32 v54, v53;
	[tilespmem:s12+$0x420] =	vst v27  }
0x3a6: {  	v29 =	vadd.f32 v29, v26;
	v27 =	vld [tilespmem:s14+$0x230]  }
0x3a7: {  	v58 =	vadd.f32 v55, v25;
	v57 =	vld [tilespmem:s10+$0x40];
	[tilespmem:s10+$0x30] =	vst v32  }
0x3a8: {  	v59 =	vld [tilespmem:s9+$0x40];
	[tilespmem:s12+$0x440] =	vst v29;
	v29 =	vadd.f32 v31, v24  }
0x3a9: {  	[tilespmem:s12+$0x450] =	vst v58;
	v28 =	vadd.f32 v30, v28  }
0x3aa: {  	v30 =	vadd.f32 v56, v23;
	[tilespmem:s12+$0x460] =	vst v29  }
0x3ab: {  	[tilespmem:s21+$0x50] =	vst v28;
	v28 =	vld [tilespmem:s21+$0x60];
	v27 =	vadd.f32 v27, v52  }
0x3ac: {  	[tilespmem:s12+$0x470] =	vst v30;
	v29 =	vld [tilespmem:s16+$0x2420]  }
0x3ad: {  	v60 =	vld [tilespmem:s10+$0x50];
	v30 =	vadd.f32 v59, v57;
	[tilespmem:s12+$0x430] =	vst v27  }
0x3ae: {  	v27 =	vld [tilespmem:s3+$0x16C80]  }
0x3af: {  	v31 =	vld [tilespmem:s10+$0x60];
	[tilespmem:s10+$0x40] =	vst v30  }
0x3b0: {  	s14 =	sadd.s32 $0x16C80, s3;
	v30 =	vld [tilespmem:s9+$0x50]  }
0x3b1: {  	v61 =	vld [tilespmem:s14+$0x40];
	v28 =	vadd.f32 v29, v28  }
0x3b2: {  	v63 =	vld [tilespmem:s14+$0x60]  }
0x3b3: {  	[tilespmem:s21+$0x60] =	vst v28;
	v28 =	vld [tilespmem:s21+$0x70];
	v27 =	vadd.f32 v27, v22  }
0x3b4: {  	v62 =	vld [tilespmem:s16+$0x2430]  }
0x3b5: {  	v29 =	vld [tilespmem:s14+$0x50];
	[tilespmem:s3+$0x16C80] =	vst v27  }
0x3b6: {  	v33 =	vadd.f32 v61, v21;
	v27 =	vadd.f32 v30, v60;
	v30 =	vld [tilespmem:s14+$0x70]  }
0x3b7: {  	v36 =	vld [tilespmem:s14+$0x10]  }
0x3b8: {  	v38 =	vadd.f32 v63, v19;
	v37 =	vld [tilespmem:s14+$0x30];
	[tilespmem:s14+$0x40] =	vst v33  }
0x3b9: {  	[tilespmem:s10+$0x50] =	vst v27;
	v27 =	vld [tilespmem:s14+$0x20];
	v28 =	vadd.f32 v62, v28  }
0x3ba: {  	s30 =	simm.s32 $0x18;
	v29 =	vadd.f32 v29, v20;
	[tilespmem:s14+$0x60] =	vst v38;
	v39 =	vld [tilespmem:s9+$0x60]  }
0x3bb: {  	s15 =	sand.u32 $0x180, s30;
	s20 =	simm.s32 $0x0;
	[tilespmem:s21+$0x70] =	vst v28;
	v28 =	vadd.f32 v30, v18  }
0x3bc: {  	v41 =	vld [tilespmem:s15+$0x0];
	s4 =	smul.u32 $0x6000, s20;
	[tilespmem:s14+$0x50] =	vst v29;
	v29 =	vadd.f32 v36, v16  }
0x3bd: {  	s29 =	simm.s32 $0x180;
	v53 =	vld [tilespmem:s10+$0x400];
	v34 =	vadd.f32 v37, v15;
	[tilespmem:s14+$0x70] =	vst v28  }
0x3be: {  	s11 =	sand.u32 $0x380, s29;
	s4 =	sshra.s32 s4, $0x2;
	v30 =	vld [tilespmem:s13+$0x17880];
	v27 =	vadd.f32 v27, v17;
	[tilespmem:s14+$0x10] =	vst v29  }
0x3bf: {  	s4 =	sor.u32 s11, s4;
	v40 =	vld [tilespmem:s16+$0x2440];
	v31 =	vadd.f32 v39, v31;
	[tilespmem:s14+$0x30] =	vst v34  }
0x3c0: {  	v28 =	vld [tilespmem:s4+$0x16480];
	[tilespmem:s14+$0x20] =	vst v27  }
0x3c1: {  	[tilespmem:s10+$0x60] =	vst v31;
	v31 =	vld [tilespmem:s3+$0x17080]  }
0x3c2: {  	s21 =	sadd.s32 $0x17080, s3;
	v27 =	vld [tilespmem:s10+$0x70]  }
0x3c3: {  	v34 =	vld [tilespmem:s21+$0x40]  }
0x3c4: {  	v30 =	vadd.f32 v40, v30;
	v42 =	vld [tilespmem:s9+$0x70]  }
0x3c5: {  	v44 =	vld [tilespmem:s21+$0x50]  }
0x3c6: {  	s20 =	sadd.s32 $0x17880, s13;
	v45 =	vld [tilespmem:s21+$0x60];
	[tilespmem:s13+$0x17880] =	vst v30;
	v31 =	vadd.f32 v31, v14  }
0x3c7: {  	v30 =	vld [tilespmem:s20+$0x10]  }
0x3c8: {  	v28 =	vadd.f32 v41, v28;
	v43 =	vld [tilespmem:s16+$0x2450];
	[tilespmem:s3+$0x17080] =	vst v31  }
0x3c9: {  	v27 =	vadd.f32 v42, v27;
	v31 =	vld [tilespmem:s21+$0x70]  }
0x3ca: {  	[tilespmem:s4+$0x16480] =	vst v28;
	v46 =	vadd.f32 v34, v11;
	v28 =	vld [tilespmem:s21+$0x10]  }
0x3cb: {  	v47 =	vadd.f32 v44, v10;
	[tilespmem:s10+$0x70] =	vst v27;
	v27 =	vld [tilespmem:s21+$0x20]  }
0x3cc: {  	v49 =	vadd.f32 v45, v13;
	v48 =	vld [tilespmem:s21+$0x30];
	[tilespmem:s21+$0x40] =	vst v46  }
0x3cd: {  	v56 =	vld [tilespmem:s10+$0x410];
	[tilespmem:s21+$0x50] =	vst v47;
	v30 =	vadd.f32 v43, v30  }
0x3ce: {  	v33 =	vld [tilespmem:s10+$0x450];
	[tilespmem:s21+$0x60] =	vst v49;
	v31 =	vadd.f32 v31, v12  }
0x3cf: {  	v50 =	vld [tilespmem:s20+$0x20];
	[tilespmem:s20+$0x10] =	vst v30;
	v28 =	vadd.f32 v28, v7  }
0x3d0: {  	v51 =	vld [tilespmem:s16+$0x2460];
	v27 =	vadd.f32 v27, v8;
	[tilespmem:s21+$0x70] =	vst v31  }
0x3d1: {  	s14 =	sadd.s32 $0x16480, s4;
	v52 =	vld [tilespmem:s15+$0x10];
	[tilespmem:s21+$0x10] =	vst v28;
	v28 =	vadd.f32 v48, v6  }
0x3d2: {  	v31 =	vld [tilespmem:s14+$0x10];
	[tilespmem:s21+$0x20] =	vst v27  }
0x3d3: {  	v27 =	vld [tilespmem:s9+$0x200];
	[tilespmem:s21+$0x30] =	vst v28  }
0x3d4: {  	v54 =	vld [tilespmem:s3+$0x17480]  }
0x3d5: {  	v29 =	vld [tilespmem:s10+$0x430];
	v28 =	vadd.f32 v51, v50  }
0x3d6: {  	v34 =	vld [tilespmem:s10+$0x420]  }
0x3d7: {  	[tilespmem:s20+$0x20] =	vst v28;
	v28 =	vadd.f32 v52, v31;
	v31 =	vld [tilespmem:s20+$0x30]  }
0x3d8: {  	v55 =	vld [tilespmem:s16+$0x2470];
	v27 =	vadd.f32 v27, v53  }
0x3d9: {  	[tilespmem:s14+$0x10] =	vst v28;
	v28 =	vld [tilespmem:s14+$0x20];
	v57 =	vadd.f32 v54, v9  }
0x3da: {  	[tilespmem:s10+$0x400] =	vst v27;
	v58 =	vld [tilespmem:s15+$0x20]  }
0x3db: {  	s28 =	sadd.s32 $0x17480, s3;
	v59 =	vld [tilespmem:s9+$0x210];
	[tilespmem:s3+$0x17480] =	vst v57  }
0x3dc: {  	v60 =	vld [tilespmem:s28+$0x10]  }
0x3dd: {  	v27 =	vadd.f32 v55, v31;
	v31 =	vld [tilespmem:s28+$0x20]  }
0x3de: {  	v61 =	vld [tilespmem:s28+$0x30]  }
0x3df: {  	[tilespmem:s20+$0x30] =	vst v27;
	v27 =	vld [tilespmem:s20+$0x40];
	v62 =	vadd.f32 v58, v28  }
0x3e0: {  	v36 =	vadd.f32 v59, v56;
	v28 =	vld [tilespmem:s16+$0x2800]  }
0x3e1: {  	s13 =	simm.s32 $0x1;
	v35 =	vld [tilespmem:s14+$0x30];
	[tilespmem:s14+$0x20] =	vst v62;
	v63 =	vadd.f32 v60, v5  }
0x3e2: {  	s31 =	simm.s32 $0x4;
	s12 =	sand.u32 $0x8, s13;
	v30 =	vld [tilespmem:s10+$0x440];
	[tilespmem:s10+$0x410] =	vst v36;
	v31 =	vadd.f32 v31, v4  }
0x3e3: {  	s13 =	simm.s32 $0x3;
	s12 =	sor.u32 s2, s12;
	s21 =	simm.s32 $0x2;
	v36 =	vld [tilespmem:s15+$0x30];
	v32 =	vadd.f32 v61, v3;
	[tilespmem:s28+$0x10] =	vst v63  }
.LBB2_7:
0x3e4: {  	p0 =	sne.s32 s31, $0x2F;
	v37 =	vld [tilespmem:s9+$0x220];
	[tilespmem:s28+$0x20] =	vst v31;
	s12 =	sshll.u32 s12, $0x8  }
0x3e5: {  	[tilespmem:s28+$0x30] =	vst v32;
	v31 =	vld [tilespmem:s28+$0x40];
	s12 =	sadd.s32 s17, s12;
	v27 =	vadd.f32 v28, v27;
	s17 =	smov.u32 s19;
	s19 =	smov.u32 s11  }
0x3e6: {  	v28 =	vld [tilespmem:s12+$0x2400]  }
0x3e7: {  	[tilespmem:s20+$0x40] =	vst v27;
	v27 =	vld [tilespmem:s20+$0x50]  }
0x3e8: {  	v32 =	vld [tilespmem:s16+$0x2810]  }
0x3e9: {  	v34 =	vadd.f32 v37, v34;
	v37 =	vld [tilespmem:s10+$0x460]  }
0x3ea: {  	v35 =	vadd.f32 v36, v35;
	v36 =	vld [tilespmem:s10+$0x470]  }
0x3eb: {  	v38 =	vld [tilespmem:s14+$0x40];
	[tilespmem:s10+$0x420] =	vst v34;
	v28 =	vadd.f32 v28, v31  }
0x3ec: {  	v30 =	vadd.f32 v30, v26;
	[tilespmem:s14+$0x30] =	vst v35;
	v31 =	vld [tilespmem:s9+$0x230];
	s9 =	smov.u32 s15  }
0x3ed: {  	[tilespmem:s28+$0x40] =	vst v28;
	v28 =	vld [tilespmem:s28+$0x50];
	v27 =	vadd.f32 v32, v27  }
0x3ee: {  	[tilespmem:s10+$0x440] =	vst v30;
	v30 =	vadd.f32 v33, v25;
	v32 =	vld [tilespmem:s12+$0x2410]  }
0x3ef: {  	v33 =	vadd.f32 v37, v24;
	[tilespmem:s20+$0x50] =	vst v27;
	v27 =	vld [tilespmem:s20+$0x60]  }
0x3f0: {  	[tilespmem:s10+$0x450] =	vst v30;
	v30 =	vadd.f32 v36, v23;
	v34 =	vld [tilespmem:s16+$0x2820]  }
0x3f1: {  	v35 =	vld [tilespmem:s9+$0x40];
	v29 =	vadd.f32 v31, v29;
	[tilespmem:s10+$0x460] =	vst v33  }
0x3f2: {  	v31 =	vld [tilespmem:s14+$0x60];
	[tilespmem:s10+$0x470] =	vst v30  }
0x3f3: {  	v30 =	vld [tilespmem:s14+$0x50];
	[tilespmem:s10+$0x430] =	vst v29;
	v28 =	vadd.f32 v32, v28;
	s10 =	smov.u32 s14  }
0x3f4: {  	v29 =	vld [tilespmem:s18+$0x16C80]  }
0x3f5: {  	[tilespmem:s28+$0x50] =	vst v28;
	v28 =	vld [tilespmem:s28+$0x60];
	v27 =	vadd.f32 v34, v27  }
0x3f6: {  	v32 =	vadd.f32 v35, v38;
	v33 =	vld [tilespmem:s12+$0x2420]  }
0x3f7: {  	[tilespmem:s20+$0x60] =	vst v27;
	v27 =	vld [tilespmem:s20+$0x70]  }
0x3f8: {  	[tilespmem:s10+$0x40] =	vst v32;
	v32 =	vld [tilespmem:s16+$0x2830];
	s16 =	smov.u32 s12  }
0x3f9: {  	s12 =	sadd.s32 $0x16C80, s18;
	v34 =	vld [tilespmem:s9+$0x50]  }
0x3fa: {  	v35 =	vld [tilespmem:s12+$0x40]  }
0x3fb: {  	v36 =	vld [tilespmem:s12+$0x50];
	v28 =	vadd.f32 v33, v28  }
0x3fc: {  	v29 =	vadd.f32 v29, v22;
	v33 =	vld [tilespmem:s12+$0x60]  }
0x3fd: {  	[tilespmem:s28+$0x60] =	vst v28;
	v28 =	vld [tilespmem:s28+$0x70];
	v27 =	vadd.f32 v32, v27  }
0x3fe: {  	[tilespmem:s18+$0x16C80] =	vst v29;
	v29 =	vld [tilespmem:s16+$0x2430]  }
0x3ff: {  	v30 =	vadd.f32 v34, v30;
	v32 =	vld [tilespmem:s12+$0x70];
	[tilespmem:s20+$0x70] =	vst v27  }
0x400: {  	s11 =	sshrl.u32 s31, $0x3;
	v34 =	vadd.f32 v35, v21;
	v27 =	vld [tilespmem:s12+$0x10]  }
0x401: {  	s14 =	smul.u32 $0x6000, s11;
	v35 =	vadd.f32 v36, v20;
	[tilespmem:s10+$0x50] =	vst v30;
	v30 =	vld [tilespmem:s12+$0x20]  }
0x402: {  	s29 =	sadd.s32 $0x80, s29;
	s30 =	sadd.s32 $0x8, s30;
	v33 =	vadd.f32 v33, v19;
	v36 =	vld [tilespmem:s12+$0x30];
	[tilespmem:s12+$0x40] =	vst v34  }
0x403: {  	s15 =	sand.u32 $0x180, s30;
	s11 =	sand.u32 $0x380, s29;
	s14 =	sshra.s32 s14, $0x2;
	v34 =	vld [tilespmem:s9+$0x60];
	[tilespmem:s12+$0x50] =	vst v35;
	v28 =	vadd.f32 v29, v28  }
0x404: {  	s14 =	sor.u32 s11, s14;
	v35 =	vld [tilespmem:s15+$0x0];
	[tilespmem:s12+$0x60] =	vst v33;
	v29 =	vadd.f32 v32, v18  }
0x405: {  	v32 =	vld [tilespmem:s14+$0x16480];
	v27 =	vadd.f32 v27, v16;
	[tilespmem:s28+$0x70] =	vst v28  }
0x406: {  	v28 =	vadd.f32 v30, v17;
	[tilespmem:s12+$0x70] =	vst v29;
	v30 =	vld [tilespmem:s3+$0x17880]  }
0x407: {  	[tilespmem:s12+$0x10] =	vst v27;
	v27 =	vadd.f32 v36, v15;
	v33 =	vld [tilespmem:s16+$0x2440]  }
0x408: {  	v31 =	vadd.f32 v34, v31;
	v29 =	vld [tilespmem:s10+$0x430];
	[tilespmem:s12+$0x20] =	vst v28  }
0x409: {  	v28 =	vld [tilespmem:s10+$0x70];
	[tilespmem:s12+$0x30] =	vst v27  }
0x40a: {  	[tilespmem:s10+$0x60] =	vst v31;
	v27 =	vld [tilespmem:s18+$0x17080]  }
0x40b: {  	s12 =	sadd.s32 $0x17080, s18;
	v31 =	vld [tilespmem:s9+$0x70]  }
0x40c: {  	v34 =	vld [tilespmem:s12+$0x40];
	v30 =	vadd.f32 v33, v30  }
0x40d: {  	v33 =	vld [tilespmem:s12+$0x50]  }
0x40e: {  	s20 =	sadd.s32 $0x17880, s3;
	v36 =	vld [tilespmem:s12+$0x60];
	[tilespmem:s3+$0x17880] =	vst v30;
	s3 =	smov.u32 s18;
	s18 =	smov.u32 s4  }
0x40f: {  	s4 =	smov.u32 s14;
	v27 =	vadd.f32 v27, v14;
	v37 =	vld [tilespmem:s20+$0x10]  }
0x410: {  	v30 =	vadd.f32 v35, v32;
	v32 =	vld [tilespmem:s16+$0x2450]  }
0x411: {  	v28 =	vadd.f32 v31, v28;
	[tilespmem:s3+$0x17080] =	vst v27;
	v27 =	vld [tilespmem:s12+$0x70]  }
0x412: {  	[tilespmem:s4+$0x16480] =	vst v30;
	v31 =	vld [tilespmem:s12+$0x10];
	v30 =	vadd.f32 v34, v11  }
0x413: {  	v33 =	vadd.f32 v33, v10;
	[tilespmem:s10+$0x70] =	vst v28;
	v28 =	vld [tilespmem:s12+$0x20]  }
0x414: {  	v35 =	vadd.f32 v36, v13;
	v34 =	vld [tilespmem:s12+$0x30];
	[tilespmem:s12+$0x40] =	vst v30  }
0x415: {  	v30 =	vld [tilespmem:s10+$0x440];
	[tilespmem:s12+$0x50] =	vst v33;
	v32 =	vadd.f32 v32, v37  }
0x416: {  	v36 =	vld [tilespmem:s10+$0x400];
	[tilespmem:s12+$0x60] =	vst v35;
	v27 =	vadd.f32 v27, v12  }
0x417: {  	v31 =	vadd.f32 v31, v7;
	[tilespmem:s20+$0x10] =	vst v32;
	v32 =	vld [tilespmem:s20+$0x20]  }
0x418: {  	s14 =	sadd.s32 $0x16480, s4;
	v28 =	vadd.f32 v28, v8;
	[tilespmem:s12+$0x70] =	vst v27;
	v27 =	vld [tilespmem:s16+$0x2460]  }
0x419: {  	v35 =	vld [tilespmem:s14+$0x10];
	[tilespmem:s12+$0x10] =	vst v31;
	v31 =	vadd.f32 v34, v6  }
0x41a: {  	v34 =	vld [tilespmem:s15+$0x10];
	[tilespmem:s12+$0x20] =	vst v28  }
0x41b: {  	v28 =	vld [tilespmem:s9+$0x200];
	[tilespmem:s12+$0x30] =	vst v31  }
0x41c: {  	v31 =	vld [tilespmem:s3+$0x17480]  }
0x41d: {  	v33 =	vld [tilespmem:s10+$0x450];
	v27 =	vadd.f32 v27, v32  }
0x41e: {  	v32 =	vld [tilespmem:s10+$0x410]  }
0x41f: {  	v34 =	vadd.f32 v34, v35;
	[tilespmem:s20+$0x20] =	vst v27;
	v27 =	vld [tilespmem:s20+$0x30]  }
0x420: {  	v28 =	vadd.f32 v28, v36;
	v35 =	vld [tilespmem:s16+$0x2470]  }
0x421: {  	[tilespmem:s14+$0x10] =	vst v34;
	v34 =	vld [tilespmem:s14+$0x20];
	v31 =	vadd.f32 v31, v9  }
0x422: {  	v36 =	vld [tilespmem:s15+$0x20];
	[tilespmem:s10+$0x400] =	vst v28  }
0x423: {  	s28 =	sadd.s32 $0x17480, s3;
	v28 =	vld [tilespmem:s9+$0x210];
	[tilespmem:s3+$0x17480] =	vst v31  }
0x424: {  	v31 =	vld [tilespmem:s28+$0x10]  }
0x425: {  	v37 =	vld [tilespmem:s28+$0x20];
	v27 =	vadd.f32 v35, v27  }
0x426: {  	v38 =	vld [tilespmem:s28+$0x30]  }
.Ltmp2:
0x427: {  	v34 =	vadd.f32 v36, v34;
	[tilespmem:s20+$0x30] =	vst v27;
	v27 =	vld [tilespmem:s20+$0x40];
	(pc) =	sbr.rel @p0 .LBB2_7-.Ltmp2, $4  }
0x428: {  	v32 =	vadd.f32 v28, v32;
	v28 =	vld [tilespmem:s16+$0x2800]  }
0x429: {  	[tilespmem:s14+$0x20] =	vst v34;
	v34 =	vld [tilespmem:s10+$0x420];
	v39 =	vadd.f32 v31, v5  }
0x42a: {  	s12 =	sand.u32 $0x8, s21;
	s21 =	smov.u32 s13;
	s13 =	smov.u32 s31;
	v35 =	vld [tilespmem:s14+$0x30];
	[tilespmem:s10+$0x410] =	vst v32;
	v31 =	vadd.f32 v37, v4  }
0x42b: {  	s31 =	sadd.s32 $0x1, s31;
	s12 =	sor.u32 s2, s12;
	v36 =	vld [tilespmem:s15+$0x30];
	[tilespmem:s28+$0x10] =	vst v39;
	v32 =	vadd.f32 v38, v3  }
0x42c: {  	_ =	sdelay $0x3  }
0x42d: {  	v35 =	vadd.f32 v36, v35;
	_ =	sdelay $0x1  }
0x42e: {  	v59 =	vld [tilespmem:s14+$0x40];
	[tilespmem:s14+$0x30] =	vst v35  }
0x42f: {  	v35 =	vld [tilespmem:s15+$0x40];
	_ =	sdelay $0x4  }
0x430: {  	v35 =	vadd.f32 v35, v59;
	_ =	sdelay $0x1  }
0x431: {  	v60 =	vld [tilespmem:s14+$0x50];
	[tilespmem:s14+$0x40] =	vst v35  }
0x432: {  	v35 =	vld [tilespmem:s15+$0x50];
	_ =	sdelay $0x4  }
0x433: {  	v35 =	vadd.f32 v35, v60;
	_ =	sdelay $0x1  }
0x434: {  	v37 =	vld [tilespmem:s14+$0x60];
	[tilespmem:s14+$0x50] =	vst v35  }
0x435: {  	v35 =	vld [tilespmem:s15+$0x60];
	_ =	sdelay $0x4  }
0x436: {  	v35 =	vadd.f32 v35, v37;
	_ =	sdelay $0x1  }
0x437: {  	v61 =	vld [tilespmem:s14+$0x70];
	[tilespmem:s14+$0x60] =	vst v35  }
0x438: {  	v35 =	vld [tilespmem:s15+$0x70];
	_ =	sdelay $0x4  }
0x439: {  	v35 =	vadd.f32 v35, v61  }
0x43a: {  	v38 =	vld [tilespmem:s9+$0x220]  }
0x43b: {  	v42 =	vld [tilespmem:s14+$0x400];
	[tilespmem:s14+$0x70] =	vst v35  }
0x43c: {  	v43 =	vld [tilespmem:s15+$0x200];
	_ =	sdelay $0x2  }
0x43d: {  	v34 =	vadd.f32 v38, v34;
	_ =	sdelay $0x1  }
0x43e: {  	[tilespmem:s10+$0x420] =	vst v34;
	v34 =	vadd.f32 v43, v42  }
0x43f: {  	v39 =	vld [tilespmem:s9+$0x230]  }
0x440: {  	v48 =	vld [tilespmem:s14+$0x410];
	[tilespmem:s14+$0x400] =	vst v34  }
0x441: {  	v49 =	vld [tilespmem:s15+$0x210]  }
0x442: {  	v62 =	vld [tilespmem:s10+$0x460]  }
0x443: {  	v63 =	vld [tilespmem:s10+$0x470];
	v30 =	vadd.f32 v30, v26  }
0x444: {  	v29 =	vadd.f32 v39, v29  }
0x445: {  	v33 =	vadd.f32 v33, v25;
	[tilespmem:s10+$0x440] =	vst v30  }
0x446: {  	[tilespmem:s10+$0x430] =	vst v29;
	v29 =	vadd.f32 v49, v48  }
0x447: {  	v46 =	vld [tilespmem:s14+$0x440];
	v44 =	vadd.f32 v62, v24;
	[tilespmem:s10+$0x450] =	vst v33  }
0x448: {  	v54 =	vld [tilespmem:s14+$0x420];
	v45 =	vadd.f32 v63, v23;
	[tilespmem:s14+$0x410] =	vst v29  }
0x449: {  	[tilespmem:s10+$0x460] =	vst v44;
	v29 =	vld [tilespmem:s15+$0x220]  }
0x44a: {  	v47 =	vld [tilespmem:s14+$0x450];
	[tilespmem:s10+$0x470] =	vst v45  }
0x44b: {  	s10 =	sadd.s32 $0x16C80, s18;
	v50 =	vld [tilespmem:s18+$0x16C80]  }
0x44c: {  	v51 =	vld [tilespmem:s10+$0x40]  }
0x44d: {  	v57 =	vld [tilespmem:s14+$0x460]  }
0x44e: {  	v58 =	vld [tilespmem:s14+$0x470];
	v29 =	vadd.f32 v29, v54  }
0x44f: {  	v36 =	vld [tilespmem:s14+$0x430]  }
0x450: {  	v52 =	vld [tilespmem:s10+$0x50];
	v53 =	vadd.f32 v50, v22;
	[tilespmem:s14+$0x420] =	vst v29  }
0x451: {  	v35 =	vadd.f32 v51, v21;
	v61 =	vld [tilespmem:s15+$0x230]  }
0x452: {  	v63 =	vadd.f32 v46, v26;
	v55 =	vld [tilespmem:s10+$0x60];
	[tilespmem:s18+$0x16C80] =	vst v53  }
0x453: {  	v30 =	vadd.f32 v47, v25;
	[tilespmem:s10+$0x40] =	vst v35  }
0x454: {  	v34 =	vadd.f32 v57, v24;
	[tilespmem:s14+$0x440] =	vst v63  }
0x455: {  	v35 =	vadd.f32 v58, v23;
	[tilespmem:s14+$0x450] =	vst v30  }
0x456: {  	[tilespmem:s14+$0x460] =	vst v34;
	v37 =	vadd.f32 v61, v36  }
0x457: {  	[tilespmem:s14+$0x470] =	vst v35  }
0x458: {  	v41 =	vld [tilespmem:s10+$0x20];
	[tilespmem:s14+$0x430] =	vst v37  }
0x459: {  	v23 =	vld [tilespmem:s4+$0x16C80]  }
0x45a: {  	v33 =	vld [tilespmem:s10+$0x70]  }
0x45b: {  	v40 =	vld [tilespmem:s10+$0x10]  }
0x45c: {  	v38 =	vadd.f32 v52, v20  }
0x45d: {  	v56 =	vadd.f32 v55, v19;
	v62 =	vld [tilespmem:s10+$0x30];
	s15 =	sadd.s32 $0x16C80, s4  }
0x45e: {  	[tilespmem:s10+$0x50] =	vst v38;
	v60 =	vadd.f32 v41, v17;
	v41 =	vld [tilespmem:s15+$0x40];
	v43 =	vadd.f32 v23, v22  }
0x45f: {  	[tilespmem:s10+$0x60] =	vst v56;
	v33 =	vadd.f32 v33, v18;
	v42 =	vld [tilespmem:s15+$0x50]  }
0x460: {  	v59 =	vadd.f32 v40, v16;
	v44 =	vld [tilespmem:s15+$0x60];
	[tilespmem:s4+$0x16C80] =	vst v43  }
0x461: {  	[tilespmem:s10+$0x70] =	vst v33;
	v22 =	vld [tilespmem:s15+$0x70]  }
0x462: {  	v38 =	vadd.f32 v62, v15;
	[tilespmem:s10+$0x10] =	vst v59;
	v46 =	vld [tilespmem:s15+$0x10]  }
0x463: {  	[tilespmem:s10+$0x20] =	vst v60;
	v47 =	vadd.f32 v41, v21;
	v48 =	vld [tilespmem:s15+$0x20]  }
0x464: {  	[tilespmem:s10+$0x30] =	vst v38;
	v49 =	vadd.f32 v42, v20;
	v50 =	vld [tilespmem:s15+$0x30]  }
0x465: {  	v24 =	vld [tilespmem:s18+$0x17080];
	v51 =	vadd.f32 v44, v19;
	[tilespmem:s15+$0x40] =	vst v47  }
0x466: {  	[tilespmem:s15+$0x50] =	vst v49;
	v52 =	vadd.f32 v22, v18  }
0x467: {  	[tilespmem:s15+$0x60] =	vst v51;
	v53 =	vadd.f32 v46, v16  }
0x468: {  	s14 =	sadd.s32 $0x17080, s18;
	v54 =	vadd.f32 v48, v17;
	[tilespmem:s15+$0x70] =	vst v52  }
0x469: {  	v39 =	vld [tilespmem:s14+$0x40];
	v55 =	vadd.f32 v50, v15;
	[tilespmem:s15+$0x10] =	vst v53  }
0x46a: {  	v24 =	vadd.f32 v24, v14;
	v40 =	vld [tilespmem:s14+$0x50];
	[tilespmem:s15+$0x20] =	vst v54  }
0x46b: {  	v45 =	vld [tilespmem:s14+$0x60];
	[tilespmem:s15+$0x30] =	vst v55  }
0x46c: {  	[tilespmem:s18+$0x17080] =	vst v24;
	v15 =	vld [tilespmem:s4+$0x17080]  }
0x46d: {  	v56 =	vld [tilespmem:s14+$0x70]  }
0x46e: {  	v59 =	vld [tilespmem:s14+$0x20];
	v58 =	vadd.f32 v39, v11  }
0x46f: {  	v61 =	vld [tilespmem:s14+$0x30];
	v60 =	vadd.f32 v40, v10  }
0x470: {  	s29 =	sadd.s32 $0x17080, s4;
	v57 =	vld [tilespmem:s14+$0x10];
	v62 =	vadd.f32 v45, v13;
	[tilespmem:s14+$0x40] =	vst v58  }
0x471: {  	[tilespmem:s14+$0x50] =	vst v60;
	v63 =	vld [tilespmem:s29+$0x40];
	v25 =	vadd.f32 v15, v14  }
0x472: {  	v26 =	vadd.f32 v56, v12;
	[tilespmem:s14+$0x60] =	vst v62;
	v24 =	vld [tilespmem:s29+$0x50]  }
0x473: {  	v30 =	vadd.f32 v59, v8;
	v29 =	vld [tilespmem:s29+$0x60];
	[tilespmem:s4+$0x17080] =	vst v25  }
0x474: {  	v34 =	vadd.f32 v61, v6;
	[tilespmem:s14+$0x70] =	vst v26;
	v33 =	vld [tilespmem:s29+$0x70]  }
0x475: {  	[tilespmem:s14+$0x20] =	vst v30;
	v17 =	vadd.f32 v57, v7;
	v35 =	vld [tilespmem:s29+$0x10]  }
0x476: {  	[tilespmem:s14+$0x30] =	vst v34;
	v36 =	vadd.f32 v63, v11;
	v37 =	vld [tilespmem:s29+$0x20]  }
0x477: {  	[tilespmem:s14+$0x10] =	vst v17;
	v38 =	vadd.f32 v24, v10;
	v39 =	vld [tilespmem:s29+$0x30]  }
0x478: {  	v40 =	vadd.f32 v29, v13;
	[tilespmem:s29+$0x40] =	vst v36  }
0x479: {  	[tilespmem:s29+$0x50] =	vst v38;
	v41 =	vadd.f32 v33, v12  }
0x47a: {  	[tilespmem:s29+$0x60] =	vst v40;
	v42 =	vadd.f32 v35, v7  }
0x47b: {  	v43 =	vadd.f32 v37, v8;
	[tilespmem:s29+$0x70] =	vst v41  }
0x47c: {  	v44 =	vld [tilespmem:s18+$0x17480];
	v45 =	vadd.f32 v39, v6;
	[tilespmem:s29+$0x10] =	vst v42  }
0x47d: {  	[tilespmem:s29+$0x20] =	vst v43  }
0x47e: {  	[tilespmem:s29+$0x30] =	vst v45  }
0x47f: {  	v6 =	vld [tilespmem:s4+$0x17480];
	_ =	sdelay $0x1  }
0x480: {  	v46 =	vadd.f32 v44, v9;
	_ =	sdelay $0x1  }
0x481: {  	s30 =	sadd.s32 $0x17480, s18;
	[tilespmem:s18+$0x17480] =	vst v46  }
0x482: {  	v49 =	vld [tilespmem:s30+$0x30];
	v6 =	vadd.f32 v6, v9  }
0x483: {  	v7 =	vld [tilespmem:s30+$0x10]  }
0x484: {  	s31 =	sadd.s32 $0x17480, s4;
	v48 =	vld [tilespmem:s30+$0x20];
	[tilespmem:s4+$0x17480] =	vst v6  }
0x485: {  	v6 =	vld [tilespmem:s31+$0x10]  }
0x486: {  	v11 =	vld [tilespmem:s31+$0x20]  }
0x487: {  	[tilespmem:s28+$0x20] =	vst v31;
	v52 =	vadd.f32 v49, v3;
	v50 =	vld [tilespmem:s31+$0x30]  }
0x488: {  	[tilespmem:s28+$0x30] =	vst v32;
	v7 =	vadd.f32 v7, v5  }
0x489: {  	s10 =	sshll.u32 s12, $0x8;
	s12 =	sand.u32 $0x8, s21;
	[tilespmem:s30+$0x30] =	vst v52;
	v9 =	vadd.f32 v48, v4  }
0x48a: {  	s9 =	sadd.s32 s17, s10;
	s10 =	sor.u32 s2, s12;
	v47 =	vld [tilespmem:s28+$0x40];
	[tilespmem:s30+$0x10] =	vst v7;
	v53 =	vadd.f32 v6, v5  }
0x48b: {  	s17 =	sand.u32 $0x8, s13;
	s10 =	sshll.u32 s10, $0x8;
	v51 =	vld [tilespmem:s9+$0x2400];
	[tilespmem:s30+$0x20] =	vst v9;
	v54 =	vadd.f32 v11, v4  }
0x48c: {  	s21 =	sor.u32 s2, s17;
	s10 =	sadd.s32 s19, s10;
	v55 =	vld [tilespmem:s30+$0x40];
	v3 =	vadd.f32 v50, v3;
	[tilespmem:s31+$0x10] =	vst v53  }
0x48d: {  	s2 =	sshll.u32 s21, $0x8;
	v7 =	vld [tilespmem:s10+$0x2400];
	[tilespmem:s31+$0x20] =	vst v54  }
0x48e: {  	s2 =	sadd.s32 s11, s2;
	[tilespmem:s31+$0x30] =	vst v3;
	v3 =	vld [tilespmem:s31+$0x40]  }
0x48f: {  	v4 =	vld [tilespmem:s2+$0x2400]  }
0x490: {  	v56 =	vadd.f32 v51, v47;
	_ =	sdelay $0x1  }
0x491: {  	v57 =	vld [tilespmem:s28+$0x50];
	[tilespmem:s28+$0x40] =	vst v56;
	v6 =	vadd.f32 v7, v55  }
0x492: {  	v58 =	vld [tilespmem:s9+$0x2410]  }
0x493: {  	v59 =	vld [tilespmem:s30+$0x50];
	[tilespmem:s30+$0x40] =	vst v6;
	v3 =	vadd.f32 v4, v3  }
0x494: {  	v60 =	vld [tilespmem:s10+$0x2410]  }
0x495: {  	[tilespmem:s31+$0x40] =	vst v3;
	v3 =	vld [tilespmem:s31+$0x50]  }
0x496: {  	v61 =	vld [tilespmem:s2+$0x2410]  }
0x497: {  	v5 =	vadd.f32 v58, v57;
	_ =	sdelay $0x1  }
0x498: {  	v62 =	vld [tilespmem:s28+$0x60];
	[tilespmem:s28+$0x50] =	vst v5;
	v4 =	vadd.f32 v60, v59  }
0x499: {  	v63 =	vld [tilespmem:s9+$0x2420]  }
0x49a: {  	v11 =	vld [tilespmem:s30+$0x60];
	[tilespmem:s30+$0x50] =	vst v4;
	v3 =	vadd.f32 v61, v3  }
0x49b: {  	v12 =	vld [tilespmem:s10+$0x2420]  }
0x49c: {  	[tilespmem:s31+$0x50] =	vst v3;
	v3 =	vld [tilespmem:s31+$0x60]  }
0x49d: {  	v13 =	vld [tilespmem:s2+$0x2420]  }
0x49e: {  	v5 =	vadd.f32 v63, v62;
	_ =	sdelay $0x1  }
0x49f: {  	v14 =	vld [tilespmem:s28+$0x70];
	[tilespmem:s28+$0x60] =	vst v5;
	v4 =	vadd.f32 v12, v11  }
0x4a0: {  	v15 =	vld [tilespmem:s9+$0x2430]  }
0x4a1: {  	v16 =	vld [tilespmem:s30+$0x70];
	[tilespmem:s30+$0x60] =	vst v4;
	v3 =	vadd.f32 v13, v3  }
0x4a2: {  	v17 =	vld [tilespmem:s10+$0x2430]  }
0x4a3: {  	[tilespmem:s31+$0x60] =	vst v3;
	v3 =	vld [tilespmem:s31+$0x70]  }
0x4a4: {  	v18 =	vld [tilespmem:s2+$0x2430]  }
0x4a5: {  	v5 =	vadd.f32 v15, v14;
	_ =	sdelay $0x1  }
0x4a6: {  	[tilespmem:s28+$0x70] =	vst v5;
	v4 =	vadd.f32 v17, v16  }
0x4a7: {  	v5 =	vld [tilespmem:s3+$0x17880]  }
0x4a8: {  	v19 =	vld [tilespmem:s9+$0x2440];
	[tilespmem:s30+$0x70] =	vst v4;
	v3 =	vadd.f32 v18, v3  }
0x4a9: {  	v4 =	vld [tilespmem:s18+$0x17880]  }
0x4aa: {  	v20 =	vld [tilespmem:s10+$0x2440];
	[tilespmem:s31+$0x70] =	vst v3  }
0x4ab: {  	v3 =	vld [tilespmem:s4+$0x17880]  }
0x4ac: {  	v21 =	vld [tilespmem:s2+$0x2440]  }
0x4ad: {  	v5 =	vadd.f32 v19, v5;
	_ =	sdelay $0x1  }
0x4ae: {  	s29 =	sadd.s32 $0x17880, s3;
	[tilespmem:s3+$0x17880] =	vst v5;
	v4 =	vadd.f32 v20, v4  }
0x4af: {  	v5 =	vld [tilespmem:s29+$0x10]  }
0x4b0: {  	s30 =	sadd.s32 $0x17880, s18;
	v22 =	vld [tilespmem:s9+$0x2450];
	[tilespmem:s18+$0x17880] =	vst v4;
	v3 =	vadd.f32 v21, v3  }
0x4b1: {  	v4 =	vld [tilespmem:s30+$0x10]  }
0x4b2: {  	s31 =	sadd.s32 $0x17880, s4;
	v23 =	vld [tilespmem:s10+$0x2450];
	[tilespmem:s4+$0x17880] =	vst v3  }
0x4b3: {  	v3 =	vld [tilespmem:s31+$0x10]  }
0x4b4: {  	v24 =	vld [tilespmem:s2+$0x2450]  }
0x4b5: {  	v5 =	vadd.f32 v22, v5;
	_ =	sdelay $0x1  }
0x4b6: {  	v25 =	vld [tilespmem:s29+$0x20];
	[tilespmem:s29+$0x10] =	vst v5;
	v4 =	vadd.f32 v23, v4  }
0x4b7: {  	v26 =	vld [tilespmem:s9+$0x2460]  }
0x4b8: {  	v29 =	vld [tilespmem:s30+$0x20];
	[tilespmem:s30+$0x10] =	vst v4;
	v3 =	vadd.f32 v24, v3  }
0x4b9: {  	v30 =	vld [tilespmem:s10+$0x2460]  }
0x4ba: {  	[tilespmem:s31+$0x10] =	vst v3;
	v3 =	vld [tilespmem:s31+$0x20]  }
0x4bb: {  	v31 =	vld [tilespmem:s2+$0x2460];
	_ =	sdelay $0x1  }
0x4bc: {  	v5 =	vadd.f32 v26, v25  }
0x4bd: {  	v32 =	vld [tilespmem:s29+$0x30];
	v4 =	vadd.f32 v30, v29  }
0x4be: {  	v34 =	vld [tilespmem:s30+$0x30];
	[tilespmem:s29+$0x20] =	vst v5  }
0x4bf: {  	v33 =	vld [tilespmem:s9+$0x2470];
	[tilespmem:s30+$0x20] =	vst v4;
	v3 =	vadd.f32 v31, v3  }
0x4c0: {  	v36 =	vld [tilespmem:s10+$0x2470]  }
0x4c1: {  	[tilespmem:s31+$0x20] =	vst v3;
	v3 =	vld [tilespmem:s31+$0x30]  }
0x4c2: {  	v37 =	vld [tilespmem:s2+$0x2470];
	_ =	sdelay $0x1  }
0x4c3: {  	v5 =	vadd.f32 v33, v32  }
0x4c4: {  	v40 =	vld [tilespmem:s29+$0x40];
	v4 =	vadd.f32 v36, v34  }
0x4c5: {  	v42 =	vld [tilespmem:s30+$0x40];
	[tilespmem:s29+$0x30] =	vst v5  }
0x4c6: {  	v41 =	vld [tilespmem:s9+$0x2800];
	[tilespmem:s30+$0x30] =	vst v4;
	v3 =	vadd.f32 v37, v3  }
0x4c7: {  	v43 =	vld [tilespmem:s10+$0x2800]  }
0x4c8: {  	v35 =	vadd.f32 v28, v27;
	[tilespmem:s31+$0x30] =	vst v3;
	v3 =	vld [tilespmem:s31+$0x40]  }
0x4c9: {  	v44 =	vld [tilespmem:s2+$0x2800]  }
0x4ca: {  	v38 =	vld [tilespmem:s20+$0x50];
	[tilespmem:s20+$0x40] =	vst v35  }
0x4cb: {  	v39 =	vld [tilespmem:s16+$0x2810];
	v5 =	vadd.f32 v41, v40  }
0x4cc: {  	v46 =	vld [tilespmem:s29+$0x50];
	v4 =	vadd.f32 v43, v42  }
0x4cd: {  	v48 =	vld [tilespmem:s30+$0x50];
	[tilespmem:s29+$0x40] =	vst v5  }
0x4ce: {  	v47 =	vld [tilespmem:s9+$0x2810];
	[tilespmem:s30+$0x40] =	vst v4;
	v3 =	vadd.f32 v44, v3  }
0x4cf: {  	v49 =	vld [tilespmem:s10+$0x2810]  }
0x4d0: {  	v6 =	vadd.f32 v39, v38;
	[tilespmem:s31+$0x40] =	vst v3;
	v3 =	vld [tilespmem:s31+$0x50]  }
0x4d1: {  	v50 =	vld [tilespmem:s2+$0x2810]  }
0x4d2: {  	v45 =	vld [tilespmem:s20+$0x60];
	[tilespmem:s20+$0x50] =	vst v6  }
0x4d3: {  	v51 =	vld [tilespmem:s16+$0x2820];
	v5 =	vadd.f32 v47, v46  }
0x4d4: {  	v52 =	vld [tilespmem:s29+$0x60];
	v4 =	vadd.f32 v49, v48  }
0x4d5: {  	v54 =	vld [tilespmem:s30+$0x60];
	[tilespmem:s29+$0x50] =	vst v5  }
0x4d6: {  	v53 =	vld [tilespmem:s9+$0x2820];
	[tilespmem:s30+$0x50] =	vst v4;
	v3 =	vadd.f32 v50, v3  }
0x4d7: {  	v55 =	vld [tilespmem:s10+$0x2820]  }
0x4d8: {  	v6 =	vadd.f32 v51, v45;
	[tilespmem:s31+$0x50] =	vst v3;
	v3 =	vld [tilespmem:s31+$0x60]  }
0x4d9: {  	v56 =	vld [tilespmem:s2+$0x2820]  }
0x4da: {  	v57 =	vld [tilespmem:s20+$0x70];
	[tilespmem:s20+$0x60] =	vst v6  }
0x4db: {  	v58 =	vld [tilespmem:s16+$0x2830];
	v5 =	vadd.f32 v53, v52  }
0x4dc: {  	v59 =	vld [tilespmem:s29+$0x70];
	v4 =	vadd.f32 v55, v54  }
0x4dd: {  	v61 =	vld [tilespmem:s30+$0x70];
	[tilespmem:s29+$0x60] =	vst v5  }
0x4de: {  	v60 =	vld [tilespmem:s9+$0x2830];
	[tilespmem:s30+$0x60] =	vst v4;
	v3 =	vadd.f32 v56, v3  }
0x4df: {  	v62 =	vld [tilespmem:s10+$0x2830]  }
0x4e0: {  	[tilespmem:s31+$0x60] =	vst v3;
	v3 =	vld [tilespmem:s31+$0x70]  }
0x4e1: {  	v63 =	vld [tilespmem:s2+$0x2830];
	_ =	sdelay $0x1  }
0x4e2: {  	s5 =	sadd.s32 $0x1, s5;
	v7 =	vadd.f32 v58, v57  }
0x4e3: {  	p0 =	sne.s32 s5, $0x8;
	v5 =	vadd.f32 v60, v59  }
.Ltmp3:
0x4e4: {  	[tilespmem:s20+$0x70] =	vst v7;
	v4 =	vadd.f32 v62, v61;
	(pc) =	sbr.rel @p0 .LBB2_2-.Ltmp3, $4  }
0x4e5: {  	[tilespmem:s29+$0x70] =	vst v5;
	v3 =	vadd.f32 v63, v3  }
0x4e6: {  	[tilespmem:s30+$0x70] =	vst v4  }
0x4e7: {  	s1 =	sadd.s32 s6, s1;
	[tilespmem:s31+$0x70] =	vst v3  }
0x4e8: {  	[hbm4b:s1+s7] =	stream.linear.scatter [tilespmem:s24], [sflag:$0x6], $0x9000, $0x38;
	[tilespmem:$0x1F480] =	vst v63  }
0x4e9: {  	s1 =	simm.s32 $0x4  }
0x4ea: {  	_ =	swait.ge [sflag:s1], $0x9000  }
0x4eb: {  	[sflag:s1] =	ssyncset.done $0x0  }
0x4ec: {  	s30 =	simm.s32 $0x5;
	[sflag:s1] =	ssyncadd.s32 $0xFFFF7000  }
0x4ed: {  	_ =	swait.ge [sflag:s30], $0x9000  }
0x4ee: {  	[sflag:s30] =	ssyncset.done $0x0  }
0x4ef: {  	s2 =	simm.s32 $0x6;
	[sflag:s30] =	ssyncadd.s32 $0xFFFF7000  }
0x4f0: {  	_ =	swait.ge [sflag:s2], $0x9000  }
0x4f1: {  	s3 =	rddreg [dreg:$0xd]  }
0x4f2: {  	s31 =	rddreg [dreg:$0xc];
	s3 =	sadd.s32 $0x1, s3  }
0x4f3: {  	p0 =	sne.s32 s3, s31  }
.Ltmp4:
0x4f4: {  	_ = 	snop;
	(pc) =	sbr.rel @p0 .LBB2_1-.Ltmp4, $3  }
0x4f5: {  	_ =	sdelay $0x1  }
0x4f6: {  	[sflag:s2] =	ssyncset.done $0x0  }
0x4f7: {  	[sflag:s2] =	ssyncadd.s32 $0xFFFF7000  }
0x4f8: {  	_ =	sfence.sel $0x180000  }
0x4f9: {  	[bflag:$0x0] =	sbarrier.arrive $0xFFFF  }
0x4fa: {  	_ =	strace $0x90000047  }
0x4fb: {  	s0 =	stileid.u32;
	[bflag:$0x2] =	sbarrier.arrive $0xFFFF  }
0x4fc: {  	p0 =	sne.s32 s0, $0x0;
	s0 =	rddreg [dreg:$0x7]  }
0x4fd: {  	s0 =	sadd.s32 @!p0 $0x100000, s0  }
0x4fe: {  	[sflag:s0] =	ssyncadd.tile.s32 @!p0 $0x1;
	_ =	shalt  }
.Lfunc_end2:
_tile_overlayer_lowered:
.L_overlay_start_2:
0x4ff: {  	(tag) =	ssettag $0x2  }
0x500: {  	s0 =	rddreg [dreg:$0x0];
	s2 =	stileid.u32  }
0x501: {  	s1 =	rddreg [dreg:$0x1];
	p0 =	sne.s32 s2, $0x0  }
0x502: {  	s3 =	rddreg [dreg:$0x2];
	[bflag:$0x3] =	sbarrier.arrive $0xFFFF;
	s2 =	simm.s32 @!p0 $0x1C08  }
0x503: {  	[timem:s3], [sflag:s2] =	dma.local @!p0 [hbm:s0], s1  }
0x504: {  	s0 =	simm.s32 @!p0 $0x8  }
0x505: {  	_ =	swait.ge @!p0 [sflag:s0], s1  }
0x506: {  	s1 =	ssub.s32 @!p0 $0x0, s1;
	[sflag:s0] =	ssyncset.done @!p0 $0x0  }
0x507: {  	[sflag:s0] =	ssyncadd.s32 @!p0 s1  }
0x508: {  	[bflag:$0x3] =	sbarrier.arrive $0xFFFF  }
0x509: {  	_ =	shalt  }

</sc_bundles>
